<compile_context>
chip_gen: v7x
topology: tpu7x:2x2x1
jax: 0.10.2.dev20260603
libtpu: 0.0.44.dev20260713+nightly
codegen_flags: <defaults>
</compile_context>

<pallas_src>
import functools

import jax
import jax.numpy as jnp
from jax import lax
from jax.experimental import pallas as pl
from jax.experimental.pallas import tpu as pltpu
from jax.experimental.pallas import tpu_sc as plsc

B = 16384
NK = 128
NE = NK - 1
H = 64
BT = 2048
NCHUNK = 2
BC = B // NCHUNK

NW = 32
CH = 128


def _sc_gather(uid, iid, item_diff_w, pri_flat, disc_flat):
    bc = uid.shape[0]
    bpw = bc // NW
    nch = bpw // CH
    mesh = plsc.VectorSubcoreMesh(core_axis_name="c", subcore_axis_name="s")
    f32 = jnp.float32
    out_type = (
        jax.ShapeDtypeStruct((bc, NK), f32),
        jax.ShapeDtypeStruct((bc,), f32),
        jax.ShapeDtypeStruct((bc,), f32),
    )
    scratch = [
        pltpu.VMEM((nch, CH), jnp.int32),
        pltpu.VMEM((nch, CH), jnp.int32),
        pltpu.VMEM((nch, CH), jnp.int32),
        pltpu.VMEM((2, CH, NK), f32),
        pltpu.VMEM((2, CH), f32),
        pltpu.VMEM((2, CH), f32),
    ] + [pltpu.SemaphoreType.DMA] * 4

    @functools.partial(pl.kernel, out_type=out_type, mesh=mesh,
                       scratch_types=scratch)
    def k(uid_h, iid_h, idf_h, pri_h, dsc_h,
          idf_o, pri_o, dsc_o,
          idxu, idxi, pidx, idfb, prib, dscb,
          sg0, sg1, sw0, sw1):
        wid = lax.axis_index("s") * 2 + lax.axis_index("c")
        base = wid * bpw
        for c in range(nch):
            pltpu.sync_copy(uid_h.at[pl.ds(base + c * CH, CH)], idxu.at[c])
            pltpu.sync_copy(iid_h.at[pl.ds(base + c * CH, CH)], idxi.at[c])
        for c in range(nch):
            for j in range(CH // 16):
                sl = pl.ds(j * 16, 16)
                pidx[c, sl] = idxu[c, sl] * NK
        gsem = (sg0, sg1)
        wsem = (sw0, sw1)
        gh = [None, None]
        wh = [None, None]

        def fire_gather(c):
            b = c % 2
            s = gsem[b]
            gh[b] = [
                pltpu.async_copy(idf_h.at[idxi.at[c]], idfb.at[b], s),
                pltpu.async_copy(pri_h.at[pidx.at[c]], prib.at[b], s),
                pltpu.async_copy(dsc_h.at[idxi.at[c]], dscb.at[b], s),
            ]

        def fire_writeback(c):
            b = c % 2
            rb = base + c * CH
            s = wsem[b]
            wh[b] = [
                pltpu.async_copy(idfb.at[b], idf_o.at[pl.ds(rb, CH)], s),
                pltpu.async_copy(prib.at[b], pri_o.at[pl.ds(rb, CH)], s),
                pltpu.async_copy(dscb.at[b], dsc_o.at[pl.ds(rb, CH)], s),
            ]

        def drain(handles):
            for h in handles:
                h.wait()

        fire_gather(0)
        for c in range(nch):
            b = c % 2
            if c + 1 < nch:
                if wh[1 - b] is not None:
                    drain(wh[1 - b])
                fire_gather(c + 1)
            drain(gh[b])
            fire_writeback(c)
        for w in wh:
            if w is not None:
                drain(w)

    return k(uid, iid, item_diff_w, pri_flat, disc_flat)


def _tc_body(pri0_ref, cp_ref, cn_ref, idiff_ref, idisc_ref, know_ref,
             uw_ref, ub_ref, iw_ref, ib_ref, c1w_ref, c1b_ref, c2w_ref,
             c2b_ref, out_ref):
    sig = jax.nn.sigmoid
    bt = cp_ref.shape[0]
    cp = sig(cp_ref[...])
    cn = sig(cn_ref[...])
    pri0 = sig(pri0_ref[...].reshape(bt, 1))
    a = jnp.concatenate([jnp.zeros((bt, 1), jnp.float32), cp - cn], axis=1)
    b = jnp.concatenate([pri0, cn], axis=1)
    d = 1
    for lvl in range(7):
        b_sh = jnp.concatenate(
            [jnp.zeros((bt, d), jnp.float32), b[:, :NK - d]], axis=1)
        b = a * b_sh + b
        if lvl < 6:
            a_sh = jnp.concatenate(
                [jnp.ones((bt, d), jnp.float32), a[:, :NK - d]], axis=1)
            a = a * a_sh
        d *= 2
    mastery = b

    know = know_ref[...]
    dn = (((1,), (1,)), ((), ()))
    uf = jnp.tanh(
        lax.dot_general(mastery * know, uw_ref[...], dn,
                        preferred_element_type=jnp.float32) + ub_ref[...])
    itf = sig(
        lax.dot_general(sig(idiff_ref[...]) * know, iw_ref[...], dn,
                        preferred_element_type=jnp.float32) + ib_ref[...])
    inp = (uf - itf) * sig(idisc_ref[...].reshape(bt, 1))
    x1 = sig(
        lax.dot_general(inp, c1w_ref[...], dn,
                        preferred_element_type=jnp.float32) + c1b_ref[...])
    out_ref[...] = sig(
        jnp.sum(x1 * c2w_ref[...], axis=1) + c2b_ref[...].reshape(1))


def _tc_forward(chunk, pri0, cp, cn, idiff, idisc, know_full,
                uw, ub, iw, ib, c1w, c1b, c2w, c2b):
    bc = pri0.shape[0]
    nb0 = chunk * (bc // BT)
    row = lambda shape: pl.BlockSpec(shape, lambda i: (i, 0))
    vec = pl.BlockSpec((BT,), lambda i: (i,))
    krow = pl.BlockSpec((BT, NK), lambda i: (nb0 + i, 0))
    full = lambda shape: pl.BlockSpec(shape, lambda i: (0, 0))
    in_specs = [
        vec,
        row((BT, NE)),
        row((BT, NE)),
        row((BT, NK)),
        vec,
        krow,
        full((H, NK)),
        full((1, H)),
        full((H, NK)),
        full((1, H)),
        full((H // 2, H)),
        full((1, H // 2)),
        full((1, H // 2)),
        full((1, 1)),
    ]
    return pl.pallas_call(
        _tc_body,
        grid=(bc // BT,),
        in_specs=in_specs,
        out_specs=vec,
        out_shape=jax.ShapeDtypeStruct((bc,), jnp.float32),
    )(pri0, cp, cn, idiff, idisc, know_full,
      uw, ub, iw, ib, c1w, c1b, c2w, c2b)


def kernel(user_ids, item_ids, item_know, priori, condi_p, condi_n,
           item_diff_w, item_disc_w, user_contract_w, user_contract_b,
           item_contract_w, item_contract_b, cross1_w, cross1_b, cross2_w,
           cross2_b):
    uid = user_ids.astype(jnp.int32)
    iid = item_ids.astype(jnp.int32)
    pri_flat = priori.reshape(-1)
    disc_flat = item_disc_w.reshape(-1)
    ub = user_contract_b.reshape(1, H)
    ib = item_contract_b.reshape(1, H)
    c1b = cross1_b.reshape(1, H // 2)
    c2b = cross2_b.reshape(1, 1)

    outs = []
    for h in range(NCHUNK):
        uid_c = lax.slice(uid, (h * BC,), ((h + 1) * BC,))
        iid_c = lax.slice(iid, (h * BC,), ((h + 1) * BC,))
        idiff, pri0, idisc = _sc_gather(
            uid_c, iid_c, item_diff_w, pri_flat, disc_flat)
        cp = condi_p.at[uid_c].get(mode="promise_in_bounds")
        cn = condi_n.at[uid_c].get(mode="promise_in_bounds")
        outs.append(_tc_forward(
            h, pri0, cp, cn, idiff, idisc, item_know,
            user_contract_w, ub, item_contract_w, ib,
            cross1_w, c1b, cross2_w, c2b))
    out = jnp.concatenate(outs, axis=0) if NCHUNK > 1 else outs[0]
    return out[:, None]

# --- scband reference (transcript-rebuilt; emitter-appended) ---
"""Pipeline reference for scband-hier-cdf-24111946400051 (READ-ONLY COPY).

The authoritative reference and input builder live on the scoring server;
editing this copy changes nothing except your own understanding.
"""

import jax, jax.numpy as jnp
import numpy as np

N_USER = 100000
N_ITEM = 20000
N_KNOW = 128
HIDDEN = 64
N_EDGE = N_KNOW - 1  # chain DAG: k-1 -> k
BATCH = 16384


def setup_inputs(seed: int = 0) -> dict:
    key = jax.random.key(seed)
    ks = jax.random.split(key, 16)
    inp = {}
    inp['user_ids'] = jax.random.randint(ks[0], (BATCH,), 0, N_USER, dtype=jnp.int64 if jax.config.read('jax_enable_x64') else jnp.int32)
    inp['item_ids'] = jax.random.randint(ks[1], (BATCH,), 0, N_ITEM, dtype=jnp.int64 if jax.config.read('jax_enable_x64') else jnp.int32)
    inp['item_know'] = jax.random.uniform(ks[2], (BATCH, N_KNOW), dtype=jnp.float32)
    # learned parameters (xavier-ish scale)
    inp['priori'] = jax.random.normal(ks[3], (N_USER, N_KNOW), dtype=jnp.float32) * 0.02
    inp['condi_p'] = jax.random.normal(ks[4], (N_USER, N_EDGE), dtype=jnp.float32) * 0.02
    inp['condi_n'] = jax.random.normal(ks[5], (N_USER, N_EDGE), dtype=jnp.float32) * 0.02
    inp['item_diff_w'] = jax.random.normal(ks[6], (N_ITEM, N_KNOW), dtype=jnp.float32) * 0.02
    inp['item_disc_w'] = jax.random.normal(ks[7], (N_ITEM, 1), dtype=jnp.float32) * 0.02
    inp['user_contract_w'] = jax.random.normal(ks[8], (HIDDEN, N_KNOW), dtype=jnp.float32) * (1.0 / np.sqrt(N_KNOW))
    inp['user_contract_b'] = jnp.zeros((HIDDEN,), dtype=jnp.float32)
    inp['item_contract_w'] = jax.random.normal(ks[9], (HIDDEN, N_KNOW), dtype=jnp.float32) * (1.0 / np.sqrt(N_KNOW))
    inp['item_contract_b'] = jnp.zeros((HIDDEN,), dtype=jnp.float32)
    inp['cross1_w'] = jax.random.normal(ks[10], (HIDDEN // 2, HIDDEN), dtype=jnp.float32) * (1.0 / np.sqrt(HIDDEN))
    inp['cross1_b'] = jnp.zeros((HIDDEN // 2,), dtype=jnp.float32)
    inp['cross2_w'] = jax.random.normal(ks[11], (1, HIDDEN // 2), dtype=jnp.float32) * (1.0 / np.sqrt(HIDDEN // 2))
    inp['cross2_b'] = jnp.zeros((1,), dtype=jnp.float32)
    return inp


def _get_posterior(user_ids, priori, condi_p, condi_n):
    # gather per-user parameters (memory-bound gathers from large tables)
    batch_priori = jax.nn.sigmoid(jnp.take(priori, user_ids, axis=0))    # [B, n_know]
    batch_condi_p = jax.nn.sigmoid(jnp.take(condi_p, user_ids, axis=0))  # [B, n_edge]
    batch_condi_n = jax.nn.sigmoid(jnp.take(condi_n, user_ids, axis=0))  # [B, n_edge]
    # topological order of chain DAG is 0..n_know-1; node 0 is root, node k has single predecessor k-1
    cols = [batch_priori[:, 0]]
    for k in range(1, N_KNOW):
        prior = cols[k - 1]
        # len_p = 1 -> condi^(1/1); enumerate 2 mask states: margin_n (mask=0) + margin_p (mask=1)
        cp = batch_condi_p[:, k - 1]
        cn = batch_condi_n[:, k - 1]
        cols.append(cp * prior + cn * (1.0 - prior))
    return jnp.stack(cols, axis=1)  # [B, n_know]


def reference(user_ids, item_ids, item_know, priori, condi_p, condi_n,
              item_diff_w, item_disc_w, user_contract_w, user_contract_b,
              item_contract_w, item_contract_b, cross1_w, cross1_b, cross2_w, cross2_b):
    user_mastery = _get_posterior(user_ids, priori, condi_p, condi_n)           # [B, n_know]
    item_diff = jax.nn.sigmoid(jnp.take(item_diff_w, item_ids, axis=0))         # [B, n_know]
    item_disc = jax.nn.sigmoid(jnp.take(item_disc_w, item_ids, axis=0))         # [B, 1]
    user_factor = jnp.tanh((user_mastery * item_know) @ user_contract_w.T + user_contract_b)
    item_factor = jax.nn.sigmoid((item_diff * item_know) @ item_contract_w.T + item_contract_b)
    # ncd interaction function
    input_vec = (user_factor - item_factor) * item_disc
    x_vec = jax.nn.sigmoid(input_vec @ cross1_w.T + cross1_b)
    x_vec = jax.nn.sigmoid(x_vec @ cross2_w.T + cross2_b)
    return x_vec

if __name__ == "__main__":
    import jax
    _d = setup_inputs()
    print(jax.jit(kernel)(*tuple(_d.values())))

</pallas_src>

<mosaic_0001>
#map = affine_map<(d0, d1) -> (0)>
#map1 = affine_map<(d0, d1) -> (0, 0)>
module attributes {stable_mosaic.version = 14 : i64} {
  func.func @k(%arg0: i32, %arg1: i32, %arg2: memref<8192xi32, #tpu.memory_space<hbm>>, %arg3: memref<8192xi32, #tpu.memory_space<hbm>>, %arg4: memref<20000x128xf32, #tpu.memory_space<hbm>>, %arg5: memref<12800000xf32, #tpu.memory_space<hbm>>, %arg6: memref<20000xf32, #tpu.memory_space<hbm>>, %arg7: memref<8192x128xf32, #tpu.memory_space<hbm>>, %arg8: memref<8192xf32, #tpu.memory_space<hbm>>, %arg9: memref<8192xf32, #tpu.memory_space<hbm>>, %arg10: memref<2x128xi32, #tpu.memory_space<vmem>>, %arg11: memref<2x128xi32, #tpu.memory_space<vmem>>, %arg12: memref<2x128xi32, #tpu.memory_space<vmem>>, %arg13: memref<2x128x128xf32, #tpu.memory_space<vmem>>, %arg14: memref<2x128xf32, #tpu.memory_space<vmem>>, %arg15: memref<2x128xf32, #tpu.memory_space<vmem>>, %arg16: memref<!tpu.dma_semaphore, #tpu.memory_space<semaphore_mem>>, %arg17: memref<!tpu.dma_semaphore, #tpu.memory_space<semaphore_mem>>, %arg18: memref<!tpu.dma_semaphore, #tpu.memory_space<semaphore_mem>>, %arg19: memref<!tpu.dma_semaphore, #tpu.memory_space<semaphore_mem>>) attributes {dimension_semantics = [#tpu.dimension_semantics<core_parallel>, #tpu.dimension_semantics<subcore_parallel>], iteration_bounds = array<i64: 2, 16>, scalar_prefetch = 0 : i64, scratch_operands = 10 : i64, tpu.core_type = #tpu.core_type<sc_vector_subcore>, window_params = [{transform_indices = #map}, {transform_indices = #map}, {transform_indices = #map1}, {transform_indices = #map}, {transform_indices = #map}, {transform_indices = #map1}, {transform_indices = #map}, {transform_indices = #map}]} {
    %mul3A = arith.constant 2 : i32
    %mul3A_0 = arith.muli %arg1, %mul3A : i32
    %add3A = arith.addi %mul3A_0, %arg0 : i32
    %mul3A_1 = arith.constant 256 : i32
    %mul3A_2 = arith.muli %add3A, %mul3A_1 : i32
    %add3A_3 = arith.constant 0 : i32
    %add3A_4 = arith.addi %mul3A_2, %add3A_3 : i32
    %run_scoped3A = arith.constant 0 : i32
    "tpu.region"() ({
      %run_scoped3A_490 = tpu.sem_alloc : memref<!tpu.dma_semaphore, #tpu.memory_space<semaphore_mem>>
      %dma_start3A_491 = arith.constant 0 : i32
      %dma_start3A_492 = tpu.memref_slice %arg10[%run_scoped3A, %dma_start3A_491] : memref<2x128xi32, #tpu.memory_space<vmem>> -> memref<1x128xi32, #tpu.memory_space<vmem>>
      %dma_start3A_493 = tpu.memref_squeeze %dma_start3A_492 : memref<1x128xi32, #tpu.memory_space<vmem>> -> memref<128xi32, #tpu.memory_space<vmem>>
      %dma_start3A_494 = tpu.memref_slice %arg2[%add3A_4] : memref<8192xi32, #tpu.memory_space<hbm>> -> memref<128xi32, #tpu.memory_space<hbm>>
      %dma_start3A_495 = arith.constant 0 : i32
      %dma_start3A_496 = tpu.memref_slice %arg10[%run_scoped3A, %dma_start3A_495] : memref<2x128xi32, #tpu.memory_space<vmem>> -> memref<1x128xi32, #tpu.memory_space<vmem>>
      %dma_start3A_497 = tpu.memref_squeeze %dma_start3A_496 : memref<1x128xi32, #tpu.memory_space<vmem>> -> memref<128xi32, #tpu.memory_space<vmem>>
      %dma_start3A_498 = tpu.memref_slice %arg2[%add3A_4] : memref<8192xi32, #tpu.memory_space<hbm>> -> memref<128xi32, #tpu.memory_space<hbm>>
      tpu.enqueue_dma source(%dma_start3A_498 : memref<128xi32, #tpu.memory_space<hbm>>) target(%dma_start3A_497 : memref<128xi32, #tpu.memory_space<vmem>>) target_semaphore(%run_scoped3A_490 : memref<!tpu.dma_semaphore, #tpu.memory_space<semaphore_mem>>)
      %dma_wait3A_499 = arith.constant 0 : i32
      %dma_wait3A_500 = tpu.memref_slice %arg10[%run_scoped3A, %dma_wait3A_499] : memref<2x128xi32, #tpu.memory_space<vmem>> -> memref<1x128xi32, #tpu.memory_space<vmem>>
      %dma_wait3A_501 = tpu.memref_squeeze %dma_wait3A_500 : memref<1x128xi32, #tpu.memory_space<vmem>> -> memref<128xi32, #tpu.memory_space<vmem>>
      %dma_wait3A_502 = tpu.memref_slice %arg2[%add3A_4] : memref<8192xi32, #tpu.memory_space<hbm>> -> memref<128xi32, #tpu.memory_space<hbm>>
      %dma_wait3A_503 = arith.constant 0 : i32
      %dma_wait3A_504 = tpu.memref_slice %arg10[%run_scoped3A, %dma_wait3A_503] : memref<2x128xi32, #tpu.memory_space<vmem>> -> memref<1x128xi32, #tpu.memory_space<vmem>>
      %dma_wait3A_505 = tpu.memref_squeeze %dma_wait3A_504 : memref<1x128xi32, #tpu.memory_space<vmem>> -> memref<128xi32, #tpu.memory_space<vmem>>
      %dma_wait3A_506 = tpu.memref_slice %arg2[%add3A_4] : memref<8192xi32, #tpu.memory_space<hbm>> -> memref<128xi32, #tpu.memory_space<hbm>>
      tpu.wait_dma2 semaphore(%run_scoped3A_490 : memref<!tpu.dma_semaphore, #tpu.memory_space<semaphore_mem>>) src(%dma_wait3A_506 : memref<128xi32, #tpu.memory_space<hbm>>) dst(%dma_wait3A_505 : memref<128xi32, #tpu.memory_space<vmem>>)
      tpu.yield
    }) : () -> ()
    %add3A_5 = arith.constant 0 : i32
    %add3A_6 = arith.addi %mul3A_2, %add3A_5 : i32
    %run_scoped3A_7 = arith.constant 0 : i32
    "tpu.region"() ({
      %run_scoped3A_490 = tpu.sem_alloc : memref<!tpu.dma_semaphore, #tpu.memory_space<semaphore_mem>>
      %dma_start3A_491 = arith.constant 0 : i32
      %dma_start3A_492 = tpu.memref_slice %arg11[%run_scoped3A_7, %dma_start3A_491] : memref<2x128xi32, #tpu.memory_space<vmem>> -> memref<1x128xi32, #tpu.memory_space<vmem>>
      %dma_start3A_493 = tpu.memref_squeeze %dma_start3A_492 : memref<1x128xi32, #tpu.memory_space<vmem>> -> memref<128xi32, #tpu.memory_space<vmem>>
      %dma_start3A_494 = tpu.memref_slice %arg3[%add3A_6] : memref<8192xi32, #tpu.memory_space<hbm>> -> memref<128xi32, #tpu.memory_space<hbm>>
      %dma_start3A_495 = arith.constant 0 : i32
      %dma_start3A_496 = tpu.memref_slice %arg11[%run_scoped3A_7, %dma_start3A_495] : memref<2x128xi32, #tpu.memory_space<vmem>> -> memref<1x128xi32, #tpu.memory_space<vmem>>
      %dma_start3A_497 = tpu.memref_squeeze %dma_start3A_496 : memref<1x128xi32, #tpu.memory_space<vmem>> -> memref<128xi32, #tpu.memory_space<vmem>>
      %dma_start3A_498 = tpu.memref_slice %arg3[%add3A_6] : memref<8192xi32, #tpu.memory_space<hbm>> -> memref<128xi32, #tpu.memory_space<hbm>>
      tpu.enqueue_dma source(%dma_start3A_498 : memref<128xi32, #tpu.memory_space<hbm>>) target(%dma_start3A_497 : memref<128xi32, #tpu.memory_space<vmem>>) target_semaphore(%run_scoped3A_490 : memref<!tpu.dma_semaphore, #tpu.memory_space<semaphore_mem>>)
      %dma_wait3A_499 = arith.constant 0 : i32
      %dma_wait3A_500 = tpu.memref_slice %arg11[%run_scoped3A_7, %dma_wait3A_499] : memref<2x128xi32, #tpu.memory_space<vmem>> -> memref<1x128xi32, #tpu.memory_space<vmem>>
      %dma_wait3A_501 = tpu.memref_squeeze %dma_wait3A_500 : memref<1x128xi32, #tpu.memory_space<vmem>> -> memref<128xi32, #tpu.memory_space<vmem>>
      %dma_wait3A_502 = tpu.memref_slice %arg3[%add3A_6] : memref<8192xi32, #tpu.memory_space<hbm>> -> memref<128xi32, #tpu.memory_space<hbm>>
      %dma_wait3A_503 = arith.constant 0 : i32
      %dma_wait3A_504 = tpu.memref_slice %arg11[%run_scoped3A_7, %dma_wait3A_503] : memref<2x128xi32, #tpu.memory_space<vmem>> -> memref<1x128xi32, #tpu.memory_space<vmem>>
      %dma_wait3A_505 = tpu.memref_squeeze %dma_wait3A_504 : memref<1x128xi32, #tpu.memory_space<vmem>> -> memref<128xi32, #tpu.memory_space<vmem>>
      %dma_wait3A_506 = tpu.memref_slice %arg3[%add3A_6] : memref<8192xi32, #tpu.memory_space<hbm>> -> memref<128xi32, #tpu.memory_space<hbm>>
      tpu.wait_dma2 semaphore(%run_scoped3A_490 : memref<!tpu.dma_semaphore, #tpu.memory_space<semaphore_mem>>) src(%dma_wait3A_506 : memref<128xi32, #tpu.memory_space<hbm>>) dst(%dma_wait3A_505 : memref<128xi32, #tpu.memory_space<vmem>>)
      tpu.yield
    }) : () -> ()
    %add3A_8 = arith.constant 128 : i32
    %add3A_9 = arith.addi %mul3A_2, %add3A_8 : i32
    %run_scoped3A_10 = arith.constant 1 : i32
    "tpu.region"() ({
      %run_scoped3A_490 = tpu.sem_alloc : memref<!tpu.dma_semaphore, #tpu.memory_space<semaphore_mem>>
      %dma_start3A_491 = arith.constant 0 : i32
      %dma_start3A_492 = tpu.memref_slice %arg10[%run_scoped3A_10, %dma_start3A_491] : memref<2x128xi32, #tpu.memory_space<vmem>> -> memref<1x128xi32, #tpu.memory_space<vmem>>
      %dma_start3A_493 = tpu.memref_squeeze %dma_start3A_492 : memref<1x128xi32, #tpu.memory_space<vmem>> -> memref<128xi32, #tpu.memory_space<vmem>>
      %dma_start3A_494 = tpu.memref_slice %arg2[%add3A_9] : memref<8192xi32, #tpu.memory_space<hbm>> -> memref<128xi32, #tpu.memory_space<hbm>>
      %dma_start3A_495 = arith.constant 0 : i32
      %dma_start3A_496 = tpu.memref_slice %arg10[%run_scoped3A_10, %dma_start3A_495] : memref<2x128xi32, #tpu.memory_space<vmem>> -> memref<1x128xi32, #tpu.memory_space<vmem>>
      %dma_start3A_497 = tpu.memref_squeeze %dma_start3A_496 : memref<1x128xi32, #tpu.memory_space<vmem>> -> memref<128xi32, #tpu.memory_space<vmem>>
      %dma_start3A_498 = tpu.memref_slice %arg2[%add3A_9] : memref<8192xi32, #tpu.memory_space<hbm>> -> memref<128xi32, #tpu.memory_space<hbm>>
      tpu.enqueue_dma source(%dma_start3A_498 : memref<128xi32, #tpu.memory_space<hbm>>) target(%dma_start3A_497 : memref<128xi32, #tpu.memory_space<vmem>>) target_semaphore(%run_scoped3A_490 : memref<!tpu.dma_semaphore, #tpu.memory_space<semaphore_mem>>)
      %dma_wait3A_499 = arith.constant 0 : i32
      %dma_wait3A_500 = tpu.memref_slice %arg10[%run_scoped3A_10, %dma_wait3A_499] : memref<2x128xi32, #tpu.memory_space<vmem>> -> memref<1x128xi32, #tpu.memory_space<vmem>>
      %dma_wait3A_501 = tpu.memref_squeeze %dma_wait3A_500 : memref<1x128xi32, #tpu.memory_space<vmem>> -> memref<128xi32, #tpu.memory_space<vmem>>
      %dma_wait3A_502 = tpu.memref_slice %arg2[%add3A_9] : memref<8192xi32, #tpu.memory_space<hbm>> -> memref<128xi32, #tpu.memory_space<hbm>>
      %dma_wait3A_503 = arith.constant 0 : i32
      %dma_wait3A_504 = tpu.memref_slice %arg10[%run_scoped3A_10, %dma_wait3A_503] : memref<2x128xi32, #tpu.memory_space<vmem>> -> memref<1x128xi32, #tpu.memory_space<vmem>>
      %dma_wait3A_505 = tpu.memref_squeeze %dma_wait3A_504 : memref<1x128xi32, #tpu.memory_space<vmem>> -> memref<128xi32, #tpu.memory_space<vmem>>
      %dma_wait3A_506 = tpu.memref_slice %arg2[%add3A_9] : memref<8192xi32, #tpu.memory_space<hbm>> -> memref<128xi32, #tpu.memory_space<hbm>>
      tpu.wait_dma2 semaphore(%run_scoped3A_490 : memref<!tpu.dma_semaphore, #tpu.memory_space<semaphore_mem>>) src(%dma_wait3A_506 : memref<128xi32, #tpu.memory_space<hbm>>) dst(%dma_wait3A_505 : memref<128xi32, #tpu.memory_space<vmem>>)
      tpu.yield
    }) : () -> ()
    %add3A_11 = arith.constant 128 : i32
    %add3A_12 = arith.addi %mul3A_2, %add3A_11 : i32
    %run_scoped3A_13 = arith.constant 1 : i32
    "tpu.region"() ({
      %run_scoped3A_490 = tpu.sem_alloc : memref<!tpu.dma_semaphore, #tpu.memory_space<semaphore_mem>>
      %dma_start3A_491 = arith.constant 0 : i32
      %dma_start3A_492 = tpu.memref_slice %arg11[%run_scoped3A_13, %dma_start3A_491] : memref<2x128xi32, #tpu.memory_space<vmem>> -> memref<1x128xi32, #tpu.memory_space<vmem>>
      %dma_start3A_493 = tpu.memref_squeeze %dma_start3A_492 : memref<1x128xi32, #tpu.memory_space<vmem>> -> memref<128xi32, #tpu.memory_space<vmem>>
      %dma_start3A_494 = tpu.memref_slice %arg3[%add3A_12] : memref<8192xi32, #tpu.memory_space<hbm>> -> memref<128xi32, #tpu.memory_space<hbm>>
      %dma_start3A_495 = arith.constant 0 : i32
      %dma_start3A_496 = tpu.memref_slice %arg11[%run_scoped3A_13, %dma_start3A_495] : memref<2x128xi32, #tpu.memory_space<vmem>> -> memref<1x128xi32, #tpu.memory_space<vmem>>
      %dma_start3A_497 = tpu.memref_squeeze %dma_start3A_496 : memref<1x128xi32, #tpu.memory_space<vmem>> -> memref<128xi32, #tpu.memory_space<vmem>>
      %dma_start3A_498 = tpu.memref_slice %arg3[%add3A_12] : memref<8192xi32, #tpu.memory_space<hbm>> -> memref<128xi32, #tpu.memory_space<hbm>>
      tpu.enqueue_dma source(%dma_start3A_498 : memref<128xi32, #tpu.memory_space<hbm>>) target(%dma_start3A_497 : memref<128xi32, #tpu.memory_space<vmem>>) target_semaphore(%run_scoped3A_490 : memref<!tpu.dma_semaphore, #tpu.memory_space<semaphore_mem>>)
      %dma_wait3A_499 = arith.constant 0 : i32
      %dma_wait3A_500 = tpu.memref_slice %arg11[%run_scoped3A_13, %dma_wait3A_499] : memref<2x128xi32, #tpu.memory_space<vmem>> -> memref<1x128xi32, #tpu.memory_space<vmem>>
      %dma_wait3A_501 = tpu.memref_squeeze %dma_wait3A_500 : memref<1x128xi32, #tpu.memory_space<vmem>> -> memref<128xi32, #tpu.memory_space<vmem>>
      %dma_wait3A_502 = tpu.memref_slice %arg3[%add3A_12] : memref<8192xi32, #tpu.memory_space<hbm>> -> memref<128xi32, #tpu.memory_space<hbm>>
      %dma_wait3A_503 = arith.constant 0 : i32
      %dma_wait3A_504 = tpu.memref_slice %arg11[%run_scoped3A_13, %dma_wait3A_503] : memref<2x128xi32, #tpu.memory_space<vmem>> -> memref<1x128xi32, #tpu.memory_space<vmem>>
      %dma_wait3A_505 = tpu.memref_squeeze %dma_wait3A_504 : memref<1x128xi32, #tpu.memory_space<vmem>> -> memref<128xi32, #tpu.memory_space<vmem>>
      %dma_wait3A_506 = tpu.memref_slice %arg3[%add3A_12] : memref<8192xi32, #tpu.memory_space<hbm>> -> memref<128xi32, #tpu.memory_space<hbm>>
      tpu.wait_dma2 semaphore(%run_scoped3A_490 : memref<!tpu.dma_semaphore, #tpu.memory_space<semaphore_mem>>) src(%dma_wait3A_506 : memref<128xi32, #tpu.memory_space<hbm>>) dst(%dma_wait3A_505 : memref<128xi32, #tpu.memory_space<vmem>>)
      tpu.yield
    }) : () -> ()
    %get3A = arith.constant 0 : i32
    %get3A_14 = arith.index_cast %get3A : i32 to index
    %get3A_15 = arith.constant 0 : index
    %get3A_16 = tpu.vector_load %arg10[%get3A_14, %get3A_15] {strides = array<i32>} : memref<2x128xi32, #tpu.memory_space<vmem>>, vector<1x16xi32>,
    %get3A_17 = vector.shape_cast %get3A_16 : vector<1x16xi32> to vector<16xi32>
    %mul3A_18 = arith.constant 128 : i32
    %mul3A_19 = vector.broadcast %mul3A_18 : i32 to vector<16xi32>
    %mul3A_20 = arith.muli %get3A_17, %mul3A_19 : vector<16xi32>
    %swap3A = arith.constant 0 : i32
    %swap3A_21 = arith.index_cast %swap3A : i32 to index
    %swap3A_22 = arith.constant 0 : index
    %swap3A_23 = tpu.vector_load %arg12[%swap3A_21, %swap3A_22] {strides = array<i32>} : memref<2x128xi32, #tpu.memory_space<vmem>>, vector<1x16xi32>,
    %swap3A_24 = vector.shape_cast %swap3A_23 : vector<1x16xi32> to vector<16xi32>
    %swap3A_25 = vector.shape_cast %mul3A_20 : vector<16xi32> to vector<1x16xi32>
    tpu.vector_store %arg12[%swap3A_21, %swap3A_22], %swap3A_25 {strides = array<i32>} : memref<2x128xi32, #tpu.memory_space<vmem>>, vector<1x16xi32>,
    %get3A_26 = arith.constant 0 : i32
    %get3A_27 = arith.index_cast %get3A_26 : i32 to index
    %get3A_28 = arith.constant 16 : index
    %get3A_29 = tpu.vector_load %arg10[%get3A_27, %get3A_28] {strides = array<i32>} : memref<2x128xi32, #tpu.memory_space<vmem>>, vector<1x16xi32>,
    %get3A_30 = vector.shape_cast %get3A_29 : vector<1x16xi32> to vector<16xi32>
    %mul3A_31 = arith.constant 128 : i32
    %mul3A_32 = vector.broadcast %mul3A_31 : i32 to vector<16xi32>
    %mul3A_33 = arith.muli %get3A_30, %mul3A_32 : vector<16xi32>
    %swap3A_34 = arith.constant 0 : i32
    %swap3A_35 = arith.index_cast %swap3A_34 : i32 to index
    %swap3A_36 = arith.constant 16 : index
    %swap3A_37 = tpu.vector_load %arg12[%swap3A_35, %swap3A_36] {strides = array<i32>} : memref<2x128xi32, #tpu.memory_space<vmem>>, vector<1x16xi32>,
    %swap3A_38 = vector.shape_cast %swap3A_37 : vector<1x16xi32> to vector<16xi32>
    %swap3A_39 = vector.shape_cast %mul3A_33 : vector<16xi32> to vector<1x16xi32>
    tpu.vector_store %arg12[%swap3A_35, %swap3A_36], %swap3A_39 {strides = array<i32>} : memref<2x128xi32, #tpu.memory_space<vmem>>, vector<1x16xi32>,
    %get3A_40 = arith.constant 0 : i32
    %get3A_41 = arith.index_cast %get3A_40 : i32 to index
    %get3A_42 = arith.constant 32 : index
    %get3A_43 = tpu.vector_load %arg10[%get3A_41, %get3A_42] {strides = array<i32>} : memref<2x128xi32, #tpu.memory_space<vmem>>, vector<1x16xi32>,
    %get3A_44 = vector.shape_cast %get3A_43 : vector<1x16xi32> to vector<16xi32>
    %mul3A_45 = arith.constant 128 : i32
    %mul3A_46 = vector.broadcast %mul3A_45 : i32 to vector<16xi32>
    %mul3A_47 = arith.muli %get3A_44, %mul3A_46 : vector<16xi32>
    %swap3A_48 = arith.constant 0 : i32
    %swap3A_49 = arith.index_cast %swap3A_48 : i32 to index
    %swap3A_50 = arith.constant 32 : index
    %swap3A_51 = tpu.vector_load %arg12[%swap3A_49, %swap3A_50] {strides = array<i32>} : memref<2x128xi32, #tpu.memory_space<vmem>>, vector<1x16xi32>,
    %swap3A_52 = vector.shape_cast %swap3A_51 : vector<1x16xi32> to vector<16xi32>
    %swap3A_53 = vector.shape_cast %mul3A_47 : vector<16xi32> to vector<1x16xi32>
    tpu.vector_store %arg12[%swap3A_49, %swap3A_50], %swap3A_53 {strides = array<i32>} : memref<2x128xi32, #tpu.memory_space<vmem>>, vector<1x16xi32>,
    %get3A_54 = arith.constant 0 : i32
    %get3A_55 = arith.index_cast %get3A_54 : i32 to index
    %get3A_56 = arith.constant 48 : index
    %get3A_57 = tpu.vector_load %arg10[%get3A_55, %get3A_56] {strides = array<i32>} : memref<2x128xi32, #tpu.memory_space<vmem>>, vector<1x16xi32>,
    %get3A_58 = vector.shape_cast %get3A_57 : vector<1x16xi32> to vector<16xi32>
    %mul3A_59 = arith.constant 128 : i32
    %mul3A_60 = vector.broadcast %mul3A_59 : i32 to vector<16xi32>
    %mul3A_61 = arith.muli %get3A_58, %mul3A_60 : vector<16xi32>
    %swap3A_62 = arith.constant 0 : i32
    %swap3A_63 = arith.index_cast %swap3A_62 : i32 to index
    %swap3A_64 = arith.constant 48 : index
    %swap3A_65 = tpu.vector_load %arg12[%swap3A_63, %swap3A_64] {strides = array<i32>} : memref<2x128xi32, #tpu.memory_space<vmem>>, vector<1x16xi32>,
    %swap3A_66 = vector.shape_cast %swap3A_65 : vector<1x16xi32> to vector<16xi32>
    %swap3A_67 = vector.shape_cast %mul3A_61 : vector<16xi32> to vector<1x16xi32>
    tpu.vector_store %arg12[%swap3A_63, %swap3A_64], %swap3A_67 {strides = array<i32>} : memref<2x128xi32, #tpu.memory_space<vmem>>, vector<1x16xi32>,
    %get3A_68 = arith.constant 0 : i32
    %get3A_69 = arith.index_cast %get3A_68 : i32 to index
    %get3A_70 = arith.constant 64 : index
    %get3A_71 = tpu.vector_load %arg10[%get3A_69, %get3A_70] {strides = array<i32>} : memref<2x128xi32, #tpu.memory_space<vmem>>, vector<1x16xi32>,
    %get3A_72 = vector.shape_cast %get3A_71 : vector<1x16xi32> to vector<16xi32>
    %mul3A_73 = arith.constant 128 : i32
    %mul3A_74 = vector.broadcast %mul3A_73 : i32 to vector<16xi32>
    %mul3A_75 = arith.muli %get3A_72, %mul3A_74 : vector<16xi32>
    %swap3A_76 = arith.constant 0 : i32
    %swap3A_77 = arith.index_cast %swap3A_76 : i32 to index
    %swap3A_78 = arith.constant 64 : index
    %swap3A_79 = tpu.vector_load %arg12[%swap3A_77, %swap3A_78] {strides = array<i32>} : memref<2x128xi32, #tpu.memory_space<vmem>>, vector<1x16xi32>,
    %swap3A_80 = vector.shape_cast %swap3A_79 : vector<1x16xi32> to vector<16xi32>
    %swap3A_81 = vector.shape_cast %mul3A_75 : vector<16xi32> to vector<1x16xi32>
    tpu.vector_store %arg12[%swap3A_77, %swap3A_78], %swap3A_81 {strides = array<i32>} : memref<2x128xi32, #tpu.memory_space<vmem>>, vector<1x16xi32>,
    %get3A_82 = arith.constant 0 : i32
    %get3A_83 = arith.index_cast %get3A_82 : i32 to index
    %get3A_84 = arith.constant 80 : index
    %get3A_85 = tpu.vector_load %arg10[%get3A_83, %get3A_84] {strides = array<i32>} : memref<2x128xi32, #tpu.memory_space<vmem>>, vector<1x16xi32>,
    %get3A_86 = vector.shape_cast %get3A_85 : vector<1x16xi32> to vector<16xi32>
    %mul3A_87 = arith.constant 128 : i32
    %mul3A_88 = vector.broadcast %mul3A_87 : i32 to vector<16xi32>
    %mul3A_89 = arith.muli %get3A_86, %mul3A_88 : vector<16xi32>
    %swap3A_90 = arith.constant 0 : i32
    %swap3A_91 = arith.index_cast %swap3A_90 : i32 to index
    %swap3A_92 = arith.constant 80 : index
    %swap3A_93 = tpu.vector_load %arg12[%swap3A_91, %swap3A_92] {strides = array<i32>} : memref<2x128xi32, #tpu.memory_space<vmem>>, vector<1x16xi32>,
    %swap3A_94 = vector.shape_cast %swap3A_93 : vector<1x16xi32> to vector<16xi32>
    %swap3A_95 = vector.shape_cast %mul3A_89 : vector<16xi32> to vector<1x16xi32>
    tpu.vector_store %arg12[%swap3A_91, %swap3A_92], %swap3A_95 {strides = array<i32>} : memref<2x128xi32, #tpu.memory_space<vmem>>, vector<1x16xi32>,
    %get3A_96 = arith.constant 0 : i32
    %get3A_97 = arith.index_cast %get3A_96 : i32 to index
    %get3A_98 = arith.constant 96 : index
    %get3A_99 = tpu.vector_load %arg10[%get3A_97, %get3A_98] {strides = array<i32>} : memref<2x128xi32, #tpu.memory_space<vmem>>, vector<1x16xi32>,
    %get3A_100 = vector.shape_cast %get3A_99 : vector<1x16xi32> to vector<16xi32>
    %mul3A_101 = arith.constant 128 : i32
    %mul3A_102 = vector.broadcast %mul3A_101 : i32 to vector<16xi32>
    %mul3A_103 = arith.muli %get3A_100, %mul3A_102 : vector<16xi32>
    %swap3A_104 = arith.constant 0 : i32
    %swap3A_105 = arith.index_cast %swap3A_104 : i32 to index
    %swap3A_106 = arith.constant 96 : index
    %swap3A_107 = tpu.vector_load %arg12[%swap3A_105, %swap3A_106] {strides = array<i32>} : memref<2x128xi32, #tpu.memory_space<vmem>>, vector<1x16xi32>,
    %swap3A_108 = vector.shape_cast %swap3A_107 : vector<1x16xi32> to vector<16xi32>
    %swap3A_109 = vector.shape_cast %mul3A_103 : vector<16xi32> to vector<1x16xi32>
    tpu.vector_store %arg12[%swap3A_105, %swap3A_106], %swap3A_109 {strides = array<i32>} : memref<2x128xi32, #tpu.memory_space<vmem>>, vector<1x16xi32>,
    %get3A_110 = arith.constant 0 : i32
    %get3A_111 = arith.index_cast %get3A_110 : i32 to index
    %get3A_112 = arith.constant 112 : index
    %get3A_113 = tpu.vector_load %arg10[%get3A_111, %get3A_112] {strides = array<i32>} : memref<2x128xi32, #tpu.memory_space<vmem>>, vector<1x16xi32>,
    %get3A_114 = vector.shape_cast %get3A_113 : vector<1x16xi32> to vector<16xi32>
    %mul3A_115 = arith.constant 128 : i32
    %mul3A_116 = vector.broadcast %mul3A_115 : i32 to vector<16xi32>
    %mul3A_117 = arith.muli %get3A_114, %mul3A_116 : vector<16xi32>
    %swap3A_118 = arith.constant 0 : i32
    %swap3A_119 = arith.index_cast %swap3A_118 : i32 to index
    %swap3A_120 = arith.constant 112 : index
    %swap3A_121 = tpu.vector_load %arg12[%swap3A_119, %swap3A_120] {strides = array<i32>} : memref<2x128xi32, #tpu.memory_space<vmem>>, vector<1x16xi32>,
    %swap3A_122 = vector.shape_cast %swap3A_121 : vector<1x16xi32> to vector<16xi32>
    %swap3A_123 = vector.shape_cast %mul3A_117 : vector<16xi32> to vector<1x16xi32>
    tpu.vector_store %arg12[%swap3A_119, %swap3A_120], %swap3A_123 {strides = array<i32>} : memref<2x128xi32, #tpu.memory_space<vmem>>, vector<1x16xi32>,
    %get3A_124 = arith.constant 1 : i32
    %get3A_125 = arith.index_cast %get3A_124 : i32 to index
    %get3A_126 = arith.constant 0 : index
    %get3A_127 = tpu.vector_load %arg10[%get3A_125, %get3A_126] {strides = array<i32>} : memref<2x128xi32, #tpu.memory_space<vmem>>, vector<1x16xi32>,
    %get3A_128 = vector.shape_cast %get3A_127 : vector<1x16xi32> to vector<16xi32>
    %mul3A_129 = arith.constant 128 : i32
    %mul3A_130 = vector.broadcast %mul3A_129 : i32 to vector<16xi32>
    %mul3A_131 = arith.muli %get3A_128, %mul3A_130 : vector<16xi32>
    %swap3A_132 = arith.constant 1 : i32
    %swap3A_133 = arith.index_cast %swap3A_132 : i32 to index
    %swap3A_134 = arith.constant 0 : index
    %swap3A_135 = tpu.vector_load %arg12[%swap3A_133, %swap3A_134] {strides = array<i32>} : memref<2x128xi32, #tpu.memory_space<vmem>>, vector<1x16xi32>,
    %swap3A_136 = vector.shape_cast %swap3A_135 : vector<1x16xi32> to vector<16xi32>
    %swap3A_137 = vector.shape_cast %mul3A_131 : vector<16xi32> to vector<1x16xi32>
    tpu.vector_store %arg12[%swap3A_133, %swap3A_134], %swap3A_137 {strides = array<i32>} : memref<2x128xi32, #tpu.memory_space<vmem>>, vector<1x16xi32>,
    %get3A_138 = arith.constant 1 : i32
    %get3A_139 = arith.index_cast %get3A_138 : i32 to index
    %get3A_140 = arith.constant 16 : index
    %get3A_141 = tpu.vector_load %arg10[%get3A_139, %get3A_140] {strides = array<i32>} : memref<2x128xi32, #tpu.memory_space<vmem>>, vector<1x16xi32>,
    %get3A_142 = vector.shape_cast %get3A_141 : vector<1x16xi32> to vector<16xi32>
    %mul3A_143 = arith.constant 128 : i32
    %mul3A_144 = vector.broadcast %mul3A_143 : i32 to vector<16xi32>
    %mul3A_145 = arith.muli %get3A_142, %mul3A_144 : vector<16xi32>
    %swap3A_146 = arith.constant 1 : i32
    %swap3A_147 = arith.index_cast %swap3A_146 : i32 to index
    %swap3A_148 = arith.constant 16 : index
    %swap3A_149 = tpu.vector_load %arg12[%swap3A_147, %swap3A_148] {strides = array<i32>} : memref<2x128xi32, #tpu.memory_space<vmem>>, vector<1x16xi32>,
    %swap3A_150 = vector.shape_cast %swap3A_149 : vector<1x16xi32> to vector<16xi32>
    %swap3A_151 = vector.shape_cast %mul3A_145 : vector<16xi32> to vector<1x16xi32>
    tpu.vector_store %arg12[%swap3A_147, %swap3A_148], %swap3A_151 {strides = array<i32>} : memref<2x128xi32, #tpu.memory_space<vmem>>, vector<1x16xi32>,
    %get3A_152 = arith.constant 1 : i32
    %get3A_153 = arith.index_cast %get3A_152 : i32 to index
    %get3A_154 = arith.constant 32 : index
    %get3A_155 = tpu.vector_load %arg10[%get3A_153, %get3A_154] {strides = array<i32>} : memref<2x128xi32, #tpu.memory_space<vmem>>, vector<1x16xi32>,
    %get3A_156 = vector.shape_cast %get3A_155 : vector<1x16xi32> to vector<16xi32>
    %mul3A_157 = arith.constant 128 : i32
    %mul3A_158 = vector.broadcast %mul3A_157 : i32 to vector<16xi32>
    %mul3A_159 = arith.muli %get3A_156, %mul3A_158 : vector<16xi32>
    %swap3A_160 = arith.constant 1 : i32
    %swap3A_161 = arith.index_cast %swap3A_160 : i32 to index
    %swap3A_162 = arith.constant 32 : index
    %swap3A_163 = tpu.vector_load %arg12[%swap3A_161, %swap3A_162] {strides = array<i32>} : memref<2x128xi32, #tpu.memory_space<vmem>>, vector<1x16xi32>,
    %swap3A_164 = vector.shape_cast %swap3A_163 : vector<1x16xi32> to vector<16xi32>
    %swap3A_165 = vector.shape_cast %mul3A_159 : vector<16xi32> to vector<1x16xi32>
    tpu.vector_store %arg12[%swap3A_161, %swap3A_162], %swap3A_165 {strides = array<i32>} : memref<2x128xi32, #tpu.memory_space<vmem>>, vector<1x16xi32>,
    %get3A_166 = arith.constant 1 : i32
    %get3A_167 = arith.index_cast %get3A_166 : i32 to index
    %get3A_168 = arith.constant 48 : index
    %get3A_169 = tpu.vector_load %arg10[%get3A_167, %get3A_168] {strides = array<i32>} : memref<2x128xi32, #tpu.memory_space<vmem>>, vector<1x16xi32>,
    %get3A_170 = vector.shape_cast %get3A_169 : vector<1x16xi32> to vector<16xi32>
    %mul3A_171 = arith.constant 128 : i32
    %mul3A_172 = vector.broadcast %mul3A_171 : i32 to vector<16xi32>
    %mul3A_173 = arith.muli %get3A_170, %mul3A_172 : vector<16xi32>
    %swap3A_174 = arith.constant 1 : i32
    %swap3A_175 = arith.index_cast %swap3A_174 : i32 to index
    %swap3A_176 = arith.constant 48 : index
    %swap3A_177 = tpu.vector_load %arg12[%swap3A_175, %swap3A_176] {strides = array<i32>} : memref<2x128xi32, #tpu.memory_space<vmem>>, vector<1x16xi32>,
    %swap3A_178 = vector.shape_cast %swap3A_177 : vector<1x16xi32> to vector<16xi32>
    %swap3A_179 = vector.shape_cast %mul3A_173 : vector<16xi32> to vector<1x16xi32>
    tpu.vector_store %arg12[%swap3A_175, %swap3A_176], %swap3A_179 {strides = array<i32>} : memref<2x128xi32, #tpu.memory_space<vmem>>, vector<1x16xi32>,
    %get3A_180 = arith.constant 1 : i32
    %get3A_181 = arith.index_cast %get3A_180 : i32 to index
    %get3A_182 = arith.constant 64 : index
    %get3A_183 = tpu.vector_load %arg10[%get3A_181, %get3A_182] {strides = array<i32>} : memref<2x128xi32, #tpu.memory_space<vmem>>, vector<1x16xi32>,
    %get3A_184 = vector.shape_cast %get3A_183 : vector<1x16xi32> to vector<16xi32>
    %mul3A_185 = arith.constant 128 : i32
    %mul3A_186 = vector.broadcast %mul3A_185 : i32 to vector<16xi32>
    %mul3A_187 = arith.muli %get3A_184, %mul3A_186 : vector<16xi32>
    %swap3A_188 = arith.constant 1 : i32
    %swap3A_189 = arith.index_cast %swap3A_188 : i32 to index
    %swap3A_190 = arith.constant 64 : index
    %swap3A_191 = tpu.vector_load %arg12[%swap3A_189, %swap3A_190] {strides = array<i32>} : memref<2x128xi32, #tpu.memory_space<vmem>>, vector<1x16xi32>,
    %swap3A_192 = vector.shape_cast %swap3A_191 : vector<1x16xi32> to vector<16xi32>
    %swap3A_193 = vector.shape_cast %mul3A_187 : vector<16xi32> to vector<1x16xi32>
    tpu.vector_store %arg12[%swap3A_189, %swap3A_190], %swap3A_193 {strides = array<i32>} : memref<2x128xi32, #tpu.memory_space<vmem>>, vector<1x16xi32>,
    %get3A_194 = arith.constant 1 : i32
    %get3A_195 = arith.index_cast %get3A_194 : i32 to index
    %get3A_196 = arith.constant 80 : index
    %get3A_197 = tpu.vector_load %arg10[%get3A_195, %get3A_196] {strides = array<i32>} : memref<2x128xi32, #tpu.memory_space<vmem>>, vector<1x16xi32>,
    %get3A_198 = vector.shape_cast %get3A_197 : vector<1x16xi32> to vector<16xi32>
    %mul3A_199 = arith.constant 128 : i32
    %mul3A_200 = vector.broadcast %mul3A_199 : i32 to vector<16xi32>
    %mul3A_201 = arith.muli %get3A_198, %mul3A_200 : vector<16xi32>
    %swap3A_202 = arith.constant 1 : i32
    %swap3A_203 = arith.index_cast %swap3A_202 : i32 to index
    %swap3A_204 = arith.constant 80 : index
    %swap3A_205 = tpu.vector_load %arg12[%swap3A_203, %swap3A_204] {strides = array<i32>} : memref<2x128xi32, #tpu.memory_space<vmem>>, vector<1x16xi32>,
    %swap3A_206 = vector.shape_cast %swap3A_205 : vector<1x16xi32> to vector<16xi32>
    %swap3A_207 = vector.shape_cast %mul3A_201 : vector<16xi32> to vector<1x16xi32>
    tpu.vector_store %arg12[%swap3A_203, %swap3A_204], %swap3A_207 {strides = array<i32>} : memref<2x128xi32, #tpu.memory_space<vmem>>, vector<1x16xi32>,
    %get3A_208 = arith.constant 1 : i32
    %get3A_209 = arith.index_cast %get3A_208 : i32 to index
    %get3A_210 = arith.constant 96 : index
    %get3A_211 = tpu.vector_load %arg10[%get3A_209, %get3A_210] {strides = array<i32>} : memref<2x128xi32, #tpu.memory_space<vmem>>, vector<1x16xi32>,
    %get3A_212 = vector.shape_cast %get3A_211 : vector<1x16xi32> to vector<16xi32>
    %mul3A_213 = arith.constant 128 : i32
    %mul3A_214 = vector.broadcast %mul3A_213 : i32 to vector<16xi32>
    %mul3A_215 = arith.muli %get3A_212, %mul3A_214 : vector<16xi32>
    %swap3A_216 = arith.constant 1 : i32
    %swap3A_217 = arith.index_cast %swap3A_216 : i32 to index
    %swap3A_218 = arith.constant 96 : index
    %swap3A_219 = tpu.vector_load %arg12[%swap3A_217, %swap3A_218] {strides = array<i32>} : memref<2x128xi32, #tpu.memory_space<vmem>>, vector<1x16xi32>,
    %swap3A_220 = vector.shape_cast %swap3A_219 : vector<1x16xi32> to vector<16xi32>
    %swap3A_221 = vector.shape_cast %mul3A_215 : vector<16xi32> to vector<1x16xi32>
    tpu.vector_store %arg12[%swap3A_217, %swap3A_218], %swap3A_221 {strides = array<i32>} : memref<2x128xi32, #tpu.memory_space<vmem>>, vector<1x16xi32>,
    %get3A_222 = arith.constant 1 : i32
    %get3A_223 = arith.index_cast %get3A_222 : i32 to index
    %get3A_224 = arith.constant 112 : index
    %get3A_225 = tpu.vector_load %arg10[%get3A_223, %get3A_224] {strides = array<i32>} : memref<2x128xi32, #tpu.memory_space<vmem>>, vector<1x16xi32>,
    %get3A_226 = vector.shape_cast %get3A_225 : vector<1x16xi32> to vector<16xi32>
    %mul3A_227 = arith.constant 128 : i32
    %mul3A_228 = vector.broadcast %mul3A_227 : i32 to vector<16xi32>
    %mul3A_229 = arith.muli %get3A_226, %mul3A_228 : vector<16xi32>
    %swap3A_230 = arith.constant 1 : i32
    %swap3A_231 = arith.index_cast %swap3A_230 : i32 to index
    %swap3A_232 = arith.constant 112 : index
    %swap3A_233 = tpu.vector_load %arg12[%swap3A_231, %swap3A_232] {strides = array<i32>} : memref<2x128xi32, #tpu.memory_space<vmem>>, vector<1x16xi32>,
    %swap3A_234 = vector.shape_cast %swap3A_233 : vector<1x16xi32> to vector<16xi32>
    %swap3A_235 = vector.shape_cast %mul3A_229 : vector<16xi32> to vector<1x16xi32>
    tpu.vector_store %arg12[%swap3A_231, %swap3A_232], %swap3A_235 {strides = array<i32>} : memref<2x128xi32, #tpu.memory_space<vmem>>, vector<1x16xi32>,
    %dma_start3A = arith.constant 0 : i32
    %dma_start3A_236 = arith.constant 0 : i32
    %dma_start3A_237 = arith.constant 0 : i32
    %dma_start3A_238 = arith.constant 0 : i32
    %dma_start3A_239 = tpu.memref_slice %arg13[%dma_start3A_236, %dma_start3A_237, %dma_start3A_238] : memref<2x128x128xf32, #tpu.memory_space<vmem>> -> memref<1x128x128xf32, #tpu.memory_space<vmem>>
    %dma_start3A_240 = tpu.memref_squeeze %dma_start3A_239 : memref<1x128x128xf32, #tpu.memory_space<vmem>> -> memref<128x128xf32, #tpu.memory_space<vmem>>
    %dma_start3A_241 = arith.constant 0 : i32
    %dma_start3A_242 = tpu.memref_slice %arg11[%dma_start3A, %dma_start3A_241] : memref<2x128xi32, #tpu.memory_space<vmem>> -> memref<1x128xi32, #tpu.memory_space<vmem>>
    %dma_start3A_243 = tpu.memref_squeeze %dma_start3A_242 : memref<1x128xi32, #tpu.memory_space<vmem>> -> memref<128xi32, #tpu.memory_space<vmem>>
    %dma_start3A_244 = arith.constant 0 : i32
    %dma_start3A_245 = arith.constant 0 : i32
    %dma_start3A_246 = tpu.memref_slice %arg4[%dma_start3A_244, %dma_start3A_245] : memref<20000x128xf32, #tpu.memory_space<hbm>> -> memref<20000x128xf32, #tpu.memory_space<hbm>>
    tpu.enqueue_indirect_dma source(%dma_start3A_246 : memref<20000x128xf32, #tpu.memory_space<hbm>>) target(%dma_start3A_240 : memref<128x128xf32, #tpu.memory_space<vmem>>) offsets(%dma_start3A_243 : memref<128xi32, #tpu.memory_space<vmem>>) semaphore(%arg16 : memref<!tpu.dma_semaphore, #tpu.memory_space<semaphore_mem>>)
    %dma_start3A_247 = arith.constant 0 : i32
    %dma_start3A_248 = arith.constant 0 : i32
    %dma_start3A_249 = arith.constant 0 : i32
    %dma_start3A_250 = tpu.memref_slice %arg14[%dma_start3A_248, %dma_start3A_249] : memref<2x128xf32, #tpu.memory_space<vmem>> -> memref<1x128xf32, #tpu.memory_space<vmem>>
    %dma_start3A_251 = tpu.memref_squeeze %dma_start3A_250 : memref<1x128xf32, #tpu.memory_space<vmem>> -> memref<128xf32, #tpu.memory_space<vmem>>
    %dma_start3A_252 = arith.constant 0 : i32
    %dma_start3A_253 = tpu.memref_slice %arg12[%dma_start3A_247, %dma_start3A_252] : memref<2x128xi32, #tpu.memory_space<vmem>> -> memref<1x128xi32, #tpu.memory_space<vmem>>
    %dma_start3A_254 = tpu.memref_squeeze %dma_start3A_253 : memref<1x128xi32, #tpu.memory_space<vmem>> -> memref<128xi32, #tpu.memory_space<vmem>>
    %dma_start3A_255 = arith.constant 0 : i32
    %dma_start3A_256 = tpu.memref_slice %arg5[%dma_start3A_255] : memref<12800000xf32, #tpu.memory_space<hbm>> -> memref<12800000xf32, #tpu.memory_space<hbm>>
    tpu.enqueue_indirect_dma source(%dma_start3A_256 : memref<12800000xf32, #tpu.memory_space<hbm>>) target(%dma_start3A_251 : memref<128xf32, #tpu.memory_space<vmem>>) offsets(%dma_start3A_254 : memref<128xi32, #tpu.memory_space<vmem>>) semaphore(%arg16 : memref<!tpu.dma_semaphore, #tpu.memory_space<semaphore_mem>>)
    %dma_start3A_257 = arith.constant 0 : i32
    %dma_start3A_258 = arith.constant 0 : i32
    %dma_start3A_259 = arith.constant 0 : i32
    %dma_start3A_260 = tpu.memref_slice %arg15[%dma_start3A_258, %dma_start3A_259] : memref<2x128xf32, #tpu.memory_space<vmem>> -> memref<1x128xf32, #tpu.memory_space<vmem>>
    %dma_start3A_261 = tpu.memref_squeeze %dma_start3A_260 : memref<1x128xf32, #tpu.memory_space<vmem>> -> memref<128xf32, #tpu.memory_space<vmem>>
    %dma_start3A_262 = arith.constant 0 : i32
    %dma_start3A_263 = tpu.memref_slice %arg11[%dma_start3A_257, %dma_start3A_262] : memref<2x128xi32, #tpu.memory_space<vmem>> -> memref<1x128xi32, #tpu.memory_space<vmem>>
    %dma_start3A_264 = tpu.memref_squeeze %dma_start3A_263 : memref<1x128xi32, #tpu.memory_space<vmem>> -> memref<128xi32, #tpu.memory_space<vmem>>
    %dma_start3A_265 = arith.constant 0 : i32
    %dma_start3A_266 = tpu.memref_slice %arg6[%dma_start3A_265] : memref<20000xf32, #tpu.memory_space<hbm>> -> memref<20000xf32, #tpu.memory_space<hbm>>
    tpu.enqueue_indirect_dma source(%dma_start3A_266 : memref<20000xf32, #tpu.memory_space<hbm>>) target(%dma_start3A_261 : memref<128xf32, #tpu.memory_space<vmem>>) offsets(%dma_start3A_264 : memref<128xi32, #tpu.memory_space<vmem>>) semaphore(%arg16 : memref<!tpu.dma_semaphore, #tpu.memory_space<semaphore_mem>>)
    %dma_start3A_267 = arith.constant 1 : i32
    %dma_start3A_268 = arith.constant 1 : i32
    %dma_start3A_269 = arith.constant 0 : i32
    %dma_start3A_270 = arith.constant 0 : i32
    %dma_start3A_271 = tpu.memref_slice %arg13[%dma_start3A_268, %dma_start3A_269, %dma_start3A_270] : memref<2x128x128xf32, #tpu.memory_space<vmem>> -> memref<1x128x128xf32, #tpu.memory_space<vmem>>
    %dma_start3A_272 = tpu.memref_squeeze %dma_start3A_271 : memref<1x128x128xf32, #tpu.memory_space<vmem>> -> memref<128x128xf32, #tpu.memory_space<vmem>>
    %dma_start3A_273 = arith.constant 0 : i32
    %dma_start3A_274 = tpu.memref_slice %arg11[%dma_start3A_267, %dma_start3A_273] : memref<2x128xi32, #tpu.memory_space<vmem>> -> memref<1x128xi32, #tpu.memory_space<vmem>>
    %dma_start3A_275 = tpu.memref_squeeze %dma_start3A_274 : memref<1x128xi32, #tpu.memory_space<vmem>> -> memref<128xi32, #tpu.memory_space<vmem>>
    %dma_start3A_276 = arith.constant 0 : i32
    %dma_start3A_277 = arith.constant 0 : i32
    %dma_start3A_278 = tpu.memref_slice %arg4[%dma_start3A_276, %dma_start3A_277] : memref<20000x128xf32, #tpu.memory_space<hbm>> -> memref<20000x128xf32, #tpu.memory_space<hbm>>
    tpu.enqueue_indirect_dma source(%dma_start3A_278 : memref<20000x128xf32, #tpu.memory_space<hbm>>) target(%dma_start3A_272 : memref<128x128xf32, #tpu.memory_space<vmem>>) offsets(%dma_start3A_275 : memref<128xi32, #tpu.memory_space<vmem>>) semaphore(%arg17 : memref<!tpu.dma_semaphore, #tpu.memory_space<semaphore_mem>>)
    %dma_start3A_279 = arith.constant 1 : i32
    %dma_start3A_280 = arith.constant 1 : i32
    %dma_start3A_281 = arith.constant 0 : i32
    %dma_start3A_282 = tpu.memref_slice %arg14[%dma_start3A_280, %dma_start3A_281] : memref<2x128xf32, #tpu.memory_space<vmem>> -> memref<1x128xf32, #tpu.memory_space<vmem>>
    %dma_start3A_283 = tpu.memref_squeeze %dma_start3A_282 : memref<1x128xf32, #tpu.memory_space<vmem>> -> memref<128xf32, #tpu.memory_space<vmem>>
    %dma_start3A_284 = arith.constant 0 : i32
    %dma_start3A_285 = tpu.memref_slice %arg12[%dma_start3A_279, %dma_start3A_284] : memref<2x128xi32, #tpu.memory_space<vmem>> -> memref<1x128xi32, #tpu.memory_space<vmem>>
    %dma_start3A_286 = tpu.memref_squeeze %dma_start3A_285 : memref<1x128xi32, #tpu.memory_space<vmem>> -> memref<128xi32, #tpu.memory_space<vmem>>
    %dma_start3A_287 = arith.constant 0 : i32
    %dma_start3A_288 = tpu.memref_slice %arg5[%dma_start3A_287] : memref<12800000xf32, #tpu.memory_space<hbm>> -> memref<12800000xf32, #tpu.memory_space<hbm>>
    tpu.enqueue_indirect_dma source(%dma_start3A_288 : memref<12800000xf32, #tpu.memory_space<hbm>>) target(%dma_start3A_283 : memref<128xf32, #tpu.memory_space<vmem>>) offsets(%dma_start3A_286 : memref<128xi32, #tpu.memory_space<vmem>>) semaphore(%arg17 : memref<!tpu.dma_semaphore, #tpu.memory_space<semaphore_mem>>)
    %dma_start3A_289 = arith.constant 1 : i32
    %dma_start3A_290 = arith.constant 1 : i32
    %dma_start3A_291 = arith.constant 0 : i32
    %dma_start3A_292 = tpu.memref_slice %arg15[%dma_start3A_290, %dma_start3A_291] : memref<2x128xf32, #tpu.memory_space<vmem>> -> memref<1x128xf32, #tpu.memory_space<vmem>>
    %dma_start3A_293 = tpu.memref_squeeze %dma_start3A_292 : memref<1x128xf32, #tpu.memory_space<vmem>> -> memref<128xf32, #tpu.memory_space<vmem>>
    %dma_start3A_294 = arith.constant 0 : i32
    %dma_start3A_295 = tpu.memref_slice %arg11[%dma_start3A_289, %dma_start3A_294] : memref<2x128xi32, #tpu.memory_space<vmem>> -> memref<1x128xi32, #tpu.memory_space<vmem>>
    %dma_start3A_296 = tpu.memref_squeeze %dma_start3A_295 : memref<1x128xi32, #tpu.memory_space<vmem>> -> memref<128xi32, #tpu.memory_space<vmem>>
    %dma_start3A_297 = arith.constant 0 : i32
    %dma_start3A_298 = tpu.memref_slice %arg6[%dma_start3A_297] : memref<20000xf32, #tpu.memory_space<hbm>> -> memref<20000xf32, #tpu.memory_space<hbm>>
    tpu.enqueue_indirect_dma source(%dma_start3A_298 : memref<20000xf32, #tpu.memory_space<hbm>>) target(%dma_start3A_293 : memref<128xf32, #tpu.memory_space<vmem>>) offsets(%dma_start3A_296 : memref<128xi32, #tpu.memory_space<vmem>>) semaphore(%arg17 : memref<!tpu.dma_semaphore, #tpu.memory_space<semaphore_mem>>)
    %dma_wait3A = arith.constant 0 : i32
    %dma_wait3A_299 = arith.constant 0 : i32
    %dma_wait3A_300 = arith.constant 0 : i32
    %dma_wait3A_301 = arith.constant 0 : i32
    %dma_wait3A_302 = tpu.memref_slice %arg13[%dma_wait3A_299, %dma_wait3A_300, %dma_wait3A_301] : memref<2x128x128xf32, #tpu.memory_space<vmem>> -> memref<1x128x128xf32, #tpu.memory_space<vmem>>
    %dma_wait3A_303 = tpu.memref_squeeze %dma_wait3A_302 : memref<1x128x128xf32, #tpu.memory_space<vmem>> -> memref<128x128xf32, #tpu.memory_space<vmem>>
    %dma_wait3A_304 = arith.constant 0 : i32
    %dma_wait3A_305 = tpu.memref_slice %arg11[%dma_wait3A, %dma_wait3A_304] : memref<2x128xi32, #tpu.memory_space<vmem>> -> memref<1x128xi32, #tpu.memory_space<vmem>>
    %dma_wait3A_306 = tpu.memref_squeeze %dma_wait3A_305 : memref<1x128xi32, #tpu.memory_space<vmem>> -> memref<128xi32, #tpu.memory_space<vmem>>
    %dma_wait3A_307 = arith.constant 0 : i32
    %dma_wait3A_308 = arith.constant 0 : i32
    %dma_wait3A_309 = tpu.memref_slice %arg4[%dma_wait3A_307, %dma_wait3A_308] : memref<20000x128xf32, #tpu.memory_space<hbm>> -> memref<20000x128xf32, #tpu.memory_space<hbm>>
    tpu.wait_indirect_dma semaphore(%arg16 : memref<!tpu.dma_semaphore, #tpu.memory_space<semaphore_mem>>) src(%dma_wait3A_309 : memref<20000x128xf32, #tpu.memory_space<hbm>>) dst(%dma_wait3A_303 : memref<128x128xf32, #tpu.memory_space<vmem>>)
    %dma_wait3A_310 = arith.constant 0 : i32
    %dma_wait3A_311 = arith.constant 0 : i32
    %dma_wait3A_312 = arith.constant 0 : i32
    %dma_wait3A_313 = tpu.memref_slice %arg14[%dma_wait3A_311, %dma_wait3A_312] : memref<2x128xf32, #tpu.memory_space<vmem>> -> memref<1x128xf32, #tpu.memory_space<vmem>>
    %dma_wait3A_314 = tpu.memref_squeeze %dma_wait3A_313 : memref<1x128xf32, #tpu.memory_space<vmem>> -> memref<128xf32, #tpu.memory_space<vmem>>
    %dma_wait3A_315 = arith.constant 0 : i32
    %dma_wait3A_316 = tpu.memref_slice %arg12[%dma_wait3A_310, %dma_wait3A_315] : memref<2x128xi32, #tpu.memory_space<vmem>> -> memref<1x128xi32, #tpu.memory_space<vmem>>
    %dma_wait3A_317 = tpu.memref_squeeze %dma_wait3A_316 : memref<1x128xi32, #tpu.memory_space<vmem>> -> memref<128xi32, #tpu.memory_space<vmem>>
    %dma_wait3A_318 = arith.constant 0 : i32
    %dma_wait3A_319 = tpu.memref_slice %arg5[%dma_wait3A_318] : memref<12800000xf32, #tpu.memory_space<hbm>> -> memref<12800000xf32, #tpu.memory_space<hbm>>
    tpu.wait_indirect_dma semaphore(%arg16 : memref<!tpu.dma_semaphore, #tpu.memory_space<semaphore_mem>>) src(%dma_wait3A_319 : memref<12800000xf32, #tpu.memory_space<hbm>>) dst(%dma_wait3A_314 : memref<128xf32, #tpu.memory_space<vmem>>)
    %dma_wait3A_320 = arith.constant 0 : i32
    %dma_wait3A_321 = arith.constant 0 : i32
    %dma_wait3A_322 = arith.constant 0 : i32
    %dma_wait3A_323 = tpu.memref_slice %arg15[%dma_wait3A_321, %dma_wait3A_322] : memref<2x128xf32, #tpu.memory_space<vmem>> -> memref<1x128xf32, #tpu.memory_space<vmem>>
    %dma_wait3A_324 = tpu.memref_squeeze %dma_wait3A_323 : memref<1x128xf32, #tpu.memory_space<vmem>> -> memref<128xf32, #tpu.memory_space<vmem>>
    %dma_wait3A_325 = arith.constant 0 : i32
    %dma_wait3A_326 = tpu.memref_slice %arg11[%dma_wait3A_320, %dma_wait3A_325] : memref<2x128xi32, #tpu.memory_space<vmem>> -> memref<1x128xi32, #tpu.memory_space<vmem>>
    %dma_wait3A_327 = tpu.memref_squeeze %dma_wait3A_326 : memref<1x128xi32, #tpu.memory_space<vmem>> -> memref<128xi32, #tpu.memory_space<vmem>>
    %dma_wait3A_328 = arith.constant 0 : i32
    %dma_wait3A_329 = tpu.memref_slice %arg6[%dma_wait3A_328] : memref<20000xf32, #tpu.memory_space<hbm>> -> memref<20000xf32, #tpu.memory_space<hbm>>
    tpu.wait_indirect_dma semaphore(%arg16 : memref<!tpu.dma_semaphore, #tpu.memory_space<semaphore_mem>>) src(%dma_wait3A_329 : memref<20000xf32, #tpu.memory_space<hbm>>) dst(%dma_wait3A_324 : memref<128xf32, #tpu.memory_space<vmem>>)
    %add3A_330 = arith.constant 0 : i32
    %add3A_331 = arith.addi %mul3A_2, %add3A_330 : i32
    %dma_start3A_332 = arith.constant 0 : i32
    %dma_start3A_333 = arith.constant 0 : i32
    %dma_start3A_334 = arith.constant 0 : i32
    %dma_start3A_335 = tpu.memref_slice %arg13[%dma_start3A_332, %dma_start3A_333, %dma_start3A_334] : memref<2x128x128xf32, #tpu.memory_space<vmem>> -> memref<1x128x128xf32, #tpu.memory_space<vmem>>
    %dma_start3A_336 = tpu.memref_squeeze %dma_start3A_335 : memref<1x128x128xf32, #tpu.memory_space<vmem>> -> memref<128x128xf32, #tpu.memory_space<vmem>>
    %dma_start3A_337 = arith.constant 0 : i32
    %dma_start3A_338 = tpu.memref_slice %arg7[%add3A_331, %dma_start3A_337] : memref<8192x128xf32, #tpu.memory_space<hbm>> -> memref<128x128xf32, #tpu.memory_space<hbm>>
    %dma_start3A_339 = arith.constant 0 : i32
    %dma_start3A_340 = tpu.memref_slice %arg7[%add3A_331, %dma_start3A_339] : memref<8192x128xf32, #tpu.memory_space<hbm>> -> memref<128x128xf32, #tpu.memory_space<hbm>>
    %dma_start3A_341 = arith.constant 0 : i32
    %dma_start3A_342 = arith.constant 0 : i32
    %dma_start3A_343 = tpu.memref_slice %arg13[%dma_start3A_332, %dma_start3A_341, %dma_start3A_342] : memref<2x128x128xf32, #tpu.memory_space<vmem>> -> memref<1x128x128xf32, #tpu.memory_space<vmem>>
    %dma_start3A_344 = tpu.memref_squeeze %dma_start3A_343 : memref<1x128x128xf32, #tpu.memory_space<vmem>> -> memref<128x128xf32, #tpu.memory_space<vmem>>
    tpu.enqueue_dma source(%dma_start3A_344 : memref<128x128xf32, #tpu.memory_space<vmem>>) target(%dma_start3A_340 : memref<128x128xf32, #tpu.memory_space<hbm>>) target_semaphore(%arg18 : memref<!tpu.dma_semaphore, #tpu.memory_space<semaphore_mem>>)
    %dma_start3A_345 = arith.constant 0 : i32
    %dma_start3A_346 = arith.constant 0 : i32
    %dma_start3A_347 = tpu.memref_slice %arg14[%dma_start3A_345, %dma_start3A_346] : memref<2x128xf32, #tpu.memory_space<vmem>> -> memref<1x128xf32, #tpu.memory_space<vmem>>
    %dma_start3A_348 = tpu.memref_squeeze %dma_start3A_347 : memref<1x128xf32, #tpu.memory_space<vmem>> -> memref<128xf32, #tpu.memory_space<vmem>>
    %dma_start3A_349 = tpu.memref_slice %arg8[%add3A_331] : memref<8192xf32, #tpu.memory_space<hbm>> -> memref<128xf32, #tpu.memory_space<hbm>>
    %dma_start3A_350 = tpu.memref_slice %arg8[%add3A_331] : memref<8192xf32, #tpu.memory_space<hbm>> -> memref<128xf32, #tpu.memory_space<hbm>>
    %dma_start3A_351 = arith.constant 0 : i32
    %dma_start3A_352 = tpu.memref_slice %arg14[%dma_start3A_345, %dma_start3A_351] : memref<2x128xf32, #tpu.memory_space<vmem>> -> memref<1x128xf32, #tpu.memory_space<vmem>>
    %dma_start3A_353 = tpu.memref_squeeze %dma_start3A_352 : memref<1x128xf32, #tpu.memory_space<vmem>> -> memref<128xf32, #tpu.memory_space<vmem>>
    tpu.enqueue_dma source(%dma_start3A_353 : memref<128xf32, #tpu.memory_space<vmem>>) target(%dma_start3A_350 : memref<128xf32, #tpu.memory_space<hbm>>) target_semaphore(%arg18 : memref<!tpu.dma_semaphore, #tpu.memory_space<semaphore_mem>>)
    %dma_start3A_354 = arith.constant 0 : i32
    %dma_start3A_355 = arith.constant 0 : i32
    %dma_start3A_356 = tpu.memref_slice %arg15[%dma_start3A_354, %dma_start3A_355] : memref<2x128xf32, #tpu.memory_space<vmem>> -> memref<1x128xf32, #tpu.memory_space<vmem>>
    %dma_start3A_357 = tpu.memref_squeeze %dma_start3A_356 : memref<1x128xf32, #tpu.memory_space<vmem>> -> memref<128xf32, #tpu.memory_space<vmem>>
    %dma_start3A_358 = tpu.memref_slice %arg9[%add3A_331] : memref<8192xf32, #tpu.memory_space<hbm>> -> memref<128xf32, #tpu.memory_space<hbm>>
    %dma_start3A_359 = tpu.memref_slice %arg9[%add3A_331] : memref<8192xf32, #tpu.memory_space<hbm>> -> memref<128xf32, #tpu.memory_space<hbm>>
    %dma_start3A_360 = arith.constant 0 : i32
    %dma_start3A_361 = tpu.memref_slice %arg15[%dma_start3A_354, %dma_start3A_360] : memref<2x128xf32, #tpu.memory_space<vmem>> -> memref<1x128xf32, #tpu.memory_space<vmem>>
    %dma_start3A_362 = tpu.memref_squeeze %dma_start3A_361 : memref<1x128xf32, #tpu.memory_space<vmem>> -> memref<128xf32, #tpu.memory_space<vmem>>
    tpu.enqueue_dma source(%dma_start3A_362 : memref<128xf32, #tpu.memory_space<vmem>>) target(%dma_start3A_359 : memref<128xf32, #tpu.memory_space<hbm>>) target_semaphore(%arg18 : memref<!tpu.dma_semaphore, #tpu.memory_space<semaphore_mem>>)
    %dma_wait3A_363 = arith.constant 1 : i32
    %dma_wait3A_364 = arith.constant 1 : i32
    %dma_wait3A_365 = arith.constant 0 : i32
    %dma_wait3A_366 = arith.constant 0 : i32
    %dma_wait3A_367 = tpu.memref_slice %arg13[%dma_wait3A_364, %dma_wait3A_365, %dma_wait3A_366] : memref<2x128x128xf32, #tpu.memory_space<vmem>> -> memref<1x128x128xf32, #tpu.memory_space<vmem>>
    %dma_wait3A_368 = tpu.memref_squeeze %dma_wait3A_367 : memref<1x128x128xf32, #tpu.memory_space<vmem>> -> memref<128x128xf32, #tpu.memory_space<vmem>>
    %dma_wait3A_369 = arith.constant 0 : i32
    %dma_wait3A_370 = tpu.memref_slice %arg11[%dma_wait3A_363, %dma_wait3A_369] : memref<2x128xi32, #tpu.memory_space<vmem>> -> memref<1x128xi32, #tpu.memory_space<vmem>>
    %dma_wait3A_371 = tpu.memref_squeeze %dma_wait3A_370 : memref<1x128xi32, #tpu.memory_space<vmem>> -> memref<128xi32, #tpu.memory_space<vmem>>
    %dma_wait3A_372 = arith.constant 0 : i32
    %dma_wait3A_373 = arith.constant 0 : i32
    %dma_wait3A_374 = tpu.memref_slice %arg4[%dma_wait3A_372, %dma_wait3A_373] : memref<20000x128xf32, #tpu.memory_space<hbm>> -> memref<20000x128xf32, #tpu.memory_space<hbm>>
    tpu.wait_indirect_dma semaphore(%arg17 : memref<!tpu.dma_semaphore, #tpu.memory_space<semaphore_mem>>) src(%dma_wait3A_374 : memref<20000x128xf32, #tpu.memory_space<hbm>>) dst(%dma_wait3A_368 : memref<128x128xf32, #tpu.memory_space<vmem>>)
    %dma_wait3A_375 = arith.constant 1 : i32
    %dma_wait3A_376 = arith.constant 1 : i32
    %dma_wait3A_377 = arith.constant 0 : i32
    %dma_wait3A_378 = tpu.memref_slice %arg14[%dma_wait3A_376, %dma_wait3A_377] : memref<2x128xf32, #tpu.memory_space<vmem>> -> memref<1x128xf32, #tpu.memory_space<vmem>>
    %dma_wait3A_379 = tpu.memref_squeeze %dma_wait3A_378 : memref<1x128xf32, #tpu.memory_space<vmem>> -> memref<128xf32, #tpu.memory_space<vmem>>
    %dma_wait3A_380 = arith.constant 0 : i32
    %dma_wait3A_381 = tpu.memref_slice %arg12[%dma_wait3A_375, %dma_wait3A_380] : memref<2x128xi32, #tpu.memory_space<vmem>> -> memref<1x128xi32, #tpu.memory_space<vmem>>
    %dma_wait3A_382 = tpu.memref_squeeze %dma_wait3A_381 : memref<1x128xi32, #tpu.memory_space<vmem>> -> memref<128xi32, #tpu.memory_space<vmem>>
    %dma_wait3A_383 = arith.constant 0 : i32
    %dma_wait3A_384 = tpu.memref_slice %arg5[%dma_wait3A_383] : memref<12800000xf32, #tpu.memory_space<hbm>> -> memref<12800000xf32, #tpu.memory_space<hbm>>
    tpu.wait_indirect_dma semaphore(%arg17 : memref<!tpu.dma_semaphore, #tpu.memory_space<semaphore_mem>>) src(%dma_wait3A_384 : memref<12800000xf32, #tpu.memory_space<hbm>>) dst(%dma_wait3A_379 : memref<128xf32, #tpu.memory_space<vmem>>)
    %dma_wait3A_385 = arith.constant 1 : i32
    %dma_wait3A_386 = arith.constant 1 : i32
    %dma_wait3A_387 = arith.constant 0 : i32
    %dma_wait3A_388 = tpu.memref_slice %arg15[%dma_wait3A_386, %dma_wait3A_387] : memref<2x128xf32, #tpu.memory_space<vmem>> -> memref<1x128xf32, #tpu.memory_space<vmem>>
    %dma_wait3A_389 = tpu.memref_squeeze %dma_wait3A_388 : memref<1x128xf32, #tpu.memory_space<vmem>> -> memref<128xf32, #tpu.memory_space<vmem>>
    %dma_wait3A_390 = arith.constant 0 : i32
    %dma_wait3A_391 = tpu.memref_slice %arg11[%dma_wait3A_385, %dma_wait3A_390] : memref<2x128xi32, #tpu.memory_space<vmem>> -> memref<1x128xi32, #tpu.memory_space<vmem>>
    %dma_wait3A_392 = tpu.memref_squeeze %dma_wait3A_391 : memref<1x128xi32, #tpu.memory_space<vmem>> -> memref<128xi32, #tpu.memory_space<vmem>>
    %dma_wait3A_393 = arith.constant 0 : i32
    %dma_wait3A_394 = tpu.memref_slice %arg6[%dma_wait3A_393] : memref<20000xf32, #tpu.memory_space<hbm>> -> memref<20000xf32, #tpu.memory_space<hbm>>
    tpu.wait_indirect_dma semaphore(%arg17 : memref<!tpu.dma_semaphore, #tpu.memory_space<semaphore_mem>>) src(%dma_wait3A_394 : memref<20000xf32, #tpu.memory_space<hbm>>) dst(%dma_wait3A_389 : memref<128xf32, #tpu.memory_space<vmem>>)
    %add3A_395 = arith.constant 128 : i32
    %add3A_396 = arith.addi %mul3A_2, %add3A_395 : i32
    %dma_start3A_397 = arith.constant 1 : i32
    %dma_start3A_398 = arith.constant 0 : i32
    %dma_start3A_399 = arith.constant 0 : i32
    %dma_start3A_400 = tpu.memref_slice %arg13[%dma_start3A_397, %dma_start3A_398, %dma_start3A_399] : memref<2x128x128xf32, #tpu.memory_space<vmem>> -> memref<1x128x128xf32, #tpu.memory_space<vmem>>
    %dma_start3A_401 = tpu.memref_squeeze %dma_start3A_400 : memref<1x128x128xf32, #tpu.memory_space<vmem>> -> memref<128x128xf32, #tpu.memory_space<vmem>>
    %dma_start3A_402 = arith.constant 0 : i32
    %dma_start3A_403 = tpu.memref_slice %arg7[%add3A_396, %dma_start3A_402] : memref<8192x128xf32, #tpu.memory_space<hbm>> -> memref<128x128xf32, #tpu.memory_space<hbm>>
    %dma_start3A_404 = arith.constant 0 : i32
    %dma_start3A_405 = tpu.memref_slice %arg7[%add3A_396, %dma_start3A_404] : memref<8192x128xf32, #tpu.memory_space<hbm>> -> memref<128x128xf32, #tpu.memory_space<hbm>>
    %dma_start3A_406 = arith.constant 0 : i32
    %dma_start3A_407 = arith.constant 0 : i32
    %dma_start3A_408 = tpu.memref_slice %arg13[%dma_start3A_397, %dma_start3A_406, %dma_start3A_407] : memref<2x128x128xf32, #tpu.memory_space<vmem>> -> memref<1x128x128xf32, #tpu.memory_space<vmem>>
    %dma_start3A_409 = tpu.memref_squeeze %dma_start3A_408 : memref<1x128x128xf32, #tpu.memory_space<vmem>> -> memref<128x128xf32, #tpu.memory_space<vmem>>
    tpu.enqueue_dma source(%dma_start3A_409 : memref<128x128xf32, #tpu.memory_space<vmem>>) target(%dma_start3A_405 : memref<128x128xf32, #tpu.memory_space<hbm>>) target_semaphore(%arg19 : memref<!tpu.dma_semaphore, #tpu.memory_space<semaphore_mem>>)
    %dma_start3A_410 = arith.constant 1 : i32
    %dma_start3A_411 = arith.constant 0 : i32
    %dma_start3A_412 = tpu.memref_slice %arg14[%dma_start3A_410, %dma_start3A_411] : memref<2x128xf32, #tpu.memory_space<vmem>> -> memref<1x128xf32, #tpu.memory_space<vmem>>
    %dma_start3A_413 = tpu.memref_squeeze %dma_start3A_412 : memref<1x128xf32, #tpu.memory_space<vmem>> -> memref<128xf32, #tpu.memory_space<vmem>>
    %dma_start3A_414 = tpu.memref_slice %arg8[%add3A_396] : memref<8192xf32, #tpu.memory_space<hbm>> -> memref<128xf32, #tpu.memory_space<hbm>>
    %dma_start3A_415 = tpu.memref_slice %arg8[%add3A_396] : memref<8192xf32, #tpu.memory_space<hbm>> -> memref<128xf32, #tpu.memory_space<hbm>>
    %dma_start3A_416 = arith.constant 0 : i32
    %dma_start3A_417 = tpu.memref_slice %arg14[%dma_start3A_410, %dma_start3A_416] : memref<2x128xf32, #tpu.memory_space<vmem>> -> memref<1x128xf32, #tpu.memory_space<vmem>>
    %dma_start3A_418 = tpu.memref_squeeze %dma_start3A_417 : memref<1x128xf32, #tpu.memory_space<vmem>> -> memref<128xf32, #tpu.memory_space<vmem>>
    tpu.enqueue_dma source(%dma_start3A_418 : memref<128xf32, #tpu.memory_space<vmem>>) target(%dma_start3A_415 : memref<128xf32, #tpu.memory_space<hbm>>) target_semaphore(%arg19 : memref<!tpu.dma_semaphore, #tpu.memory_space<semaphore_mem>>)
    %dma_start3A_419 = arith.constant 1 : i32
    %dma_start3A_420 = arith.constant 0 : i32
    %dma_start3A_421 = tpu.memref_slice %arg15[%dma_start3A_419, %dma_start3A_420] : memref<2x128xf32, #tpu.memory_space<vmem>> -> memref<1x128xf32, #tpu.memory_space<vmem>>
    %dma_start3A_422 = tpu.memref_squeeze %dma_start3A_421 : memref<1x128xf32, #tpu.memory_space<vmem>> -> memref<128xf32, #tpu.memory_space<vmem>>
    %dma_start3A_423 = tpu.memref_slice %arg9[%add3A_396] : memref<8192xf32, #tpu.memory_space<hbm>> -> memref<128xf32, #tpu.memory_space<hbm>>
    %dma_start3A_424 = tpu.memref_slice %arg9[%add3A_396] : memref<8192xf32, #tpu.memory_space<hbm>> -> memref<128xf32, #tpu.memory_space<hbm>>
    %dma_start3A_425 = arith.constant 0 : i32
    %dma_start3A_426 = tpu.memref_slice %arg15[%dma_start3A_419, %dma_start3A_425] : memref<2x128xf32, #tpu.memory_space<vmem>> -> memref<1x128xf32, #tpu.memory_space<vmem>>
    %dma_start3A_427 = tpu.memref_squeeze %dma_start3A_426 : memref<1x128xf32, #tpu.memory_space<vmem>> -> memref<128xf32, #tpu.memory_space<vmem>>
    tpu.enqueue_dma source(%dma_start3A_427 : memref<128xf32, #tpu.memory_space<vmem>>) target(%dma_start3A_424 : memref<128xf32, #tpu.memory_space<hbm>>) target_semaphore(%arg19 : memref<!tpu.dma_semaphore, #tpu.memory_space<semaphore_mem>>)
    %dma_wait3A_428 = arith.constant 0 : i32
    %dma_wait3A_429 = arith.constant 0 : i32
    %dma_wait3A_430 = arith.constant 0 : i32
    %dma_wait3A_431 = tpu.memref_slice %arg13[%dma_wait3A_428, %dma_wait3A_429, %dma_wait3A_430] : memref<2x128x128xf32, #tpu.memory_space<vmem>> -> memref<1x128x128xf32, #tpu.memory_space<vmem>>
    %dma_wait3A_432 = tpu.memref_squeeze %dma_wait3A_431 : memref<1x128x128xf32, #tpu.memory_space<vmem>> -> memref<128x128xf32, #tpu.memory_space<vmem>>
    %dma_wait3A_433 = arith.constant 0 : i32
    %dma_wait3A_434 = tpu.memref_slice %arg7[%add3A_331, %dma_wait3A_433] : memref<8192x128xf32, #tpu.memory_space<hbm>> -> memref<128x128xf32, #tpu.memory_space<hbm>>
    %dma_wait3A_435 = arith.constant 0 : i32
    %dma_wait3A_436 = tpu.memref_slice %arg7[%add3A_331, %dma_wait3A_435] : memref<8192x128xf32, #tpu.memory_space<hbm>> -> memref<128x128xf32, #tpu.memory_space<hbm>>
    %dma_wait3A_437 = arith.constant 0 : i32
    %dma_wait3A_438 = arith.constant 0 : i32
    %dma_wait3A_439 = tpu.memref_slice %arg13[%dma_wait3A_428, %dma_wait3A_437, %dma_wait3A_438] : memref<2x128x128xf32, #tpu.memory_space<vmem>> -> memref<1x128x128xf32, #tpu.memory_space<vmem>>
    %dma_wait3A_440 = tpu.memref_squeeze %dma_wait3A_439 : memref<1x128x128xf32, #tpu.memory_space<vmem>> -> memref<128x128xf32, #tpu.memory_space<vmem>>
    tpu.wait_dma2 semaphore(%arg18 : memref<!tpu.dma_semaphore, #tpu.memory_space<semaphore_mem>>) src(%dma_wait3A_440 : memref<128x128xf32, #tpu.memory_space<vmem>>) dst(%dma_wait3A_436 : memref<128x128xf32, #tpu.memory_space<hbm>>)
    %dma_wait3A_441 = arith.constant 0 : i32
    %dma_wait3A_442 = arith.constant 0 : i32
    %dma_wait3A_443 = tpu.memref_slice %arg14[%dma_wait3A_441, %dma_wait3A_442] : memref<2x128xf32, #tpu.memory_space<vmem>> -> memref<1x128xf32, #tpu.memory_space<vmem>>
    %dma_wait3A_444 = tpu.memref_squeeze %dma_wait3A_443 : memref<1x128xf32, #tpu.memory_space<vmem>> -> memref<128xf32, #tpu.memory_space<vmem>>
    %dma_wait3A_445 = tpu.memref_slice %arg8[%add3A_331] : memref<8192xf32, #tpu.memory_space<hbm>> -> memref<128xf32, #tpu.memory_space<hbm>>
    %dma_wait3A_446 = tpu.memref_slice %arg8[%add3A_331] : memref<8192xf32, #tpu.memory_space<hbm>> -> memref<128xf32, #tpu.memory_space<hbm>>
    %dma_wait3A_447 = arith.constant 0 : i32
    %dma_wait3A_448 = tpu.memref_slice %arg14[%dma_wait3A_441, %dma_wait3A_447] : memref<2x128xf32, #tpu.memory_space<vmem>> -> memref<1x128xf32, #tpu.memory_space<vmem>>
    %dma_wait3A_449 = tpu.memref_squeeze %dma_wait3A_448 : memref<1x128xf32, #tpu.memory_space<vmem>> -> memref<128xf32, #tpu.memory_space<vmem>>
    tpu.wait_dma2 semaphore(%arg18 : memref<!tpu.dma_semaphore, #tpu.memory_space<semaphore_mem>>) src(%dma_wait3A_449 : memref<128xf32, #tpu.memory_space<vmem>>) dst(%dma_wait3A_446 : memref<128xf32, #tpu.memory_space<hbm>>)
    %dma_wait3A_450 = arith.constant 0 : i32
    %dma_wait3A_451 = arith.constant 0 : i32
    %dma_wait3A_452 = tpu.memref_slice %arg15[%dma_wait3A_450, %dma_wait3A_451] : memref<2x128xf32, #tpu.memory_space<vmem>> -> memref<1x128xf32, #tpu.memory_space<vmem>>
    %dma_wait3A_453 = tpu.memref_squeeze %dma_wait3A_452 : memref<1x128xf32, #tpu.memory_space<vmem>> -> memref<128xf32, #tpu.memory_space<vmem>>
    %dma_wait3A_454 = tpu.memref_slice %arg9[%add3A_331] : memref<8192xf32, #tpu.memory_space<hbm>> -> memref<128xf32, #tpu.memory_space<hbm>>
    %dma_wait3A_455 = tpu.memref_slice %arg9[%add3A_331] : memref<8192xf32, #tpu.memory_space<hbm>> -> memref<128xf32, #tpu.memory_space<hbm>>
    %dma_wait3A_456 = arith.constant 0 : i32
    %dma_wait3A_457 = tpu.memref_slice %arg15[%dma_wait3A_450, %dma_wait3A_456] : memref<2x128xf32, #tpu.memory_space<vmem>> -> memref<1x128xf32, #tpu.memory_space<vmem>>
    %dma_wait3A_458 = tpu.memref_squeeze %dma_wait3A_457 : memref<1x128xf32, #tpu.memory_space<vmem>> -> memref<128xf32, #tpu.memory_space<vmem>>
    tpu.wait_dma2 semaphore(%arg18 : memref<!tpu.dma_semaphore, #tpu.memory_space<semaphore_mem>>) src(%dma_wait3A_458 : memref<128xf32, #tpu.memory_space<vmem>>) dst(%dma_wait3A_455 : memref<128xf32, #tpu.memory_space<hbm>>)
    %dma_wait3A_459 = arith.constant 1 : i32
    %dma_wait3A_460 = arith.constant 0 : i32
    %dma_wait3A_461 = arith.constant 0 : i32
    %dma_wait3A_462 = tpu.memref_slice %arg13[%dma_wait3A_459, %dma_wait3A_460, %dma_wait3A_461] : memref<2x128x128xf32, #tpu.memory_space<vmem>> -> memref<1x128x128xf32, #tpu.memory_space<vmem>>
    %dma_wait3A_463 = tpu.memref_squeeze %dma_wait3A_462 : memref<1x128x128xf32, #tpu.memory_space<vmem>> -> memref<128x128xf32, #tpu.memory_space<vmem>>
    %dma_wait3A_464 = arith.constant 0 : i32
    %dma_wait3A_465 = tpu.memref_slice %arg7[%add3A_396, %dma_wait3A_464] : memref<8192x128xf32, #tpu.memory_space<hbm>> -> memref<128x128xf32, #tpu.memory_space<hbm>>
    %dma_wait3A_466 = arith.constant 0 : i32
    %dma_wait3A_467 = tpu.memref_slice %arg7[%add3A_396, %dma_wait3A_466] : memref<8192x128xf32, #tpu.memory_space<hbm>> -> memref<128x128xf32, #tpu.memory_space<hbm>>
    %dma_wait3A_468 = arith.constant 0 : i32
    %dma_wait3A_469 = arith.constant 0 : i32
    %dma_wait3A_470 = tpu.memref_slice %arg13[%dma_wait3A_459, %dma_wait3A_468, %dma_wait3A_469] : memref<2x128x128xf32, #tpu.memory_space<vmem>> -> memref<1x128x128xf32, #tpu.memory_space<vmem>>
    %dma_wait3A_471 = tpu.memref_squeeze %dma_wait3A_470 : memref<1x128x128xf32, #tpu.memory_space<vmem>> -> memref<128x128xf32, #tpu.memory_space<vmem>>
    tpu.wait_dma2 semaphore(%arg19 : memref<!tpu.dma_semaphore, #tpu.memory_space<semaphore_mem>>) src(%dma_wait3A_471 : memref<128x128xf32, #tpu.memory_space<vmem>>) dst(%dma_wait3A_467 : memref<128x128xf32, #tpu.memory_space<hbm>>)
    %dma_wait3A_472 = arith.constant 1 : i32
    %dma_wait3A_473 = arith.constant 0 : i32
    %dma_wait3A_474 = tpu.memref_slice %arg14[%dma_wait3A_472, %dma_wait3A_473] : memref<2x128xf32, #tpu.memory_space<vmem>> -> memref<1x128xf32, #tpu.memory_space<vmem>>
    %dma_wait3A_475 = tpu.memref_squeeze %dma_wait3A_474 : memref<1x128xf32, #tpu.memory_space<vmem>> -> memref<128xf32, #tpu.memory_space<vmem>>
    %dma_wait3A_476 = tpu.memref_slice %arg8[%add3A_396] : memref<8192xf32, #tpu.memory_space<hbm>> -> memref<128xf32, #tpu.memory_space<hbm>>
    %dma_wait3A_477 = tpu.memref_slice %arg8[%add3A_396] : memref<8192xf32, #tpu.memory_space<hbm>> -> memref<128xf32, #tpu.memory_space<hbm>>
    %dma_wait3A_478 = arith.constant 0 : i32
    %dma_wait3A_479 = tpu.memref_slice %arg14[%dma_wait3A_472, %dma_wait3A_478] : memref<2x128xf32, #tpu.memory_space<vmem>> -> memref<1x128xf32, #tpu.memory_space<vmem>>
    %dma_wait3A_480 = tpu.memref_squeeze %dma_wait3A_479 : memref<1x128xf32, #tpu.memory_space<vmem>> -> memref<128xf32, #tpu.memory_space<vmem>>
    tpu.wait_dma2 semaphore(%arg19 : memref<!tpu.dma_semaphore, #tpu.memory_space<semaphore_mem>>) src(%dma_wait3A_480 : memref<128xf32, #tpu.memory_space<vmem>>) dst(%dma_wait3A_477 : memref<128xf32, #tpu.memory_space<hbm>>)
    %dma_wait3A_481 = arith.constant 1 : i32
    %dma_wait3A_482 = arith.constant 0 : i32
    %dma_wait3A_483 = tpu.memref_slice %arg15[%dma_wait3A_481, %dma_wait3A_482] : memref<2x128xf32, #tpu.memory_space<vmem>> -> memref<1x128xf32, #tpu.memory_space<vmem>>
    %dma_wait3A_484 = tpu.memref_squeeze %dma_wait3A_483 : memref<1x128xf32, #tpu.memory_space<vmem>> -> memref<128xf32, #tpu.memory_space<vmem>>
    %dma_wait3A_485 = tpu.memref_slice %arg9[%add3A_396] : memref<8192xf32, #tpu.memory_space<hbm>> -> memref<128xf32, #tpu.memory_space<hbm>>
    %dma_wait3A_486 = tpu.memref_slice %arg9[%add3A_396] : memref<8192xf32, #tpu.memory_space<hbm>> -> memref<128xf32, #tpu.memory_space<hbm>>
    %dma_wait3A_487 = arith.constant 0 : i32
    %dma_wait3A_488 = tpu.memref_slice %arg15[%dma_wait3A_481, %dma_wait3A_487] : memref<2x128xf32, #tpu.memory_space<vmem>> -> memref<1x128xf32, #tpu.memory_space<vmem>>
    %dma_wait3A_489 = tpu.memref_squeeze %dma_wait3A_488 : memref<1x128xf32, #tpu.memory_space<vmem>> -> memref<128xf32, #tpu.memory_space<vmem>>
    tpu.wait_dma2 semaphore(%arg19 : memref<!tpu.dma_semaphore, #tpu.memory_space<semaphore_mem>>) src(%dma_wait3A_489 : memref<128xf32, #tpu.memory_space<vmem>>) dst(%dma_wait3A_486 : memref<128xf32, #tpu.memory_space<hbm>>)
    return
  }
}

#map = affine_map<(d0, d1) -> (0)>
#map1 = affine_map<(d0, d1) -> (0, 0)>
module attributes {stable_mosaic.version = 14 : i64} {
  func.func @k(%arg0: i32, %arg1: i32, %arg2: memref<8192xi32, #tpu.memory_space<hbm>>, %arg3: memref<8192xi32, #tpu.memory_space<hbm>>, %arg4: memref<20000x128xf32, #tpu.memory_space<hbm>>, %arg5: memref<12800000xf32, #tpu.memory_space<hbm>>, %arg6: memref<20000xf32, #tpu.memory_space<hbm>>, %arg7: memref<8192x128xf32, #tpu.memory_space<hbm>>, %arg8: memref<8192xf32, #tpu.memory_space<hbm>>, %arg9: memref<8192xf32, #tpu.memory_space<hbm>>, %arg10: memref<2x128xi32, #tpu.memory_space<vmem>>, %arg11: memref<2x128xi32, #tpu.memory_space<vmem>>, %arg12: memref<2x128xi32, #tpu.memory_space<vmem>>, %arg13: memref<2x128x128xf32, #tpu.memory_space<vmem>>, %arg14: memref<2x128xf32, #tpu.memory_space<vmem>>, %arg15: memref<2x128xf32, #tpu.memory_space<vmem>>, %arg16: memref<!tpu.dma_semaphore, #tpu.memory_space<semaphore_mem>>, %arg17: memref<!tpu.dma_semaphore, #tpu.memory_space<semaphore_mem>>, %arg18: memref<!tpu.dma_semaphore, #tpu.memory_space<semaphore_mem>>, %arg19: memref<!tpu.dma_semaphore, #tpu.memory_space<semaphore_mem>>) attributes {dimension_semantics = [#tpu.dimension_semantics<core_parallel>, #tpu.dimension_semantics<subcore_parallel>], iteration_bounds = array<i64: 2, 16>, scalar_prefetch = 0 : i64, scratch_operands = 10 : i64, tpu.core_type = #tpu.core_type<sc_vector_subcore>, window_params = [{transform_indices = #map}, {transform_indices = #map}, {transform_indices = #map1}, {transform_indices = #map}, {transform_indices = #map}, {transform_indices = #map1}, {transform_indices = #map}, {transform_indices = #map}]} {
    %mul3A = arith.constant 2 : i32
    %mul3A_0 = arith.muli %arg1, %mul3A : i32
    %add3A = arith.addi %mul3A_0, %arg0 : i32
    %mul3A_1 = arith.constant 256 : i32
    %mul3A_2 = arith.muli %add3A, %mul3A_1 : i32
    %add3A_3 = arith.constant 0 : i32
    %add3A_4 = arith.addi %mul3A_2, %add3A_3 : i32
    %run_scoped3A = arith.constant 0 : i32
    "tpu.region"() ({
      %run_scoped3A_490 = tpu.sem_alloc : memref<!tpu.dma_semaphore, #tpu.memory_space<semaphore_mem>>
      %dma_start3A_491 = arith.constant 0 : i32
      %dma_start3A_492 = tpu.memref_slice %arg10[%run_scoped3A, %dma_start3A_491] : memref<2x128xi32, #tpu.memory_space<vmem>> -> memref<1x128xi32, #tpu.memory_space<vmem>>
      %dma_start3A_493 = tpu.memref_squeeze %dma_start3A_492 : memref<1x128xi32, #tpu.memory_space<vmem>> -> memref<128xi32, #tpu.memory_space<vmem>>
      %dma_start3A_494 = tpu.memref_slice %arg2[%add3A_4] : memref<8192xi32, #tpu.memory_space<hbm>> -> memref<128xi32, #tpu.memory_space<hbm>>
      %dma_start3A_495 = arith.constant 0 : i32
      %dma_start3A_496 = tpu.memref_slice %arg10[%run_scoped3A, %dma_start3A_495] : memref<2x128xi32, #tpu.memory_space<vmem>> -> memref<1x128xi32, #tpu.memory_space<vmem>>
      %dma_start3A_497 = tpu.memref_squeeze %dma_start3A_496 : memref<1x128xi32, #tpu.memory_space<vmem>> -> memref<128xi32, #tpu.memory_space<vmem>>
      %dma_start3A_498 = tpu.memref_slice %arg2[%add3A_4] : memref<8192xi32, #tpu.memory_space<hbm>> -> memref<128xi32, #tpu.memory_space<hbm>>
      tpu.enqueue_dma source(%dma_start3A_498 : memref<128xi32, #tpu.memory_space<hbm>>) target(%dma_start3A_497 : memref<128xi32, #tpu.memory_space<vmem>>) target_semaphore(%run_scoped3A_490 : memref<!tpu.dma_semaphore, #tpu.memory_space<semaphore_mem>>)
      %dma_wait3A_499 = arith.constant 0 : i32
      %dma_wait3A_500 = tpu.memref_slice %arg10[%run_scoped3A, %dma_wait3A_499] : memref<2x128xi32, #tpu.memory_space<vmem>> -> memref<1x128xi32, #tpu.memory_space<vmem>>
      %dma_wait3A_501 = tpu.memref_squeeze %dma_wait3A_500 : memref<1x128xi32, #tpu.memory_space<vmem>> -> memref<128xi32, #tpu.memory_space<vmem>>
      %dma_wait3A_502 = tpu.memref_slice %arg2[%add3A_4] : memref<8192xi32, #tpu.memory_space<hbm>> -> memref<128xi32, #tpu.memory_space<hbm>>
      %dma_wait3A_503 = arith.constant 0 : i32
      %dma_wait3A_504 = tpu.memref_slice %arg10[%run_scoped3A, %dma_wait3A_503] : memref<2x128xi32, #tpu.memory_space<vmem>> -> memref<1x128xi32, #tpu.memory_space<vmem>>
      %dma_wait3A_505 = tpu.memref_squeeze %dma_wait3A_504 : memref<1x128xi32, #tpu.memory_space<vmem>> -> memref<128xi32, #tpu.memory_space<vmem>>
      %dma_wait3A_506 = tpu.memref_slice %arg2[%add3A_4] : memref<8192xi32, #tpu.memory_space<hbm>> -> memref<128xi32, #tpu.memory_space<hbm>>
      tpu.wait_dma2 semaphore(%run_scoped3A_490 : memref<!tpu.dma_semaphore, #tpu.memory_space<semaphore_mem>>) src(%dma_wait3A_506 : memref<128xi32, #tpu.memory_space<hbm>>) dst(%dma_wait3A_505 : memref<128xi32, #tpu.memory_space<vmem>>)
      tpu.yield
    }) : () -> ()
    %add3A_5 = arith.constant 0 : i32
    %add3A_6 = arith.addi %mul3A_2, %add3A_5 : i32
    %run_scoped3A_7 = arith.constant 0 : i32
    "tpu.region"() ({
      %run_scoped3A_490 = tpu.sem_alloc : memref<!tpu.dma_semaphore, #tpu.memory_space<semaphore_mem>>
      %dma_start3A_491 = arith.constant 0 : i32
      %dma_start3A_492 = tpu.memref_slice %arg11[%run_scoped3A_7, %dma_start3A_491] : memref<2x128xi32, #tpu.memory_space<vmem>> -> memref<1x128xi32, #tpu.memory_space<vmem>>
      %dma_start3A_493 = tpu.memref_squeeze %dma_start3A_492 : memref<1x128xi32, #tpu.memory_space<vmem>> -> memref<128xi32, #tpu.memory_space<vmem>>
      %dma_start3A_494 = tpu.memref_slice %arg3[%add3A_6] : memref<8192xi32, #tpu.memory_space<hbm>> -> memref<128xi32, #tpu.memory_space<hbm>>
      %dma_start3A_495 = arith.constant 0 : i32
      %dma_start3A_496 = tpu.memref_slice %arg11[%run_scoped3A_7, %dma_start3A_495] : memref<2x128xi32, #tpu.memory_space<vmem>> -> memref<1x128xi32, #tpu.memory_space<vmem>>
      %dma_start3A_497 = tpu.memref_squeeze %dma_start3A_496 : memref<1x128xi32, #tpu.memory_space<vmem>> -> memref<128xi32, #tpu.memory_space<vmem>>
      %dma_start3A_498 = tpu.memref_slice %arg3[%add3A_6] : memref<8192xi32, #tpu.memory_space<hbm>> -> memref<128xi32, #tpu.memory_space<hbm>>
      tpu.enqueue_dma source(%dma_start3A_498 : memref<128xi32, #tpu.memory_space<hbm>>) target(%dma_start3A_497 : memref<128xi32, #tpu.memory_space<vmem>>) target_semaphore(%run_scoped3A_490 : memref<!tpu.dma_semaphore, #tpu.memory_space<semaphore_mem>>)
      %dma_wait3A_499 = arith.constant 0 : i32
      %dma_wait3A_500 = tpu.memref_slice %arg11[%run_scoped3A_7, %dma_wait3A_499] : memref<2x128xi32, #tpu.memory_space<vmem>> -> memref<1x128xi32, #tpu.memory_space<vmem>>
      %dma_wait3A_501 = tpu.memref_squeeze %dma_wait3A_500 : memref<1x128xi32, #tpu.memory_space<vmem>> -> memref<128xi32, #tpu.memory_space<vmem>>
      %dma_wait3A_502 = tpu.memref_slice %arg3[%add3A_6] : memref<8192xi32, #tpu.memory_space<hbm>> -> memref<128xi32, #tpu.memory_space<hbm>>
      %dma_wait3A_503 = arith.constant 0 : i32
      %dma_wait3A_504 = tpu.memref_slice %arg11[%run_scoped3A_7, %dma_wait3A_503] : memref<2x128xi32, #tpu.memory_space<vmem>> -> memref<1x128xi32, #tpu.memory_space<vmem>>
      %dma_wait3A_505 = tpu.memref_squeeze %dma_wait3A_504 : memref<1x128xi32, #tpu.memory_space<vmem>> -> memref<128xi32, #tpu.memory_space<vmem>>
      %dma_wait3A_506 = tpu.memref_slice %arg3[%add3A_6] : memref<8192xi32, #tpu.memory_space<hbm>> -> memref<128xi32, #tpu.memory_space<hbm>>
      tpu.wait_dma2 semaphore(%run_scoped3A_490 : memref<!tpu.dma_semaphore, #tpu.memory_space<semaphore_mem>>) src(%dma_wait3A_506 : memref<128xi32, #tpu.memory_space<hbm>>) dst(%dma_wait3A_505 : memref<128xi32, #tpu.memory_space<vmem>>)
      tpu.yield
    }) : () -> ()
    %add3A_8 = arith.constant 128 : i32
    %add3A_9 = arith.addi %mul3A_2, %add3A_8 : i32
    %run_scoped3A_10 = arith.constant 1 : i32
    "tpu.region"() ({
      %run_scoped3A_490 = tpu.sem_alloc : memref<!tpu.dma_semaphore, #tpu.memory_space<semaphore_mem>>
      %dma_start3A_491 = arith.constant 0 : i32
      %dma_start3A_492 = tpu.memref_slice %arg10[%run_scoped3A_10, %dma_start3A_491] : memref<2x128xi32, #tpu.memory_space<vmem>> -> memref<1x128xi32, #tpu.memory_space<vmem>>
      %dma_start3A_493 = tpu.memref_squeeze %dma_start3A_492 : memref<1x128xi32, #tpu.memory_space<vmem>> -> memref<128xi32, #tpu.memory_space<vmem>>
      %dma_start3A_494 = tpu.memref_slice %arg2[%add3A_9] : memref<8192xi32, #tpu.memory_space<hbm>> -> memref<128xi32, #tpu.memory_space<hbm>>
      %dma_start3A_495 = arith.constant 0 : i32
      %dma_start3A_496 = tpu.memref_slice %arg10[%run_scoped3A_10, %dma_start3A_495] : memref<2x128xi32, #tpu.memory_space<vmem>> -> memref<1x128xi32, #tpu.memory_space<vmem>>
      %dma_start3A_497 = tpu.memref_squeeze %dma_start3A_496 : memref<1x128xi32, #tpu.memory_space<vmem>> -> memref<128xi32, #tpu.memory_space<vmem>>
      %dma_start3A_498 = tpu.memref_slice %arg2[%add3A_9] : memref<8192xi32, #tpu.memory_space<hbm>> -> memref<128xi32, #tpu.memory_space<hbm>>
      tpu.enqueue_dma source(%dma_start3A_498 : memref<128xi32, #tpu.memory_space<hbm>>) target(%dma_start3A_497 : memref<128xi32, #tpu.memory_space<vmem>>) target_semaphore(%run_scoped3A_490 : memref<!tpu.dma_semaphore, #tpu.memory_space<semaphore_mem>>)
      %dma_wait3A_499 = arith.constant 0 : i32
      %dma_wait3A_500 = tpu.memref_slice %arg10[%run_scoped3A_10, %dma_wait3A_499] : memref<2x128xi32, #tpu.memory_space<vmem>> -> memref<1x128xi32, #tpu.memory_space<vmem>>
      %dma_wait3A_501 = tpu.memref_squeeze %dma_wait3A_500 : memref<1x128xi32, #tpu.memory_space<vmem>> -> memref<128xi32, #tpu.memory_space<vmem>>
      %dma_wait3A_502 = tpu.memref_slice %arg2[%add3A_9] : memref<8192xi32, #tpu.memory_space<hbm>> -> memref<128xi32, #tpu.memory_space<hbm>>
      %dma_wait3A_503 = arith.constant 0 : i32
      %dma_wait3A_504 = tpu.memref_slice %arg10[%run_scoped3A_10, %dma_wait3A_503] : memref<2x128xi32, #tpu.memory_space<vmem>> -> memref<1x128xi32, #tpu.memory_space<vmem>>
      %dma_wait3A_505 = tpu.memref_squeeze %dma_wait3A_504 : memref<1x128xi32, #tpu.memory_space<vmem>> -> memref<128xi32, #tpu.memory_space<vmem>>
      %dma_wait3A_506 = tpu.memref_slice %arg2[%add3A_9] : memref<8192xi32, #tpu.memory_space<hbm>> -> memref<128xi32, #tpu.memory_space<hbm>>
      tpu.wait_dma2 semaphore(%run_scoped3A_490 : memref<!tpu.dma_semaphore, #tpu.memory_space<semaphore_mem>>) src(%dma_wait3A_506 : memref<128xi32, #tpu.memory_space<hbm>>) dst(%dma_wait3A_505 : memref<128xi32, #tpu.memory_space<vmem>>)
      tpu.yield
    }) : () -> ()
    %add3A_11 = arith.constant 128 : i32
    %add3A_12 = arith.addi %mul3A_2, %add3A_11 : i32
    %run_scoped3A_13 = arith.constant 1 : i32
    "tpu.region"() ({
      %run_scoped3A_490 = tpu.sem_alloc : memref<!tpu.dma_semaphore, #tpu.memory_space<semaphore_mem>>
      %dma_start3A_491 = arith.constant 0 : i32
      %dma_start3A_492 = tpu.memref_slice %arg11[%run_scoped3A_13, %dma_start3A_491] : memref<2x128xi32, #tpu.memory_space<vmem>> -> memref<1x128xi32, #tpu.memory_space<vmem>>
      %dma_start3A_493 = tpu.memref_squeeze %dma_start3A_492 : memref<1x128xi32, #tpu.memory_space<vmem>> -> memref<128xi32, #tpu.memory_space<vmem>>
      %dma_start3A_494 = tpu.memref_slice %arg3[%add3A_12] : memref<8192xi32, #tpu.memory_space<hbm>> -> memref<128xi32, #tpu.memory_space<hbm>>
      %dma_start3A_495 = arith.constant 0 : i32
      %dma_start3A_496 = tpu.memref_slice %arg11[%run_scoped3A_13, %dma_start3A_495] : memref<2x128xi32, #tpu.memory_space<vmem>> -> memref<1x128xi32, #tpu.memory_space<vmem>>
      %dma_start3A_497 = tpu.memref_squeeze %dma_start3A_496 : memref<1x128xi32, #tpu.memory_space<vmem>> -> memref<128xi32, #tpu.memory_space<vmem>>
      %dma_start3A_498 = tpu.memref_slice %arg3[%add3A_12] : memref<8192xi32, #tpu.memory_space<hbm>> -> memref<128xi32, #tpu.memory_space<hbm>>
      tpu.enqueue_dma source(%dma_start3A_498 : memref<128xi32, #tpu.memory_space<hbm>>) target(%dma_start3A_497 : memref<128xi32, #tpu.memory_space<vmem>>) target_semaphore(%run_scoped3A_490 : memref<!tpu.dma_semaphore, #tpu.memory_space<semaphore_mem>>)
      %dma_wait3A_499 = arith.constant 0 : i32
      %dma_wait3A_500 = tpu.memref_slice %arg11[%run_scoped3A_13, %dma_wait3A_499] : memref<2x128xi32, #tpu.memory_space<vmem>> -> memref<1x128xi32, #tpu.memory_space<vmem>>
      %dma_wait3A_501 = tpu.memref_squeeze %dma_wait3A_500 : memref<1x128xi32, #tpu.memory_space<vmem>> -> memref<128xi32, #tpu.memory_space<vmem>>
      %dma_wait3A_502 = tpu.memref_slice %arg3[%add3A_12] : memref<8192xi32, #tpu.memory_space<hbm>> -> memref<128xi32, #tpu.memory_space<hbm>>
      %dma_wait3A_503 = arith.constant 0 : i32
      %dma_wait3A_504 = tpu.memref_slice %arg11[%run_scoped3A_13, %dma_wait3A_503] : memref<2x128xi32, #tpu.memory_space<vmem>> -> memref<1x128xi32, #tpu.memory_space<vmem>>
      %dma_wait3A_505 = tpu.memref_squeeze %dma_wait3A_504 : memref<1x128xi32, #tpu.memory_space<vmem>> -> memref<128xi32, #tpu.memory_space<vmem>>
      %dma_wait3A_506 = tpu.memref_slice %arg3[%add3A_12] : memref<8192xi32, #tpu.memory_space<hbm>> -> memref<128xi32, #tpu.memory_space<hbm>>
      tpu.wait_dma2 semaphore(%run_scoped3A_490 : memref<!tpu.dma_semaphore, #tpu.memory_space<semaphore_mem>>) src(%dma_wait3A_506 : memref<128xi32, #tpu.memory_space<hbm>>) dst(%dma_wait3A_505 : memref<128xi32, #tpu.memory_space<vmem>>)
      tpu.yield
    }) : () -> ()
    %get3A = arith.constant 0 : i32
    %get3A_14 = arith.index_cast %get3A : i32 to index
    %get3A_15 = arith.constant 0 : index
    %get3A_16 = tpu.vector_load %arg10[%get3A_14, %get3A_15] {strides = array<i32>} : memref<2x128xi32, #tpu.memory_space<vmem>>, vector<1x16xi32>,
    %get3A_17 = vector.shape_cast %get3A_16 : vector<1x16xi32> to vector<16xi32>
    %mul3A_18 = arith.constant 128 : i32
    %mul3A_19 = vector.broadcast %mul3A_18 : i32 to vector<16xi32>
    %mul3A_20 = arith.muli %get3A_17, %mul3A_19 : vector<16xi32>
    %swap3A = arith.constant 0 : i32
    %swap3A_21 = arith.index_cast %swap3A : i32 to index
    %swap3A_22 = arith.constant 0 : index
    %swap3A_23 = tpu.vector_load %arg12[%swap3A_21, %swap3A_22] {strides = array<i32>} : memref<2x128xi32, #tpu.memory_space<vmem>>, vector<1x16xi32>,
    %swap3A_24 = vector.shape_cast %swap3A_23 : vector<1x16xi32> to vector<16xi32>
    %swap3A_25 = vector.shape_cast %mul3A_20 : vector<16xi32> to vector<1x16xi32>
    tpu.vector_store %arg12[%swap3A_21, %swap3A_22], %swap3A_25 {strides = array<i32>} : memref<2x128xi32, #tpu.memory_space<vmem>>, vector<1x16xi32>,
    %get3A_26 = arith.constant 0 : i32
    %get3A_27 = arith.index_cast %get3A_26 : i32 to index
    %get3A_28 = arith.constant 16 : index
    %get3A_29 = tpu.vector_load %arg10[%get3A_27, %get3A_28] {strides = array<i32>} : memref<2x128xi32, #tpu.memory_space<vmem>>, vector<1x16xi32>,
    %get3A_30 = vector.shape_cast %get3A_29 : vector<1x16xi32> to vector<16xi32>
    %mul3A_31 = arith.constant 128 : i32
    %mul3A_32 = vector.broadcast %mul3A_31 : i32 to vector<16xi32>
    %mul3A_33 = arith.muli %get3A_30, %mul3A_32 : vector<16xi32>
    %swap3A_34 = arith.constant 0 : i32
    %swap3A_35 = arith.index_cast %swap3A_34 : i32 to index
    %swap3A_36 = arith.constant 16 : index
    %swap3A_37 = tpu.vector_load %arg12[%swap3A_35, %swap3A_36] {strides = array<i32>} : memref<2x128xi32, #tpu.memory_space<vmem>>, vector<1x16xi32>,
    %swap3A_38 = vector.shape_cast %swap3A_37 : vector<1x16xi32> to vector<16xi32>
    %swap3A_39 = vector.shape_cast %mul3A_33 : vector<16xi32> to vector<1x16xi32>
    tpu.vector_store %arg12[%swap3A_35, %swap3A_36], %swap3A_39 {strides = array<i32>} : memref<2x128xi32, #tpu.memory_space<vmem>>, vector<1x16xi32>,
    %get3A_40 = arith.constant 0 : i32
    %get3A_41 = arith.index_cast %get3A_40 : i32 to index
    %get3A_42 = arith.constant 32 : index
    %get3A_43 = tpu.vector_load %arg10[%get3A_41, %get3A_42] {strides = array<i32>} : memref<2x128xi32, #tpu.memory_space<vmem>>, vector<1x16xi32>,
    %get3A_44 = vector.shape_cast %get3A_43 : vector<1x16xi32> to vector<16xi32>
    %mul3A_45 = arith.constant 128 : i32
    %mul3A_46 = vector.broadcast %mul3A_45 : i32 to vector<16xi32>
    %mul3A_47 = arith.muli %get3A_44, %mul3A_46 : vector<16xi32>
    %swap3A_48 = arith.constant 0 : i32
    %swap3A_49 = arith.index_cast %swap3A_48 : i32 to index
    %swap3A_50 = arith.constant 32 : index
    %swap3A_51 = tpu.vector_load %arg12[%swap3A_49, %swap3A_50] {strides = array<i32>} : memref<2x128xi32, #tpu.memory_space<vmem>>, vector<1x16xi32>,
    %swap3A_52 = vector.shape_cast %swap3A_51 : vector<1x16xi32> to vector<16xi32>
    %swap3A_53 = vector.shape_cast %mul3A_47 : vector<16xi32> to vector<1x16xi32>
    tpu.vector_store %arg12[%swap3A_49, %swap3A_50], %swap3A_53 {strides = array<i32>} : memref<2x128xi32, #tpu.memory_space<vmem>>, vector<1x16xi32>,
    %get3A_54 = arith.constant 0 : i32
    %get3A_55 = arith.index_cast %get3A_54 : i32 to index
    %get3A_56 = arith.constant 48 : index
    %get3A_57 = tpu.vector_load %arg10[%get3A_55, %get3A_56] {strides = array<i32>} : memref<2x128xi32, #tpu.memory_space<vmem>>, vector<1x16xi32>,
    %get3A_58 = vector.shape_cast %get3A_57 : vector<1x16xi32> to vector<16xi32>
    %mul3A_59 = arith.constant 128 : i32
    %mul3A_60 = vector.broadcast %mul3A_59 : i32 to vector<16xi32>
    %mul3A_61 = arith.muli %get3A_58, %mul3A_60 : vector<16xi32>
    %swap3A_62 = arith.constant 0 : i32
    %swap3A_63 = arith.index_cast %swap3A_62 : i32 to index
    %swap3A_64 = arith.constant 48 : index
    %swap3A_65 = tpu.vector_load %arg12[%swap3A_63, %swap3A_64] {strides = array<i32>} : memref<2x128xi32, #tpu.memory_space<vmem>>, vector<1x16xi32>,
    %swap3A_66 = vector.shape_cast %swap3A_65 : vector<1x16xi32> to vector<16xi32>
    %swap3A_67 = vector.shape_cast %mul3A_61 : vector<16xi32> to vector<1x16xi32>
    tpu.vector_store %arg12[%swap3A_63, %swap3A_64], %swap3A_67 {strides = array<i32>} : memref<2x128xi32, #tpu.memory_space<vmem>>, vector<1x16xi32>,
    %get3A_68 = arith.constant 0 : i32
    %get3A_69 = arith.index_cast %get3A_68 : i32 to index
    %get3A_70 = arith.constant 64 : index
    %get3A_71 = tpu.vector_load %arg10[%get3A_69, %get3A_70] {strides = array<i32>} : memref<2x128xi32, #tpu.memory_space<vmem>>, vector<1x16xi32>,
    %get3A_72 = vector.shape_cast %get3A_71 : vector<1x16xi32> to vector<16xi32>
    %mul3A_73 = arith.constant 128 : i32
    %mul3A_74 = vector.broadcast %mul3A_73 : i32 to vector<16xi32>
    %mul3A_75 = arith.muli %get3A_72, %mul3A_74 : vector<16xi32>
    %swap3A_76 = arith.constant 0 : i32
    %swap3A_77 = arith.index_cast %swap3A_76 : i32 to index
    %swap3A_78 = arith.constant 64 : index
    %swap3A_79 = tpu.vector_load %arg12[%swap3A_77, %swap3A_78] {strides = array<i32>} : memref<2x128xi32, #tpu.memory_space<vmem>>, vector<1x16xi32>,
    %swap3A_80 = vector.shape_cast %swap3A_79 : vector<1x16xi32> to vector<16xi32>
    %swap3A_81 = vector.shape_cast %mul3A_75 : vector<16xi32> to vector<1x16xi32>
    tpu.vector_store %arg12[%swap3A_77, %swap3A_78], %swap3A_81 {strides = array<i32>} : memref<2x128xi32, #tpu.memory_space<vmem>>, vector<1x16xi32>,
    %get3A_82 = arith.constant 0 : i32
    %get3A_83 = arith.index_cast %get3A_82 : i32 to index
    %get3A_84 = arith.constant 80 : index
    %get3A_85 = tpu.vector_load %arg10[%get3A_83, %get3A_84] {strides = array<i32>} : memref<2x128xi32, #tpu.memory_space<vmem>>, vector<1x16xi32>,
    %get3A_86 = vector.shape_cast %get3A_85 : vector<1x16xi32> to vector<16xi32>
    %mul3A_87 = arith.constant 128 : i32
    %mul3A_88 = vector.broadcast %mul3A_87 : i32 to vector<16xi32>
    %mul3A_89 = arith.muli %get3A_86, %mul3A_88 : vector<16xi32>
    %swap3A_90 = arith.constant 0 : i32
    %swap3A_91 = arith.index_cast %swap3A_90 : i32 to index
    %swap3A_92 = arith.constant 80 : index
    %swap3A_93 = tpu.vector_load %arg12[%swap3A_91, %swap3A_92] {strides = array<i32>} : memref<2x128xi32, #tpu.memory_space<vmem>>, vector<1x16xi32>,
    %swap3A_94 = vector.shape_cast %swap3A_93 : vector<1x16xi32> to vector<16xi32>
    %swap3A_95 = vector.shape_cast %mul3A_89 : vector<16xi32> to vector<1x16xi32>
    tpu.vector_store %arg12[%swap3A_91, %swap3A_92], %swap3A_95 {strides = array<i32>} : memref<2x128xi32, #tpu.memory_space<vmem>>, vector<1x16xi32>,
    %get3A_96 = arith.constant 0 : i32
    %get3A_97 = arith.index_cast %get3A_96 : i32 to index
    %get3A_98 = arith.constant 96 : index
    %get3A_99 = tpu.vector_load %arg10[%get3A_97, %get3A_98] {strides = array<i32>} : memref<2x128xi32, #tpu.memory_space<vmem>>, vector<1x16xi32>,
    %get3A_100 = vector.shape_cast %get3A_99 : vector<1x16xi32> to vector<16xi32>
    %mul3A_101 = arith.constant 128 : i32
    %mul3A_102 = vector.broadcast %mul3A_101 : i32 to vector<16xi32>
    %mul3A_103 = arith.muli %get3A_100, %mul3A_102 : vector<16xi32>
    %swap3A_104 = arith.constant 0 : i32
    %swap3A_105 = arith.index_cast %swap3A_104 : i32 to index
    %swap3A_106 = arith.constant 96 : index
    %swap3A_107 = tpu.vector_load %arg12[%swap3A_105, %swap3A_106] {strides = array<i32>} : memref<2x128xi32, #tpu.memory_space<vmem>>, vector<1x16xi32>,
    %swap3A_108 = vector.shape_cast %swap3A_107 : vector<1x16xi32> to vector<16xi32>
    %swap3A_109 = vector.shape_cast %mul3A_103 : vector<16xi32> to vector<1x16xi32>
    tpu.vector_store %arg12[%swap3A_105, %swap3A_106], %swap3A_109 {strides = array<i32>} : memref<2x128xi32, #tpu.memory_space<vmem>>, vector<1x16xi32>,
    %get3A_110 = arith.constant 0 : i32
    %get3A_111 = arith.index_cast %get3A_110 : i32 to index
    %get3A_112 = arith.constant 112 : index
    %get3A_113 = tpu.vector_load %arg10[%get3A_111, %get3A_112] {strides = array<i32>} : memref<2x128xi32, #tpu.memory_space<vmem>>, vector<1x16xi32>,
    %get3A_114 = vector.shape_cast %get3A_113 : vector<1x16xi32> to vector<16xi32>
    %mul3A_115 = arith.constant 128 : i32
    %mul3A_116 = vector.broadcast %mul3A_115 : i32 to vector<16xi32>
    %mul3A_117 = arith.muli %get3A_114, %mul3A_116 : vector<16xi32>
    %swap3A_118 = arith.constant 0 : i32
    %swap3A_119 = arith.index_cast %swap3A_118 : i32 to index
    %swap3A_120 = arith.constant 112 : index
    %swap3A_121 = tpu.vector_load %arg12[%swap3A_119, %swap3A_120] {strides = array<i32>} : memref<2x128xi32, #tpu.memory_space<vmem>>, vector<1x16xi32>,
    %swap3A_122 = vector.shape_cast %swap3A_121 : vector<1x16xi32> to vector<16xi32>
    %swap3A_123 = vector.shape_cast %mul3A_117 : vector<16xi32> to vector<1x16xi32>
    tpu.vector_store %arg12[%swap3A_119, %swap3A_120], %swap3A_123 {strides = array<i32>} : memref<2x128xi32, #tpu.memory_space<vmem>>, vector<1x16xi32>,
    %get3A_124 = arith.constant 1 : i32
    %get3A_125 = arith.index_cast %get3A_124 : i32 to index
    %get3A_126 = arith.constant 0 : index
    %get3A_127 = tpu.vector_load %arg10[%get3A_125, %get3A_126] {strides = array<i32>} : memref<2x128xi32, #tpu.memory_space<vmem>>, vector<1x16xi32>,
    %get3A_128 = vector.shape_cast %get3A_127 : vector<1x16xi32> to vector<16xi32>
    %mul3A_129 = arith.constant 128 : i32
    %mul3A_130 = vector.broadcast %mul3A_129 : i32 to vector<16xi32>
    %mul3A_131 = arith.muli %get3A_128, %mul3A_130 : vector<16xi32>
    %swap3A_132 = arith.constant 1 : i32
    %swap3A_133 = arith.index_cast %swap3A_132 : i32 to index
    %swap3A_134 = arith.constant 0 : index
    %swap3A_135 = tpu.vector_load %arg12[%swap3A_133, %swap3A_134] {strides = array<i32>} : memref<2x128xi32, #tpu.memory_space<vmem>>, vector<1x16xi32>,
    %swap3A_136 = vector.shape_cast %swap3A_135 : vector<1x16xi32> to vector<16xi32>
    %swap3A_137 = vector.shape_cast %mul3A_131 : vector<16xi32> to vector<1x16xi32>
    tpu.vector_store %arg12[%swap3A_133, %swap3A_134], %swap3A_137 {strides = array<i32>} : memref<2x128xi32, #tpu.memory_space<vmem>>, vector<1x16xi32>,
    %get3A_138 = arith.constant 1 : i32
    %get3A_139 = arith.index_cast %get3A_138 : i32 to index
    %get3A_140 = arith.constant 16 : index
    %get3A_141 = tpu.vector_load %arg10[%get3A_139, %get3A_140] {strides = array<i32>} : memref<2x128xi32, #tpu.memory_space<vmem>>, vector<1x16xi32>,
    %get3A_142 = vector.shape_cast %get3A_141 : vector<1x16xi32> to vector<16xi32>
    %mul3A_143 = arith.constant 128 : i32
    %mul3A_144 = vector.broadcast %mul3A_143 : i32 to vector<16xi32>
    %mul3A_145 = arith.muli %get3A_142, %mul3A_144 : vector<16xi32>
    %swap3A_146 = arith.constant 1 : i32
    %swap3A_147 = arith.index_cast %swap3A_146 : i32 to index
    %swap3A_148 = arith.constant 16 : index
    %swap3A_149 = tpu.vector_load %arg12[%swap3A_147, %swap3A_148] {strides = array<i32>} : memref<2x128xi32, #tpu.memory_space<vmem>>, vector<1x16xi32>,
    %swap3A_150 = vector.shape_cast %swap3A_149 : vector<1x16xi32> to vector<16xi32>
    %swap3A_151 = vector.shape_cast %mul3A_145 : vector<16xi32> to vector<1x16xi32>
    tpu.vector_store %arg12[%swap3A_147, %swap3A_148], %swap3A_151 {strides = array<i32>} : memref<2x128xi32, #tpu.memory_space<vmem>>, vector<1x16xi32>,
    %get3A_152 = arith.constant 1 : i32
    %get3A_153 = arith.index_cast %get3A_152 : i32 to index
    %get3A_154 = arith.constant 32 : index
    %get3A_155 = tpu.vector_load %arg10[%get3A_153, %get3A_154] {strides = array<i32>} : memref<2x128xi32, #tpu.memory_space<vmem>>, vector<1x16xi32>,
    %get3A_156 = vector.shape_cast %get3A_155 : vector<1x16xi32> to vector<16xi32>
    %mul3A_157 = arith.constant 128 : i32
    %mul3A_158 = vector.broadcast %mul3A_157 : i32 to vector<16xi32>
    %mul3A_159 = arith.muli %get3A_156, %mul3A_158 : vector<16xi32>
    %swap3A_160 = arith.constant 1 : i32
    %swap3A_161 = arith.index_cast %swap3A_160 : i32 to index
    %swap3A_162 = arith.constant 32 : index
    %swap3A_163 = tpu.vector_load %arg12[%swap3A_161, %swap3A_162] {strides = array<i32>} : memref<2x128xi32, #tpu.memory_space<vmem>>, vector<1x16xi32>,
    %swap3A_164 = vector.shape_cast %swap3A_163 : vector<1x16xi32> to vector<16xi32>
    %swap3A_165 = vector.shape_cast %mul3A_159 : vector<16xi32> to vector<1x16xi32>
    tpu.vector_store %arg12[%swap3A_161, %swap3A_162], %swap3A_165 {strides = array<i32>} : memref<2x128xi32, #tpu.memory_space<vmem>>, vector<1x16xi32>,
    %get3A_166 = arith.constant 1 : i32
    %get3A_167 = arith.index_cast %get3A_166 : i32 to index
    %get3A_168 = arith.constant 48 : index
    %get3A_169 = tpu.vector_load %arg10[%get3A_167, %get3A_168] {strides = array<i32>} : memref<2x128xi32, #tpu.memory_space<vmem>>, vector<1x16xi32>,
    %get3A_170 = vector.shape_cast %get3A_169 : vector<1x16xi32> to vector<16xi32>
    %mul3A_171 = arith.constant 128 : i32
    %mul3A_172 = vector.broadcast %mul3A_171 : i32 to vector<16xi32>
    %mul3A_173 = arith.muli %get3A_170, %mul3A_172 : vector<16xi32>
    %swap3A_174 = arith.constant 1 : i32
    %swap3A_175 = arith.index_cast %swap3A_174 : i32 to index
    %swap3A_176 = arith.constant 48 : index
    %swap3A_177 = tpu.vector_load %arg12[%swap3A_175, %swap3A_176] {strides = array<i32>} : memref<2x128xi32, #tpu.memory_space<vmem>>, vector<1x16xi32>,
    %swap3A_178 = vector.shape_cast %swap3A_177 : vector<1x16xi32> to vector<16xi32>
    %swap3A_179 = vector.shape_cast %mul3A_173 : vector<16xi32> to vector<1x16xi32>
    tpu.vector_store %arg12[%swap3A_175, %swap3A_176], %swap3A_179 {strides = array<i32>} : memref<2x128xi32, #tpu.memory_space<vmem>>, vector<1x16xi32>,
    %get3A_180 = arith.constant 1 : i32
    %get3A_181 = arith.index_cast %get3A_180 : i32 to index
    %get3A_182 = arith.constant 64 : index
    %get3A_183 = tpu.vector_load %arg10[%get3A_181, %get3A_182] {strides = array<i32>} : memref<2x128xi32, #tpu.memory_space<vmem>>, vector<1x16xi32>,
    %get3A_184 = vector.shape_cast %get3A_183 : vector<1x16xi32> to vector<16xi32>
    %mul3A_185 = arith.constant 128 : i32
    %mul3A_186 = vector.broadcast %mul3A_185 : i32 to vector<16xi32>
    %mul3A_187 = arith.muli %get3A_184, %mul3A_186 : vector<16xi32>
    %swap3A_188 = arith.constant 1 : i32
    %swap3A_189 = arith.index_cast %swap3A_188 : i32 to index
    %swap3A_190 = arith.constant 64 : index
    %swap3A_191 = tpu.vector_load %arg12[%swap3A_189, %swap3A_190] {strides = array<i32>} : memref<2x128xi32, #tpu.memory_space<vmem>>, vector<1x16xi32>,
    %swap3A_192 = vector.shape_cast %swap3A_191 : vector<1x16xi32> to vector<16xi32>
    %swap3A_193 = vector.shape_cast %mul3A_187 : vector<16xi32> to vector<1x16xi32>
    tpu.vector_store %arg12[%swap3A_189, %swap3A_190], %swap3A_193 {strides = array<i32>} : memref<2x128xi32, #tpu.memory_space<vmem>>, vector<1x16xi32>,
    %get3A_194 = arith.constant 1 : i32
    %get3A_195 = arith.index_cast %get3A_194 : i32 to index
    %get3A_196 = arith.constant 80 : index
    %get3A_197 = tpu.vector_load %arg10[%get3A_195, %get3A_196] {strides = array<i32>} : memref<2x128xi32, #tpu.memory_space<vmem>>, vector<1x16xi32>,
    %get3A_198 = vector.shape_cast %get3A_197 : vector<1x16xi32> to vector<16xi32>
    %mul3A_199 = arith.constant 128 : i32
    %mul3A_200 = vector.broadcast %mul3A_199 : i32 to vector<16xi32>
    %mul3A_201 = arith.muli %get3A_198, %mul3A_200 : vector<16xi32>
    %swap3A_202 = arith.constant 1 : i32
    %swap3A_203 = arith.index_cast %swap3A_202 : i32 to index
    %swap3A_204 = arith.constant 80 : index
    %swap3A_205 = tpu.vector_load %arg12[%swap3A_203, %swap3A_204] {strides = array<i32>} : memref<2x128xi32, #tpu.memory_space<vmem>>, vector<1x16xi32>,
    %swap3A_206 = vector.shape_cast %swap3A_205 : vector<1x16xi32> to vector<16xi32>
    %swap3A_207 = vector.shape_cast %mul3A_201 : vector<16xi32> to vector<1x16xi32>
    tpu.vector_store %arg12[%swap3A_203, %swap3A_204], %swap3A_207 {strides = array<i32>} : memref<2x128xi32, #tpu.memory_space<vmem>>, vector<1x16xi32>,
    %get3A_208 = arith.constant 1 : i32
    %get3A_209 = arith.index_cast %get3A_208 : i32 to index
    %get3A_210 = arith.constant 96 : index
    %get3A_211 = tpu.vector_load %arg10[%get3A_209, %get3A_210] {strides = array<i32>} : memref<2x128xi32, #tpu.memory_space<vmem>>, vector<1x16xi32>,
    %get3A_212 = vector.shape_cast %get3A_211 : vector<1x16xi32> to vector<16xi32>
    %mul3A_213 = arith.constant 128 : i32
    %mul3A_214 = vector.broadcast %mul3A_213 : i32 to vector<16xi32>
    %mul3A_215 = arith.muli %get3A_212, %mul3A_214 : vector<16xi32>
    %swap3A_216 = arith.constant 1 : i32
    %swap3A_217 = arith.index_cast %swap3A_216 : i32 to index
    %swap3A_218 = arith.constant 96 : index
    %swap3A_219 = tpu.vector_load %arg12[%swap3A_217, %swap3A_218] {strides = array<i32>} : memref<2x128xi32, #tpu.memory_space<vmem>>, vector<1x16xi32>,
    %swap3A_220 = vector.shape_cast %swap3A_219 : vector<1x16xi32> to vector<16xi32>
    %swap3A_221 = vector.shape_cast %mul3A_215 : vector<16xi32> to vector<1x16xi32>
    tpu.vector_store %arg12[%swap3A_217, %swap3A_218], %swap3A_221 {strides = array<i32>} : memref<2x128xi32, #tpu.memory_space<vmem>>, vector<1x16xi32>,
    %get3A_222 = arith.constant 1 : i32
    %get3A_223 = arith.index_cast %get3A_222 : i32 to index
    %get3A_224 = arith.constant 112 : index
    %get3A_225 = tpu.vector_load %arg10[%get3A_223, %get3A_224] {strides = array<i32>} : memref<2x128xi32, #tpu.memory_space<vmem>>, vector<1x16xi32>,
    %get3A_226 = vector.shape_cast %get3A_225 : vector<1x16xi32> to vector<16xi32>
    %mul3A_227 = arith.constant 128 : i32
    %mul3A_228 = vector.broadcast %mul3A_227 : i32 to vector<16xi32>
    %mul3A_229 = arith.muli %get3A_226, %mul3A_228 : vector<16xi32>
    %swap3A_230 = arith.constant 1 : i32
    %swap3A_231 = arith.index_cast %swap3A_230 : i32 to index
    %swap3A_232 = arith.constant 112 : index
    %swap3A_233 = tpu.vector_load %arg12[%swap3A_231, %swap3A_232] {strides = array<i32>} : memref<2x128xi32, #tpu.memory_space<vmem>>, vector<1x16xi32>,
    %swap3A_234 = vector.shape_cast %swap3A_233 : vector<1x16xi32> to vector<16xi32>
    %swap3A_235 = vector.shape_cast %mul3A_229 : vector<16xi32> to vector<1x16xi32>
    tpu.vector_store %arg12[%swap3A_231, %swap3A_232], %swap3A_235 {strides = array<i32>} : memref<2x128xi32, #tpu.memory_space<vmem>>, vector<1x16xi32>,
    %dma_start3A = arith.constant 0 : i32
    %dma_start3A_236 = arith.constant 0 : i32
    %dma_start3A_237 = arith.constant 0 : i32
    %dma_start3A_238 = arith.constant 0 : i32
    %dma_start3A_239 = tpu.memref_slice %arg13[%dma_start3A_236, %dma_start3A_237, %dma_start3A_238] : memref<2x128x128xf32, #tpu.memory_space<vmem>> -> memref<1x128x128xf32, #tpu.memory_space<vmem>>
    %dma_start3A_240 = tpu.memref_squeeze %dma_start3A_239 : memref<1x128x128xf32, #tpu.memory_space<vmem>> -> memref<128x128xf32, #tpu.memory_space<vmem>>
    %dma_start3A_241 = arith.constant 0 : i32
    %dma_start3A_242 = tpu.memref_slice %arg11[%dma_start3A, %dma_start3A_241] : memref<2x128xi32, #tpu.memory_space<vmem>> -> memref<1x128xi32, #tpu.memory_space<vmem>>
    %dma_start3A_243 = tpu.memref_squeeze %dma_start3A_242 : memref<1x128xi32, #tpu.memory_space<vmem>> -> memref<128xi32, #tpu.memory_space<vmem>>
    %dma_start3A_244 = arith.constant 0 : i32
    %dma_start3A_245 = arith.constant 0 : i32
    %dma_start3A_246 = tpu.memref_slice %arg4[%dma_start3A_244, %dma_start3A_245] : memref<20000x128xf32, #tpu.memory_space<hbm>> -> memref<20000x128xf32, #tpu.memory_space<hbm>>
    tpu.enqueue_indirect_dma source(%dma_start3A_246 : memref<20000x128xf32, #tpu.memory_space<hbm>>) target(%dma_start3A_240 : memref<128x128xf32, #tpu.memory_space<vmem>>) offsets(%dma_start3A_243 : memref<128xi32, #tpu.memory_space<vmem>>) semaphore(%arg16 : memref<!tpu.dma_semaphore, #tpu.memory_space<semaphore_mem>>)
    %dma_start3A_247 = arith.constant 0 : i32
    %dma_start3A_248 = arith.constant 0 : i32
    %dma_start3A_249 = arith.constant 0 : i32
    %dma_start3A_250 = tpu.memref_slice %arg14[%dma_start3A_248, %dma_start3A_249] : memref<2x128xf32, #tpu.memory_space<vmem>> -> memref<1x128xf32, #tpu.memory_space<vmem>>
    %dma_start3A_251 = tpu.memref_squeeze %dma_start3A_250 : memref<1x128xf32, #tpu.memory_space<vmem>> -> memref<128xf32, #tpu.memory_space<vmem>>
    %dma_start3A_252 = arith.constant 0 : i32
    %dma_start3A_253 = tpu.memref_slice %arg12[%dma_start3A_247, %dma_start3A_252] : memref<2x128xi32, #tpu.memory_space<vmem>> -> memref<1x128xi32, #tpu.memory_space<vmem>>
    %dma_start3A_254 = tpu.memref_squeeze %dma_start3A_253 : memref<1x128xi32, #tpu.memory_space<vmem>> -> memref<128xi32, #tpu.memory_space<vmem>>
    %dma_start3A_255 = arith.constant 0 : i32
    %dma_start3A_256 = tpu.memref_slice %arg5[%dma_start3A_255] : memref<12800000xf32, #tpu.memory_space<hbm>> -> memref<12800000xf32, #tpu.memory_space<hbm>>
    tpu.enqueue_indirect_dma source(%dma_start3A_256 : memref<12800000xf32, #tpu.memory_space<hbm>>) target(%dma_start3A_251 : memref<128xf32, #tpu.memory_space<vmem>>) offsets(%dma_start3A_254 : memref<128xi32, #tpu.memory_space<vmem>>) semaphore(%arg16 : memref<!tpu.dma_semaphore, #tpu.memory_space<semaphore_mem>>)
    %dma_start3A_257 = arith.constant 0 : i32
    %dma_start3A_258 = arith.constant 0 : i32
    %dma_start3A_259 = arith.constant 0 : i32
    %dma_start3A_260 = tpu.memref_slice %arg15[%dma_start3A_258, %dma_start3A_259] : memref<2x128xf32, #tpu.memory_space<vmem>> -> memref<1x128xf32, #tpu.memory_space<vmem>>
    %dma_start3A_261 = tpu.memref_squeeze %dma_start3A_260 : memref<1x128xf32, #tpu.memory_space<vmem>> -> memref<128xf32, #tpu.memory_space<vmem>>
    %dma_start3A_262 = arith.constant 0 : i32
    %dma_start3A_263 = tpu.memref_slice %arg11[%dma_start3A_257, %dma_start3A_262] : memref<2x128xi32, #tpu.memory_space<vmem>> -> memref<1x128xi32, #tpu.memory_space<vmem>>
    %dma_start3A_264 = tpu.memref_squeeze %dma_start3A_263 : memref<1x128xi32, #tpu.memory_space<vmem>> -> memref<128xi32, #tpu.memory_space<vmem>>
    %dma_start3A_265 = arith.constant 0 : i32
    %dma_start3A_266 = tpu.memref_slice %arg6[%dma_start3A_265] : memref<20000xf32, #tpu.memory_space<hbm>> -> memref<20000xf32, #tpu.memory_space<hbm>>
    tpu.enqueue_indirect_dma source(%dma_start3A_266 : memref<20000xf32, #tpu.memory_space<hbm>>) target(%dma_start3A_261 : memref<128xf32, #tpu.memory_space<vmem>>) offsets(%dma_start3A_264 : memref<128xi32, #tpu.memory_space<vmem>>) semaphore(%arg16 : memref<!tpu.dma_semaphore, #tpu.memory_space<semaphore_mem>>)
    %dma_start3A_267 = arith.constant 1 : i32
    %dma_start3A_268 = arith.constant 1 : i32
    %dma_start3A_269 = arith.constant 0 : i32
    %dma_start3A_270 = arith.constant 0 : i32
    %dma_start3A_271 = tpu.memref_slice %arg13[%dma_start3A_268, %dma_start3A_269, %dma_start3A_270] : memref<2x128x128xf32, #tpu.memory_space<vmem>> -> memref<1x128x128xf32, #tpu.memory_space<vmem>>
    %dma_start3A_272 = tpu.memref_squeeze %dma_start3A_271 : memref<1x128x128xf32, #tpu.memory_space<vmem>> -> memref<128x128xf32, #tpu.memory_space<vmem>>
    %dma_start3A_273 = arith.constant 0 : i32
    %dma_start3A_274 = tpu.memref_slice %arg11[%dma_start3A_267, %dma_start3A_273] : memref<2x128xi32, #tpu.memory_space<vmem>> -> memref<1x128xi32, #tpu.memory_space<vmem>>
    %dma_start3A_275 = tpu.memref_squeeze %dma_start3A_274 : memref<1x128xi32, #tpu.memory_space<vmem>> -> memref<128xi32, #tpu.memory_space<vmem>>
    %dma_start3A_276 = arith.constant 0 : i32
    %dma_start3A_277 = arith.constant 0 : i32
    %dma_start3A_278 = tpu.memref_slice %arg4[%dma_start3A_276, %dma_start3A_277] : memref<20000x128xf32, #tpu.memory_space<hbm>> -> memref<20000x128xf32, #tpu.memory_space<hbm>>
    tpu.enqueue_indirect_dma source(%dma_start3A_278 : memref<20000x128xf32, #tpu.memory_space<hbm>>) target(%dma_start3A_272 : memref<128x128xf32, #tpu.memory_space<vmem>>) offsets(%dma_start3A_275 : memref<128xi32, #tpu.memory_space<vmem>>) semaphore(%arg17 : memref<!tpu.dma_semaphore, #tpu.memory_space<semaphore_mem>>)
    %dma_start3A_279 = arith.constant 1 : i32
    %dma_start3A_280 = arith.constant 1 : i32
    %dma_start3A_281 = arith.constant 0 : i32
    %dma_start3A_282 = tpu.memref_slice %arg14[%dma_start3A_280, %dma_start3A_281] : memref<2x128xf32, #tpu.memory_space<vmem>> -> memref<1x128xf32, #tpu.memory_space<vmem>>
    %dma_start3A_283 = tpu.memref_squeeze %dma_start3A_282 : memref<1x128xf32, #tpu.memory_space<vmem>> -> memref<128xf32, #tpu.memory_space<vmem>>
    %dma_start3A_284 = arith.constant 0 : i32
    %dma_start3A_285 = tpu.memref_slice %arg12[%dma_start3A_279, %dma_start3A_284] : memref<2x128xi32, #tpu.memory_space<vmem>> -> memref<1x128xi32, #tpu.memory_space<vmem>>
    %dma_start3A_286 = tpu.memref_squeeze %dma_start3A_285 : memref<1x128xi32, #tpu.memory_space<vmem>> -> memref<128xi32, #tpu.memory_space<vmem>>
    %dma_start3A_287 = arith.constant 0 : i32
    %dma_start3A_288 = tpu.memref_slice %arg5[%dma_start3A_287] : memref<12800000xf32, #tpu.memory_space<hbm>> -> memref<12800000xf32, #tpu.memory_space<hbm>>
    tpu.enqueue_indirect_dma source(%dma_start3A_288 : memref<12800000xf32, #tpu.memory_space<hbm>>) target(%dma_start3A_283 : memref<128xf32, #tpu.memory_space<vmem>>) offsets(%dma_start3A_286 : memref<128xi32, #tpu.memory_space<vmem>>) semaphore(%arg17 : memref<!tpu.dma_semaphore, #tpu.memory_space<semaphore_mem>>)
    %dma_start3A_289 = arith.constant 1 : i32
    %dma_start3A_290 = arith.constant 1 : i32
    %dma_start3A_291 = arith.constant 0 : i32
    %dma_start3A_292 = tpu.memref_slice %arg15[%dma_start3A_290, %dma_start3A_291] : memref<2x128xf32, #tpu.memory_space<vmem>> -> memref<1x128xf32, #tpu.memory_space<vmem>>
    %dma_start3A_293 = tpu.memref_squeeze %dma_start3A_292 : memref<1x128xf32, #tpu.memory_space<vmem>> -> memref<128xf32, #tpu.memory_space<vmem>>
    %dma_start3A_294 = arith.constant 0 : i32
    %dma_start3A_295 = tpu.memref_slice %arg11[%dma_start3A_289, %dma_start3A_294] : memref<2x128xi32, #tpu.memory_space<vmem>> -> memref<1x128xi32, #tpu.memory_space<vmem>>
    %dma_start3A_296 = tpu.memref_squeeze %dma_start3A_295 : memref<1x128xi32, #tpu.memory_space<vmem>> -> memref<128xi32, #tpu.memory_space<vmem>>
    %dma_start3A_297 = arith.constant 0 : i32
    %dma_start3A_298 = tpu.memref_slice %arg6[%dma_start3A_297] : memref<20000xf32, #tpu.memory_space<hbm>> -> memref<20000xf32, #tpu.memory_space<hbm>>
    tpu.enqueue_indirect_dma source(%dma_start3A_298 : memref<20000xf32, #tpu.memory_space<hbm>>) target(%dma_start3A_293 : memref<128xf32, #tpu.memory_space<vmem>>) offsets(%dma_start3A_296 : memref<128xi32, #tpu.memory_space<vmem>>) semaphore(%arg17 : memref<!tpu.dma_semaphore, #tpu.memory_space<semaphore_mem>>)
    %dma_wait3A = arith.constant 0 : i32
    %dma_wait3A_299 = arith.constant 0 : i32
    %dma_wait3A_300 = arith.constant 0 : i32
    %dma_wait3A_301 = arith.constant 0 : i32
    %dma_wait3A_302 = tpu.memref_slice %arg13[%dma_wait3A_299, %dma_wait3A_300, %dma_wait3A_301] : memref<2x128x128xf32, #tpu.memory_space<vmem>> -> memref<1x128x128xf32, #tpu.memory_space<vmem>>
    %dma_wait3A_303 = tpu.memref_squeeze %dma_wait3A_302 : memref<1x128x128xf32, #tpu.memory_space<vmem>> -> memref<128x128xf32, #tpu.memory_space<vmem>>
    %dma_wait3A_304 = arith.constant 0 : i32
    %dma_wait3A_305 = tpu.memref_slice %arg11[%dma_wait3A, %dma_wait3A_304] : memref<2x128xi32, #tpu.memory_space<vmem>> -> memref<1x128xi32, #tpu.memory_space<vmem>>
    %dma_wait3A_306 = tpu.memref_squeeze %dma_wait3A_305 : memref<1x128xi32, #tpu.memory_space<vmem>> -> memref<128xi32, #tpu.memory_space<vmem>>
    %dma_wait3A_307 = arith.constant 0 : i32
    %dma_wait3A_308 = arith.constant 0 : i32
    %dma_wait3A_309 = tpu.memref_slice %arg4[%dma_wait3A_307, %dma_wait3A_308] : memref<20000x128xf32, #tpu.memory_space<hbm>> -> memref<20000x128xf32, #tpu.memory_space<hbm>>
    tpu.wait_indirect_dma semaphore(%arg16 : memref<!tpu.dma_semaphore, #tpu.memory_space<semaphore_mem>>) src(%dma_wait3A_309 : memref<20000x128xf32, #tpu.memory_space<hbm>>) dst(%dma_wait3A_303 : memref<128x128xf32, #tpu.memory_space<vmem>>)
    %dma_wait3A_310 = arith.constant 0 : i32
    %dma_wait3A_311 = arith.constant 0 : i32
    %dma_wait3A_312 = arith.constant 0 : i32
    %dma_wait3A_313 = tpu.memref_slice %arg14[%dma_wait3A_311, %dma_wait3A_312] : memref<2x128xf32, #tpu.memory_space<vmem>> -> memref<1x128xf32, #tpu.memory_space<vmem>>
    %dma_wait3A_314 = tpu.memref_squeeze %dma_wait3A_313 : memref<1x128xf32, #tpu.memory_space<vmem>> -> memref<128xf32, #tpu.memory_space<vmem>>
    %dma_wait3A_315 = arith.constant 0 : i32
    %dma_wait3A_316 = tpu.memref_slice %arg12[%dma_wait3A_310, %dma_wait3A_315] : memref<2x128xi32, #tpu.memory_space<vmem>> -> memref<1x128xi32, #tpu.memory_space<vmem>>
    %dma_wait3A_317 = tpu.memref_squeeze %dma_wait3A_316 : memref<1x128xi32, #tpu.memory_space<vmem>> -> memref<128xi32, #tpu.memory_space<vmem>>
    %dma_wait3A_318 = arith.constant 0 : i32
    %dma_wait3A_319 = tpu.memref_slice %arg5[%dma_wait3A_318] : memref<12800000xf32, #tpu.memory_space<hbm>> -> memref<12800000xf32, #tpu.memory_space<hbm>>
    tpu.wait_indirect_dma semaphore(%arg16 : memref<!tpu.dma_semaphore, #tpu.memory_space<semaphore_mem>>) src(%dma_wait3A_319 : memref<12800000xf32, #tpu.memory_space<hbm>>) dst(%dma_wait3A_314 : memref<128xf32, #tpu.memory_space<vmem>>)
    %dma_wait3A_320 = arith.constant 0 : i32
    %dma_wait3A_321 = arith.constant 0 : i32
    %dma_wait3A_322 = arith.constant 0 : i32
    %dma_wait3A_323 = tpu.memref_slice %arg15[%dma_wait3A_321, %dma_wait3A_322] : memref<2x128xf32, #tpu.memory_space<vmem>> -> memref<1x128xf32, #tpu.memory_space<vmem>>
    %dma_wait3A_324 = tpu.memref_squeeze %dma_wait3A_323 : memref<1x128xf32, #tpu.memory_space<vmem>> -> memref<128xf32, #tpu.memory_space<vmem>>
    %dma_wait3A_325 = arith.constant 0 : i32
    %dma_wait3A_326 = tpu.memref_slice %arg11[%dma_wait3A_320, %dma_wait3A_325] : memref<2x128xi32, #tpu.memory_space<vmem>> -> memref<1x128xi32, #tpu.memory_space<vmem>>
    %dma_wait3A_327 = tpu.memref_squeeze %dma_wait3A_326 : memref<1x128xi32, #tpu.memory_space<vmem>> -> memref<128xi32, #tpu.memory_space<vmem>>
    %dma_wait3A_328 = arith.constant 0 : i32
    %dma_wait3A_329 = tpu.memref_slice %arg6[%dma_wait3A_328] : memref<20000xf32, #tpu.memory_space<hbm>> -> memref<20000xf32, #tpu.memory_space<hbm>>
    tpu.wait_indirect_dma semaphore(%arg16 : memref<!tpu.dma_semaphore, #tpu.memory_space<semaphore_mem>>) src(%dma_wait3A_329 : memref<20000xf32, #tpu.memory_space<hbm>>) dst(%dma_wait3A_324 : memref<128xf32, #tpu.memory_space<vmem>>)
    %add3A_330 = arith.constant 0 : i32
    %add3A_331 = arith.addi %mul3A_2, %add3A_330 : i32
    %dma_start3A_332 = arith.constant 0 : i32
    %dma_start3A_333 = arith.constant 0 : i32
    %dma_start3A_334 = arith.constant 0 : i32
    %dma_start3A_335 = tpu.memref_slice %arg13[%dma_start3A_332, %dma_start3A_333, %dma_start3A_334] : memref<2x128x128xf32, #tpu.memory_space<vmem>> -> memref<1x128x128xf32, #tpu.memory_space<vmem>>
    %dma_start3A_336 = tpu.memref_squeeze %dma_start3A_335 : memref<1x128x128xf32, #tpu.memory_space<vmem>> -> memref<128x128xf32, #tpu.memory_space<vmem>>
    %dma_start3A_337 = arith.constant 0 : i32
    %dma_start3A_338 = tpu.memref_slice %arg7[%add3A_331, %dma_start3A_337] : memref<8192x128xf32, #tpu.memory_space<hbm>> -> memref<128x128xf32, #tpu.memory_space<hbm>>
    %dma_start3A_339 = arith.constant 0 : i32
    %dma_start3A_340 = tpu.memref_slice %arg7[%add3A_331, %dma_start3A_339] : memref<8192x128xf32, #tpu.memory_space<hbm>> -> memref<128x128xf32, #tpu.memory_space<hbm>>
    %dma_start3A_341 = arith.constant 0 : i32
    %dma_start3A_342 = arith.constant 0 : i32
    %dma_start3A_343 = tpu.memref_slice %arg13[%dma_start3A_332, %dma_start3A_341, %dma_start3A_342] : memref<2x128x128xf32, #tpu.memory_space<vmem>> -> memref<1x128x128xf32, #tpu.memory_space<vmem>>
    %dma_start3A_344 = tpu.memref_squeeze %dma_start3A_343 : memref<1x128x128xf32, #tpu.memory_space<vmem>> -> memref<128x128xf32, #tpu.memory_space<vmem>>
    tpu.enqueue_dma source(%dma_start3A_344 : memref<128x128xf32, #tpu.memory_space<vmem>>) target(%dma_start3A_340 : memref<128x128xf32, #tpu.memory_space<hbm>>) target_semaphore(%arg18 : memref<!tpu.dma_semaphore, #tpu.memory_space<semaphore_mem>>)
    %dma_start3A_345 = arith.constant 0 : i32
    %dma_start3A_346 = arith.constant 0 : i32
    %dma_start3A_347 = tpu.memref_slice %arg14[%dma_start3A_345, %dma_start3A_346] : memref<2x128xf32, #tpu.memory_space<vmem>> -> memref<1x128xf32, #tpu.memory_space<vmem>>
    %dma_start3A_348 = tpu.memref_squeeze %dma_start3A_347 : memref<1x128xf32, #tpu.memory_space<vmem>> -> memref<128xf32, #tpu.memory_space<vmem>>
    %dma_start3A_349 = tpu.memref_slice %arg8[%add3A_331] : memref<8192xf32, #tpu.memory_space<hbm>> -> memref<128xf32, #tpu.memory_space<hbm>>
    %dma_start3A_350 = tpu.memref_slice %arg8[%add3A_331] : memref<8192xf32, #tpu.memory_space<hbm>> -> memref<128xf32, #tpu.memory_space<hbm>>
    %dma_start3A_351 = arith.constant 0 : i32
    %dma_start3A_352 = tpu.memref_slice %arg14[%dma_start3A_345, %dma_start3A_351] : memref<2x128xf32, #tpu.memory_space<vmem>> -> memref<1x128xf32, #tpu.memory_space<vmem>>
    %dma_start3A_353 = tpu.memref_squeeze %dma_start3A_352 : memref<1x128xf32, #tpu.memory_space<vmem>> -> memref<128xf32, #tpu.memory_space<vmem>>
    tpu.enqueue_dma source(%dma_start3A_353 : memref<128xf32, #tpu.memory_space<vmem>>) target(%dma_start3A_350 : memref<128xf32, #tpu.memory_space<hbm>>) target_semaphore(%arg18 : memref<!tpu.dma_semaphore, #tpu.memory_space<semaphore_mem>>)
    %dma_start3A_354 = arith.constant 0 : i32
    %dma_start3A_355 = arith.constant 0 : i32
    %dma_start3A_356 = tpu.memref_slice %arg15[%dma_start3A_354, %dma_start3A_355] : memref<2x128xf32, #tpu.memory_space<vmem>> -> memref<1x128xf32, #tpu.memory_space<vmem>>
    %dma_start3A_357 = tpu.memref_squeeze %dma_start3A_356 : memref<1x128xf32, #tpu.memory_space<vmem>> -> memref<128xf32, #tpu.memory_space<vmem>>
    %dma_start3A_358 = tpu.memref_slice %arg9[%add3A_331] : memref<8192xf32, #tpu.memory_space<hbm>> -> memref<128xf32, #tpu.memory_space<hbm>>
    %dma_start3A_359 = tpu.memref_slice %arg9[%add3A_331] : memref<8192xf32, #tpu.memory_space<hbm>> -> memref<128xf32, #tpu.memory_space<hbm>>
    %dma_start3A_360 = arith.constant 0 : i32
    %dma_start3A_361 = tpu.memref_slice %arg15[%dma_start3A_354, %dma_start3A_360] : memref<2x128xf32, #tpu.memory_space<vmem>> -> memref<1x128xf32, #tpu.memory_space<vmem>>
    %dma_start3A_362 = tpu.memref_squeeze %dma_start3A_361 : memref<1x128xf32, #tpu.memory_space<vmem>> -> memref<128xf32, #tpu.memory_space<vmem>>
    tpu.enqueue_dma source(%dma_start3A_362 : memref<128xf32, #tpu.memory_space<vmem>>) target(%dma_start3A_359 : memref<128xf32, #tpu.memory_space<hbm>>) target_semaphore(%arg18 : memref<!tpu.dma_semaphore, #tpu.memory_space<semaphore_mem>>)
    %dma_wait3A_363 = arith.constant 1 : i32
    %dma_wait3A_364 = arith.constant 1 : i32
    %dma_wait3A_365 = arith.constant 0 : i32
    %dma_wait3A_366 = arith.constant 0 : i32
    %dma_wait3A_367 = tpu.memref_slice %arg13[%dma_wait3A_364, %dma_wait3A_365, %dma_wait3A_366] : memref<2x128x128xf32, #tpu.memory_space<vmem>> -> memref<1x128x128xf32, #tpu.memory_space<vmem>>
    %dma_wait3A_368 = tpu.memref_squeeze %dma_wait3A_367 : memref<1x128x128xf32, #tpu.memory_space<vmem>> -> memref<128x128xf32, #tpu.memory_space<vmem>>
    %dma_wait3A_369 = arith.constant 0 : i32
    %dma_wait3A_370 = tpu.memref_slice %arg11[%dma_wait3A_363, %dma_wait3A_369] : memref<2x128xi32, #tpu.memory_space<vmem>> -> memref<1x128xi32, #tpu.memory_space<vmem>>
    %dma_wait3A_371 = tpu.memref_squeeze %dma_wait3A_370 : memref<1x128xi32, #tpu.memory_space<vmem>> -> memref<128xi32, #tpu.memory_space<vmem>>
    %dma_wait3A_372 = arith.constant 0 : i32
    %dma_wait3A_373 = arith.constant 0 : i32
    %dma_wait3A_374 = tpu.memref_slice %arg4[%dma_wait3A_372, %dma_wait3A_373] : memref<20000x128xf32, #tpu.memory_space<hbm>> -> memref<20000x128xf32, #tpu.memory_space<hbm>>
    tpu.wait_indirect_dma semaphore(%arg17 : memref<!tpu.dma_semaphore, #tpu.memory_space<semaphore_mem>>) src(%dma_wait3A_374 : memref<20000x128xf32, #tpu.memory_space<hbm>>) dst(%dma_wait3A_368 : memref<128x128xf32, #tpu.memory_space<vmem>>)
    %dma_wait3A_375 = arith.constant 1 : i32
    %dma_wait3A_376 = arith.constant 1 : i32
    %dma_wait3A_377 = arith.constant 0 : i32
    %dma_wait3A_378 = tpu.memref_slice %arg14[%dma_wait3A_376, %dma_wait3A_377] : memref<2x128xf32, #tpu.memory_space<vmem>> -> memref<1x128xf32, #tpu.memory_space<vmem>>
    %dma_wait3A_379 = tpu.memref_squeeze %dma_wait3A_378 : memref<1x128xf32, #tpu.memory_space<vmem>> -> memref<128xf32, #tpu.memory_space<vmem>>
    %dma_wait3A_380 = arith.constant 0 : i32
    %dma_wait3A_381 = tpu.memref_slice %arg12[%dma_wait3A_375, %dma_wait3A_380] : memref<2x128xi32, #tpu.memory_space<vmem>> -> memref<1x128xi32, #tpu.memory_space<vmem>>
    %dma_wait3A_382 = tpu.memref_squeeze %dma_wait3A_381 : memref<1x128xi32, #tpu.memory_space<vmem>> -> memref<128xi32, #tpu.memory_space<vmem>>
    %dma_wait3A_383 = arith.constant 0 : i32
    %dma_wait3A_384 = tpu.memref_slice %arg5[%dma_wait3A_383] : memref<12800000xf32, #tpu.memory_space<hbm>> -> memref<12800000xf32, #tpu.memory_space<hbm>>
    tpu.wait_indirect_dma semaphore(%arg17 : memref<!tpu.dma_semaphore, #tpu.memory_space<semaphore_mem>>) src(%dma_wait3A_384 : memref<12800000xf32, #tpu.memory_space<hbm>>) dst(%dma_wait3A_379 : memref<128xf32, #tpu.memory_space<vmem>>)
    %dma_wait3A_385 = arith.constant 1 : i32
    %dma_wait3A_386 = arith.constant 1 : i32
    %dma_wait3A_387 = arith.constant 0 : i32
    %dma_wait3A_388 = tpu.memref_slice %arg15[%dma_wait3A_386, %dma_wait3A_387] : memref<2x128xf32, #tpu.memory_space<vmem>> -> memref<1x128xf32, #tpu.memory_space<vmem>>
    %dma_wait3A_389 = tpu.memref_squeeze %dma_wait3A_388 : memref<1x128xf32, #tpu.memory_space<vmem>> -> memref<128xf32, #tpu.memory_space<vmem>>
    %dma_wait3A_390 = arith.constant 0 : i32
    %dma_wait3A_391 = tpu.memref_slice %arg11[%dma_wait3A_385, %dma_wait3A_390] : memref<2x128xi32, #tpu.memory_space<vmem>> -> memref<1x128xi32, #tpu.memory_space<vmem>>
    %dma_wait3A_392 = tpu.memref_squeeze %dma_wait3A_391 : memref<1x128xi32, #tpu.memory_space<vmem>> -> memref<128xi32, #tpu.memory_space<vmem>>
    %dma_wait3A_393 = arith.constant 0 : i32
    %dma_wait3A_394 = tpu.memref_slice %arg6[%dma_wait3A_393] : memref<20000xf32, #tpu.memory_space<hbm>> -> memref<20000xf32, #tpu.memory_space<hbm>>
    tpu.wait_indirect_dma semaphore(%arg17 : memref<!tpu.dma_semaphore, #tpu.memory_space<semaphore_mem>>) src(%dma_wait3A_394 : memref<20000xf32, #tpu.memory_space<hbm>>) dst(%dma_wait3A_389 : memref<128xf32, #tpu.memory_space<vmem>>)
    %add3A_395 = arith.constant 128 : i32
    %add3A_396 = arith.addi %mul3A_2, %add3A_395 : i32
    %dma_start3A_397 = arith.constant 1 : i32
    %dma_start3A_398 = arith.constant 0 : i32
    %dma_start3A_399 = arith.constant 0 : i32
    %dma_start3A_400 = tpu.memref_slice %arg13[%dma_start3A_397, %dma_start3A_398, %dma_start3A_399] : memref<2x128x128xf32, #tpu.memory_space<vmem>> -> memref<1x128x128xf32, #tpu.memory_space<vmem>>
    %dma_start3A_401 = tpu.memref_squeeze %dma_start3A_400 : memref<1x128x128xf32, #tpu.memory_space<vmem>> -> memref<128x128xf32, #tpu.memory_space<vmem>>
    %dma_start3A_402 = arith.constant 0 : i32
    %dma_start3A_403 = tpu.memref_slice %arg7[%add3A_396, %dma_start3A_402] : memref<8192x128xf32, #tpu.memory_space<hbm>> -> memref<128x128xf32, #tpu.memory_space<hbm>>
    %dma_start3A_404 = arith.constant 0 : i32
    %dma_start3A_405 = tpu.memref_slice %arg7[%add3A_396, %dma_start3A_404] : memref<8192x128xf32, #tpu.memory_space<hbm>> -> memref<128x128xf32, #tpu.memory_space<hbm>>
    %dma_start3A_406 = arith.constant 0 : i32
    %dma_start3A_407 = arith.constant 0 : i32
    %dma_start3A_408 = tpu.memref_slice %arg13[%dma_start3A_397, %dma_start3A_406, %dma_start3A_407] : memref<2x128x128xf32, #tpu.memory_space<vmem>> -> memref<1x128x128xf32, #tpu.memory_space<vmem>>
    %dma_start3A_409 = tpu.memref_squeeze %dma_start3A_408 : memref<1x128x128xf32, #tpu.memory_space<vmem>> -> memref<128x128xf32, #tpu.memory_space<vmem>>
    tpu.enqueue_dma source(%dma_start3A_409 : memref<128x128xf32, #tpu.memory_space<vmem>>) target(%dma_start3A_405 : memref<128x128xf32, #tpu.memory_space<hbm>>) target_semaphore(%arg19 : memref<!tpu.dma_semaphore, #tpu.memory_space<semaphore_mem>>)
    %dma_start3A_410 = arith.constant 1 : i32
    %dma_start3A_411 = arith.constant 0 : i32
    %dma_start3A_412 = tpu.memref_slice %arg14[%dma_start3A_410, %dma_start3A_411] : memref<2x128xf32, #tpu.memory_space<vmem>> -> memref<1x128xf32, #tpu.memory_space<vmem>>
    %dma_start3A_413 = tpu.memref_squeeze %dma_start3A_412 : memref<1x128xf32, #tpu.memory_space<vmem>> -> memref<128xf32, #tpu.memory_space<vmem>>
    %dma_start3A_414 = tpu.memref_slice %arg8[%add3A_396] : memref<8192xf32, #tpu.memory_space<hbm>> -> memref<128xf32, #tpu.memory_space<hbm>>
    %dma_start3A_415 = tpu.memref_slice %arg8[%add3A_396] : memref<8192xf32, #tpu.memory_space<hbm>> -> memref<128xf32, #tpu.memory_space<hbm>>
    %dma_start3A_416 = arith.constant 0 : i32
    %dma_start3A_417 = tpu.memref_slice %arg14[%dma_start3A_410, %dma_start3A_416] : memref<2x128xf32, #tpu.memory_space<vmem>> -> memref<1x128xf32, #tpu.memory_space<vmem>>
    %dma_start3A_418 = tpu.memref_squeeze %dma_start3A_417 : memref<1x128xf32, #tpu.memory_space<vmem>> -> memref<128xf32, #tpu.memory_space<vmem>>
    tpu.enqueue_dma source(%dma_start3A_418 : memref<128xf32, #tpu.memory_space<vmem>>) target(%dma_start3A_415 : memref<128xf32, #tpu.memory_space<hbm>>) target_semaphore(%arg19 : memref<!tpu.dma_semaphore, #tpu.memory_space<semaphore_mem>>)
    %dma_start3A_419 = arith.constant 1 : i32
    %dma_start3A_420 = arith.constant 0 : i32
    %dma_start3A_421 = tpu.memref_slice %arg15[%dma_start3A_419, %dma_start3A_420] : memref<2x128xf32, #tpu.memory_space<vmem>> -> memref<1x128xf32, #tpu.memory_space<vmem>>
    %dma_start3A_422 = tpu.memref_squeeze %dma_start3A_421 : memref<1x128xf32, #tpu.memory_space<vmem>> -> memref<128xf32, #tpu.memory_space<vmem>>
    %dma_start3A_423 = tpu.memref_slice %arg9[%add3A_396] : memref<8192xf32, #tpu.memory_space<hbm>> -> memref<128xf32, #tpu.memory_space<hbm>>
    %dma_start3A_424 = tpu.memref_slice %arg9[%add3A_396] : memref<8192xf32, #tpu.memory_space<hbm>> -> memref<128xf32, #tpu.memory_space<hbm>>
    %dma_start3A_425 = arith.constant 0 : i32
    %dma_start3A_426 = tpu.memref_slice %arg15[%dma_start3A_419, %dma_start3A_425] : memref<2x128xf32, #tpu.memory_space<vmem>> -> memref<1x128xf32, #tpu.memory_space<vmem>>
    %dma_start3A_427 = tpu.memref_squeeze %dma_start3A_426 : memref<1x128xf32, #tpu.memory_space<vmem>> -> memref<128xf32, #tpu.memory_space<vmem>>
    tpu.enqueue_dma source(%dma_start3A_427 : memref<128xf32, #tpu.memory_space<vmem>>) target(%dma_start3A_424 : memref<128xf32, #tpu.memory_space<hbm>>) target_semaphore(%arg19 : memref<!tpu.dma_semaphore, #tpu.memory_space<semaphore_mem>>)
    %dma_wait3A_428 = arith.constant 0 : i32
    %dma_wait3A_429 = arith.constant 0 : i32
    %dma_wait3A_430 = arith.constant 0 : i32
    %dma_wait3A_431 = tpu.memref_slice %arg13[%dma_wait3A_428, %dma_wait3A_429, %dma_wait3A_430] : memref<2x128x128xf32, #tpu.memory_space<vmem>> -> memref<1x128x128xf32, #tpu.memory_space<vmem>>
    %dma_wait3A_432 = tpu.memref_squeeze %dma_wait3A_431 : memref<1x128x128xf32, #tpu.memory_space<vmem>> -> memref<128x128xf32, #tpu.memory_space<vmem>>
    %dma_wait3A_433 = arith.constant 0 : i32
    %dma_wait3A_434 = tpu.memref_slice %arg7[%add3A_331, %dma_wait3A_433] : memref<8192x128xf32, #tpu.memory_space<hbm>> -> memref<128x128xf32, #tpu.memory_space<hbm>>
    %dma_wait3A_435 = arith.constant 0 : i32
    %dma_wait3A_436 = tpu.memref_slice %arg7[%add3A_331, %dma_wait3A_435] : memref<8192x128xf32, #tpu.memory_space<hbm>> -> memref<128x128xf32, #tpu.memory_space<hbm>>
    %dma_wait3A_437 = arith.constant 0 : i32
    %dma_wait3A_438 = arith.constant 0 : i32
    %dma_wait3A_439 = tpu.memref_slice %arg13[%dma_wait3A_428, %dma_wait3A_437, %dma_wait3A_438] : memref<2x128x128xf32, #tpu.memory_space<vmem>> -> memref<1x128x128xf32, #tpu.memory_space<vmem>>
    %dma_wait3A_440 = tpu.memref_squeeze %dma_wait3A_439 : memref<1x128x128xf32, #tpu.memory_space<vmem>> -> memref<128x128xf32, #tpu.memory_space<vmem>>
    tpu.wait_dma2 semaphore(%arg18 : memref<!tpu.dma_semaphore, #tpu.memory_space<semaphore_mem>>) src(%dma_wait3A_440 : memref<128x128xf32, #tpu.memory_space<vmem>>) dst(%dma_wait3A_436 : memref<128x128xf32, #tpu.memory_space<hbm>>)
    %dma_wait3A_441 = arith.constant 0 : i32
    %dma_wait3A_442 = arith.constant 0 : i32
    %dma_wait3A_443 = tpu.memref_slice %arg14[%dma_wait3A_441, %dma_wait3A_442] : memref<2x128xf32, #tpu.memory_space<vmem>> -> memref<1x128xf32, #tpu.memory_space<vmem>>
    %dma_wait3A_444 = tpu.memref_squeeze %dma_wait3A_443 : memref<1x128xf32, #tpu.memory_space<vmem>> -> memref<128xf32, #tpu.memory_space<vmem>>
    %dma_wait3A_445 = tpu.memref_slice %arg8[%add3A_331] : memref<8192xf32, #tpu.memory_space<hbm>> -> memref<128xf32, #tpu.memory_space<hbm>>
    %dma_wait3A_446 = tpu.memref_slice %arg8[%add3A_331] : memref<8192xf32, #tpu.memory_space<hbm>> -> memref<128xf32, #tpu.memory_space<hbm>>
    %dma_wait3A_447 = arith.constant 0 : i32
    %dma_wait3A_448 = tpu.memref_slice %arg14[%dma_wait3A_441, %dma_wait3A_447] : memref<2x128xf32, #tpu.memory_space<vmem>> -> memref<1x128xf32, #tpu.memory_space<vmem>>
    %dma_wait3A_449 = tpu.memref_squeeze %dma_wait3A_448 : memref<1x128xf32, #tpu.memory_space<vmem>> -> memref<128xf32, #tpu.memory_space<vmem>>
    tpu.wait_dma2 semaphore(%arg18 : memref<!tpu.dma_semaphore, #tpu.memory_space<semaphore_mem>>) src(%dma_wait3A_449 : memref<128xf32, #tpu.memory_space<vmem>>) dst(%dma_wait3A_446 : memref<128xf32, #tpu.memory_space<hbm>>)
    %dma_wait3A_450 = arith.constant 0 : i32
    %dma_wait3A_451 = arith.constant 0 : i32
    %dma_wait3A_452 = tpu.memref_slice %arg15[%dma_wait3A_450, %dma_wait3A_451] : memref<2x128xf32, #tpu.memory_space<vmem>> -> memref<1x128xf32, #tpu.memory_space<vmem>>
    %dma_wait3A_453 = tpu.memref_squeeze %dma_wait3A_452 : memref<1x128xf32, #tpu.memory_space<vmem>> -> memref<128xf32, #tpu.memory_space<vmem>>
    %dma_wait3A_454 = tpu.memref_slice %arg9[%add3A_331] : memref<8192xf32, #tpu.memory_space<hbm>> -> memref<128xf32, #tpu.memory_space<hbm>>
    %dma_wait3A_455 = tpu.memref_slice %arg9[%add3A_331] : memref<8192xf32, #tpu.memory_space<hbm>> -> memref<128xf32, #tpu.memory_space<hbm>>
    %dma_wait3A_456 = arith.constant 0 : i32
    %dma_wait3A_457 = tpu.memref_slice %arg15[%dma_wait3A_450, %dma_wait3A_456] : memref<2x128xf32, #tpu.memory_space<vmem>> -> memref<1x128xf32, #tpu.memory_space<vmem>>
    %dma_wait3A_458 = tpu.memref_squeeze %dma_wait3A_457 : memref<1x128xf32, #tpu.memory_space<vmem>> -> memref<128xf32, #tpu.memory_space<vmem>>
    tpu.wait_dma2 semaphore(%arg18 : memref<!tpu.dma_semaphore, #tpu.memory_space<semaphore_mem>>) src(%dma_wait3A_458 : memref<128xf32, #tpu.memory_space<vmem>>) dst(%dma_wait3A_455 : memref<128xf32, #tpu.memory_space<hbm>>)
    %dma_wait3A_459 = arith.constant 1 : i32
    %dma_wait3A_460 = arith.constant 0 : i32
    %dma_wait3A_461 = arith.constant 0 : i32
    %dma_wait3A_462 = tpu.memref_slice %arg13[%dma_wait3A_459, %dma_wait3A_460, %dma_wait3A_461] : memref<2x128x128xf32, #tpu.memory_space<vmem>> -> memref<1x128x128xf32, #tpu.memory_space<vmem>>
    %dma_wait3A_463 = tpu.memref_squeeze %dma_wait3A_462 : memref<1x128x128xf32, #tpu.memory_space<vmem>> -> memref<128x128xf32, #tpu.memory_space<vmem>>
    %dma_wait3A_464 = arith.constant 0 : i32
    %dma_wait3A_465 = tpu.memref_slice %arg7[%add3A_396, %dma_wait3A_464] : memref<8192x128xf32, #tpu.memory_space<hbm>> -> memref<128x128xf32, #tpu.memory_space<hbm>>
    %dma_wait3A_466 = arith.constant 0 : i32
    %dma_wait3A_467 = tpu.memref_slice %arg7[%add3A_396, %dma_wait3A_466] : memref<8192x128xf32, #tpu.memory_space<hbm>> -> memref<128x128xf32, #tpu.memory_space<hbm>>
    %dma_wait3A_468 = arith.constant 0 : i32
    %dma_wait3A_469 = arith.constant 0 : i32
    %dma_wait3A_470 = tpu.memref_slice %arg13[%dma_wait3A_459, %dma_wait3A_468, %dma_wait3A_469] : memref<2x128x128xf32, #tpu.memory_space<vmem>> -> memref<1x128x128xf32, #tpu.memory_space<vmem>>
    %dma_wait3A_471 = tpu.memref_squeeze %dma_wait3A_470 : memref<1x128x128xf32, #tpu.memory_space<vmem>> -> memref<128x128xf32, #tpu.memory_space<vmem>>
    tpu.wait_dma2 semaphore(%arg19 : memref<!tpu.dma_semaphore, #tpu.memory_space<semaphore_mem>>) src(%dma_wait3A_471 : memref<128x128xf32, #tpu.memory_space<vmem>>) dst(%dma_wait3A_467 : memref<128x128xf32, #tpu.memory_space<hbm>>)
    %dma_wait3A_472 = arith.constant 1 : i32
    %dma_wait3A_473 = arith.constant 0 : i32
    %dma_wait3A_474 = tpu.memref_slice %arg14[%dma_wait3A_472, %dma_wait3A_473] : memref<2x128xf32, #tpu.memory_space<vmem>> -> memref<1x128xf32, #tpu.memory_space<vmem>>
    %dma_wait3A_475 = tpu.memref_squeeze %dma_wait3A_474 : memref<1x128xf32, #tpu.memory_space<vmem>> -> memref<128xf32, #tpu.memory_space<vmem>>
    %dma_wait3A_476 = tpu.memref_slice %arg8[%add3A_396] : memref<8192xf32, #tpu.memory_space<hbm>> -> memref<128xf32, #tpu.memory_space<hbm>>
    %dma_wait3A_477 = tpu.memref_slice %arg8[%add3A_396] : memref<8192xf32, #tpu.memory_space<hbm>> -> memref<128xf32, #tpu.memory_space<hbm>>
    %dma_wait3A_478 = arith.constant 0 : i32
    %dma_wait3A_479 = tpu.memref_slice %arg14[%dma_wait3A_472, %dma_wait3A_478] : memref<2x128xf32, #tpu.memory_space<vmem>> -> memref<1x128xf32, #tpu.memory_space<vmem>>
    %dma_wait3A_480 = tpu.memref_squeeze %dma_wait3A_479 : memref<1x128xf32, #tpu.memory_space<vmem>> -> memref<128xf32, #tpu.memory_space<vmem>>
    tpu.wait_dma2 semaphore(%arg19 : memref<!tpu.dma_semaphore, #tpu.memory_space<semaphore_mem>>) src(%dma_wait3A_480 : memref<128xf32, #tpu.memory_space<vmem>>) dst(%dma_wait3A_477 : memref<128xf32, #tpu.memory_space<hbm>>)
    %dma_wait3A_481 = arith.constant 1 : i32
    %dma_wait3A_482 = arith.constant 0 : i32
    %dma_wait3A_483 = tpu.memref_slice %arg15[%dma_wait3A_481, %dma_wait3A_482] : memref<2x128xf32, #tpu.memory_space<vmem>> -> memref<1x128xf32, #tpu.memory_space<vmem>>
    %dma_wait3A_484 = tpu.memref_squeeze %dma_wait3A_483 : memref<1x128xf32, #tpu.memory_space<vmem>> -> memref<128xf32, #tpu.memory_space<vmem>>
    %dma_wait3A_485 = tpu.memref_slice %arg9[%add3A_396] : memref<8192xf32, #tpu.memory_space<hbm>> -> memref<128xf32, #tpu.memory_space<hbm>>
    %dma_wait3A_486 = tpu.memref_slice %arg9[%add3A_396] : memref<8192xf32, #tpu.memory_space<hbm>> -> memref<128xf32, #tpu.memory_space<hbm>>
    %dma_wait3A_487 = arith.constant 0 : i32
    %dma_wait3A_488 = tpu.memref_slice %arg15[%dma_wait3A_481, %dma_wait3A_487] : memref<2x128xf32, #tpu.memory_space<vmem>> -> memref<1x128xf32, #tpu.memory_space<vmem>>
    %dma_wait3A_489 = tpu.memref_squeeze %dma_wait3A_488 : memref<1x128xf32, #tpu.memory_space<vmem>> -> memref<128xf32, #tpu.memory_space<vmem>>
    tpu.wait_dma2 semaphore(%arg19 : memref<!tpu.dma_semaphore, #tpu.memory_space<semaphore_mem>>) src(%dma_wait3A_489 : memref<128xf32, #tpu.memory_space<vmem>>) dst(%dma_wait3A_486 : memref<128xf32, #tpu.memory_space<hbm>>)
    return
  }
}

module attributes {stable_mosaic.version = 14 : i64} {
  func.func @_tc_body(%arg0: i32, %arg1: memref<2048xf32, #tpu.memory_space<vmem>>, %arg2: memref<2048x127xf32, #tpu.memory_space<vmem>>, %arg3: memref<2048x127xf32, #tpu.memory_space<vmem>>, %arg4: memref<2048x128xf32, #tpu.memory_space<vmem>>, %arg5: memref<2048xf32, #tpu.memory_space<vmem>>, %arg6: memref<2048x128xf32, #tpu.memory_space<vmem>>, %arg7: memref<64x128xf32, #tpu.memory_space<vmem>>, %arg8: memref<1x64xf32, #tpu.memory_space<vmem>>, %arg9: memref<64x128xf32, #tpu.memory_space<vmem>>, %arg10: memref<1x64xf32, #tpu.memory_space<vmem>>, %arg11: memref<32x64xf32, #tpu.memory_space<vmem>>, %arg12: memref<1x32xf32, #tpu.memory_space<vmem>>, %arg13: memref<1x32xf32, #tpu.memory_space<vmem>>, %arg14: memref<1x1xf32, #tpu.memory_space<vmem>>, %arg15: memref<2048xf32, #tpu.memory_space<vmem>>) attributes {dimension_semantics = [#tpu.dimension_semantics<arbitrary>], iteration_bounds = array<i64: 4>, scalar_prefetch = 0 : i64, scratch_operands = 0 : i64, tpu.core_type = #tpu.core_type<tc>, window_params = [{transform_indices = @transform_0, window_bounds = array<i64: 2048>}, {transform_indices = @transform_1, window_bounds = array<i64: 2048, 127>}, {transform_indices = @transform_2, window_bounds = array<i64: 2048, 127>}, {transform_indices = @transform_3, window_bounds = array<i64: 2048, 128>}, {transform_indices = @transform_4, window_bounds = array<i64: 2048>}, {transform_indices = @transform_5, window_bounds = array<i64: 2048, 128>}, {pipeline_mode = #tpu.pipeline_mode<synchronous>, transform_indices = @transform_6, window_bounds = array<i64: 64, 128>}, {pipeline_mode = #tpu.pipeline_mode<synchronous>, transform_indices = @transform_7, window_bounds = array<i64: 1, 64>}, {pipeline_mode = #tpu.pipeline_mode<synchronous>, transform_indices = @transform_8, window_bounds = array<i64: 64, 128>}, {pipeline_mode = #tpu.pipeline_mode<synchronous>, transform_indices = @transform_9, window_bounds = array<i64: 1, 64>}, {pipeline_mode = #tpu.pipeline_mode<synchronous>, transform_indices = @transform_10, window_bounds = array<i64: 32, 64>}, {pipeline_mode = #tpu.pipeline_mode<synchronous>, transform_indices = @transform_11, window_bounds = array<i64: 1, 32>}, {pipeline_mode = #tpu.pipeline_mode<synchronous>, transform_indices = @transform_12, window_bounds = array<i64: 1, 32>}, {pipeline_mode = #tpu.pipeline_mode<synchronous>, transform_indices = @transform_13, window_bounds = array<i64: 1, 1>}, {transform_indices = @transform_14, window_bounds = array<i64: 2048>}]} {
    %get3A = arith.constant 0 : index
    %get3A_0 = arith.constant 0 : index
    %get3A_1 = vector.load %arg2[%get3A, %get3A_0] : memref<2048x127xf32, #tpu.memory_space<vmem>>, vector<2048x127xf32>
    %logistic3A = arith.negf %get3A_1 : vector<2048x127xf32>
    %logistic3A_2 = math.exp %logistic3A : vector<2048x127xf32>
    %logistic3A_3 = arith.constant 1.000000e+00 : f32
    %logistic3A_4 = vector.broadcast %logistic3A_3 : f32 to vector<2048x127xf32>
    %logistic3A_5 = arith.addf %logistic3A_4, %logistic3A_2 : vector<2048x127xf32>
    %logistic3A_6 = arith.divf %logistic3A_4, %logistic3A_5 : vector<2048x127xf32>
    %get3A_7 = arith.constant 0 : index
    %get3A_8 = arith.constant 0 : index
    %get3A_9 = vector.load %arg3[%get3A_7, %get3A_8] : memref<2048x127xf32, #tpu.memory_space<vmem>>, vector<2048x127xf32>
    %logistic3A_10 = arith.negf %get3A_9 : vector<2048x127xf32>
    %logistic3A_11 = math.exp %logistic3A_10 : vector<2048x127xf32>
    %logistic3A_12 = arith.constant 1.000000e+00 : f32
    %logistic3A_13 = vector.broadcast %logistic3A_12 : f32 to vector<2048x127xf32>
    %logistic3A_14 = arith.addf %logistic3A_13, %logistic3A_11 : vector<2048x127xf32>
    %logistic3A_15 = arith.divf %logistic3A_13, %logistic3A_14 : vector<2048x127xf32>
    %get3A_16 = arith.constant 0 : index
    %get3A_17 = vector.load %arg1[%get3A_16] : memref<2048xf32, #tpu.memory_space<vmem>>, vector<2048xf32>
    %reshape3A = vector.shape_cast %get3A_17 : vector<2048xf32> to vector<2048x1xf32>
    %logistic3A_18 = arith.negf %reshape3A : vector<2048x1xf32>
    %logistic3A_19 = math.exp %logistic3A_18 : vector<2048x1xf32>
    %logistic3A_20 = arith.constant 1.000000e+00 : f32
    %logistic3A_21 = vector.broadcast %logistic3A_20 : f32 to vector<2048x1xf32>
    %logistic3A_22 = arith.addf %logistic3A_21, %logistic3A_19 : vector<2048x1xf32>
    %logistic3A_23 = arith.divf %logistic3A_21, %logistic3A_22 : vector<2048x1xf32>
    %broadcast_in_dim3A = arith.constant 0.000000e+00 : f32
    %broadcast_in_dim3A_24 = vector.broadcast %broadcast_in_dim3A : f32 to vector<2048x1xf32>
    %sub3A = arith.subf %logistic3A_6, %logistic3A_15 : vector<2048x127xf32>
    %concatenate3A = tpu.concatenate %broadcast_in_dim3A_24, %sub3A in 1 : vector<2048x1xf32>, vector<2048x127xf32> -> vector<2048x128xf32>
    %concatenate3A_25 = tpu.concatenate %logistic3A_23, %logistic3A_15 in 1 : vector<2048x1xf32>, vector<2048x127xf32> -> vector<2048x128xf32>
    %broadcast_in_dim3A_26 = arith.constant 0.000000e+00 : f32
    %broadcast_in_dim3A_27 = vector.broadcast %broadcast_in_dim3A_26 : f32 to vector<2048x1xf32>
    %slice3A = vector.extract_strided_slice %concatenate3A_25 {offsets = [0, 0], sizes = [2048, 127], strides = [1, 1]} : vector<2048x128xf32> to vector<2048x127xf32>
    %concatenate3A_28 = tpu.concatenate %broadcast_in_dim3A_27, %slice3A in 1 : vector<2048x1xf32>, vector<2048x127xf32> -> vector<2048x128xf32>
    %mul3A = arith.mulf %concatenate3A, %concatenate3A_28 : vector<2048x128xf32>
    %add3A = arith.addf %mul3A, %concatenate3A_25 : vector<2048x128xf32>
    %broadcast_in_dim3A_29 = arith.constant 1.000000e+00 : f32
    %broadcast_in_dim3A_30 = vector.broadcast %broadcast_in_dim3A_29 : f32 to vector<2048x1xf32>
    %slice3A_31 = vector.extract_strided_slice %concatenate3A {offsets = [0, 0], sizes = [2048, 127], strides = [1, 1]} : vector<2048x128xf32> to vector<2048x127xf32>
    %concatenate3A_32 = tpu.concatenate %broadcast_in_dim3A_30, %slice3A_31 in 1 : vector<2048x1xf32>, vector<2048x127xf32> -> vector<2048x128xf32>
    %mul3A_33 = arith.mulf %concatenate3A, %concatenate3A_32 : vector<2048x128xf32>
    %broadcast_in_dim3A_34 = arith.constant 0.000000e+00 : f32
    %broadcast_in_dim3A_35 = vector.broadcast %broadcast_in_dim3A_34 : f32 to vector<2048x2xf32>
    %slice3A_36 = vector.extract_strided_slice %add3A {offsets = [0, 0], sizes = [2048, 126], strides = [1, 1]} : vector<2048x128xf32> to vector<2048x126xf32>
    %concatenate3A_37 = tpu.concatenate %broadcast_in_dim3A_35, %slice3A_36 in 1 : vector<2048x2xf32>, vector<2048x126xf32> -> vector<2048x128xf32>
    %mul3A_38 = arith.mulf %mul3A_33, %concatenate3A_37 : vector<2048x128xf32>
    %add3A_39 = arith.addf %mul3A_38, %add3A : vector<2048x128xf32>
    %broadcast_in_dim3A_40 = arith.constant 1.000000e+00 : f32
    %broadcast_in_dim3A_41 = vector.broadcast %broadcast_in_dim3A_40 : f32 to vector<2048x2xf32>
    %slice3A_42 = vector.extract_strided_slice %mul3A_33 {offsets = [0, 0], sizes = [2048, 126], strides = [1, 1]} : vector<2048x128xf32> to vector<2048x126xf32>
    %concatenate3A_43 = tpu.concatenate %broadcast_in_dim3A_41, %slice3A_42 in 1 : vector<2048x2xf32>, vector<2048x126xf32> -> vector<2048x128xf32>
    %mul3A_44 = arith.mulf %mul3A_33, %concatenate3A_43 : vector<2048x128xf32>
    %broadcast_in_dim3A_45 = arith.constant 0.000000e+00 : f32
    %broadcast_in_dim3A_46 = vector.broadcast %broadcast_in_dim3A_45 : f32 to vector<2048x4xf32>
    %slice3A_47 = vector.extract_strided_slice %add3A_39 {offsets = [0, 0], sizes = [2048, 124], strides = [1, 1]} : vector<2048x128xf32> to vector<2048x124xf32>
    %concatenate3A_48 = tpu.concatenate %broadcast_in_dim3A_46, %slice3A_47 in 1 : vector<2048x4xf32>, vector<2048x124xf32> -> vector<2048x128xf32>
    %mul3A_49 = arith.mulf %mul3A_44, %concatenate3A_48 : vector<2048x128xf32>
    %add3A_50 = arith.addf %mul3A_49, %add3A_39 : vector<2048x128xf32>
    %broadcast_in_dim3A_51 = arith.constant 1.000000e+00 : f32
    %broadcast_in_dim3A_52 = vector.broadcast %broadcast_in_dim3A_51 : f32 to vector<2048x4xf32>
    %slice3A_53 = vector.extract_strided_slice %mul3A_44 {offsets = [0, 0], sizes = [2048, 124], strides = [1, 1]} : vector<2048x128xf32> to vector<2048x124xf32>
    %concatenate3A_54 = tpu.concatenate %broadcast_in_dim3A_52, %slice3A_53 in 1 : vector<2048x4xf32>, vector<2048x124xf32> -> vector<2048x128xf32>
    %mul3A_55 = arith.mulf %mul3A_44, %concatenate3A_54 : vector<2048x128xf32>
    %broadcast_in_dim3A_56 = arith.constant 0.000000e+00 : f32
    %broadcast_in_dim3A_57 = vector.broadcast %broadcast_in_dim3A_56 : f32 to vector<2048x8xf32>
    %slice3A_58 = vector.extract_strided_slice %add3A_50 {offsets = [0, 0], sizes = [2048, 120], strides = [1, 1]} : vector<2048x128xf32> to vector<2048x120xf32>
    %concatenate3A_59 = tpu.concatenate %broadcast_in_dim3A_57, %slice3A_58 in 1 : vector<2048x8xf32>, vector<2048x120xf32> -> vector<2048x128xf32>
    %mul3A_60 = arith.mulf %mul3A_55, %concatenate3A_59 : vector<2048x128xf32>
    %add3A_61 = arith.addf %mul3A_60, %add3A_50 : vector<2048x128xf32>
    %broadcast_in_dim3A_62 = arith.constant 1.000000e+00 : f32
    %broadcast_in_dim3A_63 = vector.broadcast %broadcast_in_dim3A_62 : f32 to vector<2048x8xf32>
    %slice3A_64 = vector.extract_strided_slice %mul3A_55 {offsets = [0, 0], sizes = [2048, 120], strides = [1, 1]} : vector<2048x128xf32> to vector<2048x120xf32>
    %concatenate3A_65 = tpu.concatenate %broadcast_in_dim3A_63, %slice3A_64 in 1 : vector<2048x8xf32>, vector<2048x120xf32> -> vector<2048x128xf32>
    %mul3A_66 = arith.mulf %mul3A_55, %concatenate3A_65 : vector<2048x128xf32>
    %broadcast_in_dim3A_67 = arith.constant 0.000000e+00 : f32
    %broadcast_in_dim3A_68 = vector.broadcast %broadcast_in_dim3A_67 : f32 to vector<2048x16xf32>
    %slice3A_69 = vector.extract_strided_slice %add3A_61 {offsets = [0, 0], sizes = [2048, 112], strides = [1, 1]} : vector<2048x128xf32> to vector<2048x112xf32>
    %concatenate3A_70 = tpu.concatenate %broadcast_in_dim3A_68, %slice3A_69 in 1 : vector<2048x16xf32>, vector<2048x112xf32> -> vector<2048x128xf32>
    %mul3A_71 = arith.mulf %mul3A_66, %concatenate3A_70 : vector<2048x128xf32>
    %add3A_72 = arith.addf %mul3A_71, %add3A_61 : vector<2048x128xf32>
    %broadcast_in_dim3A_73 = arith.constant 1.000000e+00 : f32
    %broadcast_in_dim3A_74 = vector.broadcast %broadcast_in_dim3A_73 : f32 to vector<2048x16xf32>
    %slice3A_75 = vector.extract_strided_slice %mul3A_66 {offsets = [0, 0], sizes = [2048, 112], strides = [1, 1]} : vector<2048x128xf32> to vector<2048x112xf32>
    %concatenate3A_76 = tpu.concatenate %broadcast_in_dim3A_74, %slice3A_75 in 1 : vector<2048x16xf32>, vector<2048x112xf32> -> vector<2048x128xf32>
    %mul3A_77 = arith.mulf %mul3A_66, %concatenate3A_76 : vector<2048x128xf32>
    %broadcast_in_dim3A_78 = arith.constant 0.000000e+00 : f32
    %broadcast_in_dim3A_79 = vector.broadcast %broadcast_in_dim3A_78 : f32 to vector<2048x32xf32>
    %slice3A_80 = vector.extract_strided_slice %add3A_72 {offsets = [0, 0], sizes = [2048, 96], strides = [1, 1]} : vector<2048x128xf32> to vector<2048x96xf32>
    %concatenate3A_81 = tpu.concatenate %broadcast_in_dim3A_79, %slice3A_80 in 1 : vector<2048x32xf32>, vector<2048x96xf32> -> vector<2048x128xf32>
    %mul3A_82 = arith.mulf %mul3A_77, %concatenate3A_81 : vector<2048x128xf32>
    %add3A_83 = arith.addf %mul3A_82, %add3A_72 : vector<2048x128xf32>
    %broadcast_in_dim3A_84 = arith.constant 1.000000e+00 : f32
    %broadcast_in_dim3A_85 = vector.broadcast %broadcast_in_dim3A_84 : f32 to vector<2048x32xf32>
    %slice3A_86 = vector.extract_strided_slice %mul3A_77 {offsets = [0, 0], sizes = [2048, 96], strides = [1, 1]} : vector<2048x128xf32> to vector<2048x96xf32>
    %concatenate3A_87 = tpu.concatenate %broadcast_in_dim3A_85, %slice3A_86 in 1 : vector<2048x32xf32>, vector<2048x96xf32> -> vector<2048x128xf32>
    %mul3A_88 = arith.mulf %mul3A_77, %concatenate3A_87 : vector<2048x128xf32>
    %broadcast_in_dim3A_89 = arith.constant 0.000000e+00 : f32
    %broadcast_in_dim3A_90 = vector.broadcast %broadcast_in_dim3A_89 : f32 to vector<2048x64xf32>
    %slice3A_91 = vector.extract_strided_slice %add3A_83 {offsets = [0, 0], sizes = [2048, 64], strides = [1, 1]} : vector<2048x128xf32> to vector<2048x64xf32>
    %concatenate3A_92 = tpu.concatenate %broadcast_in_dim3A_90, %slice3A_91 in 1 : vector<2048x64xf32>, vector<2048x64xf32> -> vector<2048x128xf32>
    %mul3A_93 = arith.mulf %mul3A_88, %concatenate3A_92 : vector<2048x128xf32>
    %add3A_94 = arith.addf %mul3A_93, %add3A_83 : vector<2048x128xf32>
    %get3A_95 = arith.constant 0 : index
    %get3A_96 = arith.constant 0 : index
    %get3A_97 = vector.load %arg6[%get3A_95, %get3A_96] : memref<2048x128xf32, #tpu.memory_space<vmem>>, vector<2048x128xf32>
    %mul3A_98 = arith.mulf %add3A_94, %get3A_97 : vector<2048x128xf32>
    %get3A_99 = arith.constant 0 : index
    %get3A_100 = arith.constant 0 : index
    %get3A_101 = vector.load %arg7[%get3A_99, %get3A_100] : memref<64x128xf32, #tpu.memory_space<vmem>>, vector<64x128xf32>
    %dot_general3A = arith.constant dense<0.000000e+00> : vector<2048x64xf32>
    %dot_general3A_102 = tpu.matmul %mul3A_98, %get3A_101, %dot_general3A {dimension_numbers = #tpu.dot_dimension_numbers<[1], [1], [0], [0], [0, 0, 1, 0], [], []>, transpose_lhs_hint = false} : vector<2048x128xf32>, vector<64x128xf32>, vector<2048x64xf32> -> vector<2048x64xf32>
    %get3A_103 = arith.constant 0 : index
    %get3A_104 = arith.constant 0 : index
    %get3A_105 = vector.load %arg8[%get3A_103, %get3A_104] : memref<1x64xf32, #tpu.memory_space<vmem>>, vector<1x64xf32>
    %add3A_106 = vector.broadcast %get3A_105 : vector<1x64xf32> to vector<2048x64xf32>
    %add3A_107 = arith.addf %dot_general3A_102, %add3A_106 : vector<2048x64xf32>
    %tanh3A = math.tanh %add3A_107 : vector<2048x64xf32>
    %get3A_108 = arith.constant 0 : index
    %get3A_109 = arith.constant 0 : index
    %get3A_110 = vector.load %arg4[%get3A_108, %get3A_109] : memref<2048x128xf32, #tpu.memory_space<vmem>>, vector<2048x128xf32>
    %logistic3A_111 = arith.negf %get3A_110 : vector<2048x128xf32>
    %logistic3A_112 = math.exp %logistic3A_111 : vector<2048x128xf32>
    %logistic3A_113 = arith.constant 1.000000e+00 : f32
    %logistic3A_114 = vector.broadcast %logistic3A_113 : f32 to vector<2048x128xf32>
    %logistic3A_115 = arith.addf %logistic3A_114, %logistic3A_112 : vector<2048x128xf32>
    %logistic3A_116 = arith.divf %logistic3A_114, %logistic3A_115 : vector<2048x128xf32>
    %mul3A_117 = arith.mulf %logistic3A_116, %get3A_97 : vector<2048x128xf32>
    %get3A_118 = arith.constant 0 : index
    %get3A_119 = arith.constant 0 : index
    %get3A_120 = vector.load %arg9[%get3A_118, %get3A_119] : memref<64x128xf32, #tpu.memory_space<vmem>>, vector<64x128xf32>
    %dot_general3A_121 = arith.constant dense<0.000000e+00> : vector<2048x64xf32>
    %dot_general3A_122 = tpu.matmul %mul3A_117, %get3A_120, %dot_general3A_121 {dimension_numbers = #tpu.dot_dimension_numbers<[1], [1], [0], [0], [0, 0, 1, 0], [], []>, transpose_lhs_hint = false} : vector<2048x128xf32>, vector<64x128xf32>, vector<2048x64xf32> -> vector<2048x64xf32>
    %get3A_123 = arith.constant 0 : index
    %get3A_124 = arith.constant 0 : index
    %get3A_125 = vector.load %arg10[%get3A_123, %get3A_124] : memref<1x64xf32, #tpu.memory_space<vmem>>, vector<1x64xf32>
    %add3A_126 = vector.broadcast %get3A_125 : vector<1x64xf32> to vector<2048x64xf32>
    %add3A_127 = arith.addf %dot_general3A_122, %add3A_126 : vector<2048x64xf32>
    %logistic3A_128 = arith.negf %add3A_127 : vector<2048x64xf32>
    %logistic3A_129 = math.exp %logistic3A_128 : vector<2048x64xf32>
    %logistic3A_130 = arith.constant 1.000000e+00 : f32
    %logistic3A_131 = vector.broadcast %logistic3A_130 : f32 to vector<2048x64xf32>
    %logistic3A_132 = arith.addf %logistic3A_131, %logistic3A_129 : vector<2048x64xf32>
    %logistic3A_133 = arith.divf %logistic3A_131, %logistic3A_132 : vector<2048x64xf32>
    %sub3A_134 = arith.subf %tanh3A, %logistic3A_133 : vector<2048x64xf32>
    %get3A_135 = arith.constant 0 : index
    %get3A_136 = vector.load %arg5[%get3A_135] : memref<2048xf32, #tpu.memory_space<vmem>>, vector<2048xf32>
    %reshape3A_137 = vector.shape_cast %get3A_136 : vector<2048xf32> to vector<2048x1xf32>
    %logistic3A_138 = arith.negf %reshape3A_137 : vector<2048x1xf32>
    %logistic3A_139 = math.exp %logistic3A_138 : vector<2048x1xf32>
    %logistic3A_140 = arith.constant 1.000000e+00 : f32
    %logistic3A_141 = vector.broadcast %logistic3A_140 : f32 to vector<2048x1xf32>
    %logistic3A_142 = arith.addf %logistic3A_141, %logistic3A_139 : vector<2048x1xf32>
    %logistic3A_143 = arith.divf %logistic3A_141, %logistic3A_142 : vector<2048x1xf32>
    %mul3A_144 = vector.broadcast %logistic3A_143 : vector<2048x1xf32> to vector<2048x64xf32>
    %mul3A_145 = arith.mulf %sub3A_134, %mul3A_144 : vector<2048x64xf32>
    %get3A_146 = arith.constant 0 : index
    %get3A_147 = arith.constant 0 : index
    %get3A_148 = vector.load %arg11[%get3A_146, %get3A_147] : memref<32x64xf32, #tpu.memory_space<vmem>>, vector<32x64xf32>
    %dot_general3A_149 = arith.constant dense<0.000000e+00> : vector<2048x32xf32>
    %dot_general3A_150 = tpu.matmul %mul3A_145, %get3A_148, %dot_general3A_149 {dimension_numbers = #tpu.dot_dimension_numbers<[1], [1], [0], [0], [0, 0, 1, 0], [], []>, transpose_lhs_hint = false} : vector<2048x64xf32>, vector<32x64xf32>, vector<2048x32xf32> -> vector<2048x32xf32>
    %get3A_151 = arith.constant 0 : index
    %get3A_152 = arith.constant 0 : index
    %get3A_153 = vector.load %arg12[%get3A_151, %get3A_152] : memref<1x32xf32, #tpu.memory_space<vmem>>, vector<1x32xf32>
    %add3A_154 = vector.broadcast %get3A_153 : vector<1x32xf32> to vector<2048x32xf32>
    %add3A_155 = arith.addf %dot_general3A_150, %add3A_154 : vector<2048x32xf32>
    %logistic3A_156 = arith.negf %add3A_155 : vector<2048x32xf32>
    %logistic3A_157 = math.exp %logistic3A_156 : vector<2048x32xf32>
    %logistic3A_158 = arith.constant 1.000000e+00 : f32
    %logistic3A_159 = vector.broadcast %logistic3A_158 : f32 to vector<2048x32xf32>
    %logistic3A_160 = arith.addf %logistic3A_159, %logistic3A_157 : vector<2048x32xf32>
    %logistic3A_161 = arith.divf %logistic3A_159, %logistic3A_160 : vector<2048x32xf32>
    %get3A_162 = arith.constant 0 : index
    %get3A_163 = arith.constant 0 : index
    %get3A_164 = vector.load %arg13[%get3A_162, %get3A_163] : memref<1x32xf32, #tpu.memory_space<vmem>>, vector<1x32xf32>
    %mul3A_165 = vector.broadcast %get3A_164 : vector<1x32xf32> to vector<2048x32xf32>
    %mul3A_166 = arith.mulf %logistic3A_161, %mul3A_165 : vector<2048x32xf32>
    %reduce_sum3A = arith.constant dense<0.000000e+00> : vector<2048xf32>
    %reduce_sum3A_167 = vector.multi_reduction <add>, %mul3A_166, %reduce_sum3A [1] : vector<2048x32xf32> to vector<2048xf32>
    %get3A_168 = arith.constant 0 : index
    %get3A_169 = arith.constant 0 : index
    %get3A_170 = vector.load %arg14[%get3A_168, %get3A_169] : memref<1x1xf32, #tpu.memory_space<vmem>>, vector<1x1xf32>
    %reshape3A_171 = vector.shape_cast %get3A_170 : vector<1x1xf32> to vector<1xf32>
    %add3A_172 = vector.broadcast %reshape3A_171 : vector<1xf32> to vector<2048xf32>
    %add3A_173 = arith.addf %reduce_sum3A_167, %add3A_172 : vector<2048xf32>
    %logistic3A_174 = arith.negf %add3A_173 : vector<2048xf32>
    %logistic3A_175 = math.exp %logistic3A_174 : vector<2048xf32>
    %logistic3A_176 = arith.constant 1.000000e+00 : f32
    %logistic3A_177 = vector.broadcast %logistic3A_176 : f32 to vector<2048xf32>
    %logistic3A_178 = arith.addf %logistic3A_177, %logistic3A_175 : vector<2048xf32>
    %logistic3A_179 = arith.divf %logistic3A_177, %logistic3A_178 : vector<2048xf32>
    %swap3A = arith.constant 0 : index
    %swap3A_180 = vector.load %arg15[%swap3A] : memref<2048xf32, #tpu.memory_space<vmem>>, vector<2048xf32>
    tpu.vector_store %arg15[%swap3A], %logistic3A_179 {strides = array<i32>} : memref<2048xf32, #tpu.memory_space<vmem>>, vector<2048xf32>,
    return
  }
  func.func @transform_0(%arg0: i32) -> i32 {
    %c0_i32 = arith.constant 0 : i32
    return %arg0 : i32
  }
  func.func @transform_1(%arg0: i32) -> (i32, i32) {
    %c0_i32 = arith.constant 0 : i32
    %c0_i32_0 = arith.constant 0 : i32
    return %arg0, %c0_i32 : i32, i32
  }
  func.func @transform_2(%arg0: i32) -> (i32, i32) {
    %c0_i32 = arith.constant 0 : i32
    %c0_i32_0 = arith.constant 0 : i32
    return %arg0, %c0_i32 : i32, i32
  }
  func.func @transform_3(%arg0: i32) -> (i32, i32) {
    %c0_i32 = arith.constant 0 : i32
    %c0_i32_0 = arith.constant 0 : i32
    return %arg0, %c0_i32 : i32, i32
  }
  func.func @transform_4(%arg0: i32) -> i32 {
    %c0_i32 = arith.constant 0 : i32
    return %arg0 : i32
  }
  func.func @transform_5(%arg0: i32) -> (i32, i32) {
    %add3A = arith.constant 4 : i32
    %add3A_0 = arith.addi %add3A, %arg0 : i32
    %c0_i32 = arith.constant 0 : i32
    %c0_i32_1 = arith.constant 0 : i32
    return %add3A_0, %c0_i32 : i32, i32
  }
  func.func @transform_6(%arg0: i32) -> (i32, i32) {
    %c0_i32 = arith.constant 0 : i32
    %c0_i32_0 = arith.constant 0 : i32
    %c0_i32_1 = arith.constant 0 : i32
    return %c0_i32, %c0_i32_0 : i32, i32
  }
  func.func @transform_7(%arg0: i32) -> (i32, i32) {
    %c0_i32 = arith.constant 0 : i32
    %c0_i32_0 = arith.constant 0 : i32
    %c0_i32_1 = arith.constant 0 : i32
    return %c0_i32, %c0_i32_0 : i32, i32
  }
  func.func @transform_8(%arg0: i32) -> (i32, i32) {
    %c0_i32 = arith.constant 0 : i32
    %c0_i32_0 = arith.constant 0 : i32
    %c0_i32_1 = arith.constant 0 : i32
    return %c0_i32, %c0_i32_0 : i32, i32
  }
  func.func @transform_9(%arg0: i32) -> (i32, i32) {
    %c0_i32 = arith.constant 0 : i32
    %c0_i32_0 = arith.constant 0 : i32
    %c0_i32_1 = arith.constant 0 : i32
    return %c0_i32, %c0_i32_0 : i32, i32
  }
  func.func @transform_10(%arg0: i32) -> (i32, i32) {
    %c0_i32 = arith.constant 0 : i32
    %c0_i32_0 = arith.constant 0 : i32
    %c0_i32_1 = arith.constant 0 : i32
    return %c0_i32, %c0_i32_0 : i32, i32
  }
  func.func @transform_11(%arg0: i32) -> (i32, i32) {
    %c0_i32 = arith.constant 0 : i32
    %c0_i32_0 = arith.constant 0 : i32
    %c0_i32_1 = arith.constant 0 : i32
    return %c0_i32, %c0_i32_0 : i32, i32
  }
  func.func @transform_12(%arg0: i32) -> (i32, i32) {
    %c0_i32 = arith.constant 0 : i32
    %c0_i32_0 = arith.constant 0 : i32
    %c0_i32_1 = arith.constant 0 : i32
    return %c0_i32, %c0_i32_0 : i32, i32
  }
  func.func @transform_13(%arg0: i32) -> (i32, i32) {
    %c0_i32 = arith.constant 0 : i32
    %c0_i32_0 = arith.constant 0 : i32
    %c0_i32_1 = arith.constant 0 : i32
    return %c0_i32, %c0_i32_0 : i32, i32
  }
  func.func @transform_14(%arg0: i32) -> i32 {
    %c0_i32 = arith.constant 0 : i32
    return %arg0 : i32
  }
}

module attributes {stable_mosaic.version = 14 : i64} {
  func.func @_tc_body(%arg0: i32, %arg1: memref<2048xf32, #tpu.memory_space<vmem>>, %arg2: memref<2048x127xf32, #tpu.memory_space<vmem>>, %arg3: memref<2048x127xf32, #tpu.memory_space<vmem>>, %arg4: memref<2048x128xf32, #tpu.memory_space<vmem>>, %arg5: memref<2048xf32, #tpu.memory_space<vmem>>, %arg6: memref<2048x128xf32, #tpu.memory_space<vmem>>, %arg7: memref<64x128xf32, #tpu.memory_space<vmem>>, %arg8: memref<1x64xf32, #tpu.memory_space<vmem>>, %arg9: memref<64x128xf32, #tpu.memory_space<vmem>>, %arg10: memref<1x64xf32, #tpu.memory_space<vmem>>, %arg11: memref<32x64xf32, #tpu.memory_space<vmem>>, %arg12: memref<1x32xf32, #tpu.memory_space<vmem>>, %arg13: memref<1x32xf32, #tpu.memory_space<vmem>>, %arg14: memref<1x1xf32, #tpu.memory_space<vmem>>, %arg15: memref<2048xf32, #tpu.memory_space<vmem>>) attributes {dimension_semantics = [#tpu.dimension_semantics<arbitrary>], iteration_bounds = array<i64: 4>, scalar_prefetch = 0 : i64, scratch_operands = 0 : i64, tpu.core_type = #tpu.core_type<tc>, window_params = [{transform_indices = @transform_0, window_bounds = array<i64: 2048>}, {transform_indices = @transform_1, window_bounds = array<i64: 2048, 127>}, {transform_indices = @transform_2, window_bounds = array<i64: 2048, 127>}, {transform_indices = @transform_3, window_bounds = array<i64: 2048, 128>}, {transform_indices = @transform_4, window_bounds = array<i64: 2048>}, {transform_indices = @transform_5, window_bounds = array<i64: 2048, 128>}, {pipeline_mode = #tpu.pipeline_mode<synchronous>, transform_indices = @transform_6, window_bounds = array<i64: 64, 128>}, {pipeline_mode = #tpu.pipeline_mode<synchronous>, transform_indices = @transform_7, window_bounds = array<i64: 1, 64>}, {pipeline_mode = #tpu.pipeline_mode<synchronous>, transform_indices = @transform_8, window_bounds = array<i64: 64, 128>}, {pipeline_mode = #tpu.pipeline_mode<synchronous>, transform_indices = @transform_9, window_bounds = array<i64: 1, 64>}, {pipeline_mode = #tpu.pipeline_mode<synchronous>, transform_indices = @transform_10, window_bounds = array<i64: 32, 64>}, {pipeline_mode = #tpu.pipeline_mode<synchronous>, transform_indices = @transform_11, window_bounds = array<i64: 1, 32>}, {pipeline_mode = #tpu.pipeline_mode<synchronous>, transform_indices = @transform_12, window_bounds = array<i64: 1, 32>}, {pipeline_mode = #tpu.pipeline_mode<synchronous>, transform_indices = @transform_13, window_bounds = array<i64: 1, 1>}, {transform_indices = @transform_14, window_bounds = array<i64: 2048>}]} {
    %get3A = arith.constant 0 : index
    %get3A_0 = arith.constant 0 : index
    %get3A_1 = vector.load %arg2[%get3A, %get3A_0] : memref<2048x127xf32, #tpu.memory_space<vmem>>, vector<2048x127xf32>
    %logistic3A = arith.negf %get3A_1 : vector<2048x127xf32>
    %logistic3A_2 = math.exp %logistic3A : vector<2048x127xf32>
    %logistic3A_3 = arith.constant 1.000000e+00 : f32
    %logistic3A_4 = vector.broadcast %logistic3A_3 : f32 to vector<2048x127xf32>
    %logistic3A_5 = arith.addf %logistic3A_4, %logistic3A_2 : vector<2048x127xf32>
    %logistic3A_6 = arith.divf %logistic3A_4, %logistic3A_5 : vector<2048x127xf32>
    %get3A_7 = arith.constant 0 : index
    %get3A_8 = arith.constant 0 : index
    %get3A_9 = vector.load %arg3[%get3A_7, %get3A_8] : memref<2048x127xf32, #tpu.memory_space<vmem>>, vector<2048x127xf32>
    %logistic3A_10 = arith.negf %get3A_9 : vector<2048x127xf32>
    %logistic3A_11 = math.exp %logistic3A_10 : vector<2048x127xf32>
    %logistic3A_12 = arith.constant 1.000000e+00 : f32
    %logistic3A_13 = vector.broadcast %logistic3A_12 : f32 to vector<2048x127xf32>
    %logistic3A_14 = arith.addf %logistic3A_13, %logistic3A_11 : vector<2048x127xf32>
    %logistic3A_15 = arith.divf %logistic3A_13, %logistic3A_14 : vector<2048x127xf32>
    %get3A_16 = arith.constant 0 : index
    %get3A_17 = vector.load %arg1[%get3A_16] : memref<2048xf32, #tpu.memory_space<vmem>>, vector<2048xf32>
    %reshape3A = vector.shape_cast %get3A_17 : vector<2048xf32> to vector<2048x1xf32>
    %logistic3A_18 = arith.negf %reshape3A : vector<2048x1xf32>
    %logistic3A_19 = math.exp %logistic3A_18 : vector<2048x1xf32>
    %logistic3A_20 = arith.constant 1.000000e+00 : f32
    %logistic3A_21 = vector.broadcast %logistic3A_20 : f32 to vector<2048x1xf32>
    %logistic3A_22 = arith.addf %logistic3A_21, %logistic3A_19 : vector<2048x1xf32>
    %logistic3A_23 = arith.divf %logistic3A_21, %logistic3A_22 : vector<2048x1xf32>
    %broadcast_in_dim3A = arith.constant 0.000000e+00 : f32
    %broadcast_in_dim3A_24 = vector.broadcast %broadcast_in_dim3A : f32 to vector<2048x1xf32>
    %sub3A = arith.subf %logistic3A_6, %logistic3A_15 : vector<2048x127xf32>
    %concatenate3A = tpu.concatenate %broadcast_in_dim3A_24, %sub3A in 1 : vector<2048x1xf32>, vector<2048x127xf32> -> vector<2048x128xf32>
    %concatenate3A_25 = tpu.concatenate %logistic3A_23, %logistic3A_15 in 1 : vector<2048x1xf32>, vector<2048x127xf32> -> vector<2048x128xf32>
    %broadcast_in_dim3A_26 = arith.constant 0.000000e+00 : f32
    %broadcast_in_dim3A_27 = vector.broadcast %broadcast_in_dim3A_26 : f32 to vector<2048x1xf32>
    %slice3A = vector.extract_strided_slice %concatenate3A_25 {offsets = [0, 0], sizes = [2048, 127], strides = [1, 1]} : vector<2048x128xf32> to vector<2048x127xf32>
    %concatenate3A_28 = tpu.concatenate %broadcast_in_dim3A_27, %slice3A in 1 : vector<2048x1xf32>, vector<2048x127xf32> -> vector<2048x128xf32>
    %mul3A = arith.mulf %concatenate3A, %concatenate3A_28 : vector<2048x128xf32>
    %add3A = arith.addf %mul3A, %concatenate3A_25 : vector<2048x128xf32>
    %broadcast_in_dim3A_29 = arith.constant 1.000000e+00 : f32
    %broadcast_in_dim3A_30 = vector.broadcast %broadcast_in_dim3A_29 : f32 to vector<2048x1xf32>
    %slice3A_31 = vector.extract_strided_slice %concatenate3A {offsets = [0, 0], sizes = [2048, 127], strides = [1, 1]} : vector<2048x128xf32> to vector<2048x127xf32>
    %concatenate3A_32 = tpu.concatenate %broadcast_in_dim3A_30, %slice3A_31 in 1 : vector<2048x1xf32>, vector<2048x127xf32> -> vector<2048x128xf32>
    %mul3A_33 = arith.mulf %concatenate3A, %concatenate3A_32 : vector<2048x128xf32>
    %broadcast_in_dim3A_34 = arith.constant 0.000000e+00 : f32
    %broadcast_in_dim3A_35 = vector.broadcast %broadcast_in_dim3A_34 : f32 to vector<2048x2xf32>
    %slice3A_36 = vector.extract_strided_slice %add3A {offsets = [0, 0], sizes = [2048, 126], strides = [1, 1]} : vector<2048x128xf32> to vector<2048x126xf32>
    %concatenate3A_37 = tpu.concatenate %broadcast_in_dim3A_35, %slice3A_36 in 1 : vector<2048x2xf32>, vector<2048x126xf32> -> vector<2048x128xf32>
    %mul3A_38 = arith.mulf %mul3A_33, %concatenate3A_37 : vector<2048x128xf32>
    %add3A_39 = arith.addf %mul3A_38, %add3A : vector<2048x128xf32>
    %broadcast_in_dim3A_40 = arith.constant 1.000000e+00 : f32
    %broadcast_in_dim3A_41 = vector.broadcast %broadcast_in_dim3A_40 : f32 to vector<2048x2xf32>
    %slice3A_42 = vector.extract_strided_slice %mul3A_33 {offsets = [0, 0], sizes = [2048, 126], strides = [1, 1]} : vector<2048x128xf32> to vector<2048x126xf32>
    %concatenate3A_43 = tpu.concatenate %broadcast_in_dim3A_41, %slice3A_42 in 1 : vector<2048x2xf32>, vector<2048x126xf32> -> vector<2048x128xf32>
    %mul3A_44 = arith.mulf %mul3A_33, %concatenate3A_43 : vector<2048x128xf32>
    %broadcast_in_dim3A_45 = arith.constant 0.000000e+00 : f32
    %broadcast_in_dim3A_46 = vector.broadcast %broadcast_in_dim3A_45 : f32 to vector<2048x4xf32>
    %slice3A_47 = vector.extract_strided_slice %add3A_39 {offsets = [0, 0], sizes = [2048, 124], strides = [1, 1]} : vector<2048x128xf32> to vector<2048x124xf32>
    %concatenate3A_48 = tpu.concatenate %broadcast_in_dim3A_46, %slice3A_47 in 1 : vector<2048x4xf32>, vector<2048x124xf32> -> vector<2048x128xf32>
    %mul3A_49 = arith.mulf %mul3A_44, %concatenate3A_48 : vector<2048x128xf32>
    %add3A_50 = arith.addf %mul3A_49, %add3A_39 : vector<2048x128xf32>
    %broadcast_in_dim3A_51 = arith.constant 1.000000e+00 : f32
    %broadcast_in_dim3A_52 = vector.broadcast %broadcast_in_dim3A_51 : f32 to vector<2048x4xf32>
    %slice3A_53 = vector.extract_strided_slice %mul3A_44 {offsets = [0, 0], sizes = [2048, 124], strides = [1, 1]} : vector<2048x128xf32> to vector<2048x124xf32>
    %concatenate3A_54 = tpu.concatenate %broadcast_in_dim3A_52, %slice3A_53 in 1 : vector<2048x4xf32>, vector<2048x124xf32> -> vector<2048x128xf32>
    %mul3A_55 = arith.mulf %mul3A_44, %concatenate3A_54 : vector<2048x128xf32>
    %broadcast_in_dim3A_56 = arith.constant 0.000000e+00 : f32
    %broadcast_in_dim3A_57 = vector.broadcast %broadcast_in_dim3A_56 : f32 to vector<2048x8xf32>
    %slice3A_58 = vector.extract_strided_slice %add3A_50 {offsets = [0, 0], sizes = [2048, 120], strides = [1, 1]} : vector<2048x128xf32> to vector<2048x120xf32>
    %concatenate3A_59 = tpu.concatenate %broadcast_in_dim3A_57, %slice3A_58 in 1 : vector<2048x8xf32>, vector<2048x120xf32> -> vector<2048x128xf32>
    %mul3A_60 = arith.mulf %mul3A_55, %concatenate3A_59 : vector<2048x128xf32>
    %add3A_61 = arith.addf %mul3A_60, %add3A_50 : vector<2048x128xf32>
    %broadcast_in_dim3A_62 = arith.constant 1.000000e+00 : f32
    %broadcast_in_dim3A_63 = vector.broadcast %broadcast_in_dim3A_62 : f32 to vector<2048x8xf32>
    %slice3A_64 = vector.extract_strided_slice %mul3A_55 {offsets = [0, 0], sizes = [2048, 120], strides = [1, 1]} : vector<2048x128xf32> to vector<2048x120xf32>
    %concatenate3A_65 = tpu.concatenate %broadcast_in_dim3A_63, %slice3A_64 in 1 : vector<2048x8xf32>, vector<2048x120xf32> -> vector<2048x128xf32>
    %mul3A_66 = arith.mulf %mul3A_55, %concatenate3A_65 : vector<2048x128xf32>
    %broadcast_in_dim3A_67 = arith.constant 0.000000e+00 : f32
    %broadcast_in_dim3A_68 = vector.broadcast %broadcast_in_dim3A_67 : f32 to vector<2048x16xf32>
    %slice3A_69 = vector.extract_strided_slice %add3A_61 {offsets = [0, 0], sizes = [2048, 112], strides = [1, 1]} : vector<2048x128xf32> to vector<2048x112xf32>
    %concatenate3A_70 = tpu.concatenate %broadcast_in_dim3A_68, %slice3A_69 in 1 : vector<2048x16xf32>, vector<2048x112xf32> -> vector<2048x128xf32>
    %mul3A_71 = arith.mulf %mul3A_66, %concatenate3A_70 : vector<2048x128xf32>
    %add3A_72 = arith.addf %mul3A_71, %add3A_61 : vector<2048x128xf32>
    %broadcast_in_dim3A_73 = arith.constant 1.000000e+00 : f32
    %broadcast_in_dim3A_74 = vector.broadcast %broadcast_in_dim3A_73 : f32 to vector<2048x16xf32>
    %slice3A_75 = vector.extract_strided_slice %mul3A_66 {offsets = [0, 0], sizes = [2048, 112], strides = [1, 1]} : vector<2048x128xf32> to vector<2048x112xf32>
    %concatenate3A_76 = tpu.concatenate %broadcast_in_dim3A_74, %slice3A_75 in 1 : vector<2048x16xf32>, vector<2048x112xf32> -> vector<2048x128xf32>
    %mul3A_77 = arith.mulf %mul3A_66, %concatenate3A_76 : vector<2048x128xf32>
    %broadcast_in_dim3A_78 = arith.constant 0.000000e+00 : f32
    %broadcast_in_dim3A_79 = vector.broadcast %broadcast_in_dim3A_78 : f32 to vector<2048x32xf32>
    %slice3A_80 = vector.extract_strided_slice %add3A_72 {offsets = [0, 0], sizes = [2048, 96], strides = [1, 1]} : vector<2048x128xf32> to vector<2048x96xf32>
    %concatenate3A_81 = tpu.concatenate %broadcast_in_dim3A_79, %slice3A_80 in 1 : vector<2048x32xf32>, vector<2048x96xf32> -> vector<2048x128xf32>
    %mul3A_82 = arith.mulf %mul3A_77, %concatenate3A_81 : vector<2048x128xf32>
    %add3A_83 = arith.addf %mul3A_82, %add3A_72 : vector<2048x128xf32>
    %broadcast_in_dim3A_84 = arith.constant 1.000000e+00 : f32
    %broadcast_in_dim3A_85 = vector.broadcast %broadcast_in_dim3A_84 : f32 to vector<2048x32xf32>
    %slice3A_86 = vector.extract_strided_slice %mul3A_77 {offsets = [0, 0], sizes = [2048, 96], strides = [1, 1]} : vector<2048x128xf32> to vector<2048x96xf32>
    %concatenate3A_87 = tpu.concatenate %broadcast_in_dim3A_85, %slice3A_86 in 1 : vector<2048x32xf32>, vector<2048x96xf32> -> vector<2048x128xf32>
    %mul3A_88 = arith.mulf %mul3A_77, %concatenate3A_87 : vector<2048x128xf32>
    %broadcast_in_dim3A_89 = arith.constant 0.000000e+00 : f32
    %broadcast_in_dim3A_90 = vector.broadcast %broadcast_in_dim3A_89 : f32 to vector<2048x64xf32>
    %slice3A_91 = vector.extract_strided_slice %add3A_83 {offsets = [0, 0], sizes = [2048, 64], strides = [1, 1]} : vector<2048x128xf32> to vector<2048x64xf32>
    %concatenate3A_92 = tpu.concatenate %broadcast_in_dim3A_90, %slice3A_91 in 1 : vector<2048x64xf32>, vector<2048x64xf32> -> vector<2048x128xf32>
    %mul3A_93 = arith.mulf %mul3A_88, %concatenate3A_92 : vector<2048x128xf32>
    %add3A_94 = arith.addf %mul3A_93, %add3A_83 : vector<2048x128xf32>
    %get3A_95 = arith.constant 0 : index
    %get3A_96 = arith.constant 0 : index
    %get3A_97 = vector.load %arg6[%get3A_95, %get3A_96] : memref<2048x128xf32, #tpu.memory_space<vmem>>, vector<2048x128xf32>
    %mul3A_98 = arith.mulf %add3A_94, %get3A_97 : vector<2048x128xf32>
    %get3A_99 = arith.constant 0 : index
    %get3A_100 = arith.constant 0 : index
    %get3A_101 = vector.load %arg7[%get3A_99, %get3A_100] : memref<64x128xf32, #tpu.memory_space<vmem>>, vector<64x128xf32>
    %dot_general3A = arith.constant dense<0.000000e+00> : vector<2048x64xf32>
    %dot_general3A_102 = tpu.matmul %mul3A_98, %get3A_101, %dot_general3A {dimension_numbers = #tpu.dot_dimension_numbers<[1], [1], [0], [0], [0, 0, 1, 0], [], []>, transpose_lhs_hint = false} : vector<2048x128xf32>, vector<64x128xf32>, vector<2048x64xf32> -> vector<2048x64xf32>
    %get3A_103 = arith.constant 0 : index
    %get3A_104 = arith.constant 0 : index
    %get3A_105 = vector.load %arg8[%get3A_103, %get3A_104] : memref<1x64xf32, #tpu.memory_space<vmem>>, vector<1x64xf32>
    %add3A_106 = vector.broadcast %get3A_105 : vector<1x64xf32> to vector<2048x64xf32>
    %add3A_107 = arith.addf %dot_general3A_102, %add3A_106 : vector<2048x64xf32>
    %tanh3A = math.tanh %add3A_107 : vector<2048x64xf32>
    %get3A_108 = arith.constant 0 : index
    %get3A_109 = arith.constant 0 : index
    %get3A_110 = vector.load %arg4[%get3A_108, %get3A_109] : memref<2048x128xf32, #tpu.memory_space<vmem>>, vector<2048x128xf32>
    %logistic3A_111 = arith.negf %get3A_110 : vector<2048x128xf32>
    %logistic3A_112 = math.exp %logistic3A_111 : vector<2048x128xf32>
    %logistic3A_113 = arith.constant 1.000000e+00 : f32
    %logistic3A_114 = vector.broadcast %logistic3A_113 : f32 to vector<2048x128xf32>
    %logistic3A_115 = arith.addf %logistic3A_114, %logistic3A_112 : vector<2048x128xf32>
    %logistic3A_116 = arith.divf %logistic3A_114, %logistic3A_115 : vector<2048x128xf32>
    %mul3A_117 = arith.mulf %logistic3A_116, %get3A_97 : vector<2048x128xf32>
    %get3A_118 = arith.constant 0 : index
    %get3A_119 = arith.constant 0 : index
    %get3A_120 = vector.load %arg9[%get3A_118, %get3A_119] : memref<64x128xf32, #tpu.memory_space<vmem>>, vector<64x128xf32>
    %dot_general3A_121 = arith.constant dense<0.000000e+00> : vector<2048x64xf32>
    %dot_general3A_122 = tpu.matmul %mul3A_117, %get3A_120, %dot_general3A_121 {dimension_numbers = #tpu.dot_dimension_numbers<[1], [1], [0], [0], [0, 0, 1, 0], [], []>, transpose_lhs_hint = false} : vector<2048x128xf32>, vector<64x128xf32>, vector<2048x64xf32> -> vector<2048x64xf32>
    %get3A_123 = arith.constant 0 : index
    %get3A_124 = arith.constant 0 : index
    %get3A_125 = vector.load %arg10[%get3A_123, %get3A_124] : memref<1x64xf32, #tpu.memory_space<vmem>>, vector<1x64xf32>
    %add3A_126 = vector.broadcast %get3A_125 : vector<1x64xf32> to vector<2048x64xf32>
    %add3A_127 = arith.addf %dot_general3A_122, %add3A_126 : vector<2048x64xf32>
    %logistic3A_128 = arith.negf %add3A_127 : vector<2048x64xf32>
    %logistic3A_129 = math.exp %logistic3A_128 : vector<2048x64xf32>
    %logistic3A_130 = arith.constant 1.000000e+00 : f32
    %logistic3A_131 = vector.broadcast %logistic3A_130 : f32 to vector<2048x64xf32>
    %logistic3A_132 = arith.addf %logistic3A_131, %logistic3A_129 : vector<2048x64xf32>
    %logistic3A_133 = arith.divf %logistic3A_131, %logistic3A_132 : vector<2048x64xf32>
    %sub3A_134 = arith.subf %tanh3A, %logistic3A_133 : vector<2048x64xf32>
    %get3A_135 = arith.constant 0 : index
    %get3A_136 = vector.load %arg5[%get3A_135] : memref<2048xf32, #tpu.memory_space<vmem>>, vector<2048xf32>
    %reshape3A_137 = vector.shape_cast %get3A_136 : vector<2048xf32> to vector<2048x1xf32>
    %logistic3A_138 = arith.negf %reshape3A_137 : vector<2048x1xf32>
    %logistic3A_139 = math.exp %logistic3A_138 : vector<2048x1xf32>
    %logistic3A_140 = arith.constant 1.000000e+00 : f32
    %logistic3A_141 = vector.broadcast %logistic3A_140 : f32 to vector<2048x1xf32>
    %logistic3A_142 = arith.addf %logistic3A_141, %logistic3A_139 : vector<2048x1xf32>
    %logistic3A_143 = arith.divf %logistic3A_141, %logistic3A_142 : vector<2048x1xf32>
    %mul3A_144 = vector.broadcast %logistic3A_143 : vector<2048x1xf32> to vector<2048x64xf32>
    %mul3A_145 = arith.mulf %sub3A_134, %mul3A_144 : vector<2048x64xf32>
    %get3A_146 = arith.constant 0 : index
    %get3A_147 = arith.constant 0 : index
    %get3A_148 = vector.load %arg11[%get3A_146, %get3A_147] : memref<32x64xf32, #tpu.memory_space<vmem>>, vector<32x64xf32>
    %dot_general3A_149 = arith.constant dense<0.000000e+00> : vector<2048x32xf32>
    %dot_general3A_150 = tpu.matmul %mul3A_145, %get3A_148, %dot_general3A_149 {dimension_numbers = #tpu.dot_dimension_numbers<[1], [1], [0], [0], [0, 0, 1, 0], [], []>, transpose_lhs_hint = false} : vector<2048x64xf32>, vector<32x64xf32>, vector<2048x32xf32> -> vector<2048x32xf32>
    %get3A_151 = arith.constant 0 : index
    %get3A_152 = arith.constant 0 : index
    %get3A_153 = vector.load %arg12[%get3A_151, %get3A_152] : memref<1x32xf32, #tpu.memory_space<vmem>>, vector<1x32xf32>
    %add3A_154 = vector.broadcast %get3A_153 : vector<1x32xf32> to vector<2048x32xf32>
    %add3A_155 = arith.addf %dot_general3A_150, %add3A_154 : vector<2048x32xf32>
    %logistic3A_156 = arith.negf %add3A_155 : vector<2048x32xf32>
    %logistic3A_157 = math.exp %logistic3A_156 : vector<2048x32xf32>
    %logistic3A_158 = arith.constant 1.000000e+00 : f32
    %logistic3A_159 = vector.broadcast %logistic3A_158 : f32 to vector<2048x32xf32>
    %logistic3A_160 = arith.addf %logistic3A_159, %logistic3A_157 : vector<2048x32xf32>
    %logistic3A_161 = arith.divf %logistic3A_159, %logistic3A_160 : vector<2048x32xf32>
    %get3A_162 = arith.constant 0 : index
    %get3A_163 = arith.constant 0 : index
    %get3A_164 = vector.load %arg13[%get3A_162, %get3A_163] : memref<1x32xf32, #tpu.memory_space<vmem>>, vector<1x32xf32>
    %mul3A_165 = vector.broadcast %get3A_164 : vector<1x32xf32> to vector<2048x32xf32>
    %mul3A_166 = arith.mulf %logistic3A_161, %mul3A_165 : vector<2048x32xf32>
    %reduce_sum3A = arith.constant dense<0.000000e+00> : vector<2048xf32>
    %reduce_sum3A_167 = vector.multi_reduction <add>, %mul3A_166, %reduce_sum3A [1] : vector<2048x32xf32> to vector<2048xf32>
    %get3A_168 = arith.constant 0 : index
    %get3A_169 = arith.constant 0 : index
    %get3A_170 = vector.load %arg14[%get3A_168, %get3A_169] : memref<1x1xf32, #tpu.memory_space<vmem>>, vector<1x1xf32>
    %reshape3A_171 = vector.shape_cast %get3A_170 : vector<1x1xf32> to vector<1xf32>
    %add3A_172 = vector.broadcast %reshape3A_171 : vector<1xf32> to vector<2048xf32>
    %add3A_173 = arith.addf %reduce_sum3A_167, %add3A_172 : vector<2048xf32>
    %logistic3A_174 = arith.negf %add3A_173 : vector<2048xf32>
    %logistic3A_175 = math.exp %logistic3A_174 : vector<2048xf32>
    %logistic3A_176 = arith.constant 1.000000e+00 : f32
    %logistic3A_177 = vector.broadcast %logistic3A_176 : f32 to vector<2048xf32>
    %logistic3A_178 = arith.addf %logistic3A_177, %logistic3A_175 : vector<2048xf32>
    %logistic3A_179 = arith.divf %logistic3A_177, %logistic3A_178 : vector<2048xf32>
    %swap3A = arith.constant 0 : index
    %swap3A_180 = vector.load %arg15[%swap3A] : memref<2048xf32, #tpu.memory_space<vmem>>, vector<2048xf32>
    tpu.vector_store %arg15[%swap3A], %logistic3A_179 {strides = array<i32>} : memref<2048xf32, #tpu.memory_space<vmem>>, vector<2048xf32>,
    return
  }
  func.func @transform_0(%arg0: i32) -> i32 {
    %c0_i32 = arith.constant 0 : i32
    return %arg0 : i32
  }
  func.func @transform_1(%arg0: i32) -> (i32, i32) {
    %c0_i32 = arith.constant 0 : i32
    %c0_i32_0 = arith.constant 0 : i32
    return %arg0, %c0_i32 : i32, i32
  }
  func.func @transform_2(%arg0: i32) -> (i32, i32) {
    %c0_i32 = arith.constant 0 : i32
    %c0_i32_0 = arith.constant 0 : i32
    return %arg0, %c0_i32 : i32, i32
  }
  func.func @transform_3(%arg0: i32) -> (i32, i32) {
    %c0_i32 = arith.constant 0 : i32
    %c0_i32_0 = arith.constant 0 : i32
    return %arg0, %c0_i32 : i32, i32
  }
  func.func @transform_4(%arg0: i32) -> i32 {
    %c0_i32 = arith.constant 0 : i32
    return %arg0 : i32
  }
  func.func @transform_5(%arg0: i32) -> (i32, i32) {
    %add3A = arith.constant 0 : i32
    %add3A_0 = arith.addi %add3A, %arg0 : i32
    %c0_i32 = arith.constant 0 : i32
    %c0_i32_1 = arith.constant 0 : i32
    return %add3A_0, %c0_i32 : i32, i32
  }
  func.func @transform_6(%arg0: i32) -> (i32, i32) {
    %c0_i32 = arith.constant 0 : i32
    %c0_i32_0 = arith.constant 0 : i32
    %c0_i32_1 = arith.constant 0 : i32
    return %c0_i32, %c0_i32_0 : i32, i32
  }
  func.func @transform_7(%arg0: i32) -> (i32, i32) {
    %c0_i32 = arith.constant 0 : i32
    %c0_i32_0 = arith.constant 0 : i32
    %c0_i32_1 = arith.constant 0 : i32
    return %c0_i32, %c0_i32_0 : i32, i32
  }
  func.func @transform_8(%arg0: i32) -> (i32, i32) {
    %c0_i32 = arith.constant 0 : i32
    %c0_i32_0 = arith.constant 0 : i32
    %c0_i32_1 = arith.constant 0 : i32
    return %c0_i32, %c0_i32_0 : i32, i32
  }
  func.func @transform_9(%arg0: i32) -> (i32, i32) {
    %c0_i32 = arith.constant 0 : i32
    %c0_i32_0 = arith.constant 0 : i32
    %c0_i32_1 = arith.constant 0 : i32
    return %c0_i32, %c0_i32_0 : i32, i32
  }
  func.func @transform_10(%arg0: i32) -> (i32, i32) {
    %c0_i32 = arith.constant 0 : i32
    %c0_i32_0 = arith.constant 0 : i32
    %c0_i32_1 = arith.constant 0 : i32
    return %c0_i32, %c0_i32_0 : i32, i32
  }
  func.func @transform_11(%arg0: i32) -> (i32, i32) {
    %c0_i32 = arith.constant 0 : i32
    %c0_i32_0 = arith.constant 0 : i32
    %c0_i32_1 = arith.constant 0 : i32
    return %c0_i32, %c0_i32_0 : i32, i32
  }
  func.func @transform_12(%arg0: i32) -> (i32, i32) {
    %c0_i32 = arith.constant 0 : i32
    %c0_i32_0 = arith.constant 0 : i32
    %c0_i32_1 = arith.constant 0 : i32
    return %c0_i32, %c0_i32_0 : i32, i32
  }
  func.func @transform_13(%arg0: i32) -> (i32, i32) {
    %c0_i32 = arith.constant 0 : i32
    %c0_i32_0 = arith.constant 0 : i32
    %c0_i32_1 = arith.constant 0 : i32
    return %c0_i32, %c0_i32_0 : i32, i32
  }
  func.func @transform_14(%arg0: i32) -> i32 {
    %c0_i32 = arith.constant 0 : i32
    return %arg0 : i32
  }
}

</mosaic_0001>

<sc_bundles>
// kernel: gather_offload_async_start.1
scs
__scs_entry_jumppad:
0x0: {  	(pc) =	sbr.rel $0x88, $3  }
0x1: {  	(tag) =	ssettag $0x0;
	lr =	simm.s32 $0x1  }
0x2: {  	[smem:$0x3F91] =	sst lr;
	_ =	strace $0xD0000000  }
0x3: {  	_ = 	snop  }
0x4: {  	_ = 	snop  }
0x5: {  	_ = 	snop  }
0x6: {  	_ = 	snop  }
0x7: {  	_ = 	snop  }
__scs_overlays_trampoline_lowered:
0x8: {  	[smem:$0x3FA0] =	sst s0  }
0x9: {  	[smem:$0x3FA1] =	sst s1  }
0xa: {  	[smem:$0x3FA2] =	sst s2  }
0xb: {  	[smem:$0x3FA3] =	sst s3  }
0xc: {  	[smem:$0x3FA4] =	sst s4  }
0xd: {  	[smem:$0x3FA5] =	sst s5  }
0xe: {  	[smem:$0x3FA6] =	sst s6  }
0xf: {  	[smem:$0x3FA7] =	sst s7  }
0x10: {  	[smem:$0x3FA8] =	sst s8  }
0x11: {  	[smem:$0x3FA9] =	sst s9;
	s0 =	simm.s32 @!p0 $0x0  }
0x12: {  	s1 =	sld [smem:$0x3F8F];
	s0 =	simm.s32 @p0 $0x1  }
0x13: {  	[smem:$0x3FAA] =	sst s0;
	s0 =	simm.s32 @!p1 $0x0  }
0x14: {  	s2 =	sld [smem:$0x3F8E];
	s0 =	simm.s32 @p1 $0x1  }
0x15: {  	[smem:$0x3FAB] =	sst s0;
	s0 =	simm.s32 @!p2 $0x0  }
0x16: {  	s3 =	sld [smem:$0x3FDB];
	s0 =	simm.s32 @p2 $0x1  }
0x17: {  	s4 =	simm.s32 $0x1BF5;
	[smem:$0x3FAD] =	sst s0  }
0x18: {  	s0 =	sld [smem:$0x3F90];
	_ =	swait.ge [sflag:s4], $0x0  }
0x19: {  	s7 =	sld [smem:$0x3F91]  }
0x1a: {  	s8 =	sadd.s32 $0xFFFFE003, lr  }
0x1b: {  	s9 =	sadd.s32 $0xFFFFFEF7, lr;
	s5 =	simm.s32 $0xFFFFFFFF;
	p2 =	slt.u32 s8, $0xFFFFF086  }
0x1c: {  	p1 =	slt.u32 s9, $0xF7A;
	s5 =	simm.s32 @!p2 $0x0  }
0x1d: {  	s5 =	simm.s32 @p1 $0x1;
	p0 =	seq.s32 s7, s2  }
0x1e: {  	s7 =	smul.u32 @!p0 $0xF7A, s2;
	p2 =	seq.s32 @!p0 s5, $0x0  }
0x1f: {  	s9 =	smul.u32 $0xF7A, s1;
	s8 =	simm.s32 @!p0 $0x1BF5;
	p2 =	por !p2, p0  }
0x20: {  	[sflag:s8] =	ssyncset.s32 @!p0 $0xFFFFF086;
	s6 =	sadd.s32 @!p0 s3, s7;
	s7 =	simm.s32 @!p0 $0x108  }
0x21: {  	s3 =	sadd.s32 s3, s9;
	s6 =	sadd.s32 @!p0 $0x88, s6;
	s7 =	simm.s32 @p2 $0x1082  }
0x22: {  	[simem:s7], [sflag:s8] =	dma.local @!p0 [hbm:s6], $0xF7A  }
0x23: {  	s9 =	sor.u32 $0xD0000000, s2;
	s6 =	simm.s32 $0x108;
	_ =	swait.ge @!p0 [sflag:s8], $0x0  }
0x24: {  	s3 =	sadd.s32 $0x88, s3;
	s6 =	simm.s32 @!p1 $0x1082;
	[sflag:s4] =	ssyncset.s32 $0xFFFFF086  }
0x25: {  	[simem:s6], [sflag:s4] =	dma.local [hbm:s3], $0xF7A  }
0x26: {  	[smem:$0x3F91] =	sst s1;
	(tag) =	ssettag s2;
	_ =	strace s9  }
0x27: {  	s1 =	sld [smem:$0x3FA1]  }
0x28: {  	s2 =	sld [smem:$0x3FA2]  }
0x29: {  	s4 =	sld [smem:$0x3FA4]  }
0x2a: {  	p0 =	seq.s32 s5, $0x0;
	s5 =	sld [smem:$0x3FA5]  }
0x2b: {  	s6 =	sld [smem:$0x3FA6]  }
0x2c: {  	s7 =	sld [smem:$0x3FA7]  }
0x2d: {  	s3 =	simm.s32 $0x108;
	s8 =	sld [smem:$0x3FA8]  }
0x2e: {  	s3 =	simm.s32 @!p0 $0x1082;
	s9 =	sld [smem:$0x3FA9]  }
0x2f: {  	lr =	sadd.s32 s0, s3;
	s0 =	sld [smem:$0x3FA0]  }
0x30: {  	s3 =	sld [smem:$0x3FA3]  }
0x31: {  	[smem:$0x3FAC] =	sst s10  }
0x32: {  	s10 =	sld [smem:$0x3FAA];
	_ =	sdelay $0x3  }
0x33: {  	p0 =	seq.s32 s10, $0x1;
	s10 =	sld [smem:$0x3FAC];
	_ =	sdelay $0x3  }
0x34: {  	[smem:$0x3FAC] =	sst s10  }
0x35: {  	s10 =	sld [smem:$0x3FAB];
	_ =	sdelay $0x3  }
0x36: {  	p1 =	seq.s32 s10, $0x1;
	s10 =	sld [smem:$0x3FAC];
	_ =	sdelay $0x3  }
0x37: {  	[smem:$0x3FAC] =	sst s10  }
0x38: {  	s10 =	sld [smem:$0x3FAD]  }
0x39: {  	_ = 	snop;
	(pc) =	sbr.ind lr, $3  }
0x3a: {  	_ = 	snop  }
0x3b: {  	_ = 	snop  }
0x3c: {  	p2 =	seq.s32 s10, $0x1;
	s10 =	sld [smem:$0x3FAC]  }
0x3d: {  	_ =	shalt  }
0x3e: {  	_ =	shalt  }
0x3f: {  	_ =	shalt  }
0x40: {  	_ =	shalt  }
0x41: {  	_ =	shalt  }
0x42: {  	_ =	shalt  }
0x43: {  	_ =	shalt  }
0x44: {  	_ =	shalt  }
0x45: {  	_ =	shalt  }
0x46: {  	_ =	shalt  }
0x47: {  	_ =	shalt  }
0x48: {  	_ =	shalt  }
0x49: {  	_ =	shalt  }
0x4a: {  	_ =	shalt  }
0x4b: {  	_ =	shalt  }
0x4c: {  	_ =	shalt  }
0x4d: {  	_ =	shalt  }
0x4e: {  	_ =	shalt  }
0x4f: {  	_ =	shalt  }
0x50: {  	_ =	shalt  }
0x51: {  	_ =	shalt  }
0x52: {  	_ =	shalt  }
0x53: {  	_ =	shalt  }
0x54: {  	_ =	shalt  }
0x55: {  	_ =	shalt  }
0x56: {  	_ =	shalt  }
0x57: {  	_ =	shalt  }
0x58: {  	_ =	shalt  }
0x59: {  	_ =	shalt  }
0x5a: {  	_ =	shalt  }
0x5b: {  	_ =	shalt  }
0x5c: {  	_ =	shalt  }
0x5d: {  	_ =	shalt  }
0x5e: {  	_ =	shalt  }
0x5f: {  	_ =	shalt  }
0x60: {  	_ =	shalt  }
0x61: {  	_ =	shalt  }
0x62: {  	_ =	shalt  }
0x63: {  	_ =	shalt  }
0x64: {  	_ =	shalt  }
0x65: {  	_ =	shalt  }
0x66: {  	_ =	shalt  }
0x67: {  	_ =	shalt  }
0x68: {  	_ =	shalt  }
0x69: {  	_ =	shalt  }
0x6a: {  	_ =	shalt  }
0x6b: {  	_ =	shalt  }
0x6c: {  	_ =	shalt  }
0x6d: {  	_ =	shalt  }
0x6e: {  	_ =	shalt  }
0x6f: {  	_ =	shalt  }
0x70: {  	_ =	shalt  }
0x71: {  	_ =	shalt  }
0x72: {  	_ =	shalt  }
0x73: {  	_ =	shalt  }
0x74: {  	_ =	shalt  }
0x75: {  	_ =	shalt  }
0x76: {  	_ =	shalt  }
0x77: {  	_ =	shalt  }
0x78: {  	_ =	shalt  }
0x79: {  	_ =	shalt  }
0x7a: {  	_ =	shalt  }
0x7b: {  	_ =	shalt  }
0x7c: {  	_ =	shalt  }
0x7d: {  	_ =	shalt  }
0x7e: {  	_ =	shalt  }
0x7f: {  	_ =	shalt  }
0x80: {  	_ =	shalt  }
0x81: {  	_ =	shalt  }
0x82: {  	_ =	shalt  }
0x83: {  	_ =	shalt  }
0x84: {  	_ =	shalt  }
0x85: {  	_ =	shalt  }
0x86: {  	_ =	shalt  }
0x87: {  	_ =	shalt  }
.Lfunc_end0:
.L_simem_size_0:
called_computation.1_lowered:
.L_overlay_start_0:
0x88: {  	s2 =	sld [smem:$0x3FD9]  }
0x89: {  	s3 =	sld [smem:$0x3FFE];
	_ =	sdelay $0x1  }
0x8a: {  	s1 =	srdreg.scid  }
0x8b: {  	s0 =	sand.u32 $0x1, s1  }
0x8c: {  	s17 =	sshll.u32 s0, $0xA;
	s2 =	sadd.s32 s3, s2  }
0x8d: {  	s2 =	sadd.s32 s2, s17  }
0x8e: {  	[smem:$0x3FB8] =	sst s2  }
0x8f: {  	_ = 	snop  }
0x90: {  	s18 =	sld [smem:$0x3FC4]  }
0x91: {  	s4 =	sld [smem:$0x3FD0];
	(tm) =	ssettm $0x1  }
0x92: {  	s19 =	sld [smem:$0x3FFB];
	_ =	sdelay $0x3  }
0x93: {  	_ =	strace s19  }
0x94: {  	s2 =	sld [smem:$0x3FFC];
	_ =	sdelay $0x3  }
0x95: {  	_ =	strace s2  }
0x96: {  	s2 =	sld [smem:$0x3FFD];
	_ =	sdelay $0x3  }
0x97: {  	_ =	strace s2  }
0x98: {  	_ =	strace $0x8FFFFFFF  }
0x99: {  	s20 =	sld [smem:$0x3FDB];
	_ =	sdelay $0x1  }
0x9a: {  	s5 =	simm.s32 $_scs_section_size  }
0x9b: {  	s6 =	simm.s32 $_size__tile_overlayer_lowered;
	s7 =	simm.s32 $_tile_overlayer_lowered  }
0x9c: {  	s8 =	simm.s32 $0x1BFF;
	s21 =	sshll.u32 s7, $0x1;
	s5 =	sadd.s32 s5, s20  }
0x9d: {  	s22 =	simm.s32 $0x0;
	s6 =	sshll.u32 s6, $0x1;
	s7 =	sadd.s32 s21, s5  }
0x9e: {  	[timem:s22], [sflag:s8] =	dma.local [hbm:s7], s6  }
0x9f: {  	_ =	swait.ge [sflag:s8], s6  }
0xa0: {  	s6 =	ssub.s32 $0x0, s6;
	[sflag:s8] =	ssyncset.done $0x0  }
0xa1: {  	[sflag:s8] =	ssyncadd.s32 s6;
	_ =	sdelay $0x1  }
0xa2: {  	s23 =	simm.s32 $0x1B8B  }
0xa3: {  	_ =	swait.ge [sflag:s23], $0x1  }
0xa4: {  	[sflag:s23] =	ssyncset.done $0x0  }
0xa5: {  	[sflag:s23] =	ssyncadd.s32 $0xFFFFFFFF  }
0xa6: {  	s6 =	sld [smem:$0x0]  }
0xa7: {  	s7 =	sand.u32 $0xFFFFFFFE, s1  }
0xa8: {  	p0 =	sne.s32 s1, s7  }
0xa9: {  	s7 =	sshll.u32 @p0 s7, $0xE  }
0xaa: {  	s7 =	sadd.s32 @p0 $0x11B8D, s7;
	s8 =	sshll.u32 @p0 s6, $0x11  }
0xab: {  	s7 =	sor.u32 @p0 s8, s7  }
0xac: {  	[sflag:s7] =	ssyncadd.remote.s32 @p0 $0x1;
	_ =	sdelay $0x1  }
0xad: {  	s7 =	simm.s32 @p0 $0x1B8D  }
0xae: {  	_ =	swait.eq @p0 [sflag:s7], $0x1  }
0xaf: {  	[sflag:s7] =	ssyncadd.s32 @p0 $0xFFFFFFFF  }
0xb0: {  	s8 =	sshll.u32 @!p0 s1, $0xE  }
0xb1: {  	s8 =	sor.u32 @!p0 $0x4000, s8;
	s7 =	simm.s32 @!p0 $0x1B8D  }
0xb2: {  	s6 =	sshll.u32 @!p0 s6, $0x11;
	s8 =	sadd.s32 @!p0 $0x11B8D, s8;
	_ =	swait.eq @!p0 [sflag:s7], $0x1  }
0xb3: {  	s6 =	sor.u32 @!p0 s6, s8;
	[sflag:s7] =	ssyncadd.s32 @!p0 $0xFFFFFFFF  }
0xb4: {  	s25 =	simm.s32 $0x1B8E;
	s24 =	sld [smem:$0x3FFE];
	[sflag:s6] =	ssyncadd.remote.s32 @!p0 $0x1  }
0xb5: {  	s26 =	simm.s32 $execute0_lowered;
	[smem:$0x3FD2] =	sst s25  }
0xb6: {  	s7 =	sshll.u32 s26, $0x1;
	_ =	strace $0x80000049;
	[dreg:$0x1] =	wrdreg $0xFFFFFFFF  }
0xb7: {  	s28 =	simm.s32 $_size_execute0_lowered;
	s5 =	sadd.s32 s5, s7;
	[dreg:$0x0] =	wrdreg $0x0  }
0xb8: {  	s7 =	sshll.u32 s28, $0x1;
	[dreg:$0x2] =	wrdreg s5  }
0xb9: {  	[dreg:$0x3] =	wrdreg s7  }
0xba: {  	[dreg:$0x4] =	wrdreg $0xC0  }
0xbb: {  	_ =	task [dreg:s22], $0x5FFFF  }
0xbc: {  	[dreg:$0x1] =	wrdreg $0xFFFFFFFF  }
0xbd: {  	[dreg:$0x0] =	wrdreg $0x60  }
0xbe: {  	[dreg:$0x2] =	wrdreg s18  }
0xbf: {  	[dreg:$0x3] =	wrdreg s4  }
0xc0: {  	[dreg:$0x4] =	wrdreg s24  }
0xc1: {  	[dreg:$0x5] =	wrdreg $0xA  }
0xc2: {  	_ =	task.clear_ibuf [dreg:s22], $0x6FFFF;
	_ =	strace $0x90000049  }
0xc3: {  	s29 =	simm.s32 $0xA;
	_ =	strace $0x8000004B  }
0xc4: {  	_ =	swait.ge [sflag:s29], $0x1  }
0xc5: {  	[sflag:s29] =	ssyncadd.s32 $0xFFFFFFFF  }
0xc6: {  	_ =	strace $0x9000004B  }
0xc7: {  	_ =	sfence  }
0xc8: {  	s30 =	sld [smem:$0x0];
	_ =	sdelay $0x2  }
0xc9: {  	s31 =	sshll.u32 s1, $0xD;
	s1 =	sshrl.u32 s1, $0x2  }
0xca: {  	s4 =	sand.u32 $0x4000, s31;
	s1 =	sadd.s32 s1, s30  }
0xcb: {  	s0 =	sor.u32 s4, s0;
	s1 =	sshll.u32 s1, $0x11  }
0xcc: {  	s0 =	sor.u32 s1, s0  }
0xcd: {  	s0 =	sadd.s32 $0x8F2B, s0  }
0xce: {  	[sflag:s0] =	ssyncadd.remote.s32 $0x1  }
0xcf: {  	_ =	sfence.sel $0xFFFF  }
0xd0: {  	[dreg:$0x0] =	wrdreg $0xFFFFFFFF;
	(pc) =	sbr.abs _section_cstart, $3  }
0xd1: {  	[dreg:$0x1] =	wrdreg $0xFFFFFFFF  }
0xd2: {  	_ =	task.clear_ibuf [dreg:s22], $0x2FFFF;
	_ =	strace $0x9FFFFFFF  }
0xd3: {  	(tm) =	ssettm $0x7FFFFFFF  }
tec
execute0_lowered:
.L_overlay_start_1:
0x0: {  	(tag) =	ssettag $0x1  }
0x1: {  	s2 =	rddreg [dreg:$0x0]  }
0x2: {  	s3 =	rddreg [dreg:$0x1]  }
0x3: {  	s7 =	rddreg [dreg:$0x2]  }
0x4: {  	s0 =	rddreg [dreg:$0x3];
	s1 =	srdreg.scid;
	_ =	strace $0x8000004A  }
0x5: {  	s4 =	simm.s32 $0x1;
	s9 =	simm.s32 $0x3;
	s5 =	sshll.u32 s1, $0x4  }
.Ltmp0:
0x6: {  	s1 =	stileid.u32;
	s5 =	sand.u32 $0x10, s5;
	(pc) =	sbr.rel .LBB2_1-.Ltmp0, $4  }
0x7: {  	s12 =	simm.s32 $0x0;
	s10 =	simm.s32 $0x0;
	s6 =	sor.u32 s1, s5  }
0x8: {  	[sflag:s4] =	ssyncpa.u1 $0x0;
	s5 =	simm.s32 $0x2;
	s6 =	sshll.u32 s6, $0x8  }
0x9: {  	s7 =	sadd.s32 $0x25E00, s7;
	[sflag:s5] =	ssyncpa.u1 $0x0;
	s8 =	sadd.s32 $0x100, s6  }
0xa: {  	vm0 =	vmmov $0xff;
	vm1 =	vcmask $0x3F20;
	[sflag:s9] =	ssyncpa.u1 $0x0;
	s9 =	simm.s32 $0x100;
	s11 =	smov.u32 s6  }
.LBB2_9:
0xb: {  	p0 =	seq.s32 s10, $0x2  }
.Ltmp1:
0xc: {  	_ = 	snop;
	(pc) =	sbr.rel @p0 .LBB2_11-.Ltmp1, $1  }
0xd: {  	_ =	sdelay $0x3  }
.LBB2_10:
0xe: {  	s12 =	sadd.s32 $0x100, s11  }
0xf: {  	s13 =	smov.u32 s6;
	p0 =	slt.s32 s12, s8  }
0x10: {  	s13 =	smov.u32 @p0 s12  }
0x11: {  	s10 =	sadd.s32 $0x1, s10;
	s12 =	smov.u32 s11;
	s11 =	smov.u32 s13  }
.LBB2_1:
0x12: {  	p0 =	sne.s32 s10, $0x0  }
.Ltmp2:
0x13: {  	_ = 	snop;
	(pc) =	sbr.rel @!p0 .LBB2_2-.Ltmp2, $1  }
0x14: {  	_ =	sdelay $0x3  }
0x15: {  	s13 =	sand.u32 $0x1, s10  }
0x16: {  	p0 =	seq.s32 s13, $0x0  }
.Ltmp3:
0x17: {  	_ = 	snop;
	(pc) =	sbr.rel @p0 .LBB2_9-.Ltmp3, $1  }
0x18: {  	_ =	sdelay $0x3  }
0x19: {  	_ =	swait.ge [sflag:s5], $0x100  }
0x1a: {  	[sflag:s5] =	ssyncset.done $0x0  }
0x1b: {  	s13 =	simm.s32 $0x0;
	[sflag:s5] =	ssyncadd.s32 $0xFFFFFF00  }
0x1c: {  	v0 =	vld.msk [tilespmem:s13+$0x100 ss:$0x1], $0xffff;
	_ =	sdelay $0x4  }
0x1d: {  	vm2 =	vgt.s32 v0, $0x0  }
0x1e: {  	v0 =	vnsel vm2, $0x0, v0  }
0x1f: {  	v0 =	vmin.u32 v0, $0x1869F  }
0x20: {  	v0 =	vshll.u32 v0, $0x4;
	_ =	sdelay $0x3  }
0x21: {  	s13 =	simm.s32 $0x8200  }
0x22: {  	[tilespmem:s13], [sflag:$0x1] =	stream.indirect_vreg.gather [hbm:s2], $0x80, v0, vm0, $0x38;
	[tilespmem:$0x10200] =	vst v63  }
0x23: {  	s14 =	simm.s32 $0x8600;
	s31 =	simm.s32 $0x10  }
0x24: {  	[tilespmem:s14], [sflag:$0x1] =	stream.indirect_vreg.gather [hbm:s2], $0x80, v0, vm1, $0x38;
	[tilespmem:$0x10200] =	vst v63  }
0x25: {  	s14 =	simm.s32 $0x80;
	v0 =	vld.msk [tilespmem:s31+$0x100 ss:$0x1], $0xffff  }
.LBB2_5:
0x26: {  	p0 =	sne.s32 s14, $0x3C0;
	_ =	sdelay $0x4  }
0x27: {  	vm2 =	vgt.s32 v0, $0x0  }
0x28: {  	v0 =	vnsel vm2, $0x0, v0  }
0x29: {  	v0 =	vmin.u32 v0, $0x1869F  }
0x2a: {  	v0 =	vshll.u32 v0, $0x4;
	_ =	sdelay $0x3  }
.Ltmp4:
0x2b: {  	s13 =	sadd.s32 $0x800, s13;
	(pc) =	sbr.rel @p0 .LBB2_5-.Ltmp4, $4  }
0x2c: {  	[tilespmem:s13], [sflag:$0x1] =	stream.indirect_vreg.gather [hbm:s2], $0x80, v0, vm0, $0x38;
	[tilespmem:$0x10200] =	vst v63  }
0x2d: {  	s15 =	sshra.s32 s14, $0x2;
	s16 =	sadd.s32 $0x400, s13  }
0x2e: {  	[tilespmem:s16], [sflag:$0x1] =	stream.indirect_vreg.gather [hbm:s2], $0x80, v0, vm1, $0x38;
	[tilespmem:$0x10200] =	vst v63  }
0x2f: {  	s14 =	sadd.s32 $0x40, s14;
	v0 =	vld.msk [tilespmem:s15+$0x100 ss:$0x1], $0xffff  }
0x30: {  	_ =	sdelay $0x3  }
0x31: {  	vm2 =	vgt.s32 v0, $0x0  }
0x32: {  	v0 =	vnsel vm2, $0x0, v0  }
0x33: {  	v0 =	vmin.u32 v0, $0x1869F  }
0x34: {  	v0 =	vshll.u32 v0, $0x4;
	_ =	sdelay $0x3  }
0x35: {  	s13 =	sadd.s32 $0x800, s13  }
0x36: {  	[tilespmem:s13], [sflag:$0x1] =	stream.indirect_vreg.gather [hbm:s2], $0x80, v0, vm0, $0x38;
	[tilespmem:$0x10200] =	vst v63  }
0x37: {  	s13 =	sadd.s32 $0x400, s13  }
0x38: {  	[tilespmem:s13], [sflag:$0x1] =	stream.indirect_vreg.gather [hbm:s2], $0x80, v0, vm1, $0x38;
	[tilespmem:$0x10200] =	vst v63  }
0x39: {  	s12 =	sshll.u32 s12, $0x4;
	s14 =	simm.s32 $0x80;
	_ =	swait.ge [sflag:s4], $0x8000  }
0x3a: {  	s15 =	simm.s32 $0x8600;
	s12 =	sadd.s32 s12, s7;
	[sflag:s4] =	ssyncset.done $0x0  }
0x3b: {  	s16 =	sadd.s32 $0x0, s12;
	s13 =	simm.s32 $0x8200;
	[sflag:s4] =	ssyncadd.s32 $0xFFFF8000  }
.LBB2_7:
0x3c: {  	[hbm:s16] =	stream.linear.scatter [tilespmem:s13], [sflag:$0x3], $0x400, $0x38;
	[tilespmem:$0x10200] =	vst v63  }
0x3d: {  	s16 =	smov.u32 s14;
	s13 =	smov.u32 s15;
	p0 =	sne.s32 s14, $0xF80  }
.Ltmp5:
0x3e: {  	s14 =	sadd.s32 $0x80, s14;
	(pc) =	sbr.rel @p0 .LBB2_7-.Ltmp5, $2  }
0x3f: {  	_ =	sdelay $0x2  }
0x40: {  	s15 =	sadd.s32 $0x400, s15;
	s16 =	sadd.s32 s16, s12  }
.Ltmp6:
0x41: {  	(pc) =	sbr.rel .LBB2_9-.Ltmp6, $2  }
0x42: {  	_ =	sdelay $0x2  }
0x43: {  	[hbm:s16] =	stream.linear.scatter [tilespmem:s13], [sflag:$0x3], $0x400, $0x38;
	[tilespmem:$0x10200] =	vst v63  }
.LBB2_2:
.Ltmp7:
0x44: {  	(pc) =	sbr.rel .LBB2_10-.Ltmp7, $4  }
0x45: {  	_ = 	snop  }
0x46: {  	s12 =	sshrl.u32 s11, $0x3  }
0x47: {  	s13 =	sand.u32 $0x7, s11;
	s12 =	sadd.s32 s3, s12  }
0x48: {  	[tilespmem:s9], [sflag:$0x2] =	stream.linear.gather [hbm4b:s12+s13], $0x100, $0x38;
	[tilespmem:$0x10200] =	vst v63  }
.LBB2_11:
0x49: {  	s2 =	simm.s32 $0x3  }
0x4a: {  	_ =	swait.ge [sflag:s2], $0x8000  }
0x4b: {  	[sflag:s2] =	ssyncset.done $0x0  }
0x4c: {  	[sflag:s2] =	ssyncadd.s32 $0xFFFF8000  }
0x4d: {  	_ =	sfence.sel $0x180000  }
0x4e: {  	s3 =	simm.s32 $0x2;
	[bflag:$0x0] =	sbarrier.arrive $0xFFFF  }
0x4f: {  	[sflag:s3] =	ssyncpa.u1 $0x1  }
0x50: {  	s31 =	simm.s32 $0x1;
	[sflag:s2] =	ssyncpa.u1 $0x1  }
0x51: {  	[sflag:s31] =	ssyncpa.u1 $0x1  }
0x52: {  	p0 =	sne.s32 s1, $0x0;
	_ =	strace $0x9000004A  }
0x53: {  	s0 =	sadd.s32 @!p0 $0x100000, s0;
	[bflag:$0x2] =	sbarrier.arrive $0xFFFF  }
0x54: {  	[sflag:s0] =	ssyncadd.tile.s32 @!p0 $0x1;
	_ =	shalt  }
.Lfunc_end2:
_tile_overlayer_lowered:
.L_overlay_start_2:
0x55: {  	(tag) =	ssettag $0x2  }
0x56: {  	s0 =	rddreg [dreg:$0x0];
	s2 =	stileid.u32  }
0x57: {  	s1 =	rddreg [dreg:$0x1];
	p0 =	sne.s32 s2, $0x0  }
0x58: {  	s3 =	rddreg [dreg:$0x2];
	[bflag:$0x3] =	sbarrier.arrive $0xFFFF;
	s2 =	simm.s32 @!p0 $0x1C01  }
0x59: {  	[timem:s3], [sflag:s2] =	dma.local @!p0 [hbm:s0], s1  }
0x5a: {  	s0 =	simm.s32 @!p0 $0x1  }
0x5b: {  	_ =	swait.ge @!p0 [sflag:s0], s1  }
0x5c: {  	s1 =	ssub.s32 @!p0 $0x0, s1;
	[sflag:s0] =	ssyncset.done @!p0 $0x0  }
0x5d: {  	[sflag:s0] =	ssyncadd.s32 @!p0 s1  }
0x5e: {  	[bflag:$0x3] =	sbarrier.arrive $0xFFFF  }
0x5f: {  	_ =	shalt  }

// kernel: gather_offload_async_start.2
scs
__scs_entry_jumppad:
0x0: {  	(pc) =	sbr.rel $0x88, $3  }
0x1: {  	(tag) =	ssettag $0x0;
	lr =	simm.s32 $0x1  }
0x2: {  	[smem:$0x3F91] =	sst lr;
	_ =	strace $0xD0000000  }
0x3: {  	_ = 	snop  }
0x4: {  	_ = 	snop  }
0x5: {  	_ = 	snop  }
0x6: {  	_ = 	snop  }
0x7: {  	_ = 	snop  }
__scs_overlays_trampoline_lowered:
0x8: {  	[smem:$0x3FA0] =	sst s0  }
0x9: {  	[smem:$0x3FA1] =	sst s1  }
0xa: {  	[smem:$0x3FA2] =	sst s2  }
0xb: {  	[smem:$0x3FA3] =	sst s3  }
0xc: {  	[smem:$0x3FA4] =	sst s4  }
0xd: {  	[smem:$0x3FA5] =	sst s5  }
0xe: {  	[smem:$0x3FA6] =	sst s6  }
0xf: {  	[smem:$0x3FA7] =	sst s7  }
0x10: {  	[smem:$0x3FA8] =	sst s8  }
0x11: {  	[smem:$0x3FA9] =	sst s9;
	s0 =	simm.s32 @!p0 $0x0  }
0x12: {  	s1 =	sld [smem:$0x3F8F];
	s0 =	simm.s32 @p0 $0x1  }
0x13: {  	[smem:$0x3FAA] =	sst s0;
	s0 =	simm.s32 @!p1 $0x0  }
0x14: {  	s2 =	sld [smem:$0x3F8E];
	s0 =	simm.s32 @p1 $0x1  }
0x15: {  	[smem:$0x3FAB] =	sst s0;
	s0 =	simm.s32 @!p2 $0x0  }
0x16: {  	s3 =	sld [smem:$0x3FDB];
	s0 =	simm.s32 @p2 $0x1  }
0x17: {  	s4 =	simm.s32 $0x1BF5;
	[smem:$0x3FAD] =	sst s0  }
0x18: {  	s0 =	sld [smem:$0x3F90];
	_ =	swait.ge [sflag:s4], $0x0  }
0x19: {  	s7 =	sld [smem:$0x3F91]  }
0x1a: {  	s8 =	sadd.s32 $0xFFFFE003, lr  }
0x1b: {  	s9 =	sadd.s32 $0xFFFFFEF7, lr;
	s5 =	simm.s32 $0xFFFFFFFF;
	p2 =	slt.u32 s8, $0xFFFFF086  }
0x1c: {  	p1 =	slt.u32 s9, $0xF7A;
	s5 =	simm.s32 @!p2 $0x0  }
0x1d: {  	s5 =	simm.s32 @p1 $0x1;
	p0 =	seq.s32 s7, s2  }
0x1e: {  	s7 =	smul.u32 @!p0 $0xF7A, s2;
	p2 =	seq.s32 @!p0 s5, $0x0  }
0x1f: {  	s9 =	smul.u32 $0xF7A, s1;
	s8 =	simm.s32 @!p0 $0x1BF5;
	p2 =	por !p2, p0  }
0x20: {  	[sflag:s8] =	ssyncset.s32 @!p0 $0xFFFFF086;
	s6 =	sadd.s32 @!p0 s3, s7;
	s7 =	simm.s32 @!p0 $0x108  }
0x21: {  	s3 =	sadd.s32 s3, s9;
	s6 =	sadd.s32 @!p0 $0x88, s6;
	s7 =	simm.s32 @p2 $0x1082  }
0x22: {  	[simem:s7], [sflag:s8] =	dma.local @!p0 [hbm:s6], $0xF7A  }
0x23: {  	s9 =	sor.u32 $0xD0000000, s2;
	s6 =	simm.s32 $0x108;
	_ =	swait.ge @!p0 [sflag:s8], $0x0  }
0x24: {  	s3 =	sadd.s32 $0x88, s3;
	s6 =	simm.s32 @!p1 $0x1082;
	[sflag:s4] =	ssyncset.s32 $0xFFFFF086  }
0x25: {  	[simem:s6], [sflag:s4] =	dma.local [hbm:s3], $0xF7A  }
0x26: {  	[smem:$0x3F91] =	sst s1;
	(tag) =	ssettag s2;
	_ =	strace s9  }
0x27: {  	s1 =	sld [smem:$0x3FA1]  }
0x28: {  	s2 =	sld [smem:$0x3FA2]  }
0x29: {  	s4 =	sld [smem:$0x3FA4]  }
0x2a: {  	p0 =	seq.s32 s5, $0x0;
	s5 =	sld [smem:$0x3FA5]  }
0x2b: {  	s6 =	sld [smem:$0x3FA6]  }
0x2c: {  	s7 =	sld [smem:$0x3FA7]  }
0x2d: {  	s3 =	simm.s32 $0x108;
	s8 =	sld [smem:$0x3FA8]  }
0x2e: {  	s3 =	simm.s32 @!p0 $0x1082;
	s9 =	sld [smem:$0x3FA9]  }
0x2f: {  	lr =	sadd.s32 s0, s3;
	s0 =	sld [smem:$0x3FA0]  }
0x30: {  	s3 =	sld [smem:$0x3FA3]  }
0x31: {  	[smem:$0x3FAC] =	sst s10  }
0x32: {  	s10 =	sld [smem:$0x3FAA];
	_ =	sdelay $0x3  }
0x33: {  	p0 =	seq.s32 s10, $0x1;
	s10 =	sld [smem:$0x3FAC];
	_ =	sdelay $0x3  }
0x34: {  	[smem:$0x3FAC] =	sst s10  }
0x35: {  	s10 =	sld [smem:$0x3FAB];
	_ =	sdelay $0x3  }
0x36: {  	p1 =	seq.s32 s10, $0x1;
	s10 =	sld [smem:$0x3FAC];
	_ =	sdelay $0x3  }
0x37: {  	[smem:$0x3FAC] =	sst s10  }
0x38: {  	s10 =	sld [smem:$0x3FAD]  }
0x39: {  	_ = 	snop;
	(pc) =	sbr.ind lr, $3  }
0x3a: {  	_ = 	snop  }
0x3b: {  	_ = 	snop  }
0x3c: {  	p2 =	seq.s32 s10, $0x1;
	s10 =	sld [smem:$0x3FAC]  }
0x3d: {  	_ =	shalt  }
0x3e: {  	_ =	shalt  }
0x3f: {  	_ =	shalt  }
0x40: {  	_ =	shalt  }
0x41: {  	_ =	shalt  }
0x42: {  	_ =	shalt  }
0x43: {  	_ =	shalt  }
0x44: {  	_ =	shalt  }
0x45: {  	_ =	shalt  }
0x46: {  	_ =	shalt  }
0x47: {  	_ =	shalt  }
0x48: {  	_ =	shalt  }
0x49: {  	_ =	shalt  }
0x4a: {  	_ =	shalt  }
0x4b: {  	_ =	shalt  }
0x4c: {  	_ =	shalt  }
0x4d: {  	_ =	shalt  }
0x4e: {  	_ =	shalt  }
0x4f: {  	_ =	shalt  }
0x50: {  	_ =	shalt  }
0x51: {  	_ =	shalt  }
0x52: {  	_ =	shalt  }
0x53: {  	_ =	shalt  }
0x54: {  	_ =	shalt  }
0x55: {  	_ =	shalt  }
0x56: {  	_ =	shalt  }
0x57: {  	_ =	shalt  }
0x58: {  	_ =	shalt  }
0x59: {  	_ =	shalt  }
0x5a: {  	_ =	shalt  }
0x5b: {  	_ =	shalt  }
0x5c: {  	_ =	shalt  }
0x5d: {  	_ =	shalt  }
0x5e: {  	_ =	shalt  }
0x5f: {  	_ =	shalt  }
0x60: {  	_ =	shalt  }
0x61: {  	_ =	shalt  }
0x62: {  	_ =	shalt  }
0x63: {  	_ =	shalt  }
0x64: {  	_ =	shalt  }
0x65: {  	_ =	shalt  }
0x66: {  	_ =	shalt  }
0x67: {  	_ =	shalt  }
0x68: {  	_ =	shalt  }
0x69: {  	_ =	shalt  }
0x6a: {  	_ =	shalt  }
0x6b: {  	_ =	shalt  }
0x6c: {  	_ =	shalt  }
0x6d: {  	_ =	shalt  }
0x6e: {  	_ =	shalt  }
0x6f: {  	_ =	shalt  }
0x70: {  	_ =	shalt  }
0x71: {  	_ =	shalt  }
0x72: {  	_ =	shalt  }
0x73: {  	_ =	shalt  }
0x74: {  	_ =	shalt  }
0x75: {  	_ =	shalt  }
0x76: {  	_ =	shalt  }
0x77: {  	_ =	shalt  }
0x78: {  	_ =	shalt  }
0x79: {  	_ =	shalt  }
0x7a: {  	_ =	shalt  }
0x7b: {  	_ =	shalt  }
0x7c: {  	_ =	shalt  }
0x7d: {  	_ =	shalt  }
0x7e: {  	_ =	shalt  }
0x7f: {  	_ =	shalt  }
0x80: {  	_ =	shalt  }
0x81: {  	_ =	shalt  }
0x82: {  	_ =	shalt  }
0x83: {  	_ =	shalt  }
0x84: {  	_ =	shalt  }
0x85: {  	_ =	shalt  }
0x86: {  	_ =	shalt  }
0x87: {  	_ =	shalt  }
.Lfunc_end0:
.L_simem_size_0:
called_computation.2_lowered:
.L_overlay_start_0:
0x88: {  	s2 =	sld [smem:$0x3FD9]  }
0x89: {  	s3 =	sld [smem:$0x3FFE];
	_ =	sdelay $0x1  }
0x8a: {  	s1 =	srdreg.scid  }
0x8b: {  	s0 =	sand.u32 $0x1, s1  }
0x8c: {  	s17 =	sshll.u32 s0, $0xA;
	s2 =	sadd.s32 s3, s2  }
0x8d: {  	s2 =	sadd.s32 s2, s17  }
0x8e: {  	[smem:$0x3FB8] =	sst s2  }
0x8f: {  	_ = 	snop  }
0x90: {  	s18 =	sld [smem:$0x3FC5];
	(tm) =	ssettm $0x1  }
0x91: {  	s19 =	sld [smem:$0x3FFB];
	_ =	sdelay $0x3  }
0x92: {  	_ =	strace s19  }
0x93: {  	s2 =	sld [smem:$0x3FFC];
	_ =	sdelay $0x3  }
0x94: {  	_ =	strace s2  }
0x95: {  	s2 =	sld [smem:$0x3FFD];
	_ =	sdelay $0x3  }
0x96: {  	_ =	strace s2  }
0x97: {  	_ =	strace $0x8FFFFFFF  }
0x98: {  	s20 =	sld [smem:$0x3FDB];
	_ =	sdelay $0x1  }
0x99: {  	s4 =	simm.s32 $_scs_section_size  }
0x9a: {  	s5 =	simm.s32 $_size__tile_overlayer_lowered;
	s6 =	simm.s32 $_tile_overlayer_lowered  }
0x9b: {  	s7 =	simm.s32 $0x1BFF;
	s21 =	sshll.u32 s6, $0x1;
	s4 =	sadd.s32 s4, s20  }
0x9c: {  	s22 =	simm.s32 $0x0;
	s5 =	sshll.u32 s5, $0x1;
	s6 =	sadd.s32 s21, s4  }
0x9d: {  	[timem:s22], [sflag:s7] =	dma.local [hbm:s6], s5  }
0x9e: {  	_ =	swait.ge [sflag:s7], s5  }
0x9f: {  	s5 =	ssub.s32 $0x0, s5;
	[sflag:s7] =	ssyncset.done $0x0  }
0xa0: {  	[sflag:s7] =	ssyncadd.s32 s5;
	_ =	sdelay $0x1  }
0xa1: {  	s23 =	simm.s32 $0x1B8B  }
0xa2: {  	_ =	swait.ge [sflag:s23], $0x1  }
0xa3: {  	[sflag:s23] =	ssyncset.done $0x0  }
0xa4: {  	[sflag:s23] =	ssyncadd.s32 $0xFFFFFFFF  }
0xa5: {  	s5 =	sld [smem:$0x0]  }
0xa6: {  	s6 =	sand.u32 $0xFFFFFFFE, s1  }
0xa7: {  	p0 =	sne.s32 s1, s6  }
0xa8: {  	s6 =	sshll.u32 @p0 s6, $0xE  }
0xa9: {  	s6 =	sadd.s32 @p0 $0x11B8D, s6;
	s7 =	sshll.u32 @p0 s5, $0x11  }
0xaa: {  	s6 =	sor.u32 @p0 s7, s6  }
0xab: {  	[sflag:s6] =	ssyncadd.remote.s32 @p0 $0x1;
	_ =	sdelay $0x1  }
0xac: {  	s6 =	simm.s32 @p0 $0x1B8D  }
0xad: {  	_ =	swait.eq @p0 [sflag:s6], $0x1  }
0xae: {  	[sflag:s6] =	ssyncadd.s32 @p0 $0xFFFFFFFF  }
0xaf: {  	s7 =	sshll.u32 @!p0 s1, $0xE  }
0xb0: {  	s7 =	sor.u32 @!p0 $0x4000, s7;
	s6 =	simm.s32 @!p0 $0x1B8D  }
0xb1: {  	s5 =	sshll.u32 @!p0 s5, $0x11;
	s7 =	sadd.s32 @!p0 $0x11B8D, s7;
	_ =	swait.eq @!p0 [sflag:s6], $0x1  }
0xb2: {  	s5 =	sor.u32 @!p0 s5, s7;
	[sflag:s6] =	ssyncadd.s32 @!p0 $0xFFFFFFFF  }
0xb3: {  	s25 =	simm.s32 $0x1B8E;
	s24 =	sld [smem:$0x3FFE];
	[sflag:s5] =	ssyncadd.remote.s32 @!p0 $0x1  }
0xb4: {  	s26 =	simm.s32 $execute0_lowered;
	[smem:$0x3FD2] =	sst s25  }
0xb5: {  	s6 =	sshll.u32 s26, $0x1;
	_ =	strace $0x8000004F;
	[dreg:$0x1] =	wrdreg $0xFFFFFFFF  }
0xb6: {  	s28 =	simm.s32 $_size_execute0_lowered;
	s4 =	sadd.s32 s4, s6;
	[dreg:$0x0] =	wrdreg $0x0  }
0xb7: {  	s6 =	sshll.u32 s28, $0x1;
	[dreg:$0x2] =	wrdreg s4  }
0xb8: {  	[dreg:$0x3] =	wrdreg s6  }
0xb9: {  	[dreg:$0x4] =	wrdreg $0xC0  }
0xba: {  	_ =	task [dreg:s22], $0x5FFFF  }
0xbb: {  	[dreg:$0x1] =	wrdreg $0xFFFFFFFF  }
0xbc: {  	[dreg:$0x0] =	wrdreg $0x60  }
0xbd: {  	[dreg:$0x2] =	wrdreg s18  }
0xbe: {  	[dreg:$0x3] =	wrdreg s24  }
0xbf: {  	[dreg:$0x4] =	wrdreg $0xB  }
0xc0: {  	_ =	task.clear_ibuf [dreg:s22], $0x5FFFF;
	_ =	strace $0x9000004F  }
0xc1: {  	s29 =	simm.s32 $0xB;
	_ =	strace $0x80000051  }
0xc2: {  	_ =	swait.ge [sflag:s29], $0x1  }
0xc3: {  	[sflag:s29] =	ssyncadd.s32 $0xFFFFFFFF  }
0xc4: {  	_ =	strace $0x90000051  }
0xc5: {  	_ =	sfence  }
0xc6: {  	s30 =	sld [smem:$0x0];
	_ =	sdelay $0x2  }
0xc7: {  	s31 =	sshll.u32 s1, $0xD;
	s1 =	sshrl.u32 s1, $0x2  }
0xc8: {  	s4 =	sand.u32 $0x4000, s31;
	s1 =	sadd.s32 s1, s30  }
0xc9: {  	s0 =	sor.u32 s4, s0;
	s1 =	sshll.u32 s1, $0x11  }
0xca: {  	s0 =	sor.u32 s1, s0  }
0xcb: {  	s0 =	sadd.s32 $0x8F2B, s0  }
0xcc: {  	[sflag:s0] =	ssyncadd.remote.s32 $0x1  }
0xcd: {  	_ =	sfence.sel $0xFFFF  }
0xce: {  	[dreg:$0x0] =	wrdreg $0xFFFFFFFF;
	(pc) =	sbr.abs _section_cstart, $3  }
0xcf: {  	[dreg:$0x1] =	wrdreg $0xFFFFFFFF  }
0xd0: {  	_ =	task.clear_ibuf [dreg:s22], $0x2FFFF;
	_ =	strace $0x9FFFFFFF  }
0xd1: {  	(tm) =	ssettm $0x7FFFFFFF  }
tec
execute0_lowered:
.L_overlay_start_1:
0x0: {  	(tag) =	ssettag $0x1  }
0x1: {  	s2 =	rddreg [dreg:$0x0]  }
0x2: {  	s7 =	rddreg [dreg:$0x1]  }
0x3: {  	s0 =	rddreg [dreg:$0x2]  }
0x4: {  	s1 =	srdreg.scid;
	_ =	strace $0x80000050;
	s4 =	simm.s32 $0x1  }
0x5: {  	s9 =	simm.s32 $0x3;
	s12 =	simm.s32 $0x0;
	s5 =	sshll.u32 s1, $0x4  }
.Ltmp0:
0x6: {  	s1 =	stileid.u32;
	s5 =	sand.u32 $0x10, s5;
	(pc) =	sbr.rel .LBB2_1-.Ltmp0, $4  }
0x7: {  	s10 =	simm.s32 $0x0;
	s3 =	sadd.s32 $0x5200, s7;
	s6 =	sor.u32 s1, s5  }
0x8: {  	[sflag:s4] =	ssyncpa.u1 $0x0;
	s5 =	simm.s32 $0x2;
	s6 =	sshll.u32 s6, $0x8  }
0x9: {  	s7 =	sadd.s32 $0x67000, s7;
	[sflag:s5] =	ssyncpa.u1 $0x0;
	s8 =	sadd.s32 $0x100, s6  }
0xa: {  	vm0 =	vmmov $0xff;
	vm1 =	vcmask $0x3F20;
	[sflag:s9] =	ssyncpa.u1 $0x0;
	s9 =	simm.s32 $0x100;
	s11 =	smov.u32 s6  }
.LBB2_9:
0xb: {  	p0 =	seq.s32 s10, $0x2  }
.Ltmp1:
0xc: {  	_ = 	snop;
	(pc) =	sbr.rel @p0 .LBB2_11-.Ltmp1, $1  }
0xd: {  	_ =	sdelay $0x3  }
.LBB2_10:
0xe: {  	s12 =	sadd.s32 $0x100, s11  }
0xf: {  	s13 =	smov.u32 s6;
	p0 =	slt.s32 s12, s8  }
0x10: {  	s13 =	smov.u32 @p0 s12  }
0x11: {  	s10 =	sadd.s32 $0x1, s10;
	s12 =	smov.u32 s11;
	s11 =	smov.u32 s13  }
.LBB2_1:
0x12: {  	p0 =	sne.s32 s10, $0x0  }
.Ltmp2:
0x13: {  	_ = 	snop;
	(pc) =	sbr.rel @!p0 .LBB2_2-.Ltmp2, $1  }
0x14: {  	_ =	sdelay $0x3  }
0x15: {  	s13 =	sand.u32 $0x1, s10  }
0x16: {  	p0 =	seq.s32 s13, $0x0  }
.Ltmp3:
0x17: {  	_ = 	snop;
	(pc) =	sbr.rel @p0 .LBB2_9-.Ltmp3, $1  }
0x18: {  	_ =	sdelay $0x3  }
0x19: {  	_ =	swait.ge [sflag:s5], $0x100  }
0x1a: {  	[sflag:s5] =	ssyncset.done $0x0  }
0x1b: {  	s13 =	simm.s32 $0x0;
	[sflag:s5] =	ssyncadd.s32 $0xFFFFFF00  }
0x1c: {  	v0 =	vld.msk [tilespmem:s13+$0x100 ss:$0x1], $0xffff;
	_ =	sdelay $0x4  }
0x1d: {  	vm2 =	vgt.s32 v0, $0x0  }
0x1e: {  	v0 =	vnsel vm2, $0x0, v0  }
0x1f: {  	v0 =	vmin.u32 v0, $0x1869F  }
0x20: {  	v0 =	vshll.u32 v0, $0x4;
	_ =	sdelay $0x3  }
0x21: {  	s13 =	simm.s32 $0x8200  }
0x22: {  	[tilespmem:s13], [sflag:$0x1] =	stream.indirect_vreg.gather [hbm:s2], $0x80, v0, vm0, $0x38;
	[tilespmem:$0x10200] =	vst v63  }
0x23: {  	s14 =	simm.s32 $0x8600;
	s31 =	simm.s32 $0x10  }
0x24: {  	[tilespmem:s14], [sflag:$0x1] =	stream.indirect_vreg.gather [hbm:s2], $0x80, v0, vm1, $0x38;
	[tilespmem:$0x10200] =	vst v63  }
0x25: {  	s14 =	simm.s32 $0x80;
	v0 =	vld.msk [tilespmem:s31+$0x100 ss:$0x1], $0xffff  }
.LBB2_5:
0x26: {  	p0 =	sne.s32 s14, $0x3C0;
	_ =	sdelay $0x4  }
0x27: {  	vm2 =	vgt.s32 v0, $0x0  }
0x28: {  	v0 =	vnsel vm2, $0x0, v0  }
0x29: {  	v0 =	vmin.u32 v0, $0x1869F  }
0x2a: {  	v0 =	vshll.u32 v0, $0x4;
	_ =	sdelay $0x3  }
.Ltmp4:
0x2b: {  	s13 =	sadd.s32 $0x800, s13;
	(pc) =	sbr.rel @p0 .LBB2_5-.Ltmp4, $4  }
0x2c: {  	[tilespmem:s13], [sflag:$0x1] =	stream.indirect_vreg.gather [hbm:s2], $0x80, v0, vm0, $0x38;
	[tilespmem:$0x10200] =	vst v63  }
0x2d: {  	s15 =	sshra.s32 s14, $0x2;
	s16 =	sadd.s32 $0x400, s13  }
0x2e: {  	[tilespmem:s16], [sflag:$0x1] =	stream.indirect_vreg.gather [hbm:s2], $0x80, v0, vm1, $0x38;
	[tilespmem:$0x10200] =	vst v63  }
0x2f: {  	s14 =	sadd.s32 $0x40, s14;
	v0 =	vld.msk [tilespmem:s15+$0x100 ss:$0x1], $0xffff  }
0x30: {  	_ =	sdelay $0x3  }
0x31: {  	vm2 =	vgt.s32 v0, $0x0  }
0x32: {  	v0 =	vnsel vm2, $0x0, v0  }
0x33: {  	v0 =	vmin.u32 v0, $0x1869F  }
0x34: {  	v0 =	vshll.u32 v0, $0x4;
	_ =	sdelay $0x3  }
0x35: {  	s13 =	sadd.s32 $0x800, s13  }
0x36: {  	[tilespmem:s13], [sflag:$0x1] =	stream.indirect_vreg.gather [hbm:s2], $0x80, v0, vm0, $0x38;
	[tilespmem:$0x10200] =	vst v63  }
0x37: {  	s13 =	sadd.s32 $0x400, s13  }
0x38: {  	[tilespmem:s13], [sflag:$0x1] =	stream.indirect_vreg.gather [hbm:s2], $0x80, v0, vm1, $0x38;
	[tilespmem:$0x10200] =	vst v63  }
0x39: {  	s12 =	sshll.u32 s12, $0x4;
	s14 =	simm.s32 $0x80;
	_ =	swait.ge [sflag:s4], $0x8000  }
0x3a: {  	s15 =	simm.s32 $0x8600;
	s12 =	sadd.s32 s12, s7;
	[sflag:s4] =	ssyncset.done $0x0  }
0x3b: {  	s16 =	sadd.s32 $0x0, s12;
	s13 =	simm.s32 $0x8200;
	[sflag:s4] =	ssyncadd.s32 $0xFFFF8000  }
.LBB2_7:
0x3c: {  	[hbm:s16] =	stream.linear.scatter [tilespmem:s13], [sflag:$0x3], $0x400, $0x38;
	[tilespmem:$0x10200] =	vst v63  }
0x3d: {  	s16 =	smov.u32 s14;
	s13 =	smov.u32 s15;
	p0 =	sne.s32 s14, $0xF80  }
.Ltmp5:
0x3e: {  	s14 =	sadd.s32 $0x80, s14;
	(pc) =	sbr.rel @p0 .LBB2_7-.Ltmp5, $2  }
0x3f: {  	_ =	sdelay $0x2  }
0x40: {  	s15 =	sadd.s32 $0x400, s15;
	s16 =	sadd.s32 s16, s12  }
.Ltmp6:
0x41: {  	(pc) =	sbr.rel .LBB2_9-.Ltmp6, $2  }
0x42: {  	_ =	sdelay $0x2  }
0x43: {  	[hbm:s16] =	stream.linear.scatter [tilespmem:s13], [sflag:$0x3], $0x400, $0x38;
	[tilespmem:$0x10200] =	vst v63  }
.LBB2_2:
.Ltmp7:
0x44: {  	(pc) =	sbr.rel .LBB2_10-.Ltmp7, $4  }
0x45: {  	_ = 	snop  }
0x46: {  	s12 =	sshrl.u32 s11, $0x3  }
0x47: {  	s13 =	sand.u32 $0x7, s11;
	s12 =	sadd.s32 s3, s12  }
0x48: {  	[tilespmem:s9], [sflag:$0x2] =	stream.linear.gather [hbm4b:s12+s13], $0x100, $0x38;
	[tilespmem:$0x10200] =	vst v63  }
.LBB2_11:
0x49: {  	s2 =	simm.s32 $0x3  }
0x4a: {  	_ =	swait.ge [sflag:s2], $0x8000  }
0x4b: {  	[sflag:s2] =	ssyncset.done $0x0  }
0x4c: {  	[sflag:s2] =	ssyncadd.s32 $0xFFFF8000  }
0x4d: {  	_ =	sfence.sel $0x180000  }
0x4e: {  	s3 =	simm.s32 $0x2;
	[bflag:$0x0] =	sbarrier.arrive $0xFFFF  }
0x4f: {  	[sflag:s3] =	ssyncpa.u1 $0x1  }
0x50: {  	s31 =	simm.s32 $0x1;
	[sflag:s2] =	ssyncpa.u1 $0x1  }
0x51: {  	[sflag:s31] =	ssyncpa.u1 $0x1  }
0x52: {  	p0 =	sne.s32 s1, $0x0;
	_ =	strace $0x90000050  }
0x53: {  	s0 =	sadd.s32 @!p0 $0x100000, s0;
	[bflag:$0x2] =	sbarrier.arrive $0xFFFF  }
0x54: {  	[sflag:s0] =	ssyncadd.tile.s32 @!p0 $0x1;
	_ =	shalt  }
.Lfunc_end2:
_tile_overlayer_lowered:
.L_overlay_start_2:
0x55: {  	(tag) =	ssettag $0x2  }
0x56: {  	s0 =	rddreg [dreg:$0x0];
	s2 =	stileid.u32  }
0x57: {  	s1 =	rddreg [dreg:$0x1];
	p0 =	sne.s32 s2, $0x0  }
0x58: {  	s3 =	rddreg [dreg:$0x2];
	[bflag:$0x3] =	sbarrier.arrive $0xFFFF;
	s2 =	simm.s32 @!p0 $0x1C01  }
0x59: {  	[timem:s3], [sflag:s2] =	dma.local @!p0 [hbm:s0], s1  }
0x5a: {  	s0 =	simm.s32 @!p0 $0x1  }
0x5b: {  	_ =	swait.ge @!p0 [sflag:s0], s1  }
0x5c: {  	s1 =	ssub.s32 @!p0 $0x0, s1;
	[sflag:s0] =	ssyncset.done @!p0 $0x0  }
0x5d: {  	[sflag:s0] =	ssyncadd.s32 @!p0 s1  }
0x5e: {  	[bflag:$0x3] =	sbarrier.arrive $0xFFFF  }
0x5f: {  	_ =	shalt  }

// kernel: gather_offload_async_start.3
scs
__scs_entry_jumppad:
0x0: {  	(pc) =	sbr.rel $0x88, $3  }
0x1: {  	(tag) =	ssettag $0x0;
	lr =	simm.s32 $0x1  }
0x2: {  	[smem:$0x3F91] =	sst lr;
	_ =	strace $0xD0000000  }
0x3: {  	_ = 	snop  }
0x4: {  	_ = 	snop  }
0x5: {  	_ = 	snop  }
0x6: {  	_ = 	snop  }
0x7: {  	_ = 	snop  }
__scs_overlays_trampoline_lowered:
0x8: {  	[smem:$0x3FA0] =	sst s0  }
0x9: {  	[smem:$0x3FA1] =	sst s1  }
0xa: {  	[smem:$0x3FA2] =	sst s2  }
0xb: {  	[smem:$0x3FA3] =	sst s3  }
0xc: {  	[smem:$0x3FA4] =	sst s4  }
0xd: {  	[smem:$0x3FA5] =	sst s5  }
0xe: {  	[smem:$0x3FA6] =	sst s6  }
0xf: {  	[smem:$0x3FA7] =	sst s7  }
0x10: {  	[smem:$0x3FA8] =	sst s8  }
0x11: {  	[smem:$0x3FA9] =	sst s9;
	s0 =	simm.s32 @!p0 $0x0  }
0x12: {  	s1 =	sld [smem:$0x3F8F];
	s0 =	simm.s32 @p0 $0x1  }
0x13: {  	[smem:$0x3FAA] =	sst s0;
	s0 =	simm.s32 @!p1 $0x0  }
0x14: {  	s2 =	sld [smem:$0x3F8E];
	s0 =	simm.s32 @p1 $0x1  }
0x15: {  	[smem:$0x3FAB] =	sst s0;
	s0 =	simm.s32 @!p2 $0x0  }
0x16: {  	s3 =	sld [smem:$0x3FDB];
	s0 =	simm.s32 @p2 $0x1  }
0x17: {  	s4 =	simm.s32 $0x1BF5;
	[smem:$0x3FAD] =	sst s0  }
0x18: {  	s0 =	sld [smem:$0x3F90];
	_ =	swait.ge [sflag:s4], $0x0  }
0x19: {  	s7 =	sld [smem:$0x3F91]  }
0x1a: {  	s8 =	sadd.s32 $0xFFFFE003, lr  }
0x1b: {  	s9 =	sadd.s32 $0xFFFFFEF7, lr;
	s5 =	simm.s32 $0xFFFFFFFF;
	p2 =	slt.u32 s8, $0xFFFFF086  }
0x1c: {  	p1 =	slt.u32 s9, $0xF7A;
	s5 =	simm.s32 @!p2 $0x0  }
0x1d: {  	s5 =	simm.s32 @p1 $0x1;
	p0 =	seq.s32 s7, s2  }
0x1e: {  	s7 =	smul.u32 @!p0 $0xF7A, s2;
	p2 =	seq.s32 @!p0 s5, $0x0  }
0x1f: {  	s9 =	smul.u32 $0xF7A, s1;
	s8 =	simm.s32 @!p0 $0x1BF5;
	p2 =	por !p2, p0  }
0x20: {  	[sflag:s8] =	ssyncset.s32 @!p0 $0xFFFFF086;
	s6 =	sadd.s32 @!p0 s3, s7;
	s7 =	simm.s32 @!p0 $0x108  }
0x21: {  	s3 =	sadd.s32 s3, s9;
	s6 =	sadd.s32 @!p0 $0x88, s6;
	s7 =	simm.s32 @p2 $0x1082  }
0x22: {  	[simem:s7], [sflag:s8] =	dma.local @!p0 [hbm:s6], $0xF7A  }
0x23: {  	s9 =	sor.u32 $0xD0000000, s2;
	s6 =	simm.s32 $0x108;
	_ =	swait.ge @!p0 [sflag:s8], $0x0  }
0x24: {  	s3 =	sadd.s32 $0x88, s3;
	s6 =	simm.s32 @!p1 $0x1082;
	[sflag:s4] =	ssyncset.s32 $0xFFFFF086  }
0x25: {  	[simem:s6], [sflag:s4] =	dma.local [hbm:s3], $0xF7A  }
0x26: {  	[smem:$0x3F91] =	sst s1;
	(tag) =	ssettag s2;
	_ =	strace s9  }
0x27: {  	s1 =	sld [smem:$0x3FA1]  }
0x28: {  	s2 =	sld [smem:$0x3FA2]  }
0x29: {  	s4 =	sld [smem:$0x3FA4]  }
0x2a: {  	p0 =	seq.s32 s5, $0x0;
	s5 =	sld [smem:$0x3FA5]  }
0x2b: {  	s6 =	sld [smem:$0x3FA6]  }
0x2c: {  	s7 =	sld [smem:$0x3FA7]  }
0x2d: {  	s3 =	simm.s32 $0x108;
	s8 =	sld [smem:$0x3FA8]  }
0x2e: {  	s3 =	simm.s32 @!p0 $0x1082;
	s9 =	sld [smem:$0x3FA9]  }
0x2f: {  	lr =	sadd.s32 s0, s3;
	s0 =	sld [smem:$0x3FA0]  }
0x30: {  	s3 =	sld [smem:$0x3FA3]  }
0x31: {  	[smem:$0x3FAC] =	sst s10  }
0x32: {  	s10 =	sld [smem:$0x3FAA];
	_ =	sdelay $0x3  }
0x33: {  	p0 =	seq.s32 s10, $0x1;
	s10 =	sld [smem:$0x3FAC];
	_ =	sdelay $0x3  }
0x34: {  	[smem:$0x3FAC] =	sst s10  }
0x35: {  	s10 =	sld [smem:$0x3FAB];
	_ =	sdelay $0x3  }
0x36: {  	p1 =	seq.s32 s10, $0x1;
	s10 =	sld [smem:$0x3FAC];
	_ =	sdelay $0x3  }
0x37: {  	[smem:$0x3FAC] =	sst s10  }
0x38: {  	s10 =	sld [smem:$0x3FAD]  }
0x39: {  	_ = 	snop;
	(pc) =	sbr.ind lr, $3  }
0x3a: {  	_ = 	snop  }
0x3b: {  	_ = 	snop  }
0x3c: {  	p2 =	seq.s32 s10, $0x1;
	s10 =	sld [smem:$0x3FAC]  }
0x3d: {  	_ =	shalt  }
0x3e: {  	_ =	shalt  }
0x3f: {  	_ =	shalt  }
0x40: {  	_ =	shalt  }
0x41: {  	_ =	shalt  }
0x42: {  	_ =	shalt  }
0x43: {  	_ =	shalt  }
0x44: {  	_ =	shalt  }
0x45: {  	_ =	shalt  }
0x46: {  	_ =	shalt  }
0x47: {  	_ =	shalt  }
0x48: {  	_ =	shalt  }
0x49: {  	_ =	shalt  }
0x4a: {  	_ =	shalt  }
0x4b: {  	_ =	shalt  }
0x4c: {  	_ =	shalt  }
0x4d: {  	_ =	shalt  }
0x4e: {  	_ =	shalt  }
0x4f: {  	_ =	shalt  }
0x50: {  	_ =	shalt  }
0x51: {  	_ =	shalt  }
0x52: {  	_ =	shalt  }
0x53: {  	_ =	shalt  }
0x54: {  	_ =	shalt  }
0x55: {  	_ =	shalt  }
0x56: {  	_ =	shalt  }
0x57: {  	_ =	shalt  }
0x58: {  	_ =	shalt  }
0x59: {  	_ =	shalt  }
0x5a: {  	_ =	shalt  }
0x5b: {  	_ =	shalt  }
0x5c: {  	_ =	shalt  }
0x5d: {  	_ =	shalt  }
0x5e: {  	_ =	shalt  }
0x5f: {  	_ =	shalt  }
0x60: {  	_ =	shalt  }
0x61: {  	_ =	shalt  }
0x62: {  	_ =	shalt  }
0x63: {  	_ =	shalt  }
0x64: {  	_ =	shalt  }
0x65: {  	_ =	shalt  }
0x66: {  	_ =	shalt  }
0x67: {  	_ =	shalt  }
0x68: {  	_ =	shalt  }
0x69: {  	_ =	shalt  }
0x6a: {  	_ =	shalt  }
0x6b: {  	_ =	shalt  }
0x6c: {  	_ =	shalt  }
0x6d: {  	_ =	shalt  }
0x6e: {  	_ =	shalt  }
0x6f: {  	_ =	shalt  }
0x70: {  	_ =	shalt  }
0x71: {  	_ =	shalt  }
0x72: {  	_ =	shalt  }
0x73: {  	_ =	shalt  }
0x74: {  	_ =	shalt  }
0x75: {  	_ =	shalt  }
0x76: {  	_ =	shalt  }
0x77: {  	_ =	shalt  }
0x78: {  	_ =	shalt  }
0x79: {  	_ =	shalt  }
0x7a: {  	_ =	shalt  }
0x7b: {  	_ =	shalt  }
0x7c: {  	_ =	shalt  }
0x7d: {  	_ =	shalt  }
0x7e: {  	_ =	shalt  }
0x7f: {  	_ =	shalt  }
0x80: {  	_ =	shalt  }
0x81: {  	_ =	shalt  }
0x82: {  	_ =	shalt  }
0x83: {  	_ =	shalt  }
0x84: {  	_ =	shalt  }
0x85: {  	_ =	shalt  }
0x86: {  	_ =	shalt  }
0x87: {  	_ =	shalt  }
.Lfunc_end0:
.L_simem_size_0:
called_computation.3_lowered:
.L_overlay_start_0:
0x88: {  	s2 =	sld [smem:$0x3FD9]  }
0x89: {  	s3 =	sld [smem:$0x3FFE];
	_ =	sdelay $0x1  }
0x8a: {  	s1 =	srdreg.scid  }
0x8b: {  	s0 =	sand.u32 $0x1, s1  }
0x8c: {  	s17 =	sshll.u32 s0, $0xA;
	s2 =	sadd.s32 s3, s2  }
0x8d: {  	s2 =	sadd.s32 s2, s17  }
0x8e: {  	[smem:$0x3FB8] =	sst s2  }
0x8f: {  	_ = 	snop  }
0x90: {  	s18 =	sld [smem:$0x3FC4];
	(tm) =	ssettm $0x1  }
0x91: {  	s19 =	sld [smem:$0x3FFB];
	_ =	sdelay $0x3  }
0x92: {  	_ =	strace s19  }
0x93: {  	s2 =	sld [smem:$0x3FFC];
	_ =	sdelay $0x3  }
0x94: {  	_ =	strace s2  }
0x95: {  	s2 =	sld [smem:$0x3FFD];
	_ =	sdelay $0x3  }
0x96: {  	_ =	strace s2  }
0x97: {  	_ =	strace $0x8FFFFFFF  }
0x98: {  	s20 =	sld [smem:$0x3FDB];
	_ =	sdelay $0x1  }
0x99: {  	s4 =	simm.s32 $_scs_section_size  }
0x9a: {  	s5 =	simm.s32 $_size__tile_overlayer_lowered;
	s6 =	simm.s32 $_tile_overlayer_lowered  }
0x9b: {  	s7 =	simm.s32 $0x1BFF;
	s21 =	sshll.u32 s6, $0x1;
	s4 =	sadd.s32 s4, s20  }
0x9c: {  	s22 =	simm.s32 $0x0;
	s5 =	sshll.u32 s5, $0x1;
	s6 =	sadd.s32 s21, s4  }
0x9d: {  	[timem:s22], [sflag:s7] =	dma.local [hbm:s6], s5  }
0x9e: {  	_ =	swait.ge [sflag:s7], s5  }
0x9f: {  	s5 =	ssub.s32 $0x0, s5;
	[sflag:s7] =	ssyncset.done $0x0  }
0xa0: {  	[sflag:s7] =	ssyncadd.s32 s5;
	_ =	sdelay $0x1  }
0xa1: {  	s23 =	simm.s32 $0x1B8B  }
0xa2: {  	_ =	swait.ge [sflag:s23], $0x1  }
0xa3: {  	[sflag:s23] =	ssyncset.done $0x0  }
0xa4: {  	[sflag:s23] =	ssyncadd.s32 $0xFFFFFFFF  }
0xa5: {  	s5 =	sld [smem:$0x0]  }
0xa6: {  	s6 =	sand.u32 $0xFFFFFFFE, s1  }
0xa7: {  	p0 =	sne.s32 s1, s6  }
0xa8: {  	s6 =	sshll.u32 @p0 s6, $0xE  }
0xa9: {  	s6 =	sadd.s32 @p0 $0x11B8D, s6;
	s7 =	sshll.u32 @p0 s5, $0x11  }
0xaa: {  	s6 =	sor.u32 @p0 s7, s6  }
0xab: {  	[sflag:s6] =	ssyncadd.remote.s32 @p0 $0x1;
	_ =	sdelay $0x1  }
0xac: {  	s6 =	simm.s32 @p0 $0x1B8D  }
0xad: {  	_ =	swait.eq @p0 [sflag:s6], $0x1  }
0xae: {  	[sflag:s6] =	ssyncadd.s32 @p0 $0xFFFFFFFF  }
0xaf: {  	s7 =	sshll.u32 @!p0 s1, $0xE  }
0xb0: {  	s7 =	sor.u32 @!p0 $0x4000, s7;
	s6 =	simm.s32 @!p0 $0x1B8D  }
0xb1: {  	s5 =	sshll.u32 @!p0 s5, $0x11;
	s7 =	sadd.s32 @!p0 $0x11B8D, s7;
	_ =	swait.eq @!p0 [sflag:s6], $0x1  }
0xb2: {  	s5 =	sor.u32 @!p0 s5, s7;
	[sflag:s6] =	ssyncadd.s32 @!p0 $0xFFFFFFFF  }
0xb3: {  	s25 =	simm.s32 $0x1B8E;
	s24 =	sld [smem:$0x3FFE];
	[sflag:s5] =	ssyncadd.remote.s32 @!p0 $0x1  }
0xb4: {  	s26 =	simm.s32 $execute0_lowered;
	[smem:$0x3FD2] =	sst s25  }
0xb5: {  	s6 =	sshll.u32 s26, $0x1;
	_ =	strace $0x80000052;
	[dreg:$0x1] =	wrdreg $0xFFFFFFFF  }
0xb6: {  	s28 =	simm.s32 $_size_execute0_lowered;
	s4 =	sadd.s32 s4, s6;
	[dreg:$0x0] =	wrdreg $0x0  }
0xb7: {  	s6 =	sshll.u32 s28, $0x1;
	[dreg:$0x2] =	wrdreg s4  }
0xb8: {  	[dreg:$0x3] =	wrdreg s6  }
0xb9: {  	[dreg:$0x4] =	wrdreg $0xC0  }
0xba: {  	_ =	task [dreg:s22], $0x5FFFF  }
0xbb: {  	[dreg:$0x1] =	wrdreg $0xFFFFFFFF  }
0xbc: {  	[dreg:$0x0] =	wrdreg $0x60  }
0xbd: {  	[dreg:$0x2] =	wrdreg s18  }
0xbe: {  	[dreg:$0x3] =	wrdreg s24  }
0xbf: {  	[dreg:$0x4] =	wrdreg $0xC  }
0xc0: {  	_ =	task.clear_ibuf [dreg:s22], $0x5FFFF;
	_ =	strace $0x90000052  }
0xc1: {  	s29 =	simm.s32 $0xC;
	_ =	strace $0x80000054  }
0xc2: {  	_ =	swait.ge [sflag:s29], $0x1  }
0xc3: {  	[sflag:s29] =	ssyncadd.s32 $0xFFFFFFFF  }
0xc4: {  	_ =	strace $0x90000054  }
0xc5: {  	_ =	sfence  }
0xc6: {  	s30 =	sld [smem:$0x0];
	_ =	sdelay $0x2  }
0xc7: {  	s31 =	sshll.u32 s1, $0xD;
	s1 =	sshrl.u32 s1, $0x2  }
0xc8: {  	s4 =	sand.u32 $0x4000, s31;
	s1 =	sadd.s32 s1, s30  }
0xc9: {  	s0 =	sor.u32 s4, s0;
	s1 =	sshll.u32 s1, $0x11  }
0xca: {  	s0 =	sor.u32 s1, s0  }
0xcb: {  	s0 =	sadd.s32 $0x8F2B, s0  }
0xcc: {  	[sflag:s0] =	ssyncadd.remote.s32 $0x1  }
0xcd: {  	_ =	sfence.sel $0xFFFF  }
0xce: {  	[dreg:$0x0] =	wrdreg $0xFFFFFFFF;
	(pc) =	sbr.abs _section_cstart, $3  }
0xcf: {  	[dreg:$0x1] =	wrdreg $0xFFFFFFFF  }
0xd0: {  	_ =	task.clear_ibuf [dreg:s22], $0x2FFFF;
	_ =	strace $0x9FFFFFFF  }
0xd1: {  	(tm) =	ssettm $0x7FFFFFFF  }
tec
execute0_lowered:
.L_overlay_start_1:
0x0: {  	(tag) =	ssettag $0x1  }
0x1: {  	s2 =	rddreg [dreg:$0x0]  }
0x2: {  	s7 =	rddreg [dreg:$0x1]  }
0x3: {  	s0 =	rddreg [dreg:$0x2]  }
0x4: {  	s1 =	srdreg.scid;
	_ =	strace $0x80000053;
	s4 =	simm.s32 $0x1  }
0x5: {  	s9 =	simm.s32 $0x3;
	s12 =	simm.s32 $0x0;
	s5 =	sshll.u32 s1, $0x4  }
.Ltmp0:
0x6: {  	s1 =	stileid.u32;
	s5 =	sand.u32 $0x10, s5;
	(pc) =	sbr.rel .LBB2_1-.Ltmp0, $4  }
0x7: {  	s10 =	simm.s32 $0x0;
	s3 =	sadd.s32 $0x5200, s7;
	s6 =	sor.u32 s1, s5  }
0x8: {  	[sflag:s4] =	ssyncpa.u1 $0x0;
	s5 =	simm.s32 $0x2;
	s6 =	sshll.u32 s6, $0x8  }
0x9: {  	s7 =	sadd.s32 $0x87000, s7;
	[sflag:s5] =	ssyncpa.u1 $0x0;
	s8 =	sadd.s32 $0x100, s6  }
0xa: {  	vm0 =	vmmov $0xff;
	vm1 =	vcmask $0x3F20;
	[sflag:s9] =	ssyncpa.u1 $0x0;
	s9 =	simm.s32 $0x100;
	s11 =	smov.u32 s6  }
.LBB2_9:
0xb: {  	p0 =	seq.s32 s10, $0x2  }
.Ltmp1:
0xc: {  	_ = 	snop;
	(pc) =	sbr.rel @p0 .LBB2_11-.Ltmp1, $1  }
0xd: {  	_ =	sdelay $0x3  }
.LBB2_10:
0xe: {  	s12 =	sadd.s32 $0x100, s11  }
0xf: {  	s13 =	smov.u32 s6;
	p0 =	slt.s32 s12, s8  }
0x10: {  	s13 =	smov.u32 @p0 s12  }
0x11: {  	s10 =	sadd.s32 $0x1, s10;
	s12 =	smov.u32 s11;
	s11 =	smov.u32 s13  }
.LBB2_1:
0x12: {  	p0 =	sne.s32 s10, $0x0  }
.Ltmp2:
0x13: {  	_ = 	snop;
	(pc) =	sbr.rel @!p0 .LBB2_2-.Ltmp2, $1  }
0x14: {  	_ =	sdelay $0x3  }
0x15: {  	s13 =	sand.u32 $0x1, s10  }
0x16: {  	p0 =	seq.s32 s13, $0x0  }
.Ltmp3:
0x17: {  	_ = 	snop;
	(pc) =	sbr.rel @p0 .LBB2_9-.Ltmp3, $1  }
0x18: {  	_ =	sdelay $0x3  }
0x19: {  	_ =	swait.ge [sflag:s5], $0x100  }
0x1a: {  	[sflag:s5] =	ssyncset.done $0x0  }
0x1b: {  	s13 =	simm.s32 $0x0;
	[sflag:s5] =	ssyncadd.s32 $0xFFFFFF00  }
0x1c: {  	v0 =	vld.msk [tilespmem:s13+$0x100 ss:$0x1], $0xffff;
	_ =	sdelay $0x4  }
0x1d: {  	vm2 =	vgt.s32 v0, $0x0  }
0x1e: {  	v0 =	vnsel vm2, $0x0, v0  }
0x1f: {  	v0 =	vmin.u32 v0, $0x1869F  }
0x20: {  	v0 =	vshll.u32 v0, $0x4;
	_ =	sdelay $0x3  }
0x21: {  	s13 =	simm.s32 $0x8200  }
0x22: {  	[tilespmem:s13], [sflag:$0x1] =	stream.indirect_vreg.gather [hbm:s2], $0x80, v0, vm0, $0x38;
	[tilespmem:$0x10200] =	vst v63  }
0x23: {  	s14 =	simm.s32 $0x8600;
	s31 =	simm.s32 $0x10  }
0x24: {  	[tilespmem:s14], [sflag:$0x1] =	stream.indirect_vreg.gather [hbm:s2], $0x80, v0, vm1, $0x38;
	[tilespmem:$0x10200] =	vst v63  }
0x25: {  	s14 =	simm.s32 $0x80;
	v0 =	vld.msk [tilespmem:s31+$0x100 ss:$0x1], $0xffff  }
.LBB2_5:
0x26: {  	p0 =	sne.s32 s14, $0x3C0;
	_ =	sdelay $0x4  }
0x27: {  	vm2 =	vgt.s32 v0, $0x0  }
0x28: {  	v0 =	vnsel vm2, $0x0, v0  }
0x29: {  	v0 =	vmin.u32 v0, $0x1869F  }
0x2a: {  	v0 =	vshll.u32 v0, $0x4;
	_ =	sdelay $0x3  }
.Ltmp4:
0x2b: {  	s13 =	sadd.s32 $0x800, s13;
	(pc) =	sbr.rel @p0 .LBB2_5-.Ltmp4, $4  }
0x2c: {  	[tilespmem:s13], [sflag:$0x1] =	stream.indirect_vreg.gather [hbm:s2], $0x80, v0, vm0, $0x38;
	[tilespmem:$0x10200] =	vst v63  }
0x2d: {  	s15 =	sshra.s32 s14, $0x2;
	s16 =	sadd.s32 $0x400, s13  }
0x2e: {  	[tilespmem:s16], [sflag:$0x1] =	stream.indirect_vreg.gather [hbm:s2], $0x80, v0, vm1, $0x38;
	[tilespmem:$0x10200] =	vst v63  }
0x2f: {  	s14 =	sadd.s32 $0x40, s14;
	v0 =	vld.msk [tilespmem:s15+$0x100 ss:$0x1], $0xffff  }
0x30: {  	_ =	sdelay $0x3  }
0x31: {  	vm2 =	vgt.s32 v0, $0x0  }
0x32: {  	v0 =	vnsel vm2, $0x0, v0  }
0x33: {  	v0 =	vmin.u32 v0, $0x1869F  }
0x34: {  	v0 =	vshll.u32 v0, $0x4;
	_ =	sdelay $0x3  }
0x35: {  	s13 =	sadd.s32 $0x800, s13  }
0x36: {  	[tilespmem:s13], [sflag:$0x1] =	stream.indirect_vreg.gather [hbm:s2], $0x80, v0, vm0, $0x38;
	[tilespmem:$0x10200] =	vst v63  }
0x37: {  	s13 =	sadd.s32 $0x400, s13  }
0x38: {  	[tilespmem:s13], [sflag:$0x1] =	stream.indirect_vreg.gather [hbm:s2], $0x80, v0, vm1, $0x38;
	[tilespmem:$0x10200] =	vst v63  }
0x39: {  	s12 =	sshll.u32 s12, $0x4;
	s14 =	simm.s32 $0x80;
	_ =	swait.ge [sflag:s4], $0x8000  }
0x3a: {  	s15 =	simm.s32 $0x8600;
	s12 =	sadd.s32 s12, s7;
	[sflag:s4] =	ssyncset.done $0x0  }
0x3b: {  	s16 =	sadd.s32 $0x0, s12;
	s13 =	simm.s32 $0x8200;
	[sflag:s4] =	ssyncadd.s32 $0xFFFF8000  }
.LBB2_7:
0x3c: {  	[hbm:s16] =	stream.linear.scatter [tilespmem:s13], [sflag:$0x3], $0x400, $0x38;
	[tilespmem:$0x10200] =	vst v63  }
0x3d: {  	s16 =	smov.u32 s14;
	s13 =	smov.u32 s15;
	p0 =	sne.s32 s14, $0xF80  }
.Ltmp5:
0x3e: {  	s14 =	sadd.s32 $0x80, s14;
	(pc) =	sbr.rel @p0 .LBB2_7-.Ltmp5, $2  }
0x3f: {  	_ =	sdelay $0x2  }
0x40: {  	s15 =	sadd.s32 $0x400, s15;
	s16 =	sadd.s32 s16, s12  }
.Ltmp6:
0x41: {  	(pc) =	sbr.rel .LBB2_9-.Ltmp6, $2  }
0x42: {  	_ =	sdelay $0x2  }
0x43: {  	[hbm:s16] =	stream.linear.scatter [tilespmem:s13], [sflag:$0x3], $0x400, $0x38;
	[tilespmem:$0x10200] =	vst v63  }
.LBB2_2:
.Ltmp7:
0x44: {  	(pc) =	sbr.rel .LBB2_10-.Ltmp7, $4  }
0x45: {  	_ = 	snop  }
0x46: {  	s12 =	sshrl.u32 s11, $0x3  }
0x47: {  	s13 =	sand.u32 $0x7, s11;
	s12 =	sadd.s32 s3, s12  }
0x48: {  	[tilespmem:s9], [sflag:$0x2] =	stream.linear.gather [hbm4b:s12+s13], $0x100, $0x38;
	[tilespmem:$0x10200] =	vst v63  }
.LBB2_11:
0x49: {  	s2 =	simm.s32 $0x3  }
0x4a: {  	_ =	swait.ge [sflag:s2], $0x8000  }
0x4b: {  	[sflag:s2] =	ssyncset.done $0x0  }
0x4c: {  	[sflag:s2] =	ssyncadd.s32 $0xFFFF8000  }
0x4d: {  	_ =	sfence.sel $0x180000  }
0x4e: {  	s3 =	simm.s32 $0x2;
	[bflag:$0x0] =	sbarrier.arrive $0xFFFF  }
0x4f: {  	[sflag:s3] =	ssyncpa.u1 $0x1  }
0x50: {  	s31 =	simm.s32 $0x1;
	[sflag:s2] =	ssyncpa.u1 $0x1  }
0x51: {  	[sflag:s31] =	ssyncpa.u1 $0x1  }
0x52: {  	p0 =	sne.s32 s1, $0x0;
	_ =	strace $0x90000053  }
0x53: {  	s0 =	sadd.s32 @!p0 $0x100000, s0;
	[bflag:$0x2] =	sbarrier.arrive $0xFFFF  }
0x54: {  	[sflag:s0] =	ssyncadd.tile.s32 @!p0 $0x1;
	_ =	shalt  }
.Lfunc_end2:
_tile_overlayer_lowered:
.L_overlay_start_2:
0x55: {  	(tag) =	ssettag $0x2  }
0x56: {  	s0 =	rddreg [dreg:$0x0];
	s2 =	stileid.u32  }
0x57: {  	s1 =	rddreg [dreg:$0x1];
	p0 =	sne.s32 s2, $0x0  }
0x58: {  	s3 =	rddreg [dreg:$0x2];
	[bflag:$0x3] =	sbarrier.arrive $0xFFFF;
	s2 =	simm.s32 @!p0 $0x1C01  }
0x59: {  	[timem:s3], [sflag:s2] =	dma.local @!p0 [hbm:s0], s1  }
0x5a: {  	s0 =	simm.s32 @!p0 $0x1  }
0x5b: {  	_ =	swait.ge @!p0 [sflag:s0], s1  }
0x5c: {  	s1 =	ssub.s32 @!p0 $0x0, s1;
	[sflag:s0] =	ssyncset.done @!p0 $0x0  }
0x5d: {  	[sflag:s0] =	ssyncadd.s32 @!p0 s1  }
0x5e: {  	[bflag:$0x3] =	sbarrier.arrive $0xFFFF  }
0x5f: {  	_ =	shalt  }

// kernel: gather_offload_async_start
scs
__scs_entry_jumppad:
0x0: {  	(pc) =	sbr.rel $0x88, $3  }
0x1: {  	(tag) =	ssettag $0x0;
	lr =	simm.s32 $0x1  }
0x2: {  	[smem:$0x3F91] =	sst lr;
	_ =	strace $0xD0000000  }
0x3: {  	_ = 	snop  }
0x4: {  	_ = 	snop  }
0x5: {  	_ = 	snop  }
0x6: {  	_ = 	snop  }
0x7: {  	_ = 	snop  }
__scs_overlays_trampoline_lowered:
0x8: {  	[smem:$0x3FA0] =	sst s0  }
0x9: {  	[smem:$0x3FA1] =	sst s1  }
0xa: {  	[smem:$0x3FA2] =	sst s2  }
0xb: {  	[smem:$0x3FA3] =	sst s3  }
0xc: {  	[smem:$0x3FA4] =	sst s4  }
0xd: {  	[smem:$0x3FA5] =	sst s5  }
0xe: {  	[smem:$0x3FA6] =	sst s6  }
0xf: {  	[smem:$0x3FA7] =	sst s7  }
0x10: {  	[smem:$0x3FA8] =	sst s8  }
0x11: {  	[smem:$0x3FA9] =	sst s9;
	s0 =	simm.s32 @!p0 $0x0  }
0x12: {  	s1 =	sld [smem:$0x3F8F];
	s0 =	simm.s32 @p0 $0x1  }
0x13: {  	[smem:$0x3FAA] =	sst s0;
	s0 =	simm.s32 @!p1 $0x0  }
0x14: {  	s2 =	sld [smem:$0x3F8E];
	s0 =	simm.s32 @p1 $0x1  }
0x15: {  	[smem:$0x3FAB] =	sst s0;
	s0 =	simm.s32 @!p2 $0x0  }
0x16: {  	s3 =	sld [smem:$0x3FDB];
	s0 =	simm.s32 @p2 $0x1  }
0x17: {  	s4 =	simm.s32 $0x1BF5;
	[smem:$0x3FAD] =	sst s0  }
0x18: {  	s0 =	sld [smem:$0x3F90];
	_ =	swait.ge [sflag:s4], $0x0  }
0x19: {  	s7 =	sld [smem:$0x3F91]  }
0x1a: {  	s8 =	sadd.s32 $0xFFFFE003, lr  }
0x1b: {  	s9 =	sadd.s32 $0xFFFFFEF7, lr;
	s5 =	simm.s32 $0xFFFFFFFF;
	p2 =	slt.u32 s8, $0xFFFFF086  }
0x1c: {  	p1 =	slt.u32 s9, $0xF7A;
	s5 =	simm.s32 @!p2 $0x0  }
0x1d: {  	s5 =	simm.s32 @p1 $0x1;
	p0 =	seq.s32 s7, s2  }
0x1e: {  	s7 =	smul.u32 @!p0 $0xF7A, s2;
	p2 =	seq.s32 @!p0 s5, $0x0  }
0x1f: {  	s9 =	smul.u32 $0xF7A, s1;
	s8 =	simm.s32 @!p0 $0x1BF5;
	p2 =	por !p2, p0  }
0x20: {  	[sflag:s8] =	ssyncset.s32 @!p0 $0xFFFFF086;
	s6 =	sadd.s32 @!p0 s3, s7;
	s7 =	simm.s32 @!p0 $0x108  }
0x21: {  	s3 =	sadd.s32 s3, s9;
	s6 =	sadd.s32 @!p0 $0x88, s6;
	s7 =	simm.s32 @p2 $0x1082  }
0x22: {  	[simem:s7], [sflag:s8] =	dma.local @!p0 [hbm:s6], $0xF7A  }
0x23: {  	s9 =	sor.u32 $0xD0000000, s2;
	s6 =	simm.s32 $0x108;
	_ =	swait.ge @!p0 [sflag:s8], $0x0  }
0x24: {  	s3 =	sadd.s32 $0x88, s3;
	s6 =	simm.s32 @!p1 $0x1082;
	[sflag:s4] =	ssyncset.s32 $0xFFFFF086  }
0x25: {  	[simem:s6], [sflag:s4] =	dma.local [hbm:s3], $0xF7A  }
0x26: {  	[smem:$0x3F91] =	sst s1;
	(tag) =	ssettag s2;
	_ =	strace s9  }
0x27: {  	s1 =	sld [smem:$0x3FA1]  }
0x28: {  	s2 =	sld [smem:$0x3FA2]  }
0x29: {  	s4 =	sld [smem:$0x3FA4]  }
0x2a: {  	p0 =	seq.s32 s5, $0x0;
	s5 =	sld [smem:$0x3FA5]  }
0x2b: {  	s6 =	sld [smem:$0x3FA6]  }
0x2c: {  	s7 =	sld [smem:$0x3FA7]  }
0x2d: {  	s3 =	simm.s32 $0x108;
	s8 =	sld [smem:$0x3FA8]  }
0x2e: {  	s3 =	simm.s32 @!p0 $0x1082;
	s9 =	sld [smem:$0x3FA9]  }
0x2f: {  	lr =	sadd.s32 s0, s3;
	s0 =	sld [smem:$0x3FA0]  }
0x30: {  	s3 =	sld [smem:$0x3FA3]  }
0x31: {  	[smem:$0x3FAC] =	sst s10  }
0x32: {  	s10 =	sld [smem:$0x3FAA];
	_ =	sdelay $0x3  }
0x33: {  	p0 =	seq.s32 s10, $0x1;
	s10 =	sld [smem:$0x3FAC];
	_ =	sdelay $0x3  }
0x34: {  	[smem:$0x3FAC] =	sst s10  }
0x35: {  	s10 =	sld [smem:$0x3FAB];
	_ =	sdelay $0x3  }
0x36: {  	p1 =	seq.s32 s10, $0x1;
	s10 =	sld [smem:$0x3FAC];
	_ =	sdelay $0x3  }
0x37: {  	[smem:$0x3FAC] =	sst s10  }
0x38: {  	s10 =	sld [smem:$0x3FAD]  }
0x39: {  	_ = 	snop;
	(pc) =	sbr.ind lr, $3  }
0x3a: {  	_ = 	snop  }
0x3b: {  	_ = 	snop  }
0x3c: {  	p2 =	seq.s32 s10, $0x1;
	s10 =	sld [smem:$0x3FAC]  }
0x3d: {  	_ =	shalt  }
0x3e: {  	_ =	shalt  }
0x3f: {  	_ =	shalt  }
0x40: {  	_ =	shalt  }
0x41: {  	_ =	shalt  }
0x42: {  	_ =	shalt  }
0x43: {  	_ =	shalt  }
0x44: {  	_ =	shalt  }
0x45: {  	_ =	shalt  }
0x46: {  	_ =	shalt  }
0x47: {  	_ =	shalt  }
0x48: {  	_ =	shalt  }
0x49: {  	_ =	shalt  }
0x4a: {  	_ =	shalt  }
0x4b: {  	_ =	shalt  }
0x4c: {  	_ =	shalt  }
0x4d: {  	_ =	shalt  }
0x4e: {  	_ =	shalt  }
0x4f: {  	_ =	shalt  }
0x50: {  	_ =	shalt  }
0x51: {  	_ =	shalt  }
0x52: {  	_ =	shalt  }
0x53: {  	_ =	shalt  }
0x54: {  	_ =	shalt  }
0x55: {  	_ =	shalt  }
0x56: {  	_ =	shalt  }
0x57: {  	_ =	shalt  }
0x58: {  	_ =	shalt  }
0x59: {  	_ =	shalt  }
0x5a: {  	_ =	shalt  }
0x5b: {  	_ =	shalt  }
0x5c: {  	_ =	shalt  }
0x5d: {  	_ =	shalt  }
0x5e: {  	_ =	shalt  }
0x5f: {  	_ =	shalt  }
0x60: {  	_ =	shalt  }
0x61: {  	_ =	shalt  }
0x62: {  	_ =	shalt  }
0x63: {  	_ =	shalt  }
0x64: {  	_ =	shalt  }
0x65: {  	_ =	shalt  }
0x66: {  	_ =	shalt  }
0x67: {  	_ =	shalt  }
0x68: {  	_ =	shalt  }
0x69: {  	_ =	shalt  }
0x6a: {  	_ =	shalt  }
0x6b: {  	_ =	shalt  }
0x6c: {  	_ =	shalt  }
0x6d: {  	_ =	shalt  }
0x6e: {  	_ =	shalt  }
0x6f: {  	_ =	shalt  }
0x70: {  	_ =	shalt  }
0x71: {  	_ =	shalt  }
0x72: {  	_ =	shalt  }
0x73: {  	_ =	shalt  }
0x74: {  	_ =	shalt  }
0x75: {  	_ =	shalt  }
0x76: {  	_ =	shalt  }
0x77: {  	_ =	shalt  }
0x78: {  	_ =	shalt  }
0x79: {  	_ =	shalt  }
0x7a: {  	_ =	shalt  }
0x7b: {  	_ =	shalt  }
0x7c: {  	_ =	shalt  }
0x7d: {  	_ =	shalt  }
0x7e: {  	_ =	shalt  }
0x7f: {  	_ =	shalt  }
0x80: {  	_ =	shalt  }
0x81: {  	_ =	shalt  }
0x82: {  	_ =	shalt  }
0x83: {  	_ =	shalt  }
0x84: {  	_ =	shalt  }
0x85: {  	_ =	shalt  }
0x86: {  	_ =	shalt  }
0x87: {  	_ =	shalt  }
.Lfunc_end0:
.L_simem_size_0:
called_computation_lowered:
.L_overlay_start_0:
0x88: {  	s2 =	sld [smem:$0x3FD9]  }
0x89: {  	s3 =	sld [smem:$0x3FFE];
	_ =	sdelay $0x1  }
0x8a: {  	s1 =	srdreg.scid  }
0x8b: {  	s0 =	sand.u32 $0x1, s1  }
0x8c: {  	s17 =	sshll.u32 s0, $0xA;
	s2 =	sadd.s32 s3, s2  }
0x8d: {  	s2 =	sadd.s32 s2, s17  }
0x8e: {  	[smem:$0x3FB8] =	sst s2  }
0x8f: {  	_ = 	snop  }
0x90: {  	s2 =	sld [smem:$0x3FC5]  }
0x91: {  	s18 =	sld [smem:$0x3FD0];
	(tm) =	ssettm $0x1  }
0x92: {  	s4 =	sld [smem:$0x3FFB];
	_ =	sdelay $0x3  }
0x93: {  	_ =	strace s4  }
0x94: {  	s4 =	sld [smem:$0x3FFC];
	_ =	sdelay $0x3  }
0x95: {  	_ =	strace s4  }
0x96: {  	s4 =	sld [smem:$0x3FFD];
	_ =	sdelay $0x3  }
0x97: {  	_ =	strace s4  }
0x98: {  	_ =	strace $0x8FFFFFFF  }
0x99: {  	s19 =	sld [smem:$0x3FDB];
	_ =	sdelay $0x1  }
0x9a: {  	s5 =	simm.s32 $_scs_section_size  }
0x9b: {  	s6 =	simm.s32 $_size__tile_overlayer_lowered;
	s7 =	simm.s32 $_tile_overlayer_lowered  }
0x9c: {  	s22 =	simm.s32 $0x1BFF;
	s21 =	sshll.u32 s7, $0x1;
	s4 =	sadd.s32 s5, s19  }
0x9d: {  	s8 =	simm.s32 $0x0;
	s20 =	sshll.u32 s6, $0x1;
	s6 =	sadd.s32 s21, s4  }
0x9e: {  	[timem:s8], [sflag:s22] =	dma.local [hbm:s6], s20  }
0x9f: {  	_ =	swait.ge [sflag:s22], s20  }
0xa0: {  	s5 =	ssub.s32 $0x0, s20;
	[sflag:s22] =	ssyncset.done $0x0  }
0xa1: {  	[sflag:s22] =	ssyncadd.s32 s5;
	_ =	sdelay $0x1  }
0xa2: {  	s23 =	simm.s32 $0x1B8B  }
0xa3: {  	_ =	swait.ge [sflag:s23], $0x1  }
0xa4: {  	[sflag:s23] =	ssyncset.done $0x0  }
0xa5: {  	s25 =	simm.s32 $0x1B8E;
	s24 =	sld [smem:$0x3FFE];
	[sflag:s23] =	ssyncadd.s32 $0xFFFFFFFF  }
0xa6: {  	s26 =	simm.s32 $execute0_lowered;
	[smem:$0x3FD2] =	sst s25  }
0xa7: {  	s6 =	sshll.u32 s26, $0x1;
	_ =	strace $0x80000046;
	[dreg:$0x1] =	wrdreg $0xFFFFFFFF  }
0xa8: {  	s28 =	simm.s32 $_size_execute0_lowered;
	s4 =	sadd.s32 s4, s6;
	[dreg:$0x0] =	wrdreg $0x0  }
0xa9: {  	s6 =	sshll.u32 s28, $0x1;
	[dreg:$0x2] =	wrdreg s4  }
0xaa: {  	[dreg:$0x3] =	wrdreg s6  }
0xab: {  	[dreg:$0x4] =	wrdreg $0xC0  }
0xac: {  	_ =	task [dreg:s8], $0x5FFFF  }
0xad: {  	[dreg:$0x1] =	wrdreg $0xFFFFFFFF  }
0xae: {  	[dreg:$0x0] =	wrdreg $0x60  }
0xaf: {  	[dreg:$0x2] =	wrdreg s2  }
0xb0: {  	[dreg:$0x3] =	wrdreg s18  }
0xb1: {  	[dreg:$0x4] =	wrdreg s24  }
0xb2: {  	[dreg:$0x5] =	wrdreg $0x9  }
0xb3: {  	_ =	task.clear_ibuf [dreg:s8], $0x6FFFF;
	_ =	strace $0x90000046  }
0xb4: {  	s29 =	simm.s32 $0x9;
	_ =	strace $0x80000048  }
0xb5: {  	_ =	swait.ge [sflag:s29], $0x1  }
0xb6: {  	[sflag:s29] =	ssyncadd.s32 $0xFFFFFFFF  }
0xb7: {  	_ =	strace $0x90000048  }
0xb8: {  	_ =	sfence  }
0xb9: {  	s30 =	sld [smem:$0x0];
	_ =	sdelay $0x2  }
0xba: {  	s31 =	sshll.u32 s1, $0xD;
	s1 =	sshrl.u32 s1, $0x2  }
0xbb: {  	s3 =	sand.u32 $0x4000, s31;
	s1 =	sadd.s32 s1, s30  }
0xbc: {  	s0 =	sor.u32 s3, s0;
	s1 =	sshll.u32 s1, $0x11  }
0xbd: {  	s0 =	sor.u32 s1, s0  }
0xbe: {  	s0 =	sadd.s32 $0x8F2B, s0  }
0xbf: {  	[sflag:s0] =	ssyncadd.remote.s32 $0x1  }
0xc0: {  	_ =	sfence.sel $0xFFFF  }
0xc1: {  	[dreg:$0x0] =	wrdreg $0xFFFFFFFF;
	(pc) =	sbr.abs _section_cstart, $3  }
0xc2: {  	[dreg:$0x1] =	wrdreg $0xFFFFFFFF  }
0xc3: {  	_ =	task.clear_ibuf [dreg:s8], $0x2FFFF;
	_ =	strace $0x9FFFFFFF  }
0xc4: {  	(tm) =	ssettm $0x7FFFFFFF  }
0xc5: {  	_ =	shalt  }
tec
execute0_lowered:
.L_overlay_start_1:
0x0: {  	(tag) =	ssettag $0x1  }
0x1: {  	s2 =	rddreg [dreg:$0x0]  }
0x2: {  	s3 =	rddreg [dreg:$0x1]  }
0x3: {  	s7 =	rddreg [dreg:$0x2]  }
0x4: {  	s0 =	rddreg [dreg:$0x3];
	s1 =	srdreg.scid;
	_ =	strace $0x80000047  }
0x5: {  	s4 =	simm.s32 $0x1;
	s9 =	simm.s32 $0x3;
	s5 =	sshll.u32 s1, $0x4  }
.Ltmp0:
0x6: {  	s1 =	stileid.u32;
	s5 =	sand.u32 $0x10, s5;
	(pc) =	sbr.rel .LBB2_1-.Ltmp0, $4  }
0x7: {  	s12 =	simm.s32 $0x0;
	s10 =	simm.s32 $0x0;
	s6 =	sor.u32 s1, s5  }
0x8: {  	[sflag:s4] =	ssyncpa.u1 $0x0;
	s5 =	simm.s32 $0x2;
	s6 =	sshll.u32 s6, $0x8  }
0x9: {  	s7 =	sadd.s32 $0x5E00, s7;
	[sflag:s5] =	ssyncpa.u1 $0x0;
	s8 =	sadd.s32 $0x100, s6  }
0xa: {  	vm0 =	vmmov $0xff;
	vm1 =	vcmask $0x3F20;
	[sflag:s9] =	ssyncpa.u1 $0x0;
	s9 =	simm.s32 $0x100;
	s11 =	smov.u32 s6  }
.LBB2_9:
0xb: {  	p0 =	seq.s32 s10, $0x2  }
.Ltmp1:
0xc: {  	_ = 	snop;
	(pc) =	sbr.rel @p0 .LBB2_11-.Ltmp1, $1  }
0xd: {  	_ =	sdelay $0x3  }
.LBB2_10:
0xe: {  	s12 =	sadd.s32 $0x100, s11  }
0xf: {  	s13 =	smov.u32 s6;
	p0 =	slt.s32 s12, s8  }
0x10: {  	s13 =	smov.u32 @p0 s12  }
0x11: {  	s10 =	sadd.s32 $0x1, s10;
	s12 =	smov.u32 s11;
	s11 =	smov.u32 s13  }
.LBB2_1:
0x12: {  	p0 =	sne.s32 s10, $0x0  }
.Ltmp2:
0x13: {  	_ = 	snop;
	(pc) =	sbr.rel @!p0 .LBB2_2-.Ltmp2, $1  }
0x14: {  	_ =	sdelay $0x3  }
0x15: {  	s13 =	sand.u32 $0x1, s10  }
0x16: {  	p0 =	seq.s32 s13, $0x0  }
.Ltmp3:
0x17: {  	_ = 	snop;
	(pc) =	sbr.rel @p0 .LBB2_9-.Ltmp3, $1  }
0x18: {  	_ =	sdelay $0x3  }
0x19: {  	_ =	swait.ge [sflag:s5], $0x100  }
0x1a: {  	[sflag:s5] =	ssyncset.done $0x0  }
0x1b: {  	s13 =	simm.s32 $0x0;
	[sflag:s5] =	ssyncadd.s32 $0xFFFFFF00  }
0x1c: {  	v0 =	vld.msk [tilespmem:s13+$0x100 ss:$0x1], $0xffff;
	_ =	sdelay $0x4  }
0x1d: {  	vm2 =	vgt.s32 v0, $0x0  }
0x1e: {  	v0 =	vnsel vm2, $0x0, v0  }
0x1f: {  	v0 =	vmin.u32 v0, $0x1869F  }
0x20: {  	v0 =	vshll.u32 v0, $0x4;
	_ =	sdelay $0x3  }
0x21: {  	s13 =	simm.s32 $0x8200  }
0x22: {  	[tilespmem:s13], [sflag:$0x1] =	stream.indirect_vreg.gather [hbm:s2], $0x80, v0, vm0, $0x38;
	[tilespmem:$0x10200] =	vst v63  }
0x23: {  	s14 =	simm.s32 $0x8600;
	s31 =	simm.s32 $0x10  }
0x24: {  	[tilespmem:s14], [sflag:$0x1] =	stream.indirect_vreg.gather [hbm:s2], $0x80, v0, vm1, $0x38;
	[tilespmem:$0x10200] =	vst v63  }
0x25: {  	s14 =	simm.s32 $0x80;
	v0 =	vld.msk [tilespmem:s31+$0x100 ss:$0x1], $0xffff  }
.LBB2_5:
0x26: {  	p0 =	sne.s32 s14, $0x3C0;
	_ =	sdelay $0x4  }
0x27: {  	vm2 =	vgt.s32 v0, $0x0  }
0x28: {  	v0 =	vnsel vm2, $0x0, v0  }
0x29: {  	v0 =	vmin.u32 v0, $0x1869F  }
0x2a: {  	v0 =	vshll.u32 v0, $0x4;
	_ =	sdelay $0x3  }
.Ltmp4:
0x2b: {  	s13 =	sadd.s32 $0x800, s13;
	(pc) =	sbr.rel @p0 .LBB2_5-.Ltmp4, $4  }
0x2c: {  	[tilespmem:s13], [sflag:$0x1] =	stream.indirect_vreg.gather [hbm:s2], $0x80, v0, vm0, $0x38;
	[tilespmem:$0x10200] =	vst v63  }
0x2d: {  	s15 =	sshra.s32 s14, $0x2;
	s16 =	sadd.s32 $0x400, s13  }
0x2e: {  	[tilespmem:s16], [sflag:$0x1] =	stream.indirect_vreg.gather [hbm:s2], $0x80, v0, vm1, $0x38;
	[tilespmem:$0x10200] =	vst v63  }
0x2f: {  	s14 =	sadd.s32 $0x40, s14;
	v0 =	vld.msk [tilespmem:s15+$0x100 ss:$0x1], $0xffff  }
0x30: {  	_ =	sdelay $0x3  }
0x31: {  	vm2 =	vgt.s32 v0, $0x0  }
0x32: {  	v0 =	vnsel vm2, $0x0, v0  }
0x33: {  	v0 =	vmin.u32 v0, $0x1869F  }
0x34: {  	v0 =	vshll.u32 v0, $0x4;
	_ =	sdelay $0x3  }
0x35: {  	s13 =	sadd.s32 $0x800, s13  }
0x36: {  	[tilespmem:s13], [sflag:$0x1] =	stream.indirect_vreg.gather [hbm:s2], $0x80, v0, vm0, $0x38;
	[tilespmem:$0x10200] =	vst v63  }
0x37: {  	s13 =	sadd.s32 $0x400, s13  }
0x38: {  	[tilespmem:s13], [sflag:$0x1] =	stream.indirect_vreg.gather [hbm:s2], $0x80, v0, vm1, $0x38;
	[tilespmem:$0x10200] =	vst v63  }
0x39: {  	s12 =	sshll.u32 s12, $0x4;
	s14 =	simm.s32 $0x80;
	_ =	swait.ge [sflag:s4], $0x8000  }
0x3a: {  	s15 =	simm.s32 $0x8600;
	s12 =	sadd.s32 s12, s7;
	[sflag:s4] =	ssyncset.done $0x0  }
0x3b: {  	s16 =	sadd.s32 $0x0, s12;
	s13 =	simm.s32 $0x8200;
	[sflag:s4] =	ssyncadd.s32 $0xFFFF8000  }
.LBB2_7:
0x3c: {  	[hbm:s16] =	stream.linear.scatter [tilespmem:s13], [sflag:$0x3], $0x400, $0x38;
	[tilespmem:$0x10200] =	vst v63  }
0x3d: {  	s16 =	smov.u32 s14;
	s13 =	smov.u32 s15;
	p0 =	sne.s32 s14, $0xF80  }
.Ltmp5:
0x3e: {  	s14 =	sadd.s32 $0x80, s14;
	(pc) =	sbr.rel @p0 .LBB2_7-.Ltmp5, $2  }
0x3f: {  	_ =	sdelay $0x2  }
0x40: {  	s15 =	sadd.s32 $0x400, s15;
	s16 =	sadd.s32 s16, s12  }
.Ltmp6:
0x41: {  	(pc) =	sbr.rel .LBB2_9-.Ltmp6, $2  }
0x42: {  	_ =	sdelay $0x2  }
0x43: {  	[hbm:s16] =	stream.linear.scatter [tilespmem:s13], [sflag:$0x3], $0x400, $0x38;
	[tilespmem:$0x10200] =	vst v63  }
.LBB2_2:
.Ltmp7:
0x44: {  	(pc) =	sbr.rel .LBB2_10-.Ltmp7, $4  }
0x45: {  	_ = 	snop  }
0x46: {  	s12 =	sshrl.u32 s11, $0x3  }
0x47: {  	s13 =	sand.u32 $0x7, s11;
	s12 =	sadd.s32 s3, s12  }
0x48: {  	[tilespmem:s9], [sflag:$0x2] =	stream.linear.gather [hbm4b:s12+s13], $0x100, $0x38;
	[tilespmem:$0x10200] =	vst v63  }
.LBB2_11:
0x49: {  	s2 =	simm.s32 $0x3  }
0x4a: {  	_ =	swait.ge [sflag:s2], $0x8000  }
0x4b: {  	[sflag:s2] =	ssyncset.done $0x0  }
0x4c: {  	[sflag:s2] =	ssyncadd.s32 $0xFFFF8000  }
0x4d: {  	_ =	sfence.sel $0x180000  }
0x4e: {  	s3 =	simm.s32 $0x2;
	[bflag:$0x0] =	sbarrier.arrive $0xFFFF  }
0x4f: {  	[sflag:s3] =	ssyncpa.u1 $0x1  }
0x50: {  	s31 =	simm.s32 $0x1;
	[sflag:s2] =	ssyncpa.u1 $0x1  }
0x51: {  	[sflag:s31] =	ssyncpa.u1 $0x1  }
0x52: {  	p0 =	sne.s32 s1, $0x0;
	_ =	strace $0x90000047  }
0x53: {  	s0 =	sadd.s32 @!p0 $0x100000, s0;
	[bflag:$0x2] =	sbarrier.arrive $0xFFFF  }
0x54: {  	[sflag:s0] =	ssyncadd.tile.s32 @!p0 $0x1;
	_ =	shalt  }
.Lfunc_end2:
_tile_overlayer_lowered:
.L_overlay_start_2:
0x55: {  	(tag) =	ssettag $0x2  }
0x56: {  	s0 =	rddreg [dreg:$0x0];
	s2 =	stileid.u32  }
0x57: {  	s1 =	rddreg [dreg:$0x1];
	p0 =	sne.s32 s2, $0x0  }
0x58: {  	s3 =	rddreg [dreg:$0x2];
	[bflag:$0x3] =	sbarrier.arrive $0xFFFF;
	s2 =	simm.s32 @!p0 $0x1C01  }
0x59: {  	[timem:s3], [sflag:s2] =	dma.local @!p0 [hbm:s0], s1  }
0x5a: {  	s0 =	simm.s32 @!p0 $0x1  }
0x5b: {  	_ =	swait.ge @!p0 [sflag:s0], s1  }
0x5c: {  	s1 =	ssub.s32 @!p0 $0x0, s1;
	[sflag:s0] =	ssyncset.done @!p0 $0x0  }
0x5d: {  	[sflag:s0] =	ssyncadd.s32 @!p0 s1  }
0x5e: {  	[bflag:$0x3] =	sbarrier.arrive $0xFFFF  }
0x5f: {  	_ =	shalt  }

// kernel: kernel.6.cloned.1.call-start
scs
__scs_entry_jumppad:
0x0: {  	(pc) =	sbr.rel $0x88, $3  }
0x1: {  	(tag) =	ssettag $0x0;
	lr =	simm.s32 $0x1  }
0x2: {  	[smem:$0x3F91] =	sst lr;
	_ =	strace $0xD0000000  }
0x3: {  	_ = 	snop  }
0x4: {  	_ = 	snop  }
0x5: {  	_ = 	snop  }
0x6: {  	_ = 	snop  }
0x7: {  	_ = 	snop  }
__scs_overlays_trampoline_lowered:
0x8: {  	[smem:$0x3FA0] =	sst s0  }
0x9: {  	[smem:$0x3FA1] =	sst s1  }
0xa: {  	[smem:$0x3FA2] =	sst s2  }
0xb: {  	[smem:$0x3FA3] =	sst s3  }
0xc: {  	[smem:$0x3FA4] =	sst s4  }
0xd: {  	[smem:$0x3FA5] =	sst s5  }
0xe: {  	[smem:$0x3FA6] =	sst s6  }
0xf: {  	[smem:$0x3FA7] =	sst s7  }
0x10: {  	[smem:$0x3FA8] =	sst s8  }
0x11: {  	[smem:$0x3FA9] =	sst s9;
	s0 =	simm.s32 @!p0 $0x0  }
0x12: {  	s1 =	sld [smem:$0x3F8F];
	s0 =	simm.s32 @p0 $0x1  }
0x13: {  	[smem:$0x3FAA] =	sst s0;
	s0 =	simm.s32 @!p1 $0x0  }
0x14: {  	s2 =	sld [smem:$0x3F8E];
	s0 =	simm.s32 @p1 $0x1  }
0x15: {  	[smem:$0x3FAB] =	sst s0;
	s0 =	simm.s32 @!p2 $0x0  }
0x16: {  	s3 =	sld [smem:$0x3FDB];
	s0 =	simm.s32 @p2 $0x1  }
0x17: {  	s4 =	simm.s32 $0x1BF5;
	[smem:$0x3FAD] =	sst s0  }
0x18: {  	s0 =	sld [smem:$0x3F90];
	_ =	swait.ge [sflag:s4], $0x0  }
0x19: {  	s7 =	sld [smem:$0x3F91]  }
0x1a: {  	s8 =	sadd.s32 $0xFFFFE003, lr  }
0x1b: {  	s9 =	sadd.s32 $0xFFFFFEF7, lr;
	s5 =	simm.s32 $0xFFFFFFFF;
	p2 =	slt.u32 s8, $0xFFFFF086  }
0x1c: {  	p1 =	slt.u32 s9, $0xF7A;
	s5 =	simm.s32 @!p2 $0x0  }
0x1d: {  	s5 =	simm.s32 @p1 $0x1;
	p0 =	seq.s32 s7, s2  }
0x1e: {  	s7 =	smul.u32 @!p0 $0xF7A, s2;
	p2 =	seq.s32 @!p0 s5, $0x0  }
0x1f: {  	s9 =	smul.u32 $0xF7A, s1;
	s8 =	simm.s32 @!p0 $0x1BF5;
	p2 =	por !p2, p0  }
0x20: {  	[sflag:s8] =	ssyncset.s32 @!p0 $0xFFFFF086;
	s6 =	sadd.s32 @!p0 s3, s7;
	s7 =	simm.s32 @!p0 $0x108  }
0x21: {  	s3 =	sadd.s32 s3, s9;
	s6 =	sadd.s32 @!p0 $0x88, s6;
	s7 =	simm.s32 @p2 $0x1082  }
0x22: {  	[simem:s7], [sflag:s8] =	dma.local @!p0 [hbm:s6], $0xF7A  }
0x23: {  	s9 =	sor.u32 $0xD0000000, s2;
	s6 =	simm.s32 $0x108;
	_ =	swait.ge @!p0 [sflag:s8], $0x0  }
0x24: {  	s3 =	sadd.s32 $0x88, s3;
	s6 =	simm.s32 @!p1 $0x1082;
	[sflag:s4] =	ssyncset.s32 $0xFFFFF086  }
0x25: {  	[simem:s6], [sflag:s4] =	dma.local [hbm:s3], $0xF7A  }
0x26: {  	[smem:$0x3F91] =	sst s1;
	(tag) =	ssettag s2;
	_ =	strace s9  }
0x27: {  	s1 =	sld [smem:$0x3FA1]  }
0x28: {  	s2 =	sld [smem:$0x3FA2]  }
0x29: {  	s4 =	sld [smem:$0x3FA4]  }
0x2a: {  	p0 =	seq.s32 s5, $0x0;
	s5 =	sld [smem:$0x3FA5]  }
0x2b: {  	s6 =	sld [smem:$0x3FA6]  }
0x2c: {  	s7 =	sld [smem:$0x3FA7]  }
0x2d: {  	s3 =	simm.s32 $0x108;
	s8 =	sld [smem:$0x3FA8]  }
0x2e: {  	s3 =	simm.s32 @!p0 $0x1082;
	s9 =	sld [smem:$0x3FA9]  }
0x2f: {  	lr =	sadd.s32 s0, s3;
	s0 =	sld [smem:$0x3FA0]  }
0x30: {  	s3 =	sld [smem:$0x3FA3]  }
0x31: {  	[smem:$0x3FAC] =	sst s10  }
0x32: {  	s10 =	sld [smem:$0x3FAA];
	_ =	sdelay $0x3  }
0x33: {  	p0 =	seq.s32 s10, $0x1;
	s10 =	sld [smem:$0x3FAC];
	_ =	sdelay $0x3  }
0x34: {  	[smem:$0x3FAC] =	sst s10  }
0x35: {  	s10 =	sld [smem:$0x3FAB];
	_ =	sdelay $0x3  }
0x36: {  	p1 =	seq.s32 s10, $0x1;
	s10 =	sld [smem:$0x3FAC];
	_ =	sdelay $0x3  }
0x37: {  	[smem:$0x3FAC] =	sst s10  }
0x38: {  	s10 =	sld [smem:$0x3FAD]  }
0x39: {  	_ = 	snop;
	(pc) =	sbr.ind lr, $3  }
0x3a: {  	_ = 	snop  }
0x3b: {  	_ = 	snop  }
0x3c: {  	p2 =	seq.s32 s10, $0x1;
	s10 =	sld [smem:$0x3FAC]  }
0x3d: {  	_ =	shalt  }
0x3e: {  	_ =	shalt  }
0x3f: {  	_ =	shalt  }
0x40: {  	_ =	shalt  }
0x41: {  	_ =	shalt  }
0x42: {  	_ =	shalt  }
0x43: {  	_ =	shalt  }
0x44: {  	_ =	shalt  }
0x45: {  	_ =	shalt  }
0x46: {  	_ =	shalt  }
0x47: {  	_ =	shalt  }
0x48: {  	_ =	shalt  }
0x49: {  	_ =	shalt  }
0x4a: {  	_ =	shalt  }
0x4b: {  	_ =	shalt  }
0x4c: {  	_ =	shalt  }
0x4d: {  	_ =	shalt  }
0x4e: {  	_ =	shalt  }
0x4f: {  	_ =	shalt  }
0x50: {  	_ =	shalt  }
0x51: {  	_ =	shalt  }
0x52: {  	_ =	shalt  }
0x53: {  	_ =	shalt  }
0x54: {  	_ =	shalt  }
0x55: {  	_ =	shalt  }
0x56: {  	_ =	shalt  }
0x57: {  	_ =	shalt  }
0x58: {  	_ =	shalt  }
0x59: {  	_ =	shalt  }
0x5a: {  	_ =	shalt  }
0x5b: {  	_ =	shalt  }
0x5c: {  	_ =	shalt  }
0x5d: {  	_ =	shalt  }
0x5e: {  	_ =	shalt  }
0x5f: {  	_ =	shalt  }
0x60: {  	_ =	shalt  }
0x61: {  	_ =	shalt  }
0x62: {  	_ =	shalt  }
0x63: {  	_ =	shalt  }
0x64: {  	_ =	shalt  }
0x65: {  	_ =	shalt  }
0x66: {  	_ =	shalt  }
0x67: {  	_ =	shalt  }
0x68: {  	_ =	shalt  }
0x69: {  	_ =	shalt  }
0x6a: {  	_ =	shalt  }
0x6b: {  	_ =	shalt  }
0x6c: {  	_ =	shalt  }
0x6d: {  	_ =	shalt  }
0x6e: {  	_ =	shalt  }
0x6f: {  	_ =	shalt  }
0x70: {  	_ =	shalt  }
0x71: {  	_ =	shalt  }
0x72: {  	_ =	shalt  }
0x73: {  	_ =	shalt  }
0x74: {  	_ =	shalt  }
0x75: {  	_ =	shalt  }
0x76: {  	_ =	shalt  }
0x77: {  	_ =	shalt  }
0x78: {  	_ =	shalt  }
0x79: {  	_ =	shalt  }
0x7a: {  	_ =	shalt  }
0x7b: {  	_ =	shalt  }
0x7c: {  	_ =	shalt  }
0x7d: {  	_ =	shalt  }
0x7e: {  	_ =	shalt  }
0x7f: {  	_ =	shalt  }
0x80: {  	_ =	shalt  }
0x81: {  	_ =	shalt  }
0x82: {  	_ =	shalt  }
0x83: {  	_ =	shalt  }
0x84: {  	_ =	shalt  }
0x85: {  	_ =	shalt  }
0x86: {  	_ =	shalt  }
0x87: {  	_ =	shalt  }
.Lfunc_end0:
.L_simem_size_0:
called_computation.4_lowered:
.L_overlay_start_0:
0x88: {  	s2 =	sld [smem:$0x3FD9]  }
0x89: {  	s3 =	sld [smem:$0x3FFE];
	_ =	sdelay $0x1  }
0x8a: {  	s1 =	srdreg.scid  }
0x8b: {  	s0 =	sand.u32 $0x1, s1  }
0x8c: {  	s17 =	sshll.u32 s0, $0xA;
	s2 =	sadd.s32 s3, s2  }
0x8d: {  	s2 =	sadd.s32 s2, s17  }
0x8e: {  	[smem:$0x3FB8] =	sst s2  }
0x8f: {  	_ = 	snop  }
0x90: {  	s18 =	sld [smem:$0x3FC6]  }
0x91: {  	s4 =	sld [smem:$0x3FC3];
	(tm) =	ssettm $0x1  }
0x92: {  	s19 =	sld [smem:$0x3FFB];
	_ =	sdelay $0x3  }
0x93: {  	_ =	strace s19  }
0x94: {  	s2 =	sld [smem:$0x3FFC];
	_ =	sdelay $0x3  }
0x95: {  	_ =	strace s2  }
0x96: {  	s2 =	sld [smem:$0x3FFD];
	_ =	sdelay $0x3  }
0x97: {  	_ =	strace s2  }
0x98: {  	_ =	strace $0x8FFFFFFF  }
0x99: {  	s20 =	sld [smem:$0x3FDB];
	_ =	sdelay $0x1  }
0x9a: {  	s5 =	simm.s32 $_scs_section_size  }
0x9b: {  	s6 =	simm.s32 $_size__tile_overlayer_lowered;
	s7 =	simm.s32 $_tile_overlayer_lowered  }
0x9c: {  	s8 =	simm.s32 $0x1BFF;
	s21 =	sshll.u32 s7, $0x1;
	s5 =	sadd.s32 s5, s20  }
0x9d: {  	s22 =	simm.s32 $0x0;
	s6 =	sshll.u32 s6, $0x1;
	s7 =	sadd.s32 s21, s5  }
0x9e: {  	[timem:s22], [sflag:s8] =	dma.local [hbm:s7], s6  }
0x9f: {  	_ =	swait.ge [sflag:s8], s6  }
0xa0: {  	s6 =	ssub.s32 $0x0, s6;
	[sflag:s8] =	ssyncset.done $0x0  }
0xa1: {  	[sflag:s8] =	ssyncadd.s32 s6;
	_ =	sdelay $0x1  }
0xa2: {  	s23 =	simm.s32 $0x1B8B  }
0xa3: {  	_ =	swait.ge [sflag:s23], $0x1  }
0xa4: {  	[sflag:s23] =	ssyncset.done $0x0  }
0xa5: {  	[sflag:s23] =	ssyncadd.s32 $0xFFFFFFFF  }
0xa6: {  	s6 =	sld [smem:$0x0]  }
0xa7: {  	s7 =	sand.u32 $0xFFFFFFFE, s1  }
0xa8: {  	p0 =	sne.s32 s1, s7  }
0xa9: {  	s7 =	sshll.u32 @p0 s7, $0xE  }
0xaa: {  	s7 =	sadd.s32 @p0 $0x11B8D, s7;
	s8 =	sshll.u32 @p0 s6, $0x11  }
0xab: {  	s7 =	sor.u32 @p0 s8, s7  }
0xac: {  	[sflag:s7] =	ssyncadd.remote.s32 @p0 $0x1;
	_ =	sdelay $0x1  }
0xad: {  	s7 =	simm.s32 @p0 $0x1B8D  }
0xae: {  	_ =	swait.eq @p0 [sflag:s7], $0x1  }
0xaf: {  	[sflag:s7] =	ssyncadd.s32 @p0 $0xFFFFFFFF  }
0xb0: {  	s8 =	sshll.u32 @!p0 s1, $0xE  }
0xb1: {  	s8 =	sor.u32 @!p0 $0x4000, s8;
	s7 =	simm.s32 @!p0 $0x1B8D  }
0xb2: {  	s6 =	sshll.u32 @!p0 s6, $0x11;
	s8 =	sadd.s32 @!p0 $0x11B8D, s8;
	_ =	swait.eq @!p0 [sflag:s7], $0x1  }
0xb3: {  	s6 =	sor.u32 @!p0 s6, s8;
	[sflag:s7] =	ssyncadd.s32 @!p0 $0xFFFFFFFF  }
0xb4: {  	s25 =	simm.s32 $0x1B8E;
	s24 =	sld [smem:$0x3FFE];
	[sflag:s6] =	ssyncadd.remote.s32 @!p0 $0x1  }
0xb5: {  	s26 =	simm.s32 $execute0_lowered;
	[smem:$0x3FD2] =	sst s25  }
0xb6: {  	s7 =	sshll.u32 s26, $0x1;
	_ =	strace $0x8000004C;
	[dreg:$0x1] =	wrdreg $0xFFFFFFFF  }
0xb7: {  	s28 =	simm.s32 $_size_execute0_lowered;
	s5 =	sadd.s32 s5, s7;
	[dreg:$0x0] =	wrdreg $0x0  }
0xb8: {  	s7 =	sshll.u32 s28, $0x1;
	[dreg:$0x2] =	wrdreg s5  }
0xb9: {  	[dreg:$0x3] =	wrdreg s7  }
0xba: {  	[dreg:$0x4] =	wrdreg $0xC0  }
0xbb: {  	_ =	task [dreg:s22], $0x5FFFF  }
0xbc: {  	[dreg:$0x1] =	wrdreg $0xFFFFFFFF  }
0xbd: {  	[dreg:$0x0] =	wrdreg $0x60  }
0xbe: {  	[dreg:$0x2] =	wrdreg s24  }
0xbf: {  	[dreg:$0x3] =	wrdreg s4  }
0xc0: {  	[dreg:$0x4] =	wrdreg s18  }
0xc1: {  	[dreg:$0x5] =	wrdreg $0xD  }
0xc2: {  	_ =	task.clear_ibuf [dreg:s22], $0x6FFFF;
	_ =	strace $0x9000004C  }
0xc3: {  	s29 =	simm.s32 $0xD;
	_ =	strace $0x8000004E  }
0xc4: {  	_ =	swait.ge [sflag:s29], $0x1  }
0xc5: {  	[sflag:s29] =	ssyncadd.s32 $0xFFFFFFFF  }
0xc6: {  	_ =	strace $0x9000004E  }
0xc7: {  	_ =	sfence  }
0xc8: {  	s30 =	sld [smem:$0x0];
	_ =	sdelay $0x2  }
0xc9: {  	s31 =	sshll.u32 s1, $0xD;
	s1 =	sshrl.u32 s1, $0x2  }
0xca: {  	s4 =	sand.u32 $0x4000, s31;
	s1 =	sadd.s32 s1, s30  }
0xcb: {  	s0 =	sor.u32 s4, s0;
	s1 =	sshll.u32 s1, $0x11  }
0xcc: {  	s0 =	sor.u32 s1, s0  }
0xcd: {  	s0 =	sadd.s32 $0x8F2B, s0  }
0xce: {  	[sflag:s0] =	ssyncadd.remote.s32 $0x1  }
0xcf: {  	_ =	sfence.sel $0xFFFF  }
0xd0: {  	[dreg:$0x0] =	wrdreg $0xFFFFFFFF;
	(pc) =	sbr.abs _section_cstart, $3  }
0xd1: {  	[dreg:$0x1] =	wrdreg $0xFFFFFFFF  }
0xd2: {  	_ =	task.clear_ibuf [dreg:s22], $0x2FFFF;
	_ =	strace $0x9FFFFFFF  }
0xd3: {  	(tm) =	ssettm $0x7FFFFFFF  }
tec
execute0_lowered:
.L_overlay_start_1:
0x0: {  	(tag) =	ssettag $0x1  }
0x1: {  	s1 =	srdreg.scid  }
0x2: {  	s23 =	rddreg [dreg:$0x0];
	s0 =	stileid.u32;
	s1 =	sand.u32 $0x1, s1  }
0x3: {  	s2 =	rddreg [dreg:$0x1];
	s5 =	sshll.u32 s0, $0x9;
	s6 =	sshll.u32 s1, $0x8  }
0x4: {  	s3 =	rddreg [dreg:$0x2];
	s22 =	sor.u32 s6, s5  }
0x5: {  	s4 =	simm.s32 $0x0;
	s8 =	sadd.s32 $0x4A00, s23;
	s24 =	sshrl.u32 s22, $0x3  }
0x6: {  	[smem:$0x7FF] =	sst s4;
	s25 =	sadd.s32 s8, s24  }
0x7: {  	_ =	strace $0x8000004D;
	[dreg:$0x4] =	wrdreg s25  }
0x8: {  	s5 =	simm.s32 $0x5;
	s26 =	rddreg [dreg:$0x4]  }
0x9: {  	[tilespmem:s4], [sflag:$0x5] =	stream.linear.gather [hbm4b:s26+s4], $0x80, $0x38;
	[tilespmem:$0x8500] =	vst v63  }
0xa: {  	_ =	swait.ge [sflag:s5], $0x80  }
0xb: {  	s10 =	sadd.s32 $0x4E00, s23;
	[sflag:s5] =	ssyncset.done $0x0  }
0xc: {  	s7 =	simm.s32 $0x100;
	s6 =	sadd.s32 s10, s24;
	[sflag:s5] =	ssyncadd.s32 $0xFFFFFF80  }
0xd: {  	[tilespmem:s7], [sflag:$0x5] =	stream.linear.gather [hbm4b:s6+s4], $0x80, $0x38;
	[tilespmem:$0x8500] =	vst v63  }
0xe: {  	s28 =	sor.u32 $0x80, s22;
	_ =	swait.ge [sflag:s5], $0x80  }
0xf: {  	s26 =	sshrl.u32 s28, $0x3;
	[sflag:s5] =	ssyncset.done $0x0  }
0x10: {  	s9 =	simm.s32 $0x80;
	s8 =	sadd.s32 s8, s26;
	[sflag:s5] =	ssyncadd.s32 $0xFFFFFF80  }
0x11: {  	[tilespmem:s9], [sflag:$0x5] =	stream.linear.gather [hbm4b:s8+s4], $0x80, $0x38;
	[tilespmem:$0x8500] =	vst v63  }
0x12: {  	_ =	swait.ge [sflag:s5], $0x80  }
0x13: {  	[sflag:s5] =	ssyncset.done $0x0  }
0x14: {  	s11 =	simm.s32 $0x180;
	s10 =	sadd.s32 s10, s26;
	[sflag:s5] =	ssyncadd.s32 $0xFFFFFF80  }
0x15: {  	[tilespmem:s11], [sflag:$0x5] =	stream.linear.gather [hbm4b:s10+s4], $0x80, $0x38;
	[tilespmem:$0x8500] =	vst v63  }
0x16: {  	_ =	swait.ge [sflag:s5], $0x80  }
0x17: {  	[sflag:s5] =	ssyncset.done $0x0  }
0x18: {  	[sflag:s5] =	ssyncadd.s32 $0xFFFFFF80  }
0x19: {  	v0 =	vld [tilespmem:$0xF0]  }
0x1a: {  	v1 =	vld [tilespmem:$0xB0]  }
0x1b: {  	v2 =	vld [tilespmem:$0xD0]  }
0x1c: {  	v3 =	vld [tilespmem:$0xC0]  }
0x1d: {  	v4 =	vld [tilespmem:$0x30]  }
0x1e: {  	v5 =	vld [tilespmem:$0xA0];
	v0 =	vshll.u32 v0, $0x7  }
0x1f: {  	v6 =	vld [tilespmem:$0x90];
	v1 =	vshll.u32 v1, $0x7;
	[tilespmem:$0x2F0] =	vst v0  }
0x20: {  	v50 =	vld [tilespmem:$0x70];
	v49 =	vshll.u32 v2, $0x7;
	[tilespmem:$0x2B0] =	vst v1  }
0x21: {  	v52 =	vld [tilespmem:$0x60];
	v3 =	vshll.u32 v3, $0x7;
	[tilespmem:$0x2D0] =	vst v49  }
0x22: {  	v55 =	vld [tilespmem:$0x40];
	v51 =	vshll.u32 v4, $0x7;
	[tilespmem:$0x2C0] =	vst v3  }
0x23: {  	v56 =	vld [tilespmem:$0xE0];
	v54 =	vshll.u32 v5, $0x7;
	[tilespmem:$0x230] =	vst v51  }
0x24: {  	v57 =	vld [tilespmem:$0x20];
	v6 =	vshll.u32 v6, $0x7;
	[tilespmem:$0x2A0] =	vst v54  }
0x25: {  	v59 =	vld [tilespmem:$0x0];
	v2 =	vshll.u32 v50, $0x7;
	[tilespmem:$0x290] =	vst v6  }
0x26: {  	v48 =	vld [tilespmem:$0x80];
	v4 =	vshll.u32 v52, $0x7;
	[tilespmem:$0x270] =	vst v2  }
0x27: {  	v53 =	vld [tilespmem:$0x50];
	v60 =	vshll.u32 v55, $0x7;
	[tilespmem:$0x260] =	vst v4  }
0x28: {  	v58 =	vld [tilespmem:$0x10];
	v61 =	vshll.u32 v56, $0x7;
	[tilespmem:$0x240] =	vst v60  }
0x29: {  	v62 =	vshll.u32 v57, $0x7;
	[tilespmem:$0x2E0] =	vst v61  }
0x2a: {  	v63 =	vshll.u32 v59, $0x7;
	[tilespmem:$0x220] =	vst v62  }
0x2b: {  	v0 =	vshll.u32 v48, $0x7;
	[tilespmem:$0x200] =	vst v63  }
0x2c: {  	v1 =	vshll.u32 v53, $0x7;
	[tilespmem:$0x280] =	vst v0  }
0x2d: {  	[tilespmem:$0x250] =	vst v1;
	v0 =	vshll.u32 v58, $0x7  }
0x2e: {  	s12 =	simm.s32 $0x300;
	[tilespmem:$0x210] =	vst v0  }
0x2f: {  	[tilespmem:s12], [sflag:$0x1] =	stream.indirect.gather [hbm4b:s2+s9], $0x80, s7, s9, $0xb8;
	[tilespmem:$0x8500] =	vst v63  }
0x30: {  	s13 =	simm.s32 $0x200;
	s14 =	simm.s32 $0x8300  }
0x31: {  	[tilespmem:s14], [sflag:$0x1] =	stream.indirect.gather [hbm4b:s3+s9], $0x1, s13, s9, $0xb8;
	[tilespmem:$0x8500] =	vst v63  }
0x32: {  	s16 =	simm.s32 $0x8400;
	s15 =	sadd.s32 $0x45E00, s23  }
0x33: {  	[tilespmem:s16], [sflag:$0x1] =	stream.indirect.gather [hbm4b:s15+s9], $0x1, s7, s9, $0xb8;
	[tilespmem:$0x8500] =	vst v63  }
0x34: {  	s17 =	simm.s32 $0x4300  }
0x35: {  	[tilespmem:s17], [sflag:$0x2] =	stream.indirect.gather [hbm4b:s2+s9], $0x80, s11, s9, $0xb8;
	[tilespmem:$0x8500] =	vst v63  }
0x36: {  	s18 =	simm.s32 $0x280;
	s19 =	simm.s32 $0x8380  }
0x37: {  	[tilespmem:s19], [sflag:$0x2] =	stream.indirect.gather [hbm4b:s3+s9], $0x1, s18, s9, $0xb8;
	[tilespmem:$0x8500] =	vst v63  }
0x38: {  	s20 =	simm.s32 $0x8480;
	s21 =	simm.s32 $0x1  }
0x39: {  	[tilespmem:s20], [sflag:$0x2] =	stream.indirect.gather [hbm4b:s15+s9], $0x1, s11, s9, $0xb8;
	[tilespmem:$0x8500] =	vst v63  }
0x3a: {  	_ =	swait.ge [sflag:s21], $0x4000  }
0x3b: {  	[sflag:s21] =	ssyncset.done $0x0  }
0x3c: {  	[sflag:s21] =	ssyncadd.s32 $0xFFFFC000  }
0x3d: {  	_ =	swait.ge [sflag:s21], $0x80  }
0x3e: {  	[sflag:s21] =	ssyncset.done $0x0  }
0x3f: {  	[sflag:s21] =	ssyncadd.s32 $0xFFFFFF80  }
0x40: {  	_ =	swait.ge [sflag:s21], $0x80  }
0x41: {  	s29 =	sadd.s32 $0x46800, s23;
	s22 =	sshll.u32 s22, $0x4;
	[sflag:s21] =	ssyncset.done $0x0  }
0x42: {  	s30 =	sadd.s32 $0x66800, s23;
	s22 =	sadd.s32 s29, s22;
	[sflag:s21] =	ssyncadd.s32 $0xFFFFFF80  }
0x43: {  	[hbm4b:s22+s4] =	stream.linear.scatter [tilespmem:s12], [sflag:$0x3], $0x4000, $0x38;
	[tilespmem:$0x8500] =	vst v63  }
0x44: {  	s31 =	sadd.s32 $0x66C00, s23;
	s23 =	sadd.s32 s30, s24  }
0x45: {  	[hbm4b:s23+s4] =	stream.linear.scatter [tilespmem:s14], [sflag:$0x3], $0x80, $0x38;
	[tilespmem:$0x8500] =	vst v63  }
0x46: {  	s24 =	sadd.s32 s31, s24;
	s25 =	simm.s32 $0x2  }
0x47: {  	[hbm4b:s24+s4] =	stream.linear.scatter [tilespmem:s16], [sflag:$0x3], $0x80, $0x38;
	[tilespmem:$0x8500] =	vst v63  }
0x48: {  	_ =	swait.ge [sflag:s25], $0x4000  }
0x49: {  	[sflag:s25] =	ssyncset.done $0x0  }
0x4a: {  	[sflag:s25] =	ssyncadd.s32 $0xFFFFC000  }
0x4b: {  	_ =	swait.ge [sflag:s25], $0x80  }
0x4c: {  	[sflag:s25] =	ssyncset.done $0x0  }
0x4d: {  	s1 =	ssub.s32 $0x2, s1;
	s28 =	sshll.u32 s28, $0x4;
	[sflag:s25] =	ssyncadd.s32 $0xFFFFFF80  }
0x4e: {  	s28 =	sadd.s32 s29, s28;
	s29 =	sshrl.u32 s1, $0x1;
	_ =	swait.ge [sflag:s25], $0x80  }
0x4f: {  	s1 =	ssub.s32 s1, s29;
	[sflag:s25] =	ssyncset.done $0x0  }
0x50: {  	s1 =	smax.u32 s1, $0x1;
	[sflag:s25] =	ssyncadd.s32 $0xFFFFFF80  }
0x51: {  	[hbm4b:s28+s4] =	stream.linear.scatter [tilespmem:s17], [sflag:$0x4], $0x4000, $0x38;
	[tilespmem:$0x8500] =	vst v63  }
0x52: {  	s30 =	sadd.s32 s30, s26;
	p0 =	sne.s32 s1, $0x1  }
0x53: {  	[hbm4b:s30+s4] =	stream.linear.scatter [tilespmem:s19], [sflag:$0x4], $0x80, $0x38;
	[tilespmem:$0x8500] =	vst v63  }
.Ltmp0:
0x54: {  	_ = 	snop;
	(pc) =	sbr.rel @!p0 .LBB2_2-.Ltmp0, $4  }
0x55: {  	s31 =	sadd.s32 s31, s26;
	s29 =	simm.s32 $0x3  }
0x56: {  	[hbm4b:s31+s4] =	stream.linear.scatter [tilespmem:s20], [sflag:$0x4], $0x80, $0x38;
	[tilespmem:$0x8500] =	vst v63  }
0x57: {  	_ =	swait.ge [sflag:s29], $0x4000  }
0x58: {  	s26 =	simm.s32 $0x4;
	s1 =	sadd.s32 $0xFFFFFFFF, s1;
	[sflag:s29] =	ssyncset.done $0x0  }
.LBB2_1:
0x59: {  	[sflag:s29] =	ssyncadd.s32 $0xFFFFC000  }
0x5a: {  	_ =	swait.ge [sflag:s29], $0x80  }
0x5b: {  	[sflag:s29] =	ssyncset.done $0x0  }
0x5c: {  	[sflag:s29] =	ssyncadd.s32 $0xFFFFFF80  }
0x5d: {  	_ =	swait.ge [sflag:s29], $0x80  }
0x5e: {  	[sflag:s29] =	ssyncset.done $0x0  }
0x5f: {  	[sflag:s29] =	ssyncadd.s32 $0xFFFFFF80  }
0x60: {  	_ =	swait.ge [sflag:s26], $0x4000  }
0x61: {  	[sflag:s26] =	ssyncset.done $0x0  }
0x62: {  	[sflag:s26] =	ssyncadd.s32 $0xFFFFC000  }
0x63: {  	_ =	swait.ge [sflag:s26], $0x80  }
0x64: {  	[sflag:s26] =	ssyncset.done $0x0  }
0x65: {  	[sflag:s26] =	ssyncadd.s32 $0xFFFFFF80  }
0x66: {  	_ =	swait.ge [sflag:s26], $0x80  }
0x67: {  	[sflag:s26] =	ssyncset.done $0x0  }
0x68: {  	s0 =	rddreg [dreg:$0x4];
	[sflag:s26] =	ssyncadd.s32 $0xFFFFFF80  }
0x69: {  	[tilespmem:s4], [sflag:$0x5] =	stream.linear.gather [hbm4b:s0+s4], $0x80, $0x38;
	[tilespmem:$0x8500] =	vst v63  }
0x6a: {  	_ =	swait.ge [sflag:s5], $0x80  }
0x6b: {  	[sflag:s5] =	ssyncset.done $0x0  }
0x6c: {  	[sflag:s5] =	ssyncadd.s32 $0xFFFFFF80  }
0x6d: {  	[tilespmem:s7], [sflag:$0x5] =	stream.linear.gather [hbm4b:s6+s4], $0x80, $0x38;
	[tilespmem:$0x8500] =	vst v63  }
0x6e: {  	_ =	swait.ge [sflag:s5], $0x80  }
0x6f: {  	[sflag:s5] =	ssyncset.done $0x0  }
0x70: {  	[sflag:s5] =	ssyncadd.s32 $0xFFFFFF80  }
0x71: {  	[tilespmem:s9], [sflag:$0x5] =	stream.linear.gather [hbm4b:s8+s4], $0x80, $0x38;
	[tilespmem:$0x8500] =	vst v63  }
0x72: {  	_ =	swait.ge [sflag:s5], $0x80  }
0x73: {  	[sflag:s5] =	ssyncset.done $0x0  }
0x74: {  	[sflag:s5] =	ssyncadd.s32 $0xFFFFFF80  }
0x75: {  	[tilespmem:s11], [sflag:$0x5] =	stream.linear.gather [hbm4b:s10+s4], $0x80, $0x38;
	[tilespmem:$0x8500] =	vst v63  }
0x76: {  	_ =	swait.ge [sflag:s5], $0x80  }
0x77: {  	[sflag:s5] =	ssyncset.done $0x0  }
0x78: {  	[sflag:s5] =	ssyncadd.s32 $0xFFFFFF80  }
0x79: {  	v0 =	vld [tilespmem:$0xF0]  }
0x7a: {  	v1 =	vld [tilespmem:$0xB0]  }
0x7b: {  	v2 =	vld [tilespmem:$0xD0]  }
0x7c: {  	v3 =	vld [tilespmem:$0xC0]  }
0x7d: {  	v4 =	vld [tilespmem:$0x30]  }
0x7e: {  	v5 =	vld [tilespmem:$0xA0];
	v0 =	vshll.u32 v0, $0x7  }
0x7f: {  	v6 =	vld [tilespmem:$0x90];
	v1 =	vshll.u32 v1, $0x7;
	[tilespmem:$0x2F0] =	vst v0  }
0x80: {  	v50 =	vld [tilespmem:$0x70];
	v49 =	vshll.u32 v2, $0x7;
	[tilespmem:$0x2B0] =	vst v1  }
0x81: {  	v52 =	vld [tilespmem:$0x60];
	v3 =	vshll.u32 v3, $0x7;
	[tilespmem:$0x2D0] =	vst v49  }
0x82: {  	v55 =	vld [tilespmem:$0x40];
	v51 =	vshll.u32 v4, $0x7;
	[tilespmem:$0x2C0] =	vst v3  }
0x83: {  	v56 =	vld [tilespmem:$0xE0];
	v54 =	vshll.u32 v5, $0x7;
	[tilespmem:$0x230] =	vst v51  }
0x84: {  	v57 =	vld [tilespmem:$0x20];
	v6 =	vshll.u32 v6, $0x7;
	[tilespmem:$0x2A0] =	vst v54  }
0x85: {  	v59 =	vld [tilespmem:$0x0];
	v2 =	vshll.u32 v50, $0x7;
	[tilespmem:$0x290] =	vst v6  }
0x86: {  	v48 =	vld [tilespmem:$0x80];
	v4 =	vshll.u32 v52, $0x7;
	[tilespmem:$0x270] =	vst v2  }
0x87: {  	v53 =	vld [tilespmem:$0x50];
	v60 =	vshll.u32 v55, $0x7;
	[tilespmem:$0x260] =	vst v4  }
0x88: {  	v58 =	vld [tilespmem:$0x10];
	v61 =	vshll.u32 v56, $0x7;
	[tilespmem:$0x240] =	vst v60  }
0x89: {  	v62 =	vshll.u32 v57, $0x7;
	[tilespmem:$0x2E0] =	vst v61  }
0x8a: {  	v63 =	vshll.u32 v59, $0x7;
	[tilespmem:$0x220] =	vst v62  }
0x8b: {  	v0 =	vshll.u32 v48, $0x7;
	[tilespmem:$0x200] =	vst v63  }
0x8c: {  	v1 =	vshll.u32 v53, $0x7;
	[tilespmem:$0x280] =	vst v0  }
0x8d: {  	[tilespmem:$0x250] =	vst v1;
	v0 =	vshll.u32 v58, $0x7  }
0x8e: {  	[tilespmem:$0x210] =	vst v0  }
0x8f: {  	[tilespmem:s12], [sflag:$0x1] =	stream.indirect.gather [hbm4b:s2+s9], $0x80, s7, s9, $0xb8;
	[tilespmem:$0x8500] =	vst v63  }
0x90: {  	_ = 	snop  }
0x91: {  	[tilespmem:s14], [sflag:$0x1] =	stream.indirect.gather [hbm4b:s3+s9], $0x1, s13, s9, $0xb8;
	[tilespmem:$0x8500] =	vst v63  }
0x92: {  	_ = 	snop  }
0x93: {  	[tilespmem:s16], [sflag:$0x1] =	stream.indirect.gather [hbm4b:s15+s9], $0x1, s7, s9, $0xb8;
	[tilespmem:$0x8500] =	vst v63  }
0x94: {  	_ = 	snop  }
0x95: {  	[tilespmem:s17], [sflag:$0x2] =	stream.indirect.gather [hbm4b:s2+s9], $0x80, s11, s9, $0xb8;
	[tilespmem:$0x8500] =	vst v63  }
0x96: {  	_ = 	snop  }
0x97: {  	[tilespmem:s19], [sflag:$0x2] =	stream.indirect.gather [hbm4b:s3+s9], $0x1, s18, s9, $0xb8;
	[tilespmem:$0x8500] =	vst v63  }
0x98: {  	_ = 	snop  }
0x99: {  	[tilespmem:s20], [sflag:$0x2] =	stream.indirect.gather [hbm4b:s15+s9], $0x1, s11, s9, $0xb8;
	[tilespmem:$0x8500] =	vst v63  }
0x9a: {  	_ =	swait.ge [sflag:s21], $0x4000  }
0x9b: {  	[sflag:s21] =	ssyncset.done $0x0  }
0x9c: {  	[sflag:s21] =	ssyncadd.s32 $0xFFFFC000  }
0x9d: {  	_ =	swait.ge [sflag:s21], $0x80  }
0x9e: {  	[sflag:s21] =	ssyncset.done $0x0  }
0x9f: {  	[sflag:s21] =	ssyncadd.s32 $0xFFFFFF80  }
0xa0: {  	_ =	swait.ge [sflag:s21], $0x80  }
0xa1: {  	[sflag:s21] =	ssyncset.done $0x0  }
0xa2: {  	[sflag:s21] =	ssyncadd.s32 $0xFFFFFF80  }
0xa3: {  	[hbm4b:s22+s4] =	stream.linear.scatter [tilespmem:s12], [sflag:$0x3], $0x4000, $0x38;
	[tilespmem:$0x8500] =	vst v63  }
0xa4: {  	_ = 	snop  }
0xa5: {  	[hbm4b:s23+s4] =	stream.linear.scatter [tilespmem:s14], [sflag:$0x3], $0x80, $0x38;
	[tilespmem:$0x8500] =	vst v63  }
0xa6: {  	_ = 	snop  }
0xa7: {  	[hbm4b:s24+s4] =	stream.linear.scatter [tilespmem:s16], [sflag:$0x3], $0x80, $0x38;
	[tilespmem:$0x8500] =	vst v63  }
0xa8: {  	_ =	swait.ge [sflag:s25], $0x4000  }
0xa9: {  	[sflag:s25] =	ssyncset.done $0x0  }
0xaa: {  	[sflag:s25] =	ssyncadd.s32 $0xFFFFC000  }
0xab: {  	_ =	swait.ge [sflag:s25], $0x80  }
0xac: {  	[sflag:s25] =	ssyncset.done $0x0  }
0xad: {  	[sflag:s25] =	ssyncadd.s32 $0xFFFFFF80  }
0xae: {  	_ =	swait.ge [sflag:s25], $0x80  }
0xaf: {  	[sflag:s25] =	ssyncset.done $0x0  }
0xb0: {  	[sflag:s25] =	ssyncadd.s32 $0xFFFFFF80  }
0xb1: {  	[hbm4b:s28+s4] =	stream.linear.scatter [tilespmem:s17], [sflag:$0x4], $0x4000, $0x38;
	[tilespmem:$0x8500] =	vst v63  }
0xb2: {  	p0 =	sne.s32 s1, $0x1  }
0xb3: {  	[hbm4b:s30+s4] =	stream.linear.scatter [tilespmem:s19], [sflag:$0x4], $0x80, $0x38;
	[tilespmem:$0x8500] =	vst v63  }
.Ltmp1:
0xb4: {  	_ = 	snop;
	(pc) =	sbr.rel @p0 .LBB2_1-.Ltmp1, $4  }
0xb5: {  	_ = 	snop  }
0xb6: {  	[hbm4b:s31+s4] =	stream.linear.scatter [tilespmem:s20], [sflag:$0x4], $0x80, $0x38;
	[tilespmem:$0x8500] =	vst v63  }
0xb7: {  	_ =	swait.ge [sflag:s29], $0x4000  }
0xb8: {  	s1 =	sadd.s32 $0xFFFFFFFF, s1;
	[sflag:s29] =	ssyncset.done $0x0  }
.LBB2_2:
0xb9: {  	[sflag:s29] =	ssyncadd.s32 $0xFFFFC000  }
0xba: {  	_ =	swait.ge [sflag:s29], $0x80  }
0xbb: {  	[sflag:s29] =	ssyncset.done $0x0  }
0xbc: {  	[sflag:s29] =	ssyncadd.s32 $0xFFFFFF80  }
0xbd: {  	_ =	swait.ge [sflag:s29], $0x80  }
0xbe: {  	[sflag:s29] =	ssyncset.done $0x0  }
0xbf: {  	[sflag:s29] =	ssyncadd.s32 $0xFFFFFF80  }
0xc0: {  	_ =	swait.ge [sflag:s26], $0x4000  }
0xc1: {  	[sflag:s26] =	ssyncset.done $0x0  }
0xc2: {  	[sflag:s26] =	ssyncadd.s32 $0xFFFFC000  }
0xc3: {  	_ =	swait.ge [sflag:s26], $0x80  }
0xc4: {  	[sflag:s26] =	ssyncset.done $0x0  }
0xc5: {  	[sflag:s26] =	ssyncadd.s32 $0xFFFFFF80  }
0xc6: {  	_ =	swait.ge [sflag:s26], $0x80  }
0xc7: {  	[sflag:s26] =	ssyncset.done $0x0  }
0xc8: {  	[sflag:s26] =	ssyncadd.s32 $0xFFFFFF80  }
0xc9: {  	_ =	sfence.sel $0x180000  }
0xca: {  	[bflag:$0x0] =	sbarrier.arrive $0xFFFF  }
0xcb: {  	_ =	strace $0x9000004D  }
0xcc: {  	s0 =	stileid.u32;
	[bflag:$0x2] =	sbarrier.arrive $0xFFFF  }
0xcd: {  	p0 =	sne.s32 s0, $0x0;
	s0 =	rddreg [dreg:$0x3]  }
0xce: {  	s0 =	sadd.s32 @!p0 $0x100000, s0  }
0xcf: {  	[sflag:s0] =	ssyncadd.tile.s32 @!p0 $0x1;
	_ =	shalt  }
.Lfunc_end2:
_tile_overlayer_lowered:
.L_overlay_start_2:
0xd0: {  	(tag) =	ssettag $0x2  }
0xd1: {  	s0 =	rddreg [dreg:$0x0];
	s2 =	stileid.u32  }
0xd2: {  	s1 =	rddreg [dreg:$0x1];
	p0 =	sne.s32 s2, $0x0  }
0xd3: {  	s3 =	rddreg [dreg:$0x2];
	[bflag:$0x3] =	sbarrier.arrive $0xFFFF;
	s2 =	simm.s32 @!p0 $0x1C05  }
0xd4: {  	[timem:s3], [sflag:s2] =	dma.local @!p0 [hbm:s0], s1  }
0xd5: {  	s0 =	simm.s32 @!p0 $0x5  }
0xd6: {  	_ =	swait.ge @!p0 [sflag:s0], s1  }
0xd7: {  	s1 =	ssub.s32 @!p0 $0x0, s1;
	[sflag:s0] =	ssyncset.done @!p0 $0x0  }
0xd8: {  	[sflag:s0] =	ssyncadd.s32 @!p0 s1  }
0xd9: {  	[bflag:$0x3] =	sbarrier.arrive $0xFFFF  }
0xda: {  	_ =	shalt  }

// kernel: kernel.9.cloned.1.call-start
scs
__scs_entry_jumppad:
0x0: {  	(pc) =	sbr.rel $0x88, $3  }
0x1: {  	(tag) =	ssettag $0x0;
	lr =	simm.s32 $0x1  }
0x2: {  	[smem:$0x3F91] =	sst lr;
	_ =	strace $0xD0000000  }
0x3: {  	_ = 	snop  }
0x4: {  	_ = 	snop  }
0x5: {  	_ = 	snop  }
0x6: {  	_ = 	snop  }
0x7: {  	_ = 	snop  }
__scs_overlays_trampoline_lowered:
0x8: {  	[smem:$0x3FA0] =	sst s0  }
0x9: {  	[smem:$0x3FA1] =	sst s1  }
0xa: {  	[smem:$0x3FA2] =	sst s2  }
0xb: {  	[smem:$0x3FA3] =	sst s3  }
0xc: {  	[smem:$0x3FA4] =	sst s4  }
0xd: {  	[smem:$0x3FA5] =	sst s5  }
0xe: {  	[smem:$0x3FA6] =	sst s6  }
0xf: {  	[smem:$0x3FA7] =	sst s7  }
0x10: {  	[smem:$0x3FA8] =	sst s8  }
0x11: {  	[smem:$0x3FA9] =	sst s9;
	s0 =	simm.s32 @!p0 $0x0  }
0x12: {  	s1 =	sld [smem:$0x3F8F];
	s0 =	simm.s32 @p0 $0x1  }
0x13: {  	[smem:$0x3FAA] =	sst s0;
	s0 =	simm.s32 @!p1 $0x0  }
0x14: {  	s2 =	sld [smem:$0x3F8E];
	s0 =	simm.s32 @p1 $0x1  }
0x15: {  	[smem:$0x3FAB] =	sst s0;
	s0 =	simm.s32 @!p2 $0x0  }
0x16: {  	s3 =	sld [smem:$0x3FDB];
	s0 =	simm.s32 @p2 $0x1  }
0x17: {  	s4 =	simm.s32 $0x1BF5;
	[smem:$0x3FAD] =	sst s0  }
0x18: {  	s0 =	sld [smem:$0x3F90];
	_ =	swait.ge [sflag:s4], $0x0  }
0x19: {  	s7 =	sld [smem:$0x3F91]  }
0x1a: {  	s8 =	sadd.s32 $0xFFFFE003, lr  }
0x1b: {  	s9 =	sadd.s32 $0xFFFFFEF7, lr;
	s5 =	simm.s32 $0xFFFFFFFF;
	p2 =	slt.u32 s8, $0xFFFFF086  }
0x1c: {  	p1 =	slt.u32 s9, $0xF7A;
	s5 =	simm.s32 @!p2 $0x0  }
0x1d: {  	s5 =	simm.s32 @p1 $0x1;
	p0 =	seq.s32 s7, s2  }
0x1e: {  	s7 =	smul.u32 @!p0 $0xF7A, s2;
	p2 =	seq.s32 @!p0 s5, $0x0  }
0x1f: {  	s9 =	smul.u32 $0xF7A, s1;
	s8 =	simm.s32 @!p0 $0x1BF5;
	p2 =	por !p2, p0  }
0x20: {  	[sflag:s8] =	ssyncset.s32 @!p0 $0xFFFFF086;
	s6 =	sadd.s32 @!p0 s3, s7;
	s7 =	simm.s32 @!p0 $0x108  }
0x21: {  	s3 =	sadd.s32 s3, s9;
	s6 =	sadd.s32 @!p0 $0x88, s6;
	s7 =	simm.s32 @p2 $0x1082  }
0x22: {  	[simem:s7], [sflag:s8] =	dma.local @!p0 [hbm:s6], $0xF7A  }
0x23: {  	s9 =	sor.u32 $0xD0000000, s2;
	s6 =	simm.s32 $0x108;
	_ =	swait.ge @!p0 [sflag:s8], $0x0  }
0x24: {  	s3 =	sadd.s32 $0x88, s3;
	s6 =	simm.s32 @!p1 $0x1082;
	[sflag:s4] =	ssyncset.s32 $0xFFFFF086  }
0x25: {  	[simem:s6], [sflag:s4] =	dma.local [hbm:s3], $0xF7A  }
0x26: {  	[smem:$0x3F91] =	sst s1;
	(tag) =	ssettag s2;
	_ =	strace s9  }
0x27: {  	s1 =	sld [smem:$0x3FA1]  }
0x28: {  	s2 =	sld [smem:$0x3FA2]  }
0x29: {  	s4 =	sld [smem:$0x3FA4]  }
0x2a: {  	p0 =	seq.s32 s5, $0x0;
	s5 =	sld [smem:$0x3FA5]  }
0x2b: {  	s6 =	sld [smem:$0x3FA6]  }
0x2c: {  	s7 =	sld [smem:$0x3FA7]  }
0x2d: {  	s3 =	simm.s32 $0x108;
	s8 =	sld [smem:$0x3FA8]  }
0x2e: {  	s3 =	simm.s32 @!p0 $0x1082;
	s9 =	sld [smem:$0x3FA9]  }
0x2f: {  	lr =	sadd.s32 s0, s3;
	s0 =	sld [smem:$0x3FA0]  }
0x30: {  	s3 =	sld [smem:$0x3FA3]  }
0x31: {  	[smem:$0x3FAC] =	sst s10  }
0x32: {  	s10 =	sld [smem:$0x3FAA];
	_ =	sdelay $0x3  }
0x33: {  	p0 =	seq.s32 s10, $0x1;
	s10 =	sld [smem:$0x3FAC];
	_ =	sdelay $0x3  }
0x34: {  	[smem:$0x3FAC] =	sst s10  }
0x35: {  	s10 =	sld [smem:$0x3FAB];
	_ =	sdelay $0x3  }
0x36: {  	p1 =	seq.s32 s10, $0x1;
	s10 =	sld [smem:$0x3FAC];
	_ =	sdelay $0x3  }
0x37: {  	[smem:$0x3FAC] =	sst s10  }
0x38: {  	s10 =	sld [smem:$0x3FAD]  }
0x39: {  	_ = 	snop;
	(pc) =	sbr.ind lr, $3  }
0x3a: {  	_ = 	snop  }
0x3b: {  	_ = 	snop  }
0x3c: {  	p2 =	seq.s32 s10, $0x1;
	s10 =	sld [smem:$0x3FAC]  }
0x3d: {  	_ =	shalt  }
0x3e: {  	_ =	shalt  }
0x3f: {  	_ =	shalt  }
0x40: {  	_ =	shalt  }
0x41: {  	_ =	shalt  }
0x42: {  	_ =	shalt  }
0x43: {  	_ =	shalt  }
0x44: {  	_ =	shalt  }
0x45: {  	_ =	shalt  }
0x46: {  	_ =	shalt  }
0x47: {  	_ =	shalt  }
0x48: {  	_ =	shalt  }
0x49: {  	_ =	shalt  }
0x4a: {  	_ =	shalt  }
0x4b: {  	_ =	shalt  }
0x4c: {  	_ =	shalt  }
0x4d: {  	_ =	shalt  }
0x4e: {  	_ =	shalt  }
0x4f: {  	_ =	shalt  }
0x50: {  	_ =	shalt  }
0x51: {  	_ =	shalt  }
0x52: {  	_ =	shalt  }
0x53: {  	_ =	shalt  }
0x54: {  	_ =	shalt  }
0x55: {  	_ =	shalt  }
0x56: {  	_ =	shalt  }
0x57: {  	_ =	shalt  }
0x58: {  	_ =	shalt  }
0x59: {  	_ =	shalt  }
0x5a: {  	_ =	shalt  }
0x5b: {  	_ =	shalt  }
0x5c: {  	_ =	shalt  }
0x5d: {  	_ =	shalt  }
0x5e: {  	_ =	shalt  }
0x5f: {  	_ =	shalt  }
0x60: {  	_ =	shalt  }
0x61: {  	_ =	shalt  }
0x62: {  	_ =	shalt  }
0x63: {  	_ =	shalt  }
0x64: {  	_ =	shalt  }
0x65: {  	_ =	shalt  }
0x66: {  	_ =	shalt  }
0x67: {  	_ =	shalt  }
0x68: {  	_ =	shalt  }
0x69: {  	_ =	shalt  }
0x6a: {  	_ =	shalt  }
0x6b: {  	_ =	shalt  }
0x6c: {  	_ =	shalt  }
0x6d: {  	_ =	shalt  }
0x6e: {  	_ =	shalt  }
0x6f: {  	_ =	shalt  }
0x70: {  	_ =	shalt  }
0x71: {  	_ =	shalt  }
0x72: {  	_ =	shalt  }
0x73: {  	_ =	shalt  }
0x74: {  	_ =	shalt  }
0x75: {  	_ =	shalt  }
0x76: {  	_ =	shalt  }
0x77: {  	_ =	shalt  }
0x78: {  	_ =	shalt  }
0x79: {  	_ =	shalt  }
0x7a: {  	_ =	shalt  }
0x7b: {  	_ =	shalt  }
0x7c: {  	_ =	shalt  }
0x7d: {  	_ =	shalt  }
0x7e: {  	_ =	shalt  }
0x7f: {  	_ =	shalt  }
0x80: {  	_ =	shalt  }
0x81: {  	_ =	shalt  }
0x82: {  	_ =	shalt  }
0x83: {  	_ =	shalt  }
0x84: {  	_ =	shalt  }
0x85: {  	_ =	shalt  }
0x86: {  	_ =	shalt  }
0x87: {  	_ =	shalt  }
.Lfunc_end0:
.L_simem_size_0:
called_computation.5_lowered:
.L_overlay_start_0:
0x88: {  	s2 =	sld [smem:$0x3FD9]  }
0x89: {  	s3 =	sld [smem:$0x3FFE];
	_ =	sdelay $0x1  }
0x8a: {  	s1 =	srdreg.scid  }
0x8b: {  	s0 =	sand.u32 $0x1, s1  }
0x8c: {  	s17 =	sshll.u32 s0, $0xA;
	s2 =	sadd.s32 s3, s2  }
0x8d: {  	s2 =	sadd.s32 s2, s17  }
0x8e: {  	[smem:$0x3FB8] =	sst s2  }
0x8f: {  	_ = 	snop  }
0x90: {  	s18 =	sld [smem:$0x3FC6]  }
0x91: {  	s4 =	sld [smem:$0x3FC3];
	(tm) =	ssettm $0x1  }
0x92: {  	s19 =	sld [smem:$0x3FFB];
	_ =	sdelay $0x3  }
0x93: {  	_ =	strace s19  }
0x94: {  	s2 =	sld [smem:$0x3FFC];
	_ =	sdelay $0x3  }
0x95: {  	_ =	strace s2  }
0x96: {  	s2 =	sld [smem:$0x3FFD];
	_ =	sdelay $0x3  }
0x97: {  	_ =	strace s2  }
0x98: {  	_ =	strace $0x8FFFFFFF  }
0x99: {  	s20 =	sld [smem:$0x3FDB];
	_ =	sdelay $0x1  }
0x9a: {  	s5 =	simm.s32 $_scs_section_size  }
0x9b: {  	s6 =	simm.s32 $_size__tile_overlayer_lowered;
	s7 =	simm.s32 $_tile_overlayer_lowered  }
0x9c: {  	s8 =	simm.s32 $0x1BFF;
	s21 =	sshll.u32 s7, $0x1;
	s5 =	sadd.s32 s5, s20  }
0x9d: {  	s22 =	simm.s32 $0x0;
	s6 =	sshll.u32 s6, $0x1;
	s7 =	sadd.s32 s21, s5  }
0x9e: {  	[timem:s22], [sflag:s8] =	dma.local [hbm:s7], s6  }
0x9f: {  	_ =	swait.ge [sflag:s8], s6  }
0xa0: {  	s6 =	ssub.s32 $0x0, s6;
	[sflag:s8] =	ssyncset.done $0x0  }
0xa1: {  	[sflag:s8] =	ssyncadd.s32 s6;
	_ =	sdelay $0x1  }
0xa2: {  	s23 =	simm.s32 $0x1B8B  }
0xa3: {  	_ =	swait.ge [sflag:s23], $0x1  }
0xa4: {  	[sflag:s23] =	ssyncset.done $0x0  }
0xa5: {  	[sflag:s23] =	ssyncadd.s32 $0xFFFFFFFF  }
0xa6: {  	s6 =	sld [smem:$0x0]  }
0xa7: {  	s7 =	sand.u32 $0xFFFFFFFE, s1  }
0xa8: {  	p0 =	sne.s32 s1, s7  }
0xa9: {  	s7 =	sshll.u32 @p0 s7, $0xE  }
0xaa: {  	s7 =	sadd.s32 @p0 $0x11B8D, s7;
	s8 =	sshll.u32 @p0 s6, $0x11  }
0xab: {  	s7 =	sor.u32 @p0 s8, s7  }
0xac: {  	[sflag:s7] =	ssyncadd.remote.s32 @p0 $0x1;
	_ =	sdelay $0x1  }
0xad: {  	s7 =	simm.s32 @p0 $0x1B8D  }
0xae: {  	_ =	swait.eq @p0 [sflag:s7], $0x1  }
0xaf: {  	[sflag:s7] =	ssyncadd.s32 @p0 $0xFFFFFFFF  }
0xb0: {  	s8 =	sshll.u32 @!p0 s1, $0xE  }
0xb1: {  	s8 =	sor.u32 @!p0 $0x4000, s8;
	s7 =	simm.s32 @!p0 $0x1B8D  }
0xb2: {  	s6 =	sshll.u32 @!p0 s6, $0x11;
	s8 =	sadd.s32 @!p0 $0x11B8D, s8;
	_ =	swait.eq @!p0 [sflag:s7], $0x1  }
0xb3: {  	s6 =	sor.u32 @!p0 s6, s8;
	[sflag:s7] =	ssyncadd.s32 @!p0 $0xFFFFFFFF  }
0xb4: {  	s25 =	simm.s32 $0x1B8E;
	s24 =	sld [smem:$0x3FFE];
	[sflag:s6] =	ssyncadd.remote.s32 @!p0 $0x1  }
0xb5: {  	s26 =	simm.s32 $execute0_lowered;
	[smem:$0x3FD2] =	sst s25  }
0xb6: {  	s7 =	sshll.u32 s26, $0x1;
	_ =	strace $0x80000055;
	[dreg:$0x1] =	wrdreg $0xFFFFFFFF  }
0xb7: {  	s28 =	simm.s32 $_size_execute0_lowered;
	s5 =	sadd.s32 s5, s7;
	[dreg:$0x0] =	wrdreg $0x0  }
0xb8: {  	s7 =	sshll.u32 s28, $0x1;
	[dreg:$0x2] =	wrdreg s5  }
0xb9: {  	[dreg:$0x3] =	wrdreg s7  }
0xba: {  	[dreg:$0x4] =	wrdreg $0xC0  }
0xbb: {  	_ =	task [dreg:s22], $0x5FFFF  }
0xbc: {  	[dreg:$0x1] =	wrdreg $0xFFFFFFFF  }
0xbd: {  	[dreg:$0x0] =	wrdreg $0x60  }
0xbe: {  	[dreg:$0x2] =	wrdreg s24  }
0xbf: {  	[dreg:$0x3] =	wrdreg s4  }
0xc0: {  	[dreg:$0x4] =	wrdreg s18  }
0xc1: {  	[dreg:$0x5] =	wrdreg $0xE  }
0xc2: {  	_ =	task.clear_ibuf [dreg:s22], $0x6FFFF;
	_ =	strace $0x90000055  }
0xc3: {  	s29 =	simm.s32 $0xE;
	_ =	strace $0x80000057  }
0xc4: {  	_ =	swait.ge [sflag:s29], $0x1  }
0xc5: {  	[sflag:s29] =	ssyncadd.s32 $0xFFFFFFFF  }
0xc6: {  	_ =	strace $0x90000057  }
0xc7: {  	_ =	sfence  }
0xc8: {  	s30 =	sld [smem:$0x0];
	_ =	sdelay $0x2  }
0xc9: {  	s31 =	sshll.u32 s1, $0xD;
	s1 =	sshrl.u32 s1, $0x2  }
0xca: {  	s4 =	sand.u32 $0x4000, s31;
	s1 =	sadd.s32 s1, s30  }
0xcb: {  	s0 =	sor.u32 s4, s0;
	s1 =	sshll.u32 s1, $0x11  }
0xcc: {  	s0 =	sor.u32 s1, s0  }
0xcd: {  	s0 =	sadd.s32 $0x8F2B, s0  }
0xce: {  	[sflag:s0] =	ssyncadd.remote.s32 $0x1  }
0xcf: {  	_ =	sfence.sel $0xFFFF  }
0xd0: {  	[dreg:$0x0] =	wrdreg $0xFFFFFFFF;
	(pc) =	sbr.abs _section_cstart, $3  }
0xd1: {  	[dreg:$0x1] =	wrdreg $0xFFFFFFFF  }
0xd2: {  	_ =	task.clear_ibuf [dreg:s22], $0x2FFFF;
	_ =	strace $0x9FFFFFFF  }
0xd3: {  	(tm) =	ssettm $0x7FFFFFFF  }
tec
execute0_lowered:
.L_overlay_start_1:
0x0: {  	(tag) =	ssettag $0x1  }
0x1: {  	s1 =	srdreg.scid  }
0x2: {  	s23 =	rddreg [dreg:$0x0];
	s0 =	stileid.u32;
	s1 =	sand.u32 $0x1, s1  }
0x3: {  	s2 =	rddreg [dreg:$0x1];
	s5 =	sshll.u32 s0, $0x9;
	s6 =	sshll.u32 s1, $0x8  }
0x4: {  	s3 =	rddreg [dreg:$0x2];
	s22 =	sor.u32 s6, s5  }
0x5: {  	s4 =	simm.s32 $0x0;
	s8 =	sadd.s32 $0x5600, s23;
	s24 =	sshrl.u32 s22, $0x3  }
0x6: {  	[smem:$0x7FF] =	sst s4;
	s25 =	sadd.s32 s8, s24  }
0x7: {  	_ =	strace $0x80000056;
	[dreg:$0x4] =	wrdreg s25  }
0x8: {  	s5 =	simm.s32 $0x5;
	s26 =	rddreg [dreg:$0x4]  }
0x9: {  	[tilespmem:s4], [sflag:$0x5] =	stream.linear.gather [hbm4b:s26+s4], $0x80, $0x38;
	[tilespmem:$0x8500] =	vst v63  }
0xa: {  	_ =	swait.ge [sflag:s5], $0x80  }
0xb: {  	s10 =	sadd.s32 $0x5A00, s23;
	[sflag:s5] =	ssyncset.done $0x0  }
0xc: {  	s7 =	simm.s32 $0x100;
	s6 =	sadd.s32 s10, s24;
	[sflag:s5] =	ssyncadd.s32 $0xFFFFFF80  }
0xd: {  	[tilespmem:s7], [sflag:$0x5] =	stream.linear.gather [hbm4b:s6+s4], $0x80, $0x38;
	[tilespmem:$0x8500] =	vst v63  }
0xe: {  	s28 =	sor.u32 $0x80, s22;
	_ =	swait.ge [sflag:s5], $0x80  }
0xf: {  	s26 =	sshrl.u32 s28, $0x3;
	[sflag:s5] =	ssyncset.done $0x0  }
0x10: {  	s9 =	simm.s32 $0x80;
	s8 =	sadd.s32 s8, s26;
	[sflag:s5] =	ssyncadd.s32 $0xFFFFFF80  }
0x11: {  	[tilespmem:s9], [sflag:$0x5] =	stream.linear.gather [hbm4b:s8+s4], $0x80, $0x38;
	[tilespmem:$0x8500] =	vst v63  }
0x12: {  	_ =	swait.ge [sflag:s5], $0x80  }
0x13: {  	[sflag:s5] =	ssyncset.done $0x0  }
0x14: {  	s11 =	simm.s32 $0x180;
	s10 =	sadd.s32 s10, s26;
	[sflag:s5] =	ssyncadd.s32 $0xFFFFFF80  }
0x15: {  	[tilespmem:s11], [sflag:$0x5] =	stream.linear.gather [hbm4b:s10+s4], $0x80, $0x38;
	[tilespmem:$0x8500] =	vst v63  }
0x16: {  	_ =	swait.ge [sflag:s5], $0x80  }
0x17: {  	[sflag:s5] =	ssyncset.done $0x0  }
0x18: {  	[sflag:s5] =	ssyncadd.s32 $0xFFFFFF80  }
0x19: {  	v0 =	vld [tilespmem:$0xF0]  }
0x1a: {  	v1 =	vld [tilespmem:$0xB0]  }
0x1b: {  	v2 =	vld [tilespmem:$0xD0]  }
0x1c: {  	v3 =	vld [tilespmem:$0xC0]  }
0x1d: {  	v4 =	vld [tilespmem:$0x30]  }
0x1e: {  	v5 =	vld [tilespmem:$0xA0];
	v0 =	vshll.u32 v0, $0x7  }
0x1f: {  	v6 =	vld [tilespmem:$0x90];
	v1 =	vshll.u32 v1, $0x7;
	[tilespmem:$0x2F0] =	vst v0  }
0x20: {  	v50 =	vld [tilespmem:$0x70];
	v49 =	vshll.u32 v2, $0x7;
	[tilespmem:$0x2B0] =	vst v1  }
0x21: {  	v52 =	vld [tilespmem:$0x60];
	v3 =	vshll.u32 v3, $0x7;
	[tilespmem:$0x2D0] =	vst v49  }
0x22: {  	v55 =	vld [tilespmem:$0x40];
	v51 =	vshll.u32 v4, $0x7;
	[tilespmem:$0x2C0] =	vst v3  }
0x23: {  	v56 =	vld [tilespmem:$0xE0];
	v54 =	vshll.u32 v5, $0x7;
	[tilespmem:$0x230] =	vst v51  }
0x24: {  	v57 =	vld [tilespmem:$0x20];
	v6 =	vshll.u32 v6, $0x7;
	[tilespmem:$0x2A0] =	vst v54  }
0x25: {  	v59 =	vld [tilespmem:$0x0];
	v2 =	vshll.u32 v50, $0x7;
	[tilespmem:$0x290] =	vst v6  }
0x26: {  	v48 =	vld [tilespmem:$0x80];
	v4 =	vshll.u32 v52, $0x7;
	[tilespmem:$0x270] =	vst v2  }
0x27: {  	v53 =	vld [tilespmem:$0x50];
	v60 =	vshll.u32 v55, $0x7;
	[tilespmem:$0x260] =	vst v4  }
0x28: {  	v58 =	vld [tilespmem:$0x10];
	v61 =	vshll.u32 v56, $0x7;
	[tilespmem:$0x240] =	vst v60  }
0x29: {  	v62 =	vshll.u32 v57, $0x7;
	[tilespmem:$0x2E0] =	vst v61  }
0x2a: {  	v63 =	vshll.u32 v59, $0x7;
	[tilespmem:$0x220] =	vst v62  }
0x2b: {  	v0 =	vshll.u32 v48, $0x7;
	[tilespmem:$0x200] =	vst v63  }
0x2c: {  	v1 =	vshll.u32 v53, $0x7;
	[tilespmem:$0x280] =	vst v0  }
0x2d: {  	[tilespmem:$0x250] =	vst v1;
	v0 =	vshll.u32 v58, $0x7  }
0x2e: {  	s12 =	simm.s32 $0x300;
	[tilespmem:$0x210] =	vst v0  }
0x2f: {  	[tilespmem:s12], [sflag:$0x1] =	stream.indirect.gather [hbm4b:s2+s9], $0x80, s7, s9, $0xb8;
	[tilespmem:$0x8500] =	vst v63  }
0x30: {  	s13 =	simm.s32 $0x200;
	s14 =	simm.s32 $0x8300  }
0x31: {  	[tilespmem:s14], [sflag:$0x1] =	stream.indirect.gather [hbm4b:s3+s9], $0x1, s13, s9, $0xb8;
	[tilespmem:$0x8500] =	vst v63  }
0x32: {  	s16 =	simm.s32 $0x8400;
	s15 =	sadd.s32 $0x45E00, s23  }
0x33: {  	[tilespmem:s16], [sflag:$0x1] =	stream.indirect.gather [hbm4b:s15+s9], $0x1, s7, s9, $0xb8;
	[tilespmem:$0x8500] =	vst v63  }
0x34: {  	s17 =	simm.s32 $0x4300  }
0x35: {  	[tilespmem:s17], [sflag:$0x2] =	stream.indirect.gather [hbm4b:s2+s9], $0x80, s11, s9, $0xb8;
	[tilespmem:$0x8500] =	vst v63  }
0x36: {  	s18 =	simm.s32 $0x280;
	s19 =	simm.s32 $0x8380  }
0x37: {  	[tilespmem:s19], [sflag:$0x2] =	stream.indirect.gather [hbm4b:s3+s9], $0x1, s18, s9, $0xb8;
	[tilespmem:$0x8500] =	vst v63  }
0x38: {  	s20 =	simm.s32 $0x8480;
	s21 =	simm.s32 $0x1  }
0x39: {  	[tilespmem:s20], [sflag:$0x2] =	stream.indirect.gather [hbm4b:s15+s9], $0x1, s11, s9, $0xb8;
	[tilespmem:$0x8500] =	vst v63  }
0x3a: {  	_ =	swait.ge [sflag:s21], $0x4000  }
0x3b: {  	[sflag:s21] =	ssyncset.done $0x0  }
0x3c: {  	[sflag:s21] =	ssyncadd.s32 $0xFFFFC000  }
0x3d: {  	_ =	swait.ge [sflag:s21], $0x80  }
0x3e: {  	[sflag:s21] =	ssyncset.done $0x0  }
0x3f: {  	[sflag:s21] =	ssyncadd.s32 $0xFFFFFF80  }
0x40: {  	_ =	swait.ge [sflag:s21], $0x80  }
0x41: {  	s29 =	sadd.s32 $0xA7000, s23;
	s22 =	sshll.u32 s22, $0x4;
	[sflag:s21] =	ssyncset.done $0x0  }
0x42: {  	s30 =	sadd.s32 $0xC7000, s23;
	s22 =	sadd.s32 s29, s22;
	[sflag:s21] =	ssyncadd.s32 $0xFFFFFF80  }
0x43: {  	[hbm4b:s22+s4] =	stream.linear.scatter [tilespmem:s12], [sflag:$0x3], $0x4000, $0x38;
	[tilespmem:$0x8500] =	vst v63  }
0x44: {  	s31 =	sadd.s32 $0xC7400, s23;
	s23 =	sadd.s32 s30, s24  }
0x45: {  	[hbm4b:s23+s4] =	stream.linear.scatter [tilespmem:s14], [sflag:$0x3], $0x80, $0x38;
	[tilespmem:$0x8500] =	vst v63  }
0x46: {  	s24 =	sadd.s32 s31, s24;
	s25 =	simm.s32 $0x2  }
0x47: {  	[hbm4b:s24+s4] =	stream.linear.scatter [tilespmem:s16], [sflag:$0x3], $0x80, $0x38;
	[tilespmem:$0x8500] =	vst v63  }
0x48: {  	_ =	swait.ge [sflag:s25], $0x4000  }
0x49: {  	[sflag:s25] =	ssyncset.done $0x0  }
0x4a: {  	[sflag:s25] =	ssyncadd.s32 $0xFFFFC000  }
0x4b: {  	_ =	swait.ge [sflag:s25], $0x80  }
0x4c: {  	[sflag:s25] =	ssyncset.done $0x0  }
0x4d: {  	s1 =	ssub.s32 $0x2, s1;
	s28 =	sshll.u32 s28, $0x4;
	[sflag:s25] =	ssyncadd.s32 $0xFFFFFF80  }
0x4e: {  	s28 =	sadd.s32 s29, s28;
	s29 =	sshrl.u32 s1, $0x1;
	_ =	swait.ge [sflag:s25], $0x80  }
0x4f: {  	s1 =	ssub.s32 s1, s29;
	[sflag:s25] =	ssyncset.done $0x0  }
0x50: {  	s1 =	smax.u32 s1, $0x1;
	[sflag:s25] =	ssyncadd.s32 $0xFFFFFF80  }
0x51: {  	[hbm4b:s28+s4] =	stream.linear.scatter [tilespmem:s17], [sflag:$0x4], $0x4000, $0x38;
	[tilespmem:$0x8500] =	vst v63  }
0x52: {  	s30 =	sadd.s32 s30, s26;
	p0 =	sne.s32 s1, $0x1  }
0x53: {  	[hbm4b:s30+s4] =	stream.linear.scatter [tilespmem:s19], [sflag:$0x4], $0x80, $0x38;
	[tilespmem:$0x8500] =	vst v63  }
.Ltmp0:
0x54: {  	_ = 	snop;
	(pc) =	sbr.rel @!p0 .LBB2_2-.Ltmp0, $4  }
0x55: {  	s31 =	sadd.s32 s31, s26;
	s29 =	simm.s32 $0x3  }
0x56: {  	[hbm4b:s31+s4] =	stream.linear.scatter [tilespmem:s20], [sflag:$0x4], $0x80, $0x38;
	[tilespmem:$0x8500] =	vst v63  }
0x57: {  	_ =	swait.ge [sflag:s29], $0x4000  }
0x58: {  	s26 =	simm.s32 $0x4;
	s1 =	sadd.s32 $0xFFFFFFFF, s1;
	[sflag:s29] =	ssyncset.done $0x0  }
.LBB2_1:
0x59: {  	[sflag:s29] =	ssyncadd.s32 $0xFFFFC000  }
0x5a: {  	_ =	swait.ge [sflag:s29], $0x80  }
0x5b: {  	[sflag:s29] =	ssyncset.done $0x0  }
0x5c: {  	[sflag:s29] =	ssyncadd.s32 $0xFFFFFF80  }
0x5d: {  	_ =	swait.ge [sflag:s29], $0x80  }
0x5e: {  	[sflag:s29] =	ssyncset.done $0x0  }
0x5f: {  	[sflag:s29] =	ssyncadd.s32 $0xFFFFFF80  }
0x60: {  	_ =	swait.ge [sflag:s26], $0x4000  }
0x61: {  	[sflag:s26] =	ssyncset.done $0x0  }
0x62: {  	[sflag:s26] =	ssyncadd.s32 $0xFFFFC000  }
0x63: {  	_ =	swait.ge [sflag:s26], $0x80  }
0x64: {  	[sflag:s26] =	ssyncset.done $0x0  }
0x65: {  	[sflag:s26] =	ssyncadd.s32 $0xFFFFFF80  }
0x66: {  	_ =	swait.ge [sflag:s26], $0x80  }
0x67: {  	[sflag:s26] =	ssyncset.done $0x0  }
0x68: {  	s0 =	rddreg [dreg:$0x4];
	[sflag:s26] =	ssyncadd.s32 $0xFFFFFF80  }
0x69: {  	[tilespmem:s4], [sflag:$0x5] =	stream.linear.gather [hbm4b:s0+s4], $0x80, $0x38;
	[tilespmem:$0x8500] =	vst v63  }
0x6a: {  	_ =	swait.ge [sflag:s5], $0x80  }
0x6b: {  	[sflag:s5] =	ssyncset.done $0x0  }
0x6c: {  	[sflag:s5] =	ssyncadd.s32 $0xFFFFFF80  }
0x6d: {  	[tilespmem:s7], [sflag:$0x5] =	stream.linear.gather [hbm4b:s6+s4], $0x80, $0x38;
	[tilespmem:$0x8500] =	vst v63  }
0x6e: {  	_ =	swait.ge [sflag:s5], $0x80  }
0x6f: {  	[sflag:s5] =	ssyncset.done $0x0  }
0x70: {  	[sflag:s5] =	ssyncadd.s32 $0xFFFFFF80  }
0x71: {  	[tilespmem:s9], [sflag:$0x5] =	stream.linear.gather [hbm4b:s8+s4], $0x80, $0x38;
	[tilespmem:$0x8500] =	vst v63  }
0x72: {  	_ =	swait.ge [sflag:s5], $0x80  }
0x73: {  	[sflag:s5] =	ssyncset.done $0x0  }
0x74: {  	[sflag:s5] =	ssyncadd.s32 $0xFFFFFF80  }
0x75: {  	[tilespmem:s11], [sflag:$0x5] =	stream.linear.gather [hbm4b:s10+s4], $0x80, $0x38;
	[tilespmem:$0x8500] =	vst v63  }
0x76: {  	_ =	swait.ge [sflag:s5], $0x80  }
0x77: {  	[sflag:s5] =	ssyncset.done $0x0  }
0x78: {  	[sflag:s5] =	ssyncadd.s32 $0xFFFFFF80  }
0x79: {  	v0 =	vld [tilespmem:$0xF0]  }
0x7a: {  	v1 =	vld [tilespmem:$0xB0]  }
0x7b: {  	v2 =	vld [tilespmem:$0xD0]  }
0x7c: {  	v3 =	vld [tilespmem:$0xC0]  }
0x7d: {  	v4 =	vld [tilespmem:$0x30]  }
0x7e: {  	v5 =	vld [tilespmem:$0xA0];
	v0 =	vshll.u32 v0, $0x7  }
0x7f: {  	v6 =	vld [tilespmem:$0x90];
	v1 =	vshll.u32 v1, $0x7;
	[tilespmem:$0x2F0] =	vst v0  }
0x80: {  	v50 =	vld [tilespmem:$0x70];
	v49 =	vshll.u32 v2, $0x7;
	[tilespmem:$0x2B0] =	vst v1  }
0x81: {  	v52 =	vld [tilespmem:$0x60];
	v3 =	vshll.u32 v3, $0x7;
	[tilespmem:$0x2D0] =	vst v49  }
0x82: {  	v55 =	vld [tilespmem:$0x40];
	v51 =	vshll.u32 v4, $0x7;
	[tilespmem:$0x2C0] =	vst v3  }
0x83: {  	v56 =	vld [tilespmem:$0xE0];
	v54 =	vshll.u32 v5, $0x7;
	[tilespmem:$0x230] =	vst v51  }
0x84: {  	v57 =	vld [tilespmem:$0x20];
	v6 =	vshll.u32 v6, $0x7;
	[tilespmem:$0x2A0] =	vst v54  }
0x85: {  	v59 =	vld [tilespmem:$0x0];
	v2 =	vshll.u32 v50, $0x7;
	[tilespmem:$0x290] =	vst v6  }
0x86: {  	v48 =	vld [tilespmem:$0x80];
	v4 =	vshll.u32 v52, $0x7;
	[tilespmem:$0x270] =	vst v2  }
0x87: {  	v53 =	vld [tilespmem:$0x50];
	v60 =	vshll.u32 v55, $0x7;
	[tilespmem:$0x260] =	vst v4  }
0x88: {  	v58 =	vld [tilespmem:$0x10];
	v61 =	vshll.u32 v56, $0x7;
	[tilespmem:$0x240] =	vst v60  }
0x89: {  	v62 =	vshll.u32 v57, $0x7;
	[tilespmem:$0x2E0] =	vst v61  }
0x8a: {  	v63 =	vshll.u32 v59, $0x7;
	[tilespmem:$0x220] =	vst v62  }
0x8b: {  	v0 =	vshll.u32 v48, $0x7;
	[tilespmem:$0x200] =	vst v63  }
0x8c: {  	v1 =	vshll.u32 v53, $0x7;
	[tilespmem:$0x280] =	vst v0  }
0x8d: {  	[tilespmem:$0x250] =	vst v1;
	v0 =	vshll.u32 v58, $0x7  }
0x8e: {  	[tilespmem:$0x210] =	vst v0  }
0x8f: {  	[tilespmem:s12], [sflag:$0x1] =	stream.indirect.gather [hbm4b:s2+s9], $0x80, s7, s9, $0xb8;
	[tilespmem:$0x8500] =	vst v63  }
0x90: {  	_ = 	snop  }
0x91: {  	[tilespmem:s14], [sflag:$0x1] =	stream.indirect.gather [hbm4b:s3+s9], $0x1, s13, s9, $0xb8;
	[tilespmem:$0x8500] =	vst v63  }
0x92: {  	_ = 	snop  }
0x93: {  	[tilespmem:s16], [sflag:$0x1] =	stream.indirect.gather [hbm4b:s15+s9], $0x1, s7, s9, $0xb8;
	[tilespmem:$0x8500] =	vst v63  }
0x94: {  	_ = 	snop  }
0x95: {  	[tilespmem:s17], [sflag:$0x2] =	stream.indirect.gather [hbm4b:s2+s9], $0x80, s11, s9, $0xb8;
	[tilespmem:$0x8500] =	vst v63  }
0x96: {  	_ = 	snop  }
0x97: {  	[tilespmem:s19], [sflag:$0x2] =	stream.indirect.gather [hbm4b:s3+s9], $0x1, s18, s9, $0xb8;
	[tilespmem:$0x8500] =	vst v63  }
0x98: {  	_ = 	snop  }
0x99: {  	[tilespmem:s20], [sflag:$0x2] =	stream.indirect.gather [hbm4b:s15+s9], $0x1, s11, s9, $0xb8;
	[tilespmem:$0x8500] =	vst v63  }
0x9a: {  	_ =	swait.ge [sflag:s21], $0x4000  }
0x9b: {  	[sflag:s21] =	ssyncset.done $0x0  }
0x9c: {  	[sflag:s21] =	ssyncadd.s32 $0xFFFFC000  }
0x9d: {  	_ =	swait.ge [sflag:s21], $0x80  }
0x9e: {  	[sflag:s21] =	ssyncset.done $0x0  }
0x9f: {  	[sflag:s21] =	ssyncadd.s32 $0xFFFFFF80  }
0xa0: {  	_ =	swait.ge [sflag:s21], $0x80  }
0xa1: {  	[sflag:s21] =	ssyncset.done $0x0  }
0xa2: {  	[sflag:s21] =	ssyncadd.s32 $0xFFFFFF80  }
0xa3: {  	[hbm4b:s22+s4] =	stream.linear.scatter [tilespmem:s12], [sflag:$0x3], $0x4000, $0x38;
	[tilespmem:$0x8500] =	vst v63  }
0xa4: {  	_ = 	snop  }
0xa5: {  	[hbm4b:s23+s4] =	stream.linear.scatter [tilespmem:s14], [sflag:$0x3], $0x80, $0x38;
	[tilespmem:$0x8500] =	vst v63  }
0xa6: {  	_ = 	snop  }
0xa7: {  	[hbm4b:s24+s4] =	stream.linear.scatter [tilespmem:s16], [sflag:$0x3], $0x80, $0x38;
	[tilespmem:$0x8500] =	vst v63  }
0xa8: {  	_ =	swait.ge [sflag:s25], $0x4000  }
0xa9: {  	[sflag:s25] =	ssyncset.done $0x0  }
0xaa: {  	[sflag:s25] =	ssyncadd.s32 $0xFFFFC000  }
0xab: {  	_ =	swait.ge [sflag:s25], $0x80  }
0xac: {  	[sflag:s25] =	ssyncset.done $0x0  }
0xad: {  	[sflag:s25] =	ssyncadd.s32 $0xFFFFFF80  }
0xae: {  	_ =	swait.ge [sflag:s25], $0x80  }
0xaf: {  	[sflag:s25] =	ssyncset.done $0x0  }
0xb0: {  	[sflag:s25] =	ssyncadd.s32 $0xFFFFFF80  }
0xb1: {  	[hbm4b:s28+s4] =	stream.linear.scatter [tilespmem:s17], [sflag:$0x4], $0x4000, $0x38;
	[tilespmem:$0x8500] =	vst v63  }
0xb2: {  	p0 =	sne.s32 s1, $0x1  }
0xb3: {  	[hbm4b:s30+s4] =	stream.linear.scatter [tilespmem:s19], [sflag:$0x4], $0x80, $0x38;
	[tilespmem:$0x8500] =	vst v63  }
.Ltmp1:
0xb4: {  	_ = 	snop;
	(pc) =	sbr.rel @p0 .LBB2_1-.Ltmp1, $4  }
0xb5: {  	_ = 	snop  }
0xb6: {  	[hbm4b:s31+s4] =	stream.linear.scatter [tilespmem:s20], [sflag:$0x4], $0x80, $0x38;
	[tilespmem:$0x8500] =	vst v63  }
0xb7: {  	_ =	swait.ge [sflag:s29], $0x4000  }
0xb8: {  	s1 =	sadd.s32 $0xFFFFFFFF, s1;
	[sflag:s29] =	ssyncset.done $0x0  }
.LBB2_2:
0xb9: {  	[sflag:s29] =	ssyncadd.s32 $0xFFFFC000  }
0xba: {  	_ =	swait.ge [sflag:s29], $0x80  }
0xbb: {  	[sflag:s29] =	ssyncset.done $0x0  }
0xbc: {  	[sflag:s29] =	ssyncadd.s32 $0xFFFFFF80  }
0xbd: {  	_ =	swait.ge [sflag:s29], $0x80  }
0xbe: {  	[sflag:s29] =	ssyncset.done $0x0  }
0xbf: {  	[sflag:s29] =	ssyncadd.s32 $0xFFFFFF80  }
0xc0: {  	_ =	swait.ge [sflag:s26], $0x4000  }
0xc1: {  	[sflag:s26] =	ssyncset.done $0x0  }
0xc2: {  	[sflag:s26] =	ssyncadd.s32 $0xFFFFC000  }
0xc3: {  	_ =	swait.ge [sflag:s26], $0x80  }
0xc4: {  	[sflag:s26] =	ssyncset.done $0x0  }
0xc5: {  	[sflag:s26] =	ssyncadd.s32 $0xFFFFFF80  }
0xc6: {  	_ =	swait.ge [sflag:s26], $0x80  }
0xc7: {  	[sflag:s26] =	ssyncset.done $0x0  }
0xc8: {  	[sflag:s26] =	ssyncadd.s32 $0xFFFFFF80  }
0xc9: {  	_ =	sfence.sel $0x180000  }
0xca: {  	[bflag:$0x0] =	sbarrier.arrive $0xFFFF  }
0xcb: {  	_ =	strace $0x90000056  }
0xcc: {  	s0 =	stileid.u32;
	[bflag:$0x2] =	sbarrier.arrive $0xFFFF  }
0xcd: {  	p0 =	sne.s32 s0, $0x0;
	s0 =	rddreg [dreg:$0x3]  }
0xce: {  	s0 =	sadd.s32 @!p0 $0x100000, s0  }
0xcf: {  	[sflag:s0] =	ssyncadd.tile.s32 @!p0 $0x1;
	_ =	shalt  }
.Lfunc_end2:
_tile_overlayer_lowered:
.L_overlay_start_2:
0xd0: {  	(tag) =	ssettag $0x2  }
0xd1: {  	s0 =	rddreg [dreg:$0x0];
	s2 =	stileid.u32  }
0xd2: {  	s1 =	rddreg [dreg:$0x1];
	p0 =	sne.s32 s2, $0x0  }
0xd3: {  	s3 =	rddreg [dreg:$0x2];
	[bflag:$0x3] =	sbarrier.arrive $0xFFFF;
	s2 =	simm.s32 @!p0 $0x1C05  }
0xd4: {  	[timem:s3], [sflag:s2] =	dma.local @!p0 [hbm:s0], s1  }
0xd5: {  	s0 =	simm.s32 @!p0 $0x5  }
0xd6: {  	_ =	swait.ge @!p0 [sflag:s0], s1  }
0xd7: {  	s1 =	ssub.s32 @!p0 $0x0, s1;
	[sflag:s0] =	ssyncset.done @!p0 $0x0  }
0xd8: {  	[sflag:s0] =	ssyncadd.s32 @!p0 s1  }
0xd9: {  	[bflag:$0x3] =	sbarrier.arrive $0xFFFF  }
0xda: {  	_ =	shalt  }

</sc_bundles>
